<compile_context>
chip_gen: v7x
topology: tpu7x:2x2x1
jax: 0.10.2.dev20260603
libtpu: 0.0.44.dev20260713+nightly
codegen_flags: <defaults>
</compile_context>

<pallas_src>
import functools

import jax
import jax.numpy as jnp
from jax import lax
from jax.experimental import pallas as pl
from jax.experimental.pallas import tpu as pltpu
from jax.experimental.pallas import tpu_sc as plsc

N = 10000
E = 320000
D = 128
G = 16

NP = 10240
EP = 322560
NC = 2
NS = 16
NW = NC * NS
EW = EP // NW
K = 120
NB = EW // K
NBUF = 3
NB0 = 147
NB1 = 21
CC = 1680
NSTRIPE = NP // NS
SROWS = NP // NS


def _sc_degree_body(col_hbm, out_hbm, ccv, hist, redbuf, hist_sh):
    c = lax.axis_index("c")
    s = lax.axis_index("s")
    wid = s * NC + c
    base = wid * EW
    ones = jnp.ones((16,), jnp.float32)
    zeros = jnp.zeros((16,), jnp.float32)

    @pl.loop(0, NP // 16)
    def _(v):
        hist[pl.ds(v * 16, 16)] = zeros

    @pl.loop(0, EW // CC)
    def _(ch):
        pltpu.sync_copy(col_hbm.at[pl.ds(base + ch * CC, CC)], ccv)

        @pl.loop(0, CC // 16)
        def _(j):
            idx = ccv[pl.ds(j * 16, 16)]
            plsc.addupdate_scatter(hist, [idx], ones)

    pltpu.sync_copy(hist, hist_sh.at[s])
    plsc.subcore_barrier()
    pltpu.sync_copy(hist_sh.at[:, pl.ds(s * NSTRIPE, NSTRIPE)], redbuf)

    @pl.loop(0, NSTRIPE // 16)
    def _(v):
        tot = redbuf[0, pl.ds(v * 16, 16)]
        for r in range(1, NS):
            tot = tot + redbuf[r, pl.ds(v * 16, 16)]
        hist[pl.ds(v * 16, 16)] = tot

    pltpu.sync_copy(hist.at[pl.ds(0, NSTRIPE)],
                    out_hbm.at[c, pl.ds(s * NSTRIPE, NSTRIPE)])



def _sc_edge_scatter_body(hs_hbm, rc_hbm, zrows_hbm, out_hbm,
                          rcv, rb, gsem, ssem, acc):
    c = lax.axis_index("c")
    s = lax.axis_index("s")
    nb = jnp.where(c == 0, NB0, NB1)
    bbase = jnp.where(c == 0, s * NB0, NS * NB0 + s * NB1)
    pltpu.sync_copy(zrows_hbm, acc.at[pl.ds(s * SROWS, SROWS)])
    plsc.subcore_barrier()

    def start_gather(i, b):
        pltpu.sync_copy(rc_hbm.at[pl.ds(bbase + i, 1)], rcv[b])
        pltpu.async_copy(hs_hbm.at[rcv[b].at[0, 0]], rb[b], gsem[b])

    def fire_scatter(b):
        pltpu.make_async_copy(hs_hbm.at[rcv[b].at[0, 0]], rb[b],
                              gsem[b]).wait()
        pltpu.make_async_copy(rb[b], acc.at[rcv[b].at[0, 1]],
                              ssem[b]).start(add=True)

    def drain_scatter(b):
        pltpu.make_async_copy(rb[b], acc.at[rcv[b].at[0, 1]], ssem[b]).wait()

    for b in range(NBUF):
        start_gather(b, b)

    @pl.loop(0, nb - NBUF, step=NBUF)
    def _(i):
        fire_scatter(0)
        fire_scatter(1)
        for b in range(NBUF - 2):
            drain_scatter(b)
            start_gather(i + NBUF + b, b)
            fire_scatter(b + 2)
        for b in range(NBUF - 2, NBUF):
            drain_scatter(b)
            start_gather(i + NBUF + b, b)

    for b in range(NBUF):
        fire_scatter(b)
    for b in range(NBUF):
        drain_scatter(b)

    plsc.subcore_barrier()
    pltpu.sync_copy(acc.at[pl.ds(s * SROWS, SROWS)],
                    out_hbm.at[c, pl.ds(s * SROWS, SROWS)])


@functools.cache
def _get_sc_kernels():
    mesh = plsc.VectorSubcoreMesh(core_axis_name="c", subcore_axis_name="s",
                                  num_cores=NC, num_subcores=NS)
    sc_degree = pl.kernel(
        _sc_degree_body,
        out_type=jax.ShapeDtypeStruct((NC, NP), jnp.float32),
        mesh=mesh,
        compiler_params=pltpu.CompilerParams(needs_layout_passes=False),
        scratch_types=[
            pltpu.VMEM((CC,), jnp.int32),
            pltpu.VMEM((NP,), jnp.float32),
            pltpu.VMEM((NS, NSTRIPE), jnp.float32),
            pltpu.VMEM_SHARED((NS, NP), jnp.float32),
        ],
    )
    sc_edge_scatter = pl.kernel(
        _sc_edge_scatter_body,
        out_type=jax.ShapeDtypeStruct((NC, NP, D), jnp.float32),
        mesh=mesh,
        scratch_types=[
            [pltpu.VMEM((1, 2, K), jnp.int32) for _ in range(NBUF)],
            [pltpu.VMEM((K, D), jnp.float32) for _ in range(NBUF)],
            [pltpu.SemaphoreType.DMA for _ in range(NBUF)],
            [pltpu.SemaphoreType.DMA for _ in range(NBUF)],
            pltpu.VMEM_SHARED((NP, D), jnp.float32),
        ],
    )
    return sc_degree, sc_edge_scatter



BN = 1024
NBLK = NP // BN


def _dinv_block(degp_ref):
    deg = degp_ref[0] + degp_ref[1] + 1.0
    return jnp.broadcast_to(lax.rsqrt(deg), (BN, D))


def _tc_first_body(degp_ref, x_ref, w_ref, hs_ref):
    h = jnp.dot(x_ref[...], w_ref[...], preferred_element_type=jnp.float32)
    hs_ref[...] = h * _dinv_block(degp_ref)


def _tc_mid_body(degp_ref, accp_ref, hs_ref, b_ref, w_ref, hsout_ref):
    dinv = _dinv_block(degp_ref)
    acc = accp_ref[0] + accp_ref[1]
    x = jnp.maximum(dinv * (acc + hs_ref[...]) + b_ref[...], 0.0)
    hsout_ref[...] = jnp.dot(
        x, w_ref[...], preferred_element_type=jnp.float32) * dinv


def _tc_head_body(degp_ref, accp_ref, hs_ref, b3_ref, wf1_ref, bf1_ref,
                  wf2_ref, bf2_ref, batch_ref, s_ref, cnt_ref):
    r = pl.program_id(0)

    @pl.when(r == 0)
    def _():
        s_ref[...] = jnp.zeros((G, D), jnp.float32)
        cnt_ref[...] = jnp.zeros((G, D), jnp.float32)

    dinv = _dinv_block(degp_ref)
    acc = accp_ref[0] + accp_ref[1]
    x = jnp.maximum(dinv * (acc + hs_ref[...]) + b3_ref[...], 0.0)
    h = jnp.maximum(
        jnp.dot(x, wf1_ref[...], preferred_element_type=jnp.float32)
        + bf1_ref[...], 0.0)
    z = (jnp.dot(h, wf2_ref[...], preferred_element_type=jnp.float32)
         + bf2_ref[...])
    gid = lax.broadcasted_iota(jnp.int32, (G, D), 0)
    for j in range(BN // D):
        bj = jnp.broadcast_to(batch_ref[0, pl.ds(j, 1), :], (G, D))
        oh = (gid == bj).astype(jnp.float32)
        s_ref[...] += jnp.dot(oh, z[j * D:(j + 1) * D, :],
                              preferred_element_type=jnp.float32)
        cnt_ref[...] += jnp.broadcast_to(
            jnp.sum(oh, axis=1, keepdims=True), (G, D))


def _tc_softmax_body(s_ref, cnt_ref, out_ref):
    m = s_ref[...] / jnp.maximum(cnt_ref[...], 1.0)
    d = m[:, 1:2] - m[:, 0:1]
    p0 = jnp.broadcast_to(1.0 / (1.0 + jnp.exp(d)), (G, D))
    p1 = jnp.broadcast_to(1.0 / (1.0 + jnp.exp(-d)), (G, D))
    col = lax.broadcasted_iota(jnp.int32, (G, D), 1)
    out_ref[...] = jnp.where(col == 0, p0, jnp.where(col == 1, p1, 0.0))


def _node_spec(width=D):
    return pl.BlockSpec((BN, width), lambda r: (r, 0))


def _part_spec(width=D):
    return pl.BlockSpec((NC, BN, width), lambda r: (0, r, 0))


def _full_spec(shape):
    return pl.BlockSpec(shape, lambda r: tuple(0 for _ in shape))


_tc_first = pl.pallas_call(
    _tc_first_body,
    grid=(NBLK,),
    in_specs=[_part_spec(1), _node_spec(), _full_spec((D, D))],
    out_specs=_node_spec(),
    out_shape=jax.ShapeDtypeStruct((NP, D), jnp.float32),
)

_tc_mid = pl.pallas_call(
    _tc_mid_body,
    grid=(NBLK,),
    in_specs=[_part_spec(1), _part_spec(), _node_spec(),
              _full_spec((1, D)), _full_spec((D, D))],
    out_specs=_node_spec(),
    out_shape=jax.ShapeDtypeStruct((NP, D), jnp.float32),
)

_tc_head = pl.pallas_call(
    _tc_head_body,
    grid=(NBLK,),
    in_specs=[_part_spec(1), _part_spec(), _node_spec(),
              _full_spec((1, D)), _full_spec((D, D)), _full_spec((1, D)),
              _full_spec((D, D)), _full_spec((1, D)),
              pl.BlockSpec((1, BN // D, D), lambda r: (r, 0, 0))],
    out_specs=[_full_spec((G, D)), _full_spec((G, D))],
    out_shape=[jax.ShapeDtypeStruct((G, D), jnp.float32),
               jax.ShapeDtypeStruct((G, D), jnp.float32)],
)

_tc_softmax = pl.pallas_call(
    _tc_softmax_body,
    in_specs=[pl.BlockSpec((G, D), lambda: (0, 0)),
              pl.BlockSpec((G, D), lambda: (0, 0))],
    out_specs=pl.BlockSpec((G, D), lambda: (0, 0)),
    out_shape=jax.ShapeDtypeStruct((G, D), jnp.float32),
)



def kernel(x, edge_index, batch, W1, b1, W2, b2, W3, b3, Wf1, bf1, Wf2, bf2):
    f32 = jnp.float32
    pad_e = jnp.full((EP - E,), N, jnp.int32)
    row = jnp.concatenate([edge_index[0].astype(jnp.int32), pad_e])
    col = jnp.concatenate([edge_index[1].astype(jnp.int32), pad_e])
    xp = jnp.concatenate([x, jnp.zeros((NP - N, D), f32)], axis=0)
    batch_p = jnp.concatenate(
        [batch.astype(jnp.int32), jnp.full((NP - N,), G, jnp.int32)]
    ).reshape(NBLK, BN // D, D)

    rc = jnp.stack([row.reshape(EP // K, K), col.reshape(EP // K, K)], axis=1)
    zrows = jnp.zeros((SROWS, D), f32)
    b1r, b2r, b3r, bf1r = (v.reshape(1, D) for v in (b1, b2, b3, bf1))
    wf2p = jnp.zeros((D, D), f32).at[:, :2].set(Wf2)
    bf2p = jnp.zeros((1, D), f32).at[0, :2].set(bf2)

    sc_degree, sc_edge_scatter = _get_sc_kernels()
    degp = sc_degree(col).reshape(NC, NP, 1)
    hs1 = _tc_first(degp, xp, W1)
    acc1 = sc_edge_scatter(hs1, rc, zrows)
    hs2 = _tc_mid(degp, acc1, hs1, b1r, W2)
    acc2 = sc_edge_scatter(hs2, rc, zrows)
    hs3 = _tc_mid(degp, acc2, hs2, b2r, W3)
    acc3 = sc_edge_scatter(hs3, rc, zrows)
    s, cnt = _tc_head(degp, acc3, hs3, b3r, Wf1, bf1r, wf2p, bf2p, batch_p)
    out = _tc_softmax(s, cnt)
    return out[:, :2]

# --- scband reference (transcript-rebuilt; emitter-appended) ---
"""Pipeline reference for scband-colorable-gnn-17016660427423 (READ-ONLY COPY).

The authoritative reference and input builder live on the scoring server;
editing this copy changes nothing except your own understanding.
"""

import jax, jax.numpy as jnp
import numpy as np

N = 10000
E = 320000
D_IN = 128
D_HID = 128
D_FC = 128
G = 16


def gcn_conv(x, edge_index, W, b):
    n = x.shape[0]
    loops = jnp.arange(n, dtype=edge_index.dtype)
    row = jnp.concatenate([edge_index[0], loops])
    col = jnp.concatenate([edge_index[1], loops])
    h = x @ W
    ones = jnp.ones(row.shape[0], dtype=h.dtype)
    deg = jax.ops.segment_sum(ones, col, num_segments=n)
    dinv = jnp.where(deg > 0, deg ** -0.5, 0.0)
    norm = dinv[row] * dinv[col]
    msg = h[row] * norm[:, None]
    out = jax.ops.segment_sum(msg, col, num_segments=n)
    return out + b


def global_mean_pool(x, batch, num_graphs):
    s = jax.ops.segment_sum(x, batch, num_segments=num_graphs)
    cnt = jax.ops.segment_sum(jnp.ones(batch.shape[0], dtype=x.dtype), batch, num_segments=num_graphs)
    return s / jnp.maximum(cnt, 1.0)[:, None]


def setup_inputs(seed: int = 0) -> dict:
    key = jax.random.key(seed)
    ks = jax.random.split(key, 16)
    x = jax.random.normal(ks[0], (N, D_IN), dtype=jnp.float32)
    edge_index = jax.random.randint(ks[1], (2, E), 0, N, dtype=jnp.int32)
    batch = jnp.sort(jax.random.randint(ks[2], (N,), 0, G, dtype=jnp.int32))

    def glorot(k, shape):
        lim = float(np.sqrt(6.0 / (shape[0] + shape[1])))
        return jax.random.uniform(k, shape, jnp.float32, -lim, lim)

    W1 = glorot(ks[3], (D_IN, D_HID)); b1 = jnp.zeros((D_HID,), jnp.float32)
    W2 = glorot(ks[4], (D_HID, D_HID)); b2 = jnp.zeros((D_HID,), jnp.float32)
    W3 = glorot(ks[5], (D_HID, D_FC)); b3 = jnp.zeros((D_FC,), jnp.float32)
    Wf1 = glorot(ks[6], (D_FC, D_IN)); bf1 = jnp.zeros((D_IN,), jnp.float32)
    Wf2 = glorot(ks[7], (D_IN, 2)); bf2 = jnp.zeros((2,), jnp.float32)
    return {"x": x, "edge_index": edge_index, "batch": batch,
            "W1": W1, "b1": b1, "W2": W2, "b2": b2, "W3": W3, "b3": b3,
            "Wf1": Wf1, "bf1": bf1, "Wf2": Wf2, "bf2": bf2}


def reference(x, edge_index, batch, W1, b1, W2, b2, W3, b3, Wf1, bf1, Wf2, bf2):
    h = jax.nn.relu(gcn_conv(x, edge_index, W1, b1))
    h = jax.nn.relu(gcn_conv(h, edge_index, W2, b2))
    h = jax.nn.relu(gcn_conv(h, edge_index, W3, b3))
    h = jax.nn.relu(h @ Wf1 + bf1)
    h = h @ Wf2 + bf2
    out = global_mean_pool(h, batch, G)
    return jax.nn.softmax(out, axis=1)

if __name__ == "__main__":
    import jax
    _d = setup_inputs()
    print(jax.jit(kernel)(*tuple(_d.values())))

</pallas_src>

<mosaic_0001>
#map = affine_map<(d0, d1) -> (0, 0)>
#map1 = affine_map<(d0, d1) -> (0, 0, 0)>
module attributes {stable_mosaic.version = 14 : i64} {
  func.func @_sc_edge_scatter_body(%arg0: i32, %arg1: i32, %arg2: memref<10240x128xf32, #tpu.memory_space<hbm>>, %arg3: memref<2688x2x120xi32, #tpu.memory_space<hbm>>, %arg4: memref<640x128xf32, #tpu.memory_space<hbm>>, %arg5: memref<2x10240x128xf32, #tpu.memory_space<hbm>>, %arg6: memref<1x2x120xi32, #tpu.memory_space<vmem>>, %arg7: memref<1x2x120xi32, #tpu.memory_space<vmem>>, %arg8: memref<1x2x120xi32, #tpu.memory_space<vmem>>, %arg9: memref<120x128xf32, #tpu.memory_space<vmem>>, %arg10: memref<120x128xf32, #tpu.memory_space<vmem>>, %arg11: memref<120x128xf32, #tpu.memory_space<vmem>>, %arg12: memref<!tpu.dma_semaphore, #tpu.memory_space<semaphore_mem>>, %arg13: memref<!tpu.dma_semaphore, #tpu.memory_space<semaphore_mem>>, %arg14: memref<!tpu.dma_semaphore, #tpu.memory_space<semaphore_mem>>, %arg15: memref<!tpu.dma_semaphore, #tpu.memory_space<semaphore_mem>>, %arg16: memref<!tpu.dma_semaphore, #tpu.memory_space<semaphore_mem>>, %arg17: memref<!tpu.dma_semaphore, #tpu.memory_space<semaphore_mem>>, %arg18: memref<10240x128xf32, #tpu.memory_space<vmem_shared>>) attributes {dimension_semantics = [#tpu.dimension_semantics<core_parallel>, #tpu.dimension_semantics<subcore_parallel>], iteration_bounds = array<i64: 2, 16>, scalar_prefetch = 0 : i64, scratch_operands = 13 : i64, tpu.core_type = #tpu.core_type<sc_vector_subcore>, window_params = [{transform_indices = #map}, {transform_indices = #map1}, {transform_indices = #map}, {transform_indices = #map1}]} {
    %eq3A = arith.constant 0 : i32
    %eq3A_0 = arith.cmpi eq, %arg0, %eq3A : i32
    %jit3A = arith.constant 147 : i32
    %jit3A_1 = arith.constant 21 : i32
    %select_n3A = arith.select %eq3A_0, %jit3A, %jit3A_1 : i32
    %eq3A_2 = arith.constant 0 : i32
    %eq3A_3 = arith.cmpi eq, %arg0, %eq3A_2 : i32
    %mul3A = arith.constant 147 : i32
    %mul3A_4 = arith.muli %arg1, %mul3A : i32
    %mul3A_5 = arith.constant 21 : i32
    %mul3A_6 = arith.muli %arg1, %mul3A_5 : i32
    %add3A = arith.constant 2352 : i32
    %add3A_7 = arith.addi %add3A, %mul3A_6 : i32
    %select_n3A_8 = arith.select %eq3A_3, %mul3A_4, %add3A_7 : i32
    %mul3A_9 = arith.constant 640 : i32
    %mul3A_10 = arith.muli %arg1, %mul3A_9 : i32
    "tpu.region"() ({
      %run_scoped3A = tpu.sem_alloc : memref<!tpu.dma_semaphore, #tpu.memory_space<semaphore_mem>>
      %dma_start3A_134 = arith.constant 0 : i32
      %dma_start3A_135 = tpu.memref_slice %arg18[%mul3A_10, %dma_start3A_134] : memref<10240x128xf32, #tpu.memory_space<vmem_shared>> -> memref<640x128xf32, #tpu.memory_space<vmem_shared>>
      tpu.enqueue_dma source(%arg4 : memref<640x128xf32, #tpu.memory_space<hbm>>) target(%dma_start3A_135 : memref<640x128xf32, #tpu.memory_space<vmem_shared>>) target_semaphore(%run_scoped3A : memref<!tpu.dma_semaphore, #tpu.memory_space<semaphore_mem>>)
      %dma_wait3A_136 = arith.constant 0 : i32
      %dma_wait3A_137 = tpu.memref_slice %arg18[%mul3A_10, %dma_wait3A_136] : memref<10240x128xf32, #tpu.memory_space<vmem_shared>> -> memref<640x128xf32, #tpu.memory_space<vmem_shared>>
      tpu.wait_dma2 semaphore(%run_scoped3A : memref<!tpu.dma_semaphore, #tpu.memory_space<semaphore_mem>>) src(%arg4 : memref<640x128xf32, #tpu.memory_space<hbm>>) dst(%dma_wait3A_137 : memref<640x128xf32, #tpu.memory_space<vmem_shared>>)
      tpu.yield
    }) : () -> ()
    %barrier3A = arith.constant 0 : index
    tpu.barrier barrier_id(%barrier3A)
    %add3A_11 = arith.constant 0 : i32
    %add3A_12 = arith.addi %select_n3A_8, %add3A_11 : i32
    "tpu.region"() ({
      %run_scoped3A = tpu.sem_alloc : memref<!tpu.dma_semaphore, #tpu.memory_space<semaphore_mem>>
      %dma_start3A_134 = arith.constant 0 : i32
      %dma_start3A_135 = arith.constant 0 : i32
      %dma_start3A_136 = tpu.memref_slice %arg3[%add3A_12, %dma_start3A_134, %dma_start3A_135] : memref<2688x2x120xi32, #tpu.memory_space<hbm>> -> memref<1x2x120xi32, #tpu.memory_space<hbm>>
      %dma_start3A_137 = arith.constant 0 : i32
      %dma_start3A_138 = arith.constant 0 : i32
      %dma_start3A_139 = tpu.memref_slice %arg3[%add3A_12, %dma_start3A_137, %dma_start3A_138] : memref<2688x2x120xi32, #tpu.memory_space<hbm>> -> memref<1x2x120xi32, #tpu.memory_space<hbm>>
      tpu.enqueue_dma source(%dma_start3A_139 : memref<1x2x120xi32, #tpu.memory_space<hbm>>) target(%arg6 : memref<1x2x120xi32, #tpu.memory_space<vmem>>) target_semaphore(%run_scoped3A : memref<!tpu.dma_semaphore, #tpu.memory_space<semaphore_mem>>)
      %dma_wait3A_140 = arith.constant 0 : i32
      %dma_wait3A_141 = arith.constant 0 : i32
      %dma_wait3A_142 = tpu.memref_slice %arg3[%add3A_12, %dma_wait3A_140, %dma_wait3A_141] : memref<2688x2x120xi32, #tpu.memory_space<hbm>> -> memref<1x2x120xi32, #tpu.memory_space<hbm>>
      %dma_wait3A_143 = arith.constant 0 : i32
      %dma_wait3A_144 = arith.constant 0 : i32
      %dma_wait3A_145 = tpu.memref_slice %arg3[%add3A_12, %dma_wait3A_143, %dma_wait3A_144] : memref<2688x2x120xi32, #tpu.memory_space<hbm>> -> memref<1x2x120xi32, #tpu.memory_space<hbm>>
      tpu.wait_dma2 semaphore(%run_scoped3A : memref<!tpu.dma_semaphore, #tpu.memory_space<semaphore_mem>>) src(%dma_wait3A_145 : memref<1x2x120xi32, #tpu.memory_space<hbm>>) dst(%arg6 : memref<1x2x120xi32, #tpu.memory_space<vmem>>)
      tpu.yield
    }) : () -> ()
    %dma_start3A = arith.constant 0 : i32
    %dma_start3A_13 = arith.constant 0 : i32
    %dma_start3A_14 = arith.constant 0 : i32
    %dma_start3A_15 = tpu.memref_slice %arg6[%dma_start3A, %dma_start3A_13, %dma_start3A_14] : memref<1x2x120xi32, #tpu.memory_space<vmem>> -> memref<1x1x120xi32, #tpu.memory_space<vmem>>
    %dma_start3A_16 = tpu.memref_squeeze %dma_start3A_15 : memref<1x1x120xi32, #tpu.memory_space<vmem>> -> memref<120xi32, #tpu.memory_space<vmem>>
    %dma_start3A_17 = arith.constant 0 : i32
    %dma_start3A_18 = arith.constant 0 : i32
    %dma_start3A_19 = tpu.memref_slice %arg2[%dma_start3A_17, %dma_start3A_18] : memref<10240x128xf32, #tpu.memory_space<hbm>> -> memref<10240x128xf32, #tpu.memory_space<hbm>>
    tpu.enqueue_indirect_dma source(%dma_start3A_19 : memref<10240x128xf32, #tpu.memory_space<hbm>>) target(%arg9 : memref<120x128xf32, #tpu.memory_space<vmem>>) offsets(%dma_start3A_16 : memref<120xi32, #tpu.memory_space<vmem>>) semaphore(%arg12 : memref<!tpu.dma_semaphore, #tpu.memory_space<semaphore_mem>>)
    %add3A_20 = arith.constant 1 : i32
    %add3A_21 = arith.addi %select_n3A_8, %add3A_20 : i32
    "tpu.region"() ({
      %run_scoped3A = tpu.sem_alloc : memref<!tpu.dma_semaphore, #tpu.memory_space<semaphore_mem>>
      %dma_start3A_134 = arith.constant 0 : i32
      %dma_start3A_135 = arith.constant 0 : i32
      %dma_start3A_136 = tpu.memref_slice %arg3[%add3A_21, %dma_start3A_134, %dma_start3A_135] : memref<2688x2x120xi32, #tpu.memory_space<hbm>> -> memref<1x2x120xi32, #tpu.memory_space<hbm>>
      %dma_start3A_137 = arith.constant 0 : i32
      %dma_start3A_138 = arith.constant 0 : i32
      %dma_start3A_139 = tpu.memref_slice %arg3[%add3A_21, %dma_start3A_137, %dma_start3A_138] : memref<2688x2x120xi32, #tpu.memory_space<hbm>> -> memref<1x2x120xi32, #tpu.memory_space<hbm>>
      tpu.enqueue_dma source(%dma_start3A_139 : memref<1x2x120xi32, #tpu.memory_space<hbm>>) target(%arg7 : memref<1x2x120xi32, #tpu.memory_space<vmem>>) target_semaphore(%run_scoped3A : memref<!tpu.dma_semaphore, #tpu.memory_space<semaphore_mem>>)
      %dma_wait3A_140 = arith.constant 0 : i32
      %dma_wait3A_141 = arith.constant 0 : i32
      %dma_wait3A_142 = tpu.memref_slice %arg3[%add3A_21, %dma_wait3A_140, %dma_wait3A_141] : memref<2688x2x120xi32, #tpu.memory_space<hbm>> -> memref<1x2x120xi32, #tpu.memory_space<hbm>>
      %dma_wait3A_143 = arith.constant 0 : i32
      %dma_wait3A_144 = arith.constant 0 : i32
      %dma_wait3A_145 = tpu.memref_slice %arg3[%add3A_21, %dma_wait3A_143, %dma_wait3A_144] : memref<2688x2x120xi32, #tpu.memory_space<hbm>> -> memref<1x2x120xi32, #tpu.memory_space<hbm>>
      tpu.wait_dma2 semaphore(%run_scoped3A : memref<!tpu.dma_semaphore, #tpu.memory_space<semaphore_mem>>) src(%dma_wait3A_145 : memref<1x2x120xi32, #tpu.memory_space<hbm>>) dst(%arg7 : memref<1x2x120xi32, #tpu.memory_space<vmem>>)
      tpu.yield
    }) : () -> ()
    %dma_start3A_22 = arith.constant 0 : i32
    %dma_start3A_23 = arith.constant 0 : i32
    %dma_start3A_24 = arith.constant 0 : i32
    %dma_start3A_25 = tpu.memref_slice %arg7[%dma_start3A_22, %dma_start3A_23, %dma_start3A_24] : memref<1x2x120xi32, #tpu.memory_space<vmem>> -> memref<1x1x120xi32, #tpu.memory_space<vmem>>
    %dma_start3A_26 = tpu.memref_squeeze %dma_start3A_25 : memref<1x1x120xi32, #tpu.memory_space<vmem>> -> memref<120xi32, #tpu.memory_space<vmem>>
    %dma_start3A_27 = arith.constant 0 : i32
    %dma_start3A_28 = arith.constant 0 : i32
    %dma_start3A_29 = tpu.memref_slice %arg2[%dma_start3A_27, %dma_start3A_28] : memref<10240x128xf32, #tpu.memory_space<hbm>> -> memref<10240x128xf32, #tpu.memory_space<hbm>>
    tpu.enqueue_indirect_dma source(%dma_start3A_29 : memref<10240x128xf32, #tpu.memory_space<hbm>>) target(%arg10 : memref<120x128xf32, #tpu.memory_space<vmem>>) offsets(%dma_start3A_26 : memref<120xi32, #tpu.memory_space<vmem>>) semaphore(%arg13 : memref<!tpu.dma_semaphore, #tpu.memory_space<semaphore_mem>>)
    %add3A_30 = arith.constant 2 : i32
    %add3A_31 = arith.addi %select_n3A_8, %add3A_30 : i32
    "tpu.region"() ({
      %run_scoped3A = tpu.sem_alloc : memref<!tpu.dma_semaphore, #tpu.memory_space<semaphore_mem>>
      %dma_start3A_134 = arith.constant 0 : i32
      %dma_start3A_135 = arith.constant 0 : i32
      %dma_start3A_136 = tpu.memref_slice %arg3[%add3A_31, %dma_start3A_134, %dma_start3A_135] : memref<2688x2x120xi32, #tpu.memory_space<hbm>> -> memref<1x2x120xi32, #tpu.memory_space<hbm>>
      %dma_start3A_137 = arith.constant 0 : i32
      %dma_start3A_138 = arith.constant 0 : i32
      %dma_start3A_139 = tpu.memref_slice %arg3[%add3A_31, %dma_start3A_137, %dma_start3A_138] : memref<2688x2x120xi32, #tpu.memory_space<hbm>> -> memref<1x2x120xi32, #tpu.memory_space<hbm>>
      tpu.enqueue_dma source(%dma_start3A_139 : memref<1x2x120xi32, #tpu.memory_space<hbm>>) target(%arg8 : memref<1x2x120xi32, #tpu.memory_space<vmem>>) target_semaphore(%run_scoped3A : memref<!tpu.dma_semaphore, #tpu.memory_space<semaphore_mem>>)
      %dma_wait3A_140 = arith.constant 0 : i32
      %dma_wait3A_141 = arith.constant 0 : i32
      %dma_wait3A_142 = tpu.memref_slice %arg3[%add3A_31, %dma_wait3A_140, %dma_wait3A_141] : memref<2688x2x120xi32, #tpu.memory_space<hbm>> -> memref<1x2x120xi32, #tpu.memory_space<hbm>>
      %dma_wait3A_143 = arith.constant 0 : i32
      %dma_wait3A_144 = arith.constant 0 : i32
      %dma_wait3A_145 = tpu.memref_slice %arg3[%add3A_31, %dma_wait3A_143, %dma_wait3A_144] : memref<2688x2x120xi32, #tpu.memory_space<hbm>> -> memref<1x2x120xi32, #tpu.memory_space<hbm>>
      tpu.wait_dma2 semaphore(%run_scoped3A : memref<!tpu.dma_semaphore, #tpu.memory_space<semaphore_mem>>) src(%dma_wait3A_145 : memref<1x2x120xi32, #tpu.memory_space<hbm>>) dst(%arg8 : memref<1x2x120xi32, #tpu.memory_space<vmem>>)
      tpu.yield
    }) : () -> ()
    %dma_start3A_32 = arith.constant 0 : i32
    %dma_start3A_33 = arith.constant 0 : i32
    %dma_start3A_34 = arith.constant 0 : i32
    %dma_start3A_35 = tpu.memref_slice %arg8[%dma_start3A_32, %dma_start3A_33, %dma_start3A_34] : memref<1x2x120xi32, #tpu.memory_space<vmem>> -> memref<1x1x120xi32, #tpu.memory_space<vmem>>
    %dma_start3A_36 = tpu.memref_squeeze %dma_start3A_35 : memref<1x1x120xi32, #tpu.memory_space<vmem>> -> memref<120xi32, #tpu.memory_space<vmem>>
    %dma_start3A_37 = arith.constant 0 : i32
    %dma_start3A_38 = arith.constant 0 : i32
    %dma_start3A_39 = tpu.memref_slice %arg2[%dma_start3A_37, %dma_start3A_38] : memref<10240x128xf32, #tpu.memory_space<hbm>> -> memref<10240x128xf32, #tpu.memory_space<hbm>>
    tpu.enqueue_indirect_dma source(%dma_start3A_39 : memref<10240x128xf32, #tpu.memory_space<hbm>>) target(%arg11 : memref<120x128xf32, #tpu.memory_space<vmem>>) offsets(%dma_start3A_36 : memref<120xi32, #tpu.memory_space<vmem>>) semaphore(%arg14 : memref<!tpu.dma_semaphore, #tpu.memory_space<semaphore_mem>>)
    %sub3A = arith.constant 3 : i32
    %sub3A_40 = arith.subi %select_n3A, %sub3A : i32
    %sub3A_41 = arith.constant 0 : i32
    %sub3A_42 = arith.subi %sub3A_40, %sub3A_41 : i32
    %sub3A_43 = arith.constant 3 : i32
    %sub3A_44 = arith.constant 1 : i32
    %sub3A_45 = arith.subi %sub3A_43, %sub3A_44 : i32
    %add3A_46 = arith.addi %sub3A_42, %sub3A_45 : i32
    %div3A = arith.constant 3 : i32
    %div3A_47 = arith.divsi %add3A_46, %div3A : i32
    %while3A = arith.constant 3 : i32
    %while3A_48 = arith.constant 0 : i32
    %while3A_49 = arith.constant 0 : i32
    %while3A_50 = arith.subi %div3A_47, %while3A_49 : i32
    %while3A_51 = arith.addi %while3A_49, %while3A_50 : i32
    %while3A_52 = arith.constant 1 : i32
    %while3A_53 = arith.divsi %while3A_50, %while3A_52 : i32
    %while3A_54 = arith.muli %while3A_53, %while3A_52 : i32
    %while3A_55 = arith.addi %while3A_49, %while3A_54 : i32
    %while3A_56 = arith.constant 1 : i32
    scf.for %while3A_134 = %while3A_49 to %while3A_55 step %while3A_56  : i32 {
      %mul3A_135 = arith.muli %while3A_134, %while3A : i32
      %add3A_136 = arith.addi %while3A_48, %mul3A_135 : i32
      %dma_wait3A_137 = arith.constant 0 : i32
      %dma_wait3A_138 = arith.constant 0 : i32
      %dma_wait3A_139 = arith.constant 0 : i32
      %dma_wait3A_140 = tpu.memref_slice %arg6[%dma_wait3A_137, %dma_wait3A_138, %dma_wait3A_139] : memref<1x2x120xi32, #tpu.memory_space<vmem>> -> memref<1x1x120xi32, #tpu.memory_space<vmem>>
      %dma_wait3A_141 = tpu.memref_squeeze %dma_wait3A_140 : memref<1x1x120xi32, #tpu.memory_space<vmem>> -> memref<120xi32, #tpu.memory_space<vmem>>
      %dma_wait3A_142 = arith.constant 0 : i32
      %dma_wait3A_143 = arith.constant 0 : i32
      %dma_wait3A_144 = tpu.memref_slice %arg2[%dma_wait3A_142, %dma_wait3A_143] : memref<10240x128xf32, #tpu.memory_space<hbm>> -> memref<10240x128xf32, #tpu.memory_space<hbm>>
      tpu.wait_indirect_dma semaphore(%arg12 : memref<!tpu.dma_semaphore, #tpu.memory_space<semaphore_mem>>) src(%dma_wait3A_144 : memref<10240x128xf32, #tpu.memory_space<hbm>>) dst(%arg9 : memref<120x128xf32, #tpu.memory_space<vmem>>)
      %dma_start3A_145 = arith.constant 0 : i32
      %dma_start3A_146 = arith.constant 1 : i32
      %dma_start3A_147 = arith.constant 0 : i32
      %dma_start3A_148 = tpu.memref_slice %arg6[%dma_start3A_145, %dma_start3A_146, %dma_start3A_147] : memref<1x2x120xi32, #tpu.memory_space<vmem>> -> memref<1x1x120xi32, #tpu.memory_space<vmem>>
      %dma_start3A_149 = tpu.memref_squeeze %dma_start3A_148 : memref<1x1x120xi32, #tpu.memory_space<vmem>> -> memref<120xi32, #tpu.memory_space<vmem>>
      %dma_start3A_150 = arith.constant 0 : i32
      %dma_start3A_151 = arith.constant 0 : i32
      %dma_start3A_152 = tpu.memref_slice %arg18[%dma_start3A_150, %dma_start3A_151] : memref<10240x128xf32, #tpu.memory_space<vmem_shared>> -> memref<10240x128xf32, #tpu.memory_space<vmem_shared>>
      tpu.enqueue_indirect_dma source(%arg9 : memref<120x128xf32, #tpu.memory_space<vmem>>) target(%dma_start3A_152 : memref<10240x128xf32, #tpu.memory_space<vmem_shared>>) offsets(%dma_start3A_149 : memref<120xi32, #tpu.memory_space<vmem>>) semaphore(%arg15 : memref<!tpu.dma_semaphore, #tpu.memory_space<semaphore_mem>>) {add = true}
      %dma_wait3A_153 = arith.constant 0 : i32
      %dma_wait3A_154 = arith.constant 0 : i32
      %dma_wait3A_155 = arith.constant 0 : i32
      %dma_wait3A_156 = tpu.memref_slice %arg7[%dma_wait3A_153, %dma_wait3A_154, %dma_wait3A_155] : memref<1x2x120xi32, #tpu.memory_space<vmem>> -> memref<1x1x120xi32, #tpu.memory_space<vmem>>
      %dma_wait3A_157 = tpu.memref_squeeze %dma_wait3A_156 : memref<1x1x120xi32, #tpu.memory_space<vmem>> -> memref<120xi32, #tpu.memory_space<vmem>>
      %dma_wait3A_158 = arith.constant 0 : i32
      %dma_wait3A_159 = arith.constant 0 : i32
      %dma_wait3A_160 = tpu.memref_slice %arg2[%dma_wait3A_158, %dma_wait3A_159] : memref<10240x128xf32, #tpu.memory_space<hbm>> -> memref<10240x128xf32, #tpu.memory_space<hbm>>
      tpu.wait_indirect_dma semaphore(%arg13 : memref<!tpu.dma_semaphore, #tpu.memory_space<semaphore_mem>>) src(%dma_wait3A_160 : memref<10240x128xf32, #tpu.memory_space<hbm>>) dst(%arg10 : memref<120x128xf32, #tpu.memory_space<vmem>>)
      %dma_start3A_161 = arith.constant 0 : i32
      %dma_start3A_162 = arith.constant 1 : i32
      %dma_start3A_163 = arith.constant 0 : i32
      %dma_start3A_164 = tpu.memref_slice %arg7[%dma_start3A_161, %dma_start3A_162, %dma_start3A_163] : memref<1x2x120xi32, #tpu.memory_space<vmem>> -> memref<1x1x120xi32, #tpu.memory_space<vmem>>
      %dma_start3A_165 = tpu.memref_squeeze %dma_start3A_164 : memref<1x1x120xi32, #tpu.memory_space<vmem>> -> memref<120xi32, #tpu.memory_space<vmem>>
      %dma_start3A_166 = arith.constant 0 : i32
      %dma_start3A_167 = arith.constant 0 : i32
      %dma_start3A_168 = tpu.memref_slice %arg18[%dma_start3A_166, %dma_start3A_167] : memref<10240x128xf32, #tpu.memory_space<vmem_shared>> -> memref<10240x128xf32, #tpu.memory_space<vmem_shared>>
      tpu.enqueue_indirect_dma source(%arg10 : memref<120x128xf32, #tpu.memory_space<vmem>>) target(%dma_start3A_168 : memref<10240x128xf32, #tpu.memory_space<vmem_shared>>) offsets(%dma_start3A_165 : memref<120xi32, #tpu.memory_space<vmem>>) semaphore(%arg16 : memref<!tpu.dma_semaphore, #tpu.memory_space<semaphore_mem>>) {add = true}
      %dma_wait3A_169 = arith.constant 0 : i32
      %dma_wait3A_170 = arith.constant 1 : i32
      %dma_wait3A_171 = arith.constant 0 : i32
      %dma_wait3A_172 = tpu.memref_slice %arg6[%dma_wait3A_169, %dma_wait3A_170, %dma_wait3A_171] : memref<1x2x120xi32, #tpu.memory_space<vmem>> -> memref<1x1x120xi32, #tpu.memory_space<vmem>>
      %dma_wait3A_173 = tpu.memref_squeeze %dma_wait3A_172 : memref<1x1x120xi32, #tpu.memory_space<vmem>> -> memref<120xi32, #tpu.memory_space<vmem>>
      %dma_wait3A_174 = arith.constant 0 : i32
      %dma_wait3A_175 = arith.constant 0 : i32
      %dma_wait3A_176 = tpu.memref_slice %arg18[%dma_wait3A_174, %dma_wait3A_175] : memref<10240x128xf32, #tpu.memory_space<vmem_shared>> -> memref<10240x128xf32, #tpu.memory_space<vmem_shared>>
      tpu.wait_indirect_dma semaphore(%arg15 : memref<!tpu.dma_semaphore, #tpu.memory_space<semaphore_mem>>) src(%arg9 : memref<120x128xf32, #tpu.memory_space<vmem>>) dst(%dma_wait3A_176 : memref<10240x128xf32, #tpu.memory_space<vmem_shared>>)
      %add3A_177 = arith.constant 3 : i32
      %add3A_178 = arith.addi %add3A_136, %add3A_177 : i32
      %add3A_179 = arith.constant 0 : i32
      %add3A_180 = arith.addi %add3A_178, %add3A_179 : i32
      %add3A_181 = arith.addi %select_n3A_8, %add3A_180 : i32
      "tpu.region"() ({
        %run_scoped3A = tpu.sem_alloc : memref<!tpu.dma_semaphore, #tpu.memory_space<semaphore_mem>>
        %dma_start3A_248 = arith.constant 0 : i32
        %dma_start3A_249 = arith.constant 0 : i32
        %dma_start3A_250 = tpu.memref_slice %arg3[%add3A_181, %dma_start3A_248, %dma_start3A_249] : memref<2688x2x120xi32, #tpu.memory_space<hbm>> -> memref<1x2x120xi32, #tpu.memory_space<hbm>>
        %dma_start3A_251 = arith.constant 0 : i32
        %dma_start3A_252 = arith.constant 0 : i32
        %dma_start3A_253 = tpu.memref_slice %arg3[%add3A_181, %dma_start3A_251, %dma_start3A_252] : memref<2688x2x120xi32, #tpu.memory_space<hbm>> -> memref<1x2x120xi32, #tpu.memory_space<hbm>>
        tpu.enqueue_dma source(%dma_start3A_253 : memref<1x2x120xi32, #tpu.memory_space<hbm>>) target(%arg6 : memref<1x2x120xi32, #tpu.memory_space<vmem>>) target_semaphore(%run_scoped3A : memref<!tpu.dma_semaphore, #tpu.memory_space<semaphore_mem>>)
        %dma_wait3A_254 = arith.constant 0 : i32
        %dma_wait3A_255 = arith.constant 0 : i32
        %dma_wait3A_256 = tpu.memref_slice %arg3[%add3A_181, %dma_wait3A_254, %dma_wait3A_255] : memref<2688x2x120xi32, #tpu.memory_space<hbm>> -> memref<1x2x120xi32, #tpu.memory_space<hbm>>
        %dma_wait3A_257 = arith.constant 0 : i32
        %dma_wait3A_258 = arith.constant 0 : i32
        %dma_wait3A_259 = tpu.memref_slice %arg3[%add3A_181, %dma_wait3A_257, %dma_wait3A_258] : memref<2688x2x120xi32, #tpu.memory_space<hbm>> -> memref<1x2x120xi32, #tpu.memory_space<hbm>>
        tpu.wait_dma2 semaphore(%run_scoped3A : memref<!tpu.dma_semaphore, #tpu.memory_space<semaphore_mem>>) src(%dma_wait3A_259 : memref<1x2x120xi32, #tpu.memory_space<hbm>>) dst(%arg6 : memref<1x2x120xi32, #tpu.memory_space<vmem>>)
        tpu.yield
      }) : () -> ()
      %dma_start3A_182 = arith.constant 0 : i32
      %dma_start3A_183 = arith.constant 0 : i32
      %dma_start3A_184 = arith.constant 0 : i32
      %dma_start3A_185 = tpu.memref_slice %arg6[%dma_start3A_182, %dma_start3A_183, %dma_start3A_184] : memref<1x2x120xi32, #tpu.memory_space<vmem>> -> memref<1x1x120xi32, #tpu.memory_space<vmem>>
      %dma_start3A_186 = tpu.memref_squeeze %dma_start3A_185 : memref<1x1x120xi32, #tpu.memory_space<vmem>> -> memref<120xi32, #tpu.memory_space<vmem>>
      %dma_start3A_187 = arith.constant 0 : i32
      %dma_start3A_188 = arith.constant 0 : i32
      %dma_start3A_189 = tpu.memref_slice %arg2[%dma_start3A_187, %dma_start3A_188] : memref<10240x128xf32, #tpu.memory_space<hbm>> -> memref<10240x128xf32, #tpu.memory_space<hbm>>
      tpu.enqueue_indirect_dma source(%dma_start3A_189 : memref<10240x128xf32, #tpu.memory_space<hbm>>) target(%arg9 : memref<120x128xf32, #tpu.memory_space<vmem>>) offsets(%dma_start3A_186 : memref<120xi32, #tpu.memory_space<vmem>>) semaphore(%arg12 : memref<!tpu.dma_semaphore, #tpu.memory_space<semaphore_mem>>)
      %dma_wait3A_190 = arith.constant 0 : i32
      %dma_wait3A_191 = arith.constant 0 : i32
      %dma_wait3A_192 = arith.constant 0 : i32
      %dma_wait3A_193 = tpu.memref_slice %arg8[%dma_wait3A_190, %dma_wait3A_191, %dma_wait3A_192] : memref<1x2x120xi32, #tpu.memory_space<vmem>> -> memref<1x1x120xi32, #tpu.memory_space<vmem>>
      %dma_wait3A_194 = tpu.memref_squeeze %dma_wait3A_193 : memref<1x1x120xi32, #tpu.memory_space<vmem>> -> memref<120xi32, #tpu.memory_space<vmem>>
      %dma_wait3A_195 = arith.constant 0 : i32
      %dma_wait3A_196 = arith.constant 0 : i32
      %dma_wait3A_197 = tpu.memref_slice %arg2[%dma_wait3A_195, %dma_wait3A_196] : memref<10240x128xf32, #tpu.memory_space<hbm>> -> memref<10240x128xf32, #tpu.memory_space<hbm>>
      tpu.wait_indirect_dma semaphore(%arg14 : memref<!tpu.dma_semaphore, #tpu.memory_space<semaphore_mem>>) src(%dma_wait3A_197 : memref<10240x128xf32, #tpu.memory_space<hbm>>) dst(%arg11 : memref<120x128xf32, #tpu.memory_space<vmem>>)
      %dma_start3A_198 = arith.constant 0 : i32
      %dma_start3A_199 = arith.constant 1 : i32
      %dma_start3A_200 = arith.constant 0 : i32
      %dma_start3A_201 = tpu.memref_slice %arg8[%dma_start3A_198, %dma_start3A_199, %dma_start3A_200] : memref<1x2x120xi32, #tpu.memory_space<vmem>> -> memref<1x1x120xi32, #tpu.memory_space<vmem>>
      %dma_start3A_202 = tpu.memref_squeeze %dma_start3A_201 : memref<1x1x120xi32, #tpu.memory_space<vmem>> -> memref<120xi32, #tpu.memory_space<vmem>>
      %dma_start3A_203 = arith.constant 0 : i32
      %dma_start3A_204 = arith.constant 0 : i32
      %dma_start3A_205 = tpu.memref_slice %arg18[%dma_start3A_203, %dma_start3A_204] : memref<10240x128xf32, #tpu.memory_space<vmem_shared>> -> memref<10240x128xf32, #tpu.memory_space<vmem_shared>>
      tpu.enqueue_indirect_dma source(%arg11 : memref<120x128xf32, #tpu.memory_space<vmem>>) target(%dma_start3A_205 : memref<10240x128xf32, #tpu.memory_space<vmem_shared>>) offsets(%dma_start3A_202 : memref<120xi32, #tpu.memory_space<vmem>>) semaphore(%arg17 : memref<!tpu.dma_semaphore, #tpu.memory_space<semaphore_mem>>) {add = true}
      %dma_wait3A_206 = arith.constant 0 : i32
      %dma_wait3A_207 = arith.constant 1 : i32
      %dma_wait3A_208 = arith.constant 0 : i32
      %dma_wait3A_209 = tpu.memref_slice %arg7[%dma_wait3A_206, %dma_wait3A_207, %dma_wait3A_208] : memref<1x2x120xi32, #tpu.memory_space<vmem>> -> memref<1x1x120xi32, #tpu.memory_space<vmem>>
      %dma_wait3A_210 = tpu.memref_squeeze %dma_wait3A_209 : memref<1x1x120xi32, #tpu.memory_space<vmem>> -> memref<120xi32, #tpu.memory_space<vmem>>
      %dma_wait3A_211 = arith.constant 0 : i32
      %dma_wait3A_212 = arith.constant 0 : i32
      %dma_wait3A_213 = tpu.memref_slice %arg18[%dma_wait3A_211, %dma_wait3A_212] : memref<10240x128xf32, #tpu.memory_space<vmem_shared>> -> memref<10240x128xf32, #tpu.memory_space<vmem_shared>>
      tpu.wait_indirect_dma semaphore(%arg16 : memref<!tpu.dma_semaphore, #tpu.memory_space<semaphore_mem>>) src(%arg10 : memref<120x128xf32, #tpu.memory_space<vmem>>) dst(%dma_wait3A_213 : memref<10240x128xf32, #tpu.memory_space<vmem_shared>>)
      %add3A_214 = arith.constant 3 : i32
      %add3A_215 = arith.addi %add3A_136, %add3A_214 : i32
      %add3A_216 = arith.constant 1 : i32
      %add3A_217 = arith.addi %add3A_215, %add3A_216 : i32
      %add3A_218 = arith.addi %select_n3A_8, %add3A_217 : i32
      "tpu.region"() ({
        %run_scoped3A = tpu.sem_alloc : memref<!tpu.dma_semaphore, #tpu.memory_space<semaphore_mem>>
        %dma_start3A_248 = arith.constant 0 : i32
        %dma_start3A_249 = arith.constant 0 : i32
        %dma_start3A_250 = tpu.memref_slice %arg3[%add3A_218, %dma_start3A_248, %dma_start3A_249] : memref<2688x2x120xi32, #tpu.memory_space<hbm>> -> memref<1x2x120xi32, #tpu.memory_space<hbm>>
        %dma_start3A_251 = arith.constant 0 : i32
        %dma_start3A_252 = arith.constant 0 : i32
        %dma_start3A_253 = tpu.memref_slice %arg3[%add3A_218, %dma_start3A_251, %dma_start3A_252] : memref<2688x2x120xi32, #tpu.memory_space<hbm>> -> memref<1x2x120xi32, #tpu.memory_space<hbm>>
        tpu.enqueue_dma source(%dma_start3A_253 : memref<1x2x120xi32, #tpu.memory_space<hbm>>) target(%arg7 : memref<1x2x120xi32, #tpu.memory_space<vmem>>) target_semaphore(%run_scoped3A : memref<!tpu.dma_semaphore, #tpu.memory_space<semaphore_mem>>)
        %dma_wait3A_254 = arith.constant 0 : i32
        %dma_wait3A_255 = arith.constant 0 : i32
        %dma_wait3A_256 = tpu.memref_slice %arg3[%add3A_218, %dma_wait3A_254, %dma_wait3A_255] : memref<2688x2x120xi32, #tpu.memory_space<hbm>> -> memref<1x2x120xi32, #tpu.memory_space<hbm>>
        %dma_wait3A_257 = arith.constant 0 : i32
        %dma_wait3A_258 = arith.constant 0 : i32
        %dma_wait3A_259 = tpu.memref_slice %arg3[%add3A_218, %dma_wait3A_257, %dma_wait3A_258] : memref<2688x2x120xi32, #tpu.memory_space<hbm>> -> memref<1x2x120xi32, #tpu.memory_space<hbm>>
        tpu.wait_dma2 semaphore(%run_scoped3A : memref<!tpu.dma_semaphore, #tpu.memory_space<semaphore_mem>>) src(%dma_wait3A_259 : memref<1x2x120xi32, #tpu.memory_space<hbm>>) dst(%arg7 : memref<1x2x120xi32, #tpu.memory_space<vmem>>)
        tpu.yield
      }) : () -> ()
      %dma_start3A_219 = arith.constant 0 : i32
      %dma_start3A_220 = arith.constant 0 : i32
      %dma_start3A_221 = arith.constant 0 : i32
      %dma_start3A_222 = tpu.memref_slice %arg7[%dma_start3A_219, %dma_start3A_220, %dma_start3A_221] : memref<1x2x120xi32, #tpu.memory_space<vmem>> -> memref<1x1x120xi32, #tpu.memory_space<vmem>>
      %dma_start3A_223 = tpu.memref_squeeze %dma_start3A_222 : memref<1x1x120xi32, #tpu.memory_space<vmem>> -> memref<120xi32, #tpu.memory_space<vmem>>
      %dma_start3A_224 = arith.constant 0 : i32
      %dma_start3A_225 = arith.constant 0 : i32
      %dma_start3A_226 = tpu.memref_slice %arg2[%dma_start3A_224, %dma_start3A_225] : memref<10240x128xf32, #tpu.memory_space<hbm>> -> memref<10240x128xf32, #tpu.memory_space<hbm>>
      tpu.enqueue_indirect_dma source(%dma_start3A_226 : memref<10240x128xf32, #tpu.memory_space<hbm>>) target(%arg10 : memref<120x128xf32, #tpu.memory_space<vmem>>) offsets(%dma_start3A_223 : memref<120xi32, #tpu.memory_space<vmem>>) semaphore(%arg13 : memref<!tpu.dma_semaphore, #tpu.memory_space<semaphore_mem>>)
      %dma_wait3A_227 = arith.constant 0 : i32
      %dma_wait3A_228 = arith.constant 1 : i32
      %dma_wait3A_229 = arith.constant 0 : i32
      %dma_wait3A_230 = tpu.memref_slice %arg8[%dma_wait3A_227, %dma_wait3A_228, %dma_wait3A_229] : memref<1x2x120xi32, #tpu.memory_space<vmem>> -> memref<1x1x120xi32, #tpu.memory_space<vmem>>
      %dma_wait3A_231 = tpu.memref_squeeze %dma_wait3A_230 : memref<1x1x120xi32, #tpu.memory_space<vmem>> -> memref<120xi32, #tpu.memory_space<vmem>>
      %dma_wait3A_232 = arith.constant 0 : i32
      %dma_wait3A_233 = arith.constant 0 : i32
      %dma_wait3A_234 = tpu.memref_slice %arg18[%dma_wait3A_232, %dma_wait3A_233] : memref<10240x128xf32, #tpu.memory_space<vmem_shared>> -> memref<10240x128xf32, #tpu.memory_space<vmem_shared>>
      tpu.wait_indirect_dma semaphore(%arg17 : memref<!tpu.dma_semaphore, #tpu.memory_space<semaphore_mem>>) src(%arg11 : memref<120x128xf32, #tpu.memory_space<vmem>>) dst(%dma_wait3A_234 : memref<10240x128xf32, #tpu.memory_space<vmem_shared>>)
      %add3A_235 = arith.constant 3 : i32
      %add3A_236 = arith.addi %add3A_136, %add3A_235 : i32
      %add3A_237 = arith.constant 2 : i32
      %add3A_238 = arith.addi %add3A_236, %add3A_237 : i32
      %add3A_239 = arith.addi %select_n3A_8, %add3A_238 : i32
      "tpu.region"() ({
        %run_scoped3A = tpu.sem_alloc : memref<!tpu.dma_semaphore, #tpu.memory_space<semaphore_mem>>
        %dma_start3A_248 = arith.constant 0 : i32
        %dma_start3A_249 = arith.constant 0 : i32
        %dma_start3A_250 = tpu.memref_slice %arg3[%add3A_239, %dma_start3A_248, %dma_start3A_249] : memref<2688x2x120xi32, #tpu.memory_space<hbm>> -> memref<1x2x120xi32, #tpu.memory_space<hbm>>
        %dma_start3A_251 = arith.constant 0 : i32
        %dma_start3A_252 = arith.constant 0 : i32
        %dma_start3A_253 = tpu.memref_slice %arg3[%add3A_239, %dma_start3A_251, %dma_start3A_252] : memref<2688x2x120xi32, #tpu.memory_space<hbm>> -> memref<1x2x120xi32, #tpu.memory_space<hbm>>
        tpu.enqueue_dma source(%dma_start3A_253 : memref<1x2x120xi32, #tpu.memory_space<hbm>>) target(%arg8 : memref<1x2x120xi32, #tpu.memory_space<vmem>>) target_semaphore(%run_scoped3A : memref<!tpu.dma_semaphore, #tpu.memory_space<semaphore_mem>>)
        %dma_wait3A_254 = arith.constant 0 : i32
        %dma_wait3A_255 = arith.constant 0 : i32
        %dma_wait3A_256 = tpu.memref_slice %arg3[%add3A_239, %dma_wait3A_254, %dma_wait3A_255] : memref<2688x2x120xi32, #tpu.memory_space<hbm>> -> memref<1x2x120xi32, #tpu.memory_space<hbm>>
        %dma_wait3A_257 = arith.constant 0 : i32
        %dma_wait3A_258 = arith.constant 0 : i32
        %dma_wait3A_259 = tpu.memref_slice %arg3[%add3A_239, %dma_wait3A_257, %dma_wait3A_258] : memref<2688x2x120xi32, #tpu.memory_space<hbm>> -> memref<1x2x120xi32, #tpu.memory_space<hbm>>
        tpu.wait_dma2 semaphore(%run_scoped3A : memref<!tpu.dma_semaphore, #tpu.memory_space<semaphore_mem>>) src(%dma_wait3A_259 : memref<1x2x120xi32, #tpu.memory_space<hbm>>) dst(%arg8 : memref<1x2x120xi32, #tpu.memory_space<vmem>>)
        tpu.yield
      }) : () -> ()
      %dma_start3A_240 = arith.constant 0 : i32
      %dma_start3A_241 = arith.constant 0 : i32
      %dma_start3A_242 = arith.constant 0 : i32
      %dma_start3A_243 = tpu.memref_slice %arg8[%dma_start3A_240, %dma_start3A_241, %dma_start3A_242] : memref<1x2x120xi32, #tpu.memory_space<vmem>> -> memref<1x1x120xi32, #tpu.memory_space<vmem>>
      %dma_start3A_244 = tpu.memref_squeeze %dma_start3A_243 : memref<1x1x120xi32, #tpu.memory_space<vmem>> -> memref<120xi32, #tpu.memory_space<vmem>>
      %dma_start3A_245 = arith.constant 0 : i32
      %dma_start3A_246 = arith.constant 0 : i32
      %dma_start3A_247 = tpu.memref_slice %arg2[%dma_start3A_245, %dma_start3A_246] : memref<10240x128xf32, #tpu.memory_space<hbm>> -> memref<10240x128xf32, #tpu.memory_space<hbm>>
      tpu.enqueue_indirect_dma source(%dma_start3A_247 : memref<10240x128xf32, #tpu.memory_space<hbm>>) target(%arg11 : memref<120x128xf32, #tpu.memory_space<vmem>>) offsets(%dma_start3A_244 : memref<120xi32, #tpu.memory_space<vmem>>) semaphore(%arg14 : memref<!tpu.dma_semaphore, #tpu.memory_space<semaphore_mem>>)
    }
    %while3A_57 = arith.constant 1 : i32
    scf.for %while3A_134 = %while3A_55 to %while3A_51 step %while3A_57  : i32 {
      %mul3A_135 = arith.muli %while3A_134, %while3A : i32
      %add3A_136 = arith.addi %while3A_48, %mul3A_135 : i32
      %dma_wait3A_137 = arith.constant 0 : i32
      %dma_wait3A_138 = arith.constant 0 : i32
      %dma_wait3A_139 = arith.constant 0 : i32
      %dma_wait3A_140 = tpu.memref_slice %arg6[%dma_wait3A_137, %dma_wait3A_138, %dma_wait3A_139] : memref<1x2x120xi32, #tpu.memory_space<vmem>> -> memref<1x1x120xi32, #tpu.memory_space<vmem>>
      %dma_wait3A_141 = tpu.memref_squeeze %dma_wait3A_140 : memref<1x1x120xi32, #tpu.memory_space<vmem>> -> memref<120xi32, #tpu.memory_space<vmem>>
      %dma_wait3A_142 = arith.constant 0 : i32
      %dma_wait3A_143 = arith.constant 0 : i32
      %dma_wait3A_144 = tpu.memref_slice %arg2[%dma_wait3A_142, %dma_wait3A_143] : memref<10240x128xf32, #tpu.memory_space<hbm>> -> memref<10240x128xf32, #tpu.memory_space<hbm>>
      tpu.wait_indirect_dma semaphore(%arg12 : memref<!tpu.dma_semaphore, #tpu.memory_space<semaphore_mem>>) src(%dma_wait3A_144 : memref<10240x128xf32, #tpu.memory_space<hbm>>) dst(%arg9 : memref<120x128xf32, #tpu.memory_space<vmem>>)
      %dma_start3A_145 = arith.constant 0 : i32
      %dma_start3A_146 = arith.constant 1 : i32
      %dma_start3A_147 = arith.constant 0 : i32
      %dma_start3A_148 = tpu.memref_slice %arg6[%dma_start3A_145, %dma_start3A_146, %dma_start3A_147] : memref<1x2x120xi32, #tpu.memory_space<vmem>> -> memref<1x1x120xi32, #tpu.memory_space<vmem>>
      %dma_start3A_149 = tpu.memref_squeeze %dma_start3A_148 : memref<1x1x120xi32, #tpu.memory_space<vmem>> -> memref<120xi32, #tpu.memory_space<vmem>>
      %dma_start3A_150 = arith.constant 0 : i32
      %dma_start3A_151 = arith.constant 0 : i32
      %dma_start3A_152 = tpu.memref_slice %arg18[%dma_start3A_150, %dma_start3A_151] : memref<10240x128xf32, #tpu.memory_space<vmem_shared>> -> memref<10240x128xf32, #tpu.memory_space<vmem_shared>>
      tpu.enqueue_indirect_dma source(%arg9 : memref<120x128xf32, #tpu.memory_space<vmem>>) target(%dma_start3A_152 : memref<10240x128xf32, #tpu.memory_space<vmem_shared>>) offsets(%dma_start3A_149 : memref<120xi32, #tpu.memory_space<vmem>>) semaphore(%arg15 : memref<!tpu.dma_semaphore, #tpu.memory_space<semaphore_mem>>) {add = true}
      %dma_wait3A_153 = arith.constant 0 : i32
      %dma_wait3A_154 = arith.constant 0 : i32
      %dma_wait3A_155 = arith.constant 0 : i32
      %dma_wait3A_156 = tpu.memref_slice %arg7[%dma_wait3A_153, %dma_wait3A_154, %dma_wait3A_155] : memref<1x2x120xi32, #tpu.memory_space<vmem>> -> memref<1x1x120xi32, #tpu.memory_space<vmem>>
      %dma_wait3A_157 = tpu.memref_squeeze %dma_wait3A_156 : memref<1x1x120xi32, #tpu.memory_space<vmem>> -> memref<120xi32, #tpu.memory_space<vmem>>
      %dma_wait3A_158 = arith.constant 0 : i32
      %dma_wait3A_159 = arith.constant 0 : i32
      %dma_wait3A_160 = tpu.memref_slice %arg2[%dma_wait3A_158, %dma_wait3A_159] : memref<10240x128xf32, #tpu.memory_space<hbm>> -> memref<10240x128xf32, #tpu.memory_space<hbm>>
      tpu.wait_indirect_dma semaphore(%arg13 : memref<!tpu.dma_semaphore, #tpu.memory_space<semaphore_mem>>) src(%dma_wait3A_160 : memref<10240x128xf32, #tpu.memory_space<hbm>>) dst(%arg10 : memref<120x128xf32, #tpu.memory_space<vmem>>)
      %dma_start3A_161 = arith.constant 0 : i32
      %dma_start3A_162 = arith.constant 1 : i32
      %dma_start3A_163 = arith.constant 0 : i32
      %dma_start3A_164 = tpu.memref_slice %arg7[%dma_start3A_161, %dma_start3A_162, %dma_start3A_163] : memref<1x2x120xi32, #tpu.memory_space<vmem>> -> memref<1x1x120xi32, #tpu.memory_space<vmem>>
      %dma_start3A_165 = tpu.memref_squeeze %dma_start3A_164 : memref<1x1x120xi32, #tpu.memory_space<vmem>> -> memref<120xi32, #tpu.memory_space<vmem>>
      %dma_start3A_166 = arith.constant 0 : i32
      %dma_start3A_167 = arith.constant 0 : i32
      %dma_start3A_168 = tpu.memref_slice %arg18[%dma_start3A_166, %dma_start3A_167] : memref<10240x128xf32, #tpu.memory_space<vmem_shared>> -> memref<10240x128xf32, #tpu.memory_space<vmem_shared>>
      tpu.enqueue_indirect_dma source(%arg10 : memref<120x128xf32, #tpu.memory_space<vmem>>) target(%dma_start3A_168 : memref<10240x128xf32, #tpu.memory_space<vmem_shared>>) offsets(%dma_start3A_165 : memref<120xi32, #tpu.memory_space<vmem>>) semaphore(%arg16 : memref<!tpu.dma_semaphore, #tpu.memory_space<semaphore_mem>>) {add = true}
      %dma_wait3A_169 = arith.constant 0 : i32
      %dma_wait3A_170 = arith.constant 1 : i32
      %dma_wait3A_171 = arith.constant 0 : i32
      %dma_wait3A_172 = tpu.memref_slice %arg6[%dma_wait3A_169, %dma_wait3A_170, %dma_wait3A_171] : memref<1x2x120xi32, #tpu.memory_space<vmem>> -> memref<1x1x120xi32, #tpu.memory_space<vmem>>
      %dma_wait3A_173 = tpu.memref_squeeze %dma_wait3A_172 : memref<1x1x120xi32, #tpu.memory_space<vmem>> -> memref<120xi32, #tpu.memory_space<vmem>>
      %dma_wait3A_174 = arith.constant 0 : i32
      %dma_wait3A_175 = arith.constant 0 : i32
      %dma_wait3A_176 = tpu.memref_slice %arg18[%dma_wait3A_174, %dma_wait3A_175] : memref<10240x128xf32, #tpu.memory_space<vmem_shared>> -> memref<10240x128xf32, #tpu.memory_space<vmem_shared>>
      tpu.wait_indirect_dma semaphore(%arg15 : memref<!tpu.dma_semaphore, #tpu.memory_space<semaphore_mem>>) src(%arg9 : memref<120x128xf32, #tpu.memory_space<vmem>>) dst(%dma_wait3A_176 : memref<10240x128xf32, #tpu.memory_space<vmem_shared>>)
      %add3A_177 = arith.constant 3 : i32
      %add3A_178 = arith.addi %add3A_136, %add3A_177 : i32
      %add3A_179 = arith.constant 0 : i32
      %add3A_180 = arith.addi %add3A_178, %add3A_179 : i32
      %add3A_181 = arith.addi %select_n3A_8, %add3A_180 : i32
      "tpu.region"() ({
        %run_scoped3A = tpu.sem_alloc : memref<!tpu.dma_semaphore, #tpu.memory_space<semaphore_mem>>
        %dma_start3A_248 = arith.constant 0 : i32
        %dma_start3A_249 = arith.constant 0 : i32
        %dma_start3A_250 = tpu.memref_slice %arg3[%add3A_181, %dma_start3A_248, %dma_start3A_249] : memref<2688x2x120xi32, #tpu.memory_space<hbm>> -> memref<1x2x120xi32, #tpu.memory_space<hbm>>
        %dma_start3A_251 = arith.constant 0 : i32
        %dma_start3A_252 = arith.constant 0 : i32
        %dma_start3A_253 = tpu.memref_slice %arg3[%add3A_181, %dma_start3A_251, %dma_start3A_252] : memref<2688x2x120xi32, #tpu.memory_space<hbm>> -> memref<1x2x120xi32, #tpu.memory_space<hbm>>
        tpu.enqueue_dma source(%dma_start3A_253 : memref<1x2x120xi32, #tpu.memory_space<hbm>>) target(%arg6 : memref<1x2x120xi32, #tpu.memory_space<vmem>>) target_semaphore(%run_scoped3A : memref<!tpu.dma_semaphore, #tpu.memory_space<semaphore_mem>>)
        %dma_wait3A_254 = arith.constant 0 : i32
        %dma_wait3A_255 = arith.constant 0 : i32
        %dma_wait3A_256 = tpu.memref_slice %arg3[%add3A_181, %dma_wait3A_254, %dma_wait3A_255] : memref<2688x2x120xi32, #tpu.memory_space<hbm>> -> memref<1x2x120xi32, #tpu.memory_space<hbm>>
        %dma_wait3A_257 = arith.constant 0 : i32
        %dma_wait3A_258 = arith.constant 0 : i32
        %dma_wait3A_259 = tpu.memref_slice %arg3[%add3A_181, %dma_wait3A_257, %dma_wait3A_258] : memref<2688x2x120xi32, #tpu.memory_space<hbm>> -> memref<1x2x120xi32, #tpu.memory_space<hbm>>
        tpu.wait_dma2 semaphore(%run_scoped3A : memref<!tpu.dma_semaphore, #tpu.memory_space<semaphore_mem>>) src(%dma_wait3A_259 : memref<1x2x120xi32, #tpu.memory_space<hbm>>) dst(%arg6 : memref<1x2x120xi32, #tpu.memory_space<vmem>>)
        tpu.yield
      }) : () -> ()
      %dma_start3A_182 = arith.constant 0 : i32
      %dma_start3A_183 = arith.constant 0 : i32
      %dma_start3A_184 = arith.constant 0 : i32
      %dma_start3A_185 = tpu.memref_slice %arg6[%dma_start3A_182, %dma_start3A_183, %dma_start3A_184] : memref<1x2x120xi32, #tpu.memory_space<vmem>> -> memref<1x1x120xi32, #tpu.memory_space<vmem>>
      %dma_start3A_186 = tpu.memref_squeeze %dma_start3A_185 : memref<1x1x120xi32, #tpu.memory_space<vmem>> -> memref<120xi32, #tpu.memory_space<vmem>>
      %dma_start3A_187 = arith.constant 0 : i32
      %dma_start3A_188 = arith.constant 0 : i32
      %dma_start3A_189 = tpu.memref_slice %arg2[%dma_start3A_187, %dma_start3A_188] : memref<10240x128xf32, #tpu.memory_space<hbm>> -> memref<10240x128xf32, #tpu.memory_space<hbm>>
      tpu.enqueue_indirect_dma source(%dma_start3A_189 : memref<10240x128xf32, #tpu.memory_space<hbm>>) target(%arg9 : memref<120x128xf32, #tpu.memory_space<vmem>>) offsets(%dma_start3A_186 : memref<120xi32, #tpu.memory_space<vmem>>) semaphore(%arg12 : memref<!tpu.dma_semaphore, #tpu.memory_space<semaphore_mem>>)
      %dma_wait3A_190 = arith.constant 0 : i32
      %dma_wait3A_191 = arith.constant 0 : i32
      %dma_wait3A_192 = arith.constant 0 : i32
      %dma_wait3A_193 = tpu.memref_slice %arg8[%dma_wait3A_190, %dma_wait3A_191, %dma_wait3A_192] : memref<1x2x120xi32, #tpu.memory_space<vmem>> -> memref<1x1x120xi32, #tpu.memory_space<vmem>>
      %dma_wait3A_194 = tpu.memref_squeeze %dma_wait3A_193 : memref<1x1x120xi32, #tpu.memory_space<vmem>> -> memref<120xi32, #tpu.memory_space<vmem>>
      %dma_wait3A_195 = arith.constant 0 : i32
      %dma_wait3A_196 = arith.constant 0 : i32
      %dma_wait3A_197 = tpu.memref_slice %arg2[%dma_wait3A_195, %dma_wait3A_196] : memref<10240x128xf32, #tpu.memory_space<hbm>> -> memref<10240x128xf32, #tpu.memory_space<hbm>>
      tpu.wait_indirect_dma semaphore(%arg14 : memref<!tpu.dma_semaphore, #tpu.memory_space<semaphore_mem>>) src(%dma_wait3A_197 : memref<10240x128xf32, #tpu.memory_space<hbm>>) dst(%arg11 : memref<120x128xf32, #tpu.memory_space<vmem>>)
      %dma_start3A_198 = arith.constant 0 : i32
      %dma_start3A_199 = arith.constant 1 : i32
      %dma_start3A_200 = arith.constant 0 : i32
      %dma_start3A_201 = tpu.memref_slice %arg8[%dma_start3A_198, %dma_start3A_199, %dma_start3A_200] : memref<1x2x120xi32, #tpu.memory_space<vmem>> -> memref<1x1x120xi32, #tpu.memory_space<vmem>>
      %dma_start3A_202 = tpu.memref_squeeze %dma_start3A_201 : memref<1x1x120xi32, #tpu.memory_space<vmem>> -> memref<120xi32, #tpu.memory_space<vmem>>
      %dma_start3A_203 = arith.constant 0 : i32
      %dma_start3A_204 = arith.constant 0 : i32
      %dma_start3A_205 = tpu.memref_slice %arg18[%dma_start3A_203, %dma_start3A_204] : memref<10240x128xf32, #tpu.memory_space<vmem_shared>> -> memref<10240x128xf32, #tpu.memory_space<vmem_shared>>
      tpu.enqueue_indirect_dma source(%arg11 : memref<120x128xf32, #tpu.memory_space<vmem>>) target(%dma_start3A_205 : memref<10240x128xf32, #tpu.memory_space<vmem_shared>>) offsets(%dma_start3A_202 : memref<120xi32, #tpu.memory_space<vmem>>) semaphore(%arg17 : memref<!tpu.dma_semaphore, #tpu.memory_space<semaphore_mem>>) {add = true}
      %dma_wait3A_206 = arith.constant 0 : i32
      %dma_wait3A_207 = arith.constant 1 : i32
      %dma_wait3A_208 = arith.constant 0 : i32
      %dma_wait3A_209 = tpu.memref_slice %arg7[%dma_wait3A_206, %dma_wait3A_207, %dma_wait3A_208] : memref<1x2x120xi32, #tpu.memory_space<vmem>> -> memref<1x1x120xi32, #tpu.memory_space<vmem>>
      %dma_wait3A_210 = tpu.memref_squeeze %dma_wait3A_209 : memref<1x1x120xi32, #tpu.memory_space<vmem>> -> memref<120xi32, #tpu.memory_space<vmem>>
      %dma_wait3A_211 = arith.constant 0 : i32
      %dma_wait3A_212 = arith.constant 0 : i32
      %dma_wait3A_213 = tpu.memref_slice %arg18[%dma_wait3A_211, %dma_wait3A_212] : memref<10240x128xf32, #tpu.memory_space<vmem_shared>> -> memref<10240x128xf32, #tpu.memory_space<vmem_shared>>
      tpu.wait_indirect_dma semaphore(%arg16 : memref<!tpu.dma_semaphore, #tpu.memory_space<semaphore_mem>>) src(%arg10 : memref<120x128xf32, #tpu.memory_space<vmem>>) dst(%dma_wait3A_213 : memref<10240x128xf32, #tpu.memory_space<vmem_shared>>)
      %add3A_214 = arith.constant 3 : i32
      %add3A_215 = arith.addi %add3A_136, %add3A_214 : i32
      %add3A_216 = arith.constant 1 : i32
      %add3A_217 = arith.addi %add3A_215, %add3A_216 : i32
      %add3A_218 = arith.addi %select_n3A_8, %add3A_217 : i32
      "tpu.region"() ({
        %run_scoped3A = tpu.sem_alloc : memref<!tpu.dma_semaphore, #tpu.memory_space<semaphore_mem>>
        %dma_start3A_248 = arith.constant 0 : i32
        %dma_start3A_249 = arith.constant 0 : i32
        %dma_start3A_250 = tpu.memref_slice %arg3[%add3A_218, %dma_start3A_248, %dma_start3A_249] : memref<2688x2x120xi32, #tpu.memory_space<hbm>> -> memref<1x2x120xi32, #tpu.memory_space<hbm>>
        %dma_start3A_251 = arith.constant 0 : i32
        %dma_start3A_252 = arith.constant 0 : i32
        %dma_start3A_253 = tpu.memref_slice %arg3[%add3A_218, %dma_start3A_251, %dma_start3A_252] : memref<2688x2x120xi32, #tpu.memory_space<hbm>> -> memref<1x2x120xi32, #tpu.memory_space<hbm>>
        tpu.enqueue_dma source(%dma_start3A_253 : memref<1x2x120xi32, #tpu.memory_space<hbm>>) target(%arg7 : memref<1x2x120xi32, #tpu.memory_space<vmem>>) target_semaphore(%run_scoped3A : memref<!tpu.dma_semaphore, #tpu.memory_space<semaphore_mem>>)
        %dma_wait3A_254 = arith.constant 0 : i32
        %dma_wait3A_255 = arith.constant 0 : i32
        %dma_wait3A_256 = tpu.memref_slice %arg3[%add3A_218, %dma_wait3A_254, %dma_wait3A_255] : memref<2688x2x120xi32, #tpu.memory_space<hbm>> -> memref<1x2x120xi32, #tpu.memory_space<hbm>>
        %dma_wait3A_257 = arith.constant 0 : i32
        %dma_wait3A_258 = arith.constant 0 : i32
        %dma_wait3A_259 = tpu.memref_slice %arg3[%add3A_218, %dma_wait3A_257, %dma_wait3A_258] : memref<2688x2x120xi32, #tpu.memory_space<hbm>> -> memref<1x2x120xi32, #tpu.memory_space<hbm>>
        tpu.wait_dma2 semaphore(%run_scoped3A : memref<!tpu.dma_semaphore, #tpu.memory_space<semaphore_mem>>) src(%dma_wait3A_259 : memref<1x2x120xi32, #tpu.memory_space<hbm>>) dst(%arg7 : memref<1x2x120xi32, #tpu.memory_space<vmem>>)
        tpu.yield
      }) : () -> ()
      %dma_start3A_219 = arith.constant 0 : i32
      %dma_start3A_220 = arith.constant 0 : i32
      %dma_start3A_221 = arith.constant 0 : i32
      %dma_start3A_222 = tpu.memref_slice %arg7[%dma_start3A_219, %dma_start3A_220, %dma_start3A_221] : memref<1x2x120xi32, #tpu.memory_space<vmem>> -> memref<1x1x120xi32, #tpu.memory_space<vmem>>
      %dma_start3A_223 = tpu.memref_squeeze %dma_start3A_222 : memref<1x1x120xi32, #tpu.memory_space<vmem>> -> memref<120xi32, #tpu.memory_space<vmem>>
      %dma_start3A_224 = arith.constant 0 : i32
      %dma_start3A_225 = arith.constant 0 : i32
      %dma_start3A_226 = tpu.memref_slice %arg2[%dma_start3A_224, %dma_start3A_225] : memref<10240x128xf32, #tpu.memory_space<hbm>> -> memref<10240x128xf32, #tpu.memory_space<hbm>>
      tpu.enqueue_indirect_dma source(%dma_start3A_226 : memref<10240x128xf32, #tpu.memory_space<hbm>>) target(%arg10 : memref<120x128xf32, #tpu.memory_space<vmem>>) offsets(%dma_start3A_223 : memref<120xi32, #tpu.memory_space<vmem>>) semaphore(%arg13 : memref<!tpu.dma_semaphore, #tpu.memory_space<semaphore_mem>>)
      %dma_wait3A_227 = arith.constant 0 : i32
      %dma_wait3A_228 = arith.constant 1 : i32
      %dma_wait3A_229 = arith.constant 0 : i32
      %dma_wait3A_230 = tpu.memref_slice %arg8[%dma_wait3A_227, %dma_wait3A_228, %dma_wait3A_229] : memref<1x2x120xi32, #tpu.memory_space<vmem>> -> memref<1x1x120xi32, #tpu.memory_space<vmem>>
      %dma_wait3A_231 = tpu.memref_squeeze %dma_wait3A_230 : memref<1x1x120xi32, #tpu.memory_space<vmem>> -> memref<120xi32, #tpu.memory_space<vmem>>
      %dma_wait3A_232 = arith.constant 0 : i32
      %dma_wait3A_233 = arith.constant 0 : i32
      %dma_wait3A_234 = tpu.memref_slice %arg18[%dma_wait3A_232, %dma_wait3A_233] : memref<10240x128xf32, #tpu.memory_space<vmem_shared>> -> memref<10240x128xf32, #tpu.memory_space<vmem_shared>>
      tpu.wait_indirect_dma semaphore(%arg17 : memref<!tpu.dma_semaphore, #tpu.memory_space<semaphore_mem>>) src(%arg11 : memref<120x128xf32, #tpu.memory_space<vmem>>) dst(%dma_wait3A_234 : memref<10240x128xf32, #tpu.memory_space<vmem_shared>>)
      %add3A_235 = arith.constant 3 : i32
      %add3A_236 = arith.addi %add3A_136, %add3A_235 : i32
      %add3A_237 = arith.constant 2 : i32
      %add3A_238 = arith.addi %add3A_236, %add3A_237 : i32
      %add3A_239 = arith.addi %select_n3A_8, %add3A_238 : i32
      "tpu.region"() ({
        %run_scoped3A = tpu.sem_alloc : memref<!tpu.dma_semaphore, #tpu.memory_space<semaphore_mem>>
        %dma_start3A_248 = arith.constant 0 : i32
        %dma_start3A_249 = arith.constant 0 : i32
        %dma_start3A_250 = tpu.memref_slice %arg3[%add3A_239, %dma_start3A_248, %dma_start3A_249] : memref<2688x2x120xi32, #tpu.memory_space<hbm>> -> memref<1x2x120xi32, #tpu.memory_space<hbm>>
        %dma_start3A_251 = arith.constant 0 : i32
        %dma_start3A_252 = arith.constant 0 : i32
        %dma_start3A_253 = tpu.memref_slice %arg3[%add3A_239, %dma_start3A_251, %dma_start3A_252] : memref<2688x2x120xi32, #tpu.memory_space<hbm>> -> memref<1x2x120xi32, #tpu.memory_space<hbm>>
        tpu.enqueue_dma source(%dma_start3A_253 : memref<1x2x120xi32, #tpu.memory_space<hbm>>) target(%arg8 : memref<1x2x120xi32, #tpu.memory_space<vmem>>) target_semaphore(%run_scoped3A : memref<!tpu.dma_semaphore, #tpu.memory_space<semaphore_mem>>)
        %dma_wait3A_254 = arith.constant 0 : i32
        %dma_wait3A_255 = arith.constant 0 : i32
        %dma_wait3A_256 = tpu.memref_slice %arg3[%add3A_239, %dma_wait3A_254, %dma_wait3A_255] : memref<2688x2x120xi32, #tpu.memory_space<hbm>> -> memref<1x2x120xi32, #tpu.memory_space<hbm>>
        %dma_wait3A_257 = arith.constant 0 : i32
        %dma_wait3A_258 = arith.constant 0 : i32
        %dma_wait3A_259 = tpu.memref_slice %arg3[%add3A_239, %dma_wait3A_257, %dma_wait3A_258] : memref<2688x2x120xi32, #tpu.memory_space<hbm>> -> memref<1x2x120xi32, #tpu.memory_space<hbm>>
        tpu.wait_dma2 semaphore(%run_scoped3A : memref<!tpu.dma_semaphore, #tpu.memory_space<semaphore_mem>>) src(%dma_wait3A_259 : memref<1x2x120xi32, #tpu.memory_space<hbm>>) dst(%arg8 : memref<1x2x120xi32, #tpu.memory_space<vmem>>)
        tpu.yield
      }) : () -> ()
      %dma_start3A_240 = arith.constant 0 : i32
      %dma_start3A_241 = arith.constant 0 : i32
      %dma_start3A_242 = arith.constant 0 : i32
      %dma_start3A_243 = tpu.memref_slice %arg8[%dma_start3A_240, %dma_start3A_241, %dma_start3A_242] : memref<1x2x120xi32, #tpu.memory_space<vmem>> -> memref<1x1x120xi32, #tpu.memory_space<vmem>>
      %dma_start3A_244 = tpu.memref_squeeze %dma_start3A_243 : memref<1x1x120xi32, #tpu.memory_space<vmem>> -> memref<120xi32, #tpu.memory_space<vmem>>
      %dma_start3A_245 = arith.constant 0 : i32
      %dma_start3A_246 = arith.constant 0 : i32
      %dma_start3A_247 = tpu.memref_slice %arg2[%dma_start3A_245, %dma_start3A_246] : memref<10240x128xf32, #tpu.memory_space<hbm>> -> memref<10240x128xf32, #tpu.memory_space<hbm>>
      tpu.enqueue_indirect_dma source(%dma_start3A_247 : memref<10240x128xf32, #tpu.memory_space<hbm>>) target(%arg11 : memref<120x128xf32, #tpu.memory_space<vmem>>) offsets(%dma_start3A_244 : memref<120xi32, #tpu.memory_space<vmem>>) semaphore(%arg14 : memref<!tpu.dma_semaphore, #tpu.memory_space<semaphore_mem>>)
    }
    %dma_wait3A = arith.constant 0 : i32
    %dma_wait3A_58 = arith.constant 0 : i32
    %dma_wait3A_59 = arith.constant 0 : i32
    %dma_wait3A_60 = tpu.memref_slice %arg6[%dma_wait3A, %dma_wait3A_58, %dma_wait3A_59] : memref<1x2x120xi32, #tpu.memory_space<vmem>> -> memref<1x1x120xi32, #tpu.memory_space<vmem>>
    %dma_wait3A_61 = tpu.memref_squeeze %dma_wait3A_60 : memref<1x1x120xi32, #tpu.memory_space<vmem>> -> memref<120xi32, #tpu.memory_space<vmem>>
    %dma_wait3A_62 = arith.constant 0 : i32
    %dma_wait3A_63 = arith.constant 0 : i32
    %dma_wait3A_64 = tpu.memref_slice %arg2[%dma_wait3A_62, %dma_wait3A_63] : memref<10240x128xf32, #tpu.memory_space<hbm>> -> memref<10240x128xf32, #tpu.memory_space<hbm>>
    tpu.wait_indirect_dma semaphore(%arg12 : memref<!tpu.dma_semaphore, #tpu.memory_space<semaphore_mem>>) src(%dma_wait3A_64 : memref<10240x128xf32, #tpu.memory_space<hbm>>) dst(%arg9 : memref<120x128xf32, #tpu.memory_space<vmem>>)
    %dma_start3A_65 = arith.constant 0 : i32
    %dma_start3A_66 = arith.constant 1 : i32
    %dma_start3A_67 = arith.constant 0 : i32
    %dma_start3A_68 = tpu.memref_slice %arg6[%dma_start3A_65, %dma_start3A_66, %dma_start3A_67] : memref<1x2x120xi32, #tpu.memory_space<vmem>> -> memref<1x1x120xi32, #tpu.memory_space<vmem>>
    %dma_start3A_69 = tpu.memref_squeeze %dma_start3A_68 : memref<1x1x120xi32, #tpu.memory_space<vmem>> -> memref<120xi32, #tpu.memory_space<vmem>>
    %dma_start3A_70 = arith.constant 0 : i32
    %dma_start3A_71 = arith.constant 0 : i32
    %dma_start3A_72 = tpu.memref_slice %arg18[%dma_start3A_70, %dma_start3A_71] : memref<10240x128xf32, #tpu.memory_space<vmem_shared>> -> memref<10240x128xf32, #tpu.memory_space<vmem_shared>>
    tpu.enqueue_indirect_dma source(%arg9 : memref<120x128xf32, #tpu.memory_space<vmem>>) target(%dma_start3A_72 : memref<10240x128xf32, #tpu.memory_space<vmem_shared>>) offsets(%dma_start3A_69 : memref<120xi32, #tpu.memory_space<vmem>>) semaphore(%arg15 : memref<!tpu.dma_semaphore, #tpu.memory_space<semaphore_mem>>) {add = true}
    %dma_wait3A_73 = arith.constant 0 : i32
    %dma_wait3A_74 = arith.constant 0 : i32
    %dma_wait3A_75 = arith.constant 0 : i32
    %dma_wait3A_76 = tpu.memref_slice %arg7[%dma_wait3A_73, %dma_wait3A_74, %dma_wait3A_75] : memref<1x2x120xi32, #tpu.memory_space<vmem>> -> memref<1x1x120xi32, #tpu.memory_space<vmem>>
    %dma_wait3A_77 = tpu.memref_squeeze %dma_wait3A_76 : memref<1x1x120xi32, #tpu.memory_space<vmem>> -> memref<120xi32, #tpu.memory_space<vmem>>
    %dma_wait3A_78 = arith.constant 0 : i32
    %dma_wait3A_79 = arith.constant 0 : i32
    %dma_wait3A_80 = tpu.memref_slice %arg2[%dma_wait3A_78, %dma_wait3A_79] : memref<10240x128xf32, #tpu.memory_space<hbm>> -> memref<10240x128xf32, #tpu.memory_space<hbm>>
    tpu.wait_indirect_dma semaphore(%arg13 : memref<!tpu.dma_semaphore, #tpu.memory_space<semaphore_mem>>) src(%dma_wait3A_80 : memref<10240x128xf32, #tpu.memory_space<hbm>>) dst(%arg10 : memref<120x128xf32, #tpu.memory_space<vmem>>)
    %dma_start3A_81 = arith.constant 0 : i32
    %dma_start3A_82 = arith.constant 1 : i32
    %dma_start3A_83 = arith.constant 0 : i32
    %dma_start3A_84 = tpu.memref_slice %arg7[%dma_start3A_81, %dma_start3A_82, %dma_start3A_83] : memref<1x2x120xi32, #tpu.memory_space<vmem>> -> memref<1x1x120xi32, #tpu.memory_space<vmem>>
    %dma_start3A_85 = tpu.memref_squeeze %dma_start3A_84 : memref<1x1x120xi32, #tpu.memory_space<vmem>> -> memref<120xi32, #tpu.memory_space<vmem>>
    %dma_start3A_86 = arith.constant 0 : i32
    %dma_start3A_87 = arith.constant 0 : i32
    %dma_start3A_88 = tpu.memref_slice %arg18[%dma_start3A_86, %dma_start3A_87] : memref<10240x128xf32, #tpu.memory_space<vmem_shared>> -> memref<10240x128xf32, #tpu.memory_space<vmem_shared>>
    tpu.enqueue_indirect_dma source(%arg10 : memref<120x128xf32, #tpu.memory_space<vmem>>) target(%dma_start3A_88 : memref<10240x128xf32, #tpu.memory_space<vmem_shared>>) offsets(%dma_start3A_85 : memref<120xi32, #tpu.memory_space<vmem>>) semaphore(%arg16 : memref<!tpu.dma_semaphore, #tpu.memory_space<semaphore_mem>>) {add = true}
    %dma_wait3A_89 = arith.constant 0 : i32
    %dma_wait3A_90 = arith.constant 0 : i32
    %dma_wait3A_91 = arith.constant 0 : i32
    %dma_wait3A_92 = tpu.memref_slice %arg8[%dma_wait3A_89, %dma_wait3A_90, %dma_wait3A_91] : memref<1x2x120xi32, #tpu.memory_space<vmem>> -> memref<1x1x120xi32, #tpu.memory_space<vmem>>
    %dma_wait3A_93 = tpu.memref_squeeze %dma_wait3A_92 : memref<1x1x120xi32, #tpu.memory_space<vmem>> -> memref<120xi32, #tpu.memory_space<vmem>>
    %dma_wait3A_94 = arith.constant 0 : i32
    %dma_wait3A_95 = arith.constant 0 : i32
    %dma_wait3A_96 = tpu.memref_slice %arg2[%dma_wait3A_94, %dma_wait3A_95] : memref<10240x128xf32, #tpu.memory_space<hbm>> -> memref<10240x128xf32, #tpu.memory_space<hbm>>
    tpu.wait_indirect_dma semaphore(%arg14 : memref<!tpu.dma_semaphore, #tpu.memory_space<semaphore_mem>>) src(%dma_wait3A_96 : memref<10240x128xf32, #tpu.memory_space<hbm>>) dst(%arg11 : memref<120x128xf32, #tpu.memory_space<vmem>>)
    %dma_start3A_97 = arith.constant 0 : i32
    %dma_start3A_98 = arith.constant 1 : i32
    %dma_start3A_99 = arith.constant 0 : i32
    %dma_start3A_100 = tpu.memref_slice %arg8[%dma_start3A_97, %dma_start3A_98, %dma_start3A_99] : memref<1x2x120xi32, #tpu.memory_space<vmem>> -> memref<1x1x120xi32, #tpu.memory_space<vmem>>
    %dma_start3A_101 = tpu.memref_squeeze %dma_start3A_100 : memref<1x1x120xi32, #tpu.memory_space<vmem>> -> memref<120xi32, #tpu.memory_space<vmem>>
    %dma_start3A_102 = arith.constant 0 : i32
    %dma_start3A_103 = arith.constant 0 : i32
    %dma_start3A_104 = tpu.memref_slice %arg18[%dma_start3A_102, %dma_start3A_103] : memref<10240x128xf32, #tpu.memory_space<vmem_shared>> -> memref<10240x128xf32, #tpu.memory_space<vmem_shared>>
    tpu.enqueue_indirect_dma source(%arg11 : memref<120x128xf32, #tpu.memory_space<vmem>>) target(%dma_start3A_104 : memref<10240x128xf32, #tpu.memory_space<vmem_shared>>) offsets(%dma_start3A_101 : memref<120xi32, #tpu.memory_space<vmem>>) semaphore(%arg17 : memref<!tpu.dma_semaphore, #tpu.memory_space<semaphore_mem>>) {add = true}
    %dma_wait3A_105 = arith.constant 0 : i32
    %dma_wait3A_106 = arith.constant 1 : i32
    %dma_wait3A_107 = arith.constant 0 : i32
    %dma_wait3A_108 = tpu.memref_slice %arg6[%dma_wait3A_105, %dma_wait3A_106, %dma_wait3A_107] : memref<1x2x120xi32, #tpu.memory_space<vmem>> -> memref<1x1x120xi32, #tpu.memory_space<vmem>>
    %dma_wait3A_109 = tpu.memref_squeeze %dma_wait3A_108 : memref<1x1x120xi32, #tpu.memory_space<vmem>> -> memref<120xi32, #tpu.memory_space<vmem>>
    %dma_wait3A_110 = arith.constant 0 : i32
    %dma_wait3A_111 = arith.constant 0 : i32
    %dma_wait3A_112 = tpu.memref_slice %arg18[%dma_wait3A_110, %dma_wait3A_111] : memref<10240x128xf32, #tpu.memory_space<vmem_shared>> -> memref<10240x128xf32, #tpu.memory_space<vmem_shared>>
    tpu.wait_indirect_dma semaphore(%arg15 : memref<!tpu.dma_semaphore, #tpu.memory_space<semaphore_mem>>) src(%arg9 : memref<120x128xf32, #tpu.memory_space<vmem>>) dst(%dma_wait3A_112 : memref<10240x128xf32, #tpu.memory_space<vmem_shared>>)
    %dma_wait3A_113 = arith.constant 0 : i32
    %dma_wait3A_114 = arith.constant 1 : i32
    %dma_wait3A_115 = arith.constant 0 : i32
    %dma_wait3A_116 = tpu.memref_slice %arg7[%dma_wait3A_113, %dma_wait3A_114, %dma_wait3A_115] : memref<1x2x120xi32, #tpu.memory_space<vmem>> -> memref<1x1x120xi32, #tpu.memory_space<vmem>>
    %dma_wait3A_117 = tpu.memref_squeeze %dma_wait3A_116 : memref<1x1x120xi32, #tpu.memory_space<vmem>> -> memref<120xi32, #tpu.memory_space<vmem>>
    %dma_wait3A_118 = arith.constant 0 : i32
    %dma_wait3A_119 = arith.constant 0 : i32
    %dma_wait3A_120 = tpu.memref_slice %arg18[%dma_wait3A_118, %dma_wait3A_119] : memref<10240x128xf32, #tpu.memory_space<vmem_shared>> -> memref<10240x128xf32, #tpu.memory_space<vmem_shared>>
    tpu.wait_indirect_dma semaphore(%arg16 : memref<!tpu.dma_semaphore, #tpu.memory_space<semaphore_mem>>) src(%arg10 : memref<120x128xf32, #tpu.memory_space<vmem>>) dst(%dma_wait3A_120 : memref<10240x128xf32, #tpu.memory_space<vmem_shared>>)
    %dma_wait3A_121 = arith.constant 0 : i32
    %dma_wait3A_122 = arith.constant 1 : i32
    %dma_wait3A_123 = arith.constant 0 : i32
    %dma_wait3A_124 = tpu.memref_slice %arg8[%dma_wait3A_121, %dma_wait3A_122, %dma_wait3A_123] : memref<1x2x120xi32, #tpu.memory_space<vmem>> -> memref<1x1x120xi32, #tpu.memory_space<vmem>>
    %dma_wait3A_125 = tpu.memref_squeeze %dma_wait3A_124 : memref<1x1x120xi32, #tpu.memory_space<vmem>> -> memref<120xi32, #tpu.memory_space<vmem>>
    %dma_wait3A_126 = arith.constant 0 : i32
    %dma_wait3A_127 = arith.constant 0 : i32
    %dma_wait3A_128 = tpu.memref_slice %arg18[%dma_wait3A_126, %dma_wait3A_127] : memref<10240x128xf32, #tpu.memory_space<vmem_shared>> -> memref<10240x128xf32, #tpu.memory_space<vmem_shared>>
    tpu.wait_indirect_dma semaphore(%arg17 : memref<!tpu.dma_semaphore, #tpu.memory_space<semaphore_mem>>) src(%arg11 : memref<120x128xf32, #tpu.memory_space<vmem>>) dst(%dma_wait3A_128 : memref<10240x128xf32, #tpu.memory_space<vmem_shared>>)
    %barrier3A_129 = arith.constant 0 : index
    tpu.barrier barrier_id(%barrier3A_129)
    %mul3A_130 = arith.constant 640 : i32
    %mul3A_131 = arith.muli %arg1, %mul3A_130 : i32
    %mul3A_132 = arith.constant 640 : i32
    %mul3A_133 = arith.muli %arg1, %mul3A_132 : i32
    "tpu.region"() ({
      %run_scoped3A = tpu.sem_alloc : memref<!tpu.dma_semaphore, #tpu.memory_space<semaphore_mem>>
      %dma_start3A_134 = arith.constant 0 : i32
      %dma_start3A_135 = tpu.memref_slice %arg5[%arg0, %mul3A_133, %dma_start3A_134] : memref<2x10240x128xf32, #tpu.memory_space<hbm>> -> memref<1x640x128xf32, #tpu.memory_space<hbm>>
      %dma_start3A_136 = tpu.memref_squeeze %dma_start3A_135 : memref<1x640x128xf32, #tpu.memory_space<hbm>> -> memref<640x128xf32, #tpu.memory_space<hbm>>
      %dma_start3A_137 = arith.constant 0 : i32
      %dma_start3A_138 = tpu.memref_slice %arg18[%mul3A_131, %dma_start3A_137] : memref<10240x128xf32, #tpu.memory_space<vmem_shared>> -> memref<640x128xf32, #tpu.memory_space<vmem_shared>>
      tpu.enqueue_dma source(%dma_start3A_138 : memref<640x128xf32, #tpu.memory_space<vmem_shared>>) target(%dma_start3A_136 : memref<640x128xf32, #tpu.memory_space<hbm>>) target_semaphore(%run_scoped3A : memref<!tpu.dma_semaphore, #tpu.memory_space<semaphore_mem>>)
      %dma_wait3A_139 = arith.constant 0 : i32
      %dma_wait3A_140 = tpu.memref_slice %arg5[%arg0, %mul3A_133, %dma_wait3A_139] : memref<2x10240x128xf32, #tpu.memory_space<hbm>> -> memref<1x640x128xf32, #tpu.memory_space<hbm>>
      %dma_wait3A_141 = tpu.memref_squeeze %dma_wait3A_140 : memref<1x640x128xf32, #tpu.memory_space<hbm>> -> memref<640x128xf32, #tpu.memory_space<hbm>>
      %dma_wait3A_142 = arith.constant 0 : i32
      %dma_wait3A_143 = tpu.memref_slice %arg18[%mul3A_131, %dma_wait3A_142] : memref<10240x128xf32, #tpu.memory_space<vmem_shared>> -> memref<640x128xf32, #tpu.memory_space<vmem_shared>>
      tpu.wait_dma2 semaphore(%run_scoped3A : memref<!tpu.dma_semaphore, #tpu.memory_space<semaphore_mem>>) src(%dma_wait3A_143 : memref<640x128xf32, #tpu.memory_space<vmem_shared>>) dst(%dma_wait3A_141 : memref<640x128xf32, #tpu.memory_space<hbm>>)
      tpu.yield
    }) : () -> ()
    return
  }
}

#map = affine_map<(d0, d1) -> (0)>
#map1 = affine_map<(d0, d1) -> (0, 0)>
module attributes {stable_mosaic.version = 14 : i64} {
  func.func @_sc_degree_body(%arg0: i32, %arg1: i32, %arg2: memref<322560xi32, #tpu.memory_space<hbm>>, %arg3: memref<2x10240xf32, #tpu.memory_space<hbm>>, %arg4: memref<1680xi32, #tpu.memory_space<vmem>>, %arg5: memref<10240xf32, #tpu.memory_space<vmem>>, %arg6: memref<16x640xf32, #tpu.memory_space<vmem>>, %arg7: memref<16x10240xf32, #tpu.memory_space<vmem_shared>>) attributes {dimension_semantics = [#tpu.dimension_semantics<core_parallel>, #tpu.dimension_semantics<subcore_parallel>], iteration_bounds = array<i64: 2, 16>, scalar_prefetch = 0 : i64, scratch_operands = 4 : i64, tpu.core_type = #tpu.core_type<sc_vector_subcore>, window_params = [{transform_indices = #map}, {transform_indices = #map1}]} {
    %mul3A = arith.constant 2 : i32
    %mul3A_0 = arith.muli %arg1, %mul3A : i32
    %add3A = arith.addi %mul3A_0, %arg0 : i32
    %mul3A_1 = arith.constant 10080 : i32
    %mul3A_2 = arith.muli %add3A, %mul3A_1 : i32
    %broadcast_in_dim3A = arith.constant 1.000000e+00 : f32
    %broadcast_in_dim3A_3 = vector.broadcast %broadcast_in_dim3A : f32 to vector<16xf32>
    %broadcast_in_dim3A_4 = arith.constant 0.000000e+00 : f32
    %broadcast_in_dim3A_5 = vector.broadcast %broadcast_in_dim3A_4 : f32 to vector<16xf32>
    %scan3A = arith.constant 0 : i32
    %scan3A_6 = arith.constant 640 : i32
    %scan3A_7 = arith.addi %scan3A, %scan3A_6 : i32
    %scan3A_8 = arith.constant 1 : i32
    scf.for %scan3A_24 = %scan3A to %scan3A_7 step %scan3A_8  : i32 {
      %mul3A_25 = arith.constant 1 : i32
      %mul3A_26 = arith.muli %scan3A_24, %mul3A_25 : i32
      %add3A_27 = arith.constant 0 : i32
      %add3A_28 = arith.addi %add3A_27, %mul3A_26 : i32
      %mul3A_29 = arith.constant 16 : i32
      %mul3A_30 = arith.muli %add3A_28, %mul3A_29 : i32
      %swap3A = arith.index_cast %mul3A_30 : i32 to index
      %swap3A_31 = tpu.vector_load %arg5[%swap3A] {strides = array<i32>} : memref<10240xf32, #tpu.memory_space<vmem>>, vector<16xf32>,
      tpu.vector_store %arg5[%swap3A], %broadcast_in_dim3A_5 {strides = array<i32>} : memref<10240xf32, #tpu.memory_space<vmem>>, vector<16xf32>,
    }
    %scan3A_9 = arith.constant 640 : i32
    %scan3A_10 = arith.constant 0 : i32
    %scan3A_11 = arith.constant 6 : i32
    %scan3A_12 = arith.addi %scan3A_10, %scan3A_11 : i32
    %scan3A_13 = arith.constant 1 : i32
    scf.for %scan3A_24 = %scan3A_10 to %scan3A_12 step %scan3A_13  : i32 {
      %mul3A_25 = arith.constant 1 : i32
      %mul3A_26 = arith.muli %scan3A_24, %mul3A_25 : i32
      %add3A_27 = arith.constant 0 : i32
      %add3A_28 = arith.addi %add3A_27, %mul3A_26 : i32
      %mul3A_29 = arith.constant 1680 : i32
      %mul3A_30 = arith.muli %add3A_28, %mul3A_29 : i32
      %add3A_31 = arith.addi %mul3A_2, %mul3A_30 : i32
      "tpu.region"() ({
        %run_scoped3A = tpu.sem_alloc : memref<!tpu.dma_semaphore, #tpu.memory_space<semaphore_mem>>
        %dma_start3A = tpu.memref_slice %arg2[%add3A_31] : memref<322560xi32, #tpu.memory_space<hbm>> -> memref<1680xi32, #tpu.memory_space<hbm>>
        %dma_start3A_37 = tpu.memref_slice %arg2[%add3A_31] : memref<322560xi32, #tpu.memory_space<hbm>> -> memref<1680xi32, #tpu.memory_space<hbm>>
        tpu.enqueue_dma source(%dma_start3A_37 : memref<1680xi32, #tpu.memory_space<hbm>>) target(%arg4 : memref<1680xi32, #tpu.memory_space<vmem>>) target_semaphore(%run_scoped3A : memref<!tpu.dma_semaphore, #tpu.memory_space<semaphore_mem>>)
        %dma_wait3A = tpu.memref_slice %arg2[%add3A_31] : memref<322560xi32, #tpu.memory_space<hbm>> -> memref<1680xi32, #tpu.memory_space<hbm>>
        %dma_wait3A_38 = tpu.memref_slice %arg2[%add3A_31] : memref<322560xi32, #tpu.memory_space<hbm>> -> memref<1680xi32, #tpu.memory_space<hbm>>
        tpu.wait_dma2 semaphore(%run_scoped3A : memref<!tpu.dma_semaphore, #tpu.memory_space<semaphore_mem>>) src(%dma_wait3A_38 : memref<1680xi32, #tpu.memory_space<hbm>>) dst(%arg4 : memref<1680xi32, #tpu.memory_space<vmem>>)
        tpu.yield
      }) : () -> ()
      %scan3A_32 = arith.constant 0 : i32
      %scan3A_33 = arith.constant 105 : i32
      %scan3A_34 = arith.addi %scan3A_32, %scan3A_33 : i32
      %scan3A_35 = arith.constant 1 : i32
      scf.for %scan3A_37 = %scan3A_32 to %scan3A_34 step %scan3A_35  : i32 {
        %mul3A_38 = arith.constant 1 : i32
        %mul3A_39 = arith.muli %scan3A_37, %mul3A_38 : i32
        %add3A_40 = arith.constant 0 : i32
        %add3A_41 = arith.addi %add3A_40, %mul3A_39 : i32
        %mul3A_42 = arith.constant 16 : i32
        %mul3A_43 = arith.muli %add3A_41, %mul3A_42 : i32
        %get3A = arith.index_cast %mul3A_43 : i32 to index
        %get3A_44 = tpu.vector_load %arg4[%get3A] {strides = array<i32>} : memref<1680xi32, #tpu.memory_space<vmem>>, vector<16xi32>,
        tpu.vector_store_idx %arg5[%get3A_44], %broadcast_in_dim3A_3 {add = true} : memref<10240xf32, #tpu.memory_space<vmem>>[vector<16xi32>], vector<16xf32>,
      }
      %scan3A_36 = arith.constant 105 : i32
    }
    %scan3A_14 = arith.constant 6 : i32
    "tpu.region"() ({
      %run_scoped3A = tpu.sem_alloc : memref<!tpu.dma_semaphore, #tpu.memory_space<semaphore_mem>>
      %dma_start3A = arith.constant 0 : i32
      %dma_start3A_24 = tpu.memref_slice %arg7[%arg1, %dma_start3A] : memref<16x10240xf32, #tpu.memory_space<vmem_shared>> -> memref<1x10240xf32, #tpu.memory_space<vmem_shared>>
      %dma_start3A_25 = tpu.memref_squeeze %dma_start3A_24 : memref<1x10240xf32, #tpu.memory_space<vmem_shared>> -> memref<10240xf32, #tpu.memory_space<vmem_shared>>
      %dma_start3A_26 = arith.constant 0 : i32
      %dma_start3A_27 = tpu.memref_slice %arg7[%arg1, %dma_start3A_26] : memref<16x10240xf32, #tpu.memory_space<vmem_shared>> -> memref<1x10240xf32, #tpu.memory_space<vmem_shared>>
      %dma_start3A_28 = tpu.memref_squeeze %dma_start3A_27 : memref<1x10240xf32, #tpu.memory_space<vmem_shared>> -> memref<10240xf32, #tpu.memory_space<vmem_shared>>
      tpu.enqueue_dma source(%arg5 : memref<10240xf32, #tpu.memory_space<vmem>>) target(%dma_start3A_28 : memref<10240xf32, #tpu.memory_space<vmem_shared>>) target_semaphore(%run_scoped3A : memref<!tpu.dma_semaphore, #tpu.memory_space<semaphore_mem>>)
      %dma_wait3A = arith.constant 0 : i32
      %dma_wait3A_29 = tpu.memref_slice %arg7[%arg1, %dma_wait3A] : memref<16x10240xf32, #tpu.memory_space<vmem_shared>> -> memref<1x10240xf32, #tpu.memory_space<vmem_shared>>
      %dma_wait3A_30 = tpu.memref_squeeze %dma_wait3A_29 : memref<1x10240xf32, #tpu.memory_space<vmem_shared>> -> memref<10240xf32, #tpu.memory_space<vmem_shared>>
      %dma_wait3A_31 = arith.constant 0 : i32
      %dma_wait3A_32 = tpu.memref_slice %arg7[%arg1, %dma_wait3A_31] : memref<16x10240xf32, #tpu.memory_space<vmem_shared>> -> memref<1x10240xf32, #tpu.memory_space<vmem_shared>>
      %dma_wait3A_33 = tpu.memref_squeeze %dma_wait3A_32 : memref<1x10240xf32, #tpu.memory_space<vmem_shared>> -> memref<10240xf32, #tpu.memory_space<vmem_shared>>
      tpu.wait_dma2 semaphore(%run_scoped3A : memref<!tpu.dma_semaphore, #tpu.memory_space<semaphore_mem>>) src(%arg5 : memref<10240xf32, #tpu.memory_space<vmem>>) dst(%dma_wait3A_33 : memref<10240xf32, #tpu.memory_space<vmem_shared>>)
      tpu.yield
    }) : () -> ()
    %barrier3A = arith.constant 0 : index
    tpu.barrier barrier_id(%barrier3A)
    %mul3A_15 = arith.constant 640 : i32
    %mul3A_16 = arith.muli %arg1, %mul3A_15 : i32
    "tpu.region"() ({
      %run_scoped3A = tpu.sem_alloc : memref<!tpu.dma_semaphore, #tpu.memory_space<semaphore_mem>>
      %dma_start3A = arith.constant 0 : i32
      %dma_start3A_24 = tpu.memref_slice %arg7[%dma_start3A, %mul3A_16] : memref<16x10240xf32, #tpu.memory_space<vmem_shared>> -> memref<16x640xf32, #tpu.memory_space<vmem_shared>>
      %dma_start3A_25 = arith.constant 0 : i32
      %dma_start3A_26 = tpu.memref_slice %arg7[%dma_start3A_25, %mul3A_16] : memref<16x10240xf32, #tpu.memory_space<vmem_shared>> -> memref<16x640xf32, #tpu.memory_space<vmem_shared>>
      tpu.enqueue_dma source(%dma_start3A_26 : memref<16x640xf32, #tpu.memory_space<vmem_shared>>) target(%arg6 : memref<16x640xf32, #tpu.memory_space<vmem>>) target_semaphore(%run_scoped3A : memref<!tpu.dma_semaphore, #tpu.memory_space<semaphore_mem>>)
      %dma_wait3A = arith.constant 0 : i32
      %dma_wait3A_27 = tpu.memref_slice %arg7[%dma_wait3A, %mul3A_16] : memref<16x10240xf32, #tpu.memory_space<vmem_shared>> -> memref<16x640xf32, #tpu.memory_space<vmem_shared>>
      %dma_wait3A_28 = arith.constant 0 : i32
      %dma_wait3A_29 = tpu.memref_slice %arg7[%dma_wait3A_28, %mul3A_16] : memref<16x10240xf32, #tpu.memory_space<vmem_shared>> -> memref<16x640xf32, #tpu.memory_space<vmem_shared>>
      tpu.wait_dma2 semaphore(%run_scoped3A : memref<!tpu.dma_semaphore, #tpu.memory_space<semaphore_mem>>) src(%dma_wait3A_29 : memref<16x640xf32, #tpu.memory_space<vmem_shared>>) dst(%arg6 : memref<16x640xf32, #tpu.memory_space<vmem>>)
      tpu.yield
    }) : () -> ()
    %scan3A_17 = arith.constant 0 : i32
    %scan3A_18 = arith.constant 40 : i32
    %scan3A_19 = arith.addi %scan3A_17, %scan3A_18 : i32
    %scan3A_20 = arith.constant 1 : i32
    scf.for %scan3A_24 = %scan3A_17 to %scan3A_19 step %scan3A_20  : i32 {
      %mul3A_25 = arith.constant 1 : i32
      %mul3A_26 = arith.muli %scan3A_24, %mul3A_25 : i32
      %add3A_27 = arith.constant 0 : i32
      %add3A_28 = arith.addi %add3A_27, %mul3A_26 : i32
      %mul3A_29 = arith.constant 16 : i32
      %mul3A_30 = arith.muli %add3A_28, %mul3A_29 : i32
      %get3A = arith.constant 0 : i32
      %get3A_31 = arith.index_cast %get3A : i32 to index
      %get3A_32 = arith.index_cast %mul3A_30 : i32 to index
      %get3A_33 = tpu.vector_load %arg6[%get3A_31, %get3A_32] {strides = array<i32>} : memref<16x640xf32, #tpu.memory_space<vmem>>, vector<16xf32>,
      %mul3A_34 = arith.constant 16 : i32
      %mul3A_35 = arith.muli %add3A_28, %mul3A_34 : i32
      %get3A_36 = arith.constant 1 : i32
      %get3A_37 = arith.index_cast %get3A_36 : i32 to index
      %get3A_38 = arith.index_cast %mul3A_35 : i32 to index
      %get3A_39 = tpu.vector_load %arg6[%get3A_37, %get3A_38] {strides = array<i32>} : memref<16x640xf32, #tpu.memory_space<vmem>>, vector<16xf32>,
      %add3A_40 = arith.addf %get3A_33, %get3A_39 : vector<16xf32>
      %mul3A_41 = arith.constant 16 : i32
      %mul3A_42 = arith.muli %add3A_28, %mul3A_41 : i32
      %get3A_43 = arith.constant 2 : i32
      %get3A_44 = arith.index_cast %get3A_43 : i32 to index
      %get3A_45 = arith.index_cast %mul3A_42 : i32 to index
      %get3A_46 = tpu.vector_load %arg6[%get3A_44, %get3A_45] {strides = array<i32>} : memref<16x640xf32, #tpu.memory_space<vmem>>, vector<16xf32>,
      %add3A_47 = arith.addf %add3A_40, %get3A_46 : vector<16xf32>
      %mul3A_48 = arith.constant 16 : i32
      %mul3A_49 = arith.muli %add3A_28, %mul3A_48 : i32
      %get3A_50 = arith.constant 3 : i32
      %get3A_51 = arith.index_cast %get3A_50 : i32 to index
      %get3A_52 = arith.index_cast %mul3A_49 : i32 to index
      %get3A_53 = tpu.vector_load %arg6[%get3A_51, %get3A_52] {strides = array<i32>} : memref<16x640xf32, #tpu.memory_space<vmem>>, vector<16xf32>,
      %add3A_54 = arith.addf %add3A_47, %get3A_53 : vector<16xf32>
      %mul3A_55 = arith.constant 16 : i32
      %mul3A_56 = arith.muli %add3A_28, %mul3A_55 : i32
      %get3A_57 = arith.constant 4 : i32
      %get3A_58 = arith.index_cast %get3A_57 : i32 to index
      %get3A_59 = arith.index_cast %mul3A_56 : i32 to index
      %get3A_60 = tpu.vector_load %arg6[%get3A_58, %get3A_59] {strides = array<i32>} : memref<16x640xf32, #tpu.memory_space<vmem>>, vector<16xf32>,
      %add3A_61 = arith.addf %add3A_54, %get3A_60 : vector<16xf32>
      %mul3A_62 = arith.constant 16 : i32
      %mul3A_63 = arith.muli %add3A_28, %mul3A_62 : i32
      %get3A_64 = arith.constant 5 : i32
      %get3A_65 = arith.index_cast %get3A_64 : i32 to index
      %get3A_66 = arith.index_cast %mul3A_63 : i32 to index
      %get3A_67 = tpu.vector_load %arg6[%get3A_65, %get3A_66] {strides = array<i32>} : memref<16x640xf32, #tpu.memory_space<vmem>>, vector<16xf32>,
      %add3A_68 = arith.addf %add3A_61, %get3A_67 : vector<16xf32>
      %mul3A_69 = arith.constant 16 : i32
      %mul3A_70 = arith.muli %add3A_28, %mul3A_69 : i32
      %get3A_71 = arith.constant 6 : i32
      %get3A_72 = arith.index_cast %get3A_71 : i32 to index
      %get3A_73 = arith.index_cast %mul3A_70 : i32 to index
      %get3A_74 = tpu.vector_load %arg6[%get3A_72, %get3A_73] {strides = array<i32>} : memref<16x640xf32, #tpu.memory_space<vmem>>, vector<16xf32>,
      %add3A_75 = arith.addf %add3A_68, %get3A_74 : vector<16xf32>
      %mul3A_76 = arith.constant 16 : i32
      %mul3A_77 = arith.muli %add3A_28, %mul3A_76 : i32
      %get3A_78 = arith.constant 7 : i32
      %get3A_79 = arith.index_cast %get3A_78 : i32 to index
      %get3A_80 = arith.index_cast %mul3A_77 : i32 to index
      %get3A_81 = tpu.vector_load %arg6[%get3A_79, %get3A_80] {strides = array<i32>} : memref<16x640xf32, #tpu.memory_space<vmem>>, vector<16xf32>,
      %add3A_82 = arith.addf %add3A_75, %get3A_81 : vector<16xf32>
      %mul3A_83 = arith.constant 16 : i32
      %mul3A_84 = arith.muli %add3A_28, %mul3A_83 : i32
      %get3A_85 = arith.constant 8 : i32
      %get3A_86 = arith.index_cast %get3A_85 : i32 to index
      %get3A_87 = arith.index_cast %mul3A_84 : i32 to index
      %get3A_88 = tpu.vector_load %arg6[%get3A_86, %get3A_87] {strides = array<i32>} : memref<16x640xf32, #tpu.memory_space<vmem>>, vector<16xf32>,
      %add3A_89 = arith.addf %add3A_82, %get3A_88 : vector<16xf32>
      %mul3A_90 = arith.constant 16 : i32
      %mul3A_91 = arith.muli %add3A_28, %mul3A_90 : i32
      %get3A_92 = arith.constant 9 : i32
      %get3A_93 = arith.index_cast %get3A_92 : i32 to index
      %get3A_94 = arith.index_cast %mul3A_91 : i32 to index
      %get3A_95 = tpu.vector_load %arg6[%get3A_93, %get3A_94] {strides = array<i32>} : memref<16x640xf32, #tpu.memory_space<vmem>>, vector<16xf32>,
      %add3A_96 = arith.addf %add3A_89, %get3A_95 : vector<16xf32>
      %mul3A_97 = arith.constant 16 : i32
      %mul3A_98 = arith.muli %add3A_28, %mul3A_97 : i32
      %get3A_99 = arith.constant 10 : i32
      %get3A_100 = arith.index_cast %get3A_99 : i32 to index
      %get3A_101 = arith.index_cast %mul3A_98 : i32 to index
      %get3A_102 = tpu.vector_load %arg6[%get3A_100, %get3A_101] {strides = array<i32>} : memref<16x640xf32, #tpu.memory_space<vmem>>, vector<16xf32>,
      %add3A_103 = arith.addf %add3A_96, %get3A_102 : vector<16xf32>
      %mul3A_104 = arith.constant 16 : i32
      %mul3A_105 = arith.muli %add3A_28, %mul3A_104 : i32
      %get3A_106 = arith.constant 11 : i32
      %get3A_107 = arith.index_cast %get3A_106 : i32 to index
      %get3A_108 = arith.index_cast %mul3A_105 : i32 to index
      %get3A_109 = tpu.vector_load %arg6[%get3A_107, %get3A_108] {strides = array<i32>} : memref<16x640xf32, #tpu.memory_space<vmem>>, vector<16xf32>,
      %add3A_110 = arith.addf %add3A_103, %get3A_109 : vector<16xf32>
      %mul3A_111 = arith.constant 16 : i32
      %mul3A_112 = arith.muli %add3A_28, %mul3A_111 : i32
      %get3A_113 = arith.constant 12 : i32
      %get3A_114 = arith.index_cast %get3A_113 : i32 to index
      %get3A_115 = arith.index_cast %mul3A_112 : i32 to index
      %get3A_116 = tpu.vector_load %arg6[%get3A_114, %get3A_115] {strides = array<i32>} : memref<16x640xf32, #tpu.memory_space<vmem>>, vector<16xf32>,
      %add3A_117 = arith.addf %add3A_110, %get3A_116 : vector<16xf32>
      %mul3A_118 = arith.constant 16 : i32
      %mul3A_119 = arith.muli %add3A_28, %mul3A_118 : i32
      %get3A_120 = arith.constant 13 : i32
      %get3A_121 = arith.index_cast %get3A_120 : i32 to index
      %get3A_122 = arith.index_cast %mul3A_119 : i32 to index
      %get3A_123 = tpu.vector_load %arg6[%get3A_121, %get3A_122] {strides = array<i32>} : memref<16x640xf32, #tpu.memory_space<vmem>>, vector<16xf32>,
      %add3A_124 = arith.addf %add3A_117, %get3A_123 : vector<16xf32>
      %mul3A_125 = arith.constant 16 : i32
      %mul3A_126 = arith.muli %add3A_28, %mul3A_125 : i32
      %get3A_127 = arith.constant 14 : i32
      %get3A_128 = arith.index_cast %get3A_127 : i32 to index
      %get3A_129 = arith.index_cast %mul3A_126 : i32 to index
      %get3A_130 = tpu.vector_load %arg6[%get3A_128, %get3A_129] {strides = array<i32>} : memref<16x640xf32, #tpu.memory_space<vmem>>, vector<16xf32>,
      %add3A_131 = arith.addf %add3A_124, %get3A_130 : vector<16xf32>
      %mul3A_132 = arith.constant 16 : i32
      %mul3A_133 = arith.muli %add3A_28, %mul3A_132 : i32
      %get3A_134 = arith.constant 15 : i32
      %get3A_135 = arith.index_cast %get3A_134 : i32 to index
      %get3A_136 = arith.index_cast %mul3A_133 : i32 to index
      %get3A_137 = tpu.vector_load %arg6[%get3A_135, %get3A_136] {strides = array<i32>} : memref<16x640xf32, #tpu.memory_space<vmem>>, vector<16xf32>,
      %add3A_138 = arith.addf %add3A_131, %get3A_137 : vector<16xf32>
      %mul3A_139 = arith.constant 16 : i32
      %mul3A_140 = arith.muli %add3A_28, %mul3A_139 : i32
      %swap3A = arith.index_cast %mul3A_140 : i32 to index
      %swap3A_141 = tpu.vector_load %arg5[%swap3A] {strides = array<i32>} : memref<10240xf32, #tpu.memory_space<vmem>>, vector<16xf32>,
      tpu.vector_store %arg5[%swap3A], %add3A_138 {strides = array<i32>} : memref<10240xf32, #tpu.memory_space<vmem>>, vector<16xf32>,
    }
    %scan3A_21 = arith.constant 40 : i32
    %mul3A_22 = arith.constant 640 : i32
    %mul3A_23 = arith.muli %arg1, %mul3A_22 : i32
    "tpu.region"() ({
      %run_scoped3A = tpu.sem_alloc : memref<!tpu.dma_semaphore, #tpu.memory_space<semaphore_mem>>
      %dma_start3A = arith.constant 0 : i32
      %dma_start3A_24 = tpu.memref_slice %arg5[%dma_start3A] : memref<10240xf32, #tpu.memory_space<vmem>> -> memref<640xf32, #tpu.memory_space<vmem>>
      %dma_start3A_25 = tpu.memref_slice %arg3[%arg0, %mul3A_23] : memref<2x10240xf32, #tpu.memory_space<hbm>> -> memref<1x640xf32, #tpu.memory_space<hbm>>
      %dma_start3A_26 = tpu.memref_squeeze %dma_start3A_25 : memref<1x640xf32, #tpu.memory_space<hbm>> -> memref<640xf32, #tpu.memory_space<hbm>>
      %dma_start3A_27 = tpu.memref_slice %arg3[%arg0, %mul3A_23] : memref<2x10240xf32, #tpu.memory_space<hbm>> -> memref<1x640xf32, #tpu.memory_space<hbm>>
      %dma_start3A_28 = tpu.memref_squeeze %dma_start3A_27 : memref<1x640xf32, #tpu.memory_space<hbm>> -> memref<640xf32, #tpu.memory_space<hbm>>
      %dma_start3A_29 = arith.constant 0 : i32
      %dma_start3A_30 = tpu.memref_slice %arg5[%dma_start3A_29] : memref<10240xf32, #tpu.memory_space<vmem>> -> memref<640xf32, #tpu.memory_space<vmem>>
      tpu.enqueue_dma source(%dma_start3A_30 : memref<640xf32, #tpu.memory_space<vmem>>) target(%dma_start3A_28 : memref<640xf32, #tpu.memory_space<hbm>>) target_semaphore(%run_scoped3A : memref<!tpu.dma_semaphore, #tpu.memory_space<semaphore_mem>>)
      %dma_wait3A = arith.constant 0 : i32
      %dma_wait3A_31 = tpu.memref_slice %arg5[%dma_wait3A] : memref<10240xf32, #tpu.memory_space<vmem>> -> memref<640xf32, #tpu.memory_space<vmem>>
      %dma_wait3A_32 = tpu.memref_slice %arg3[%arg0, %mul3A_23] : memref<2x10240xf32, #tpu.memory_space<hbm>> -> memref<1x640xf32, #tpu.memory_space<hbm>>
      %dma_wait3A_33 = tpu.memref_squeeze %dma_wait3A_32 : memref<1x640xf32, #tpu.memory_space<hbm>> -> memref<640xf32, #tpu.memory_space<hbm>>
      %dma_wait3A_34 = tpu.memref_slice %arg3[%arg0, %mul3A_23] : memref<2x10240xf32, #tpu.memory_space<hbm>> -> memref<1x640xf32, #tpu.memory_space<hbm>>
      %dma_wait3A_35 = tpu.memref_squeeze %dma_wait3A_34 : memref<1x640xf32, #tpu.memory_space<hbm>> -> memref<640xf32, #tpu.memory_space<hbm>>
      %dma_wait3A_36 = arith.constant 0 : i32
      %dma_wait3A_37 = tpu.memref_slice %arg5[%dma_wait3A_36] : memref<10240xf32, #tpu.memory_space<vmem>> -> memref<640xf32, #tpu.memory_space<vmem>>
      tpu.wait_dma2 semaphore(%run_scoped3A : memref<!tpu.dma_semaphore, #tpu.memory_space<semaphore_mem>>) src(%dma_wait3A_37 : memref<640xf32, #tpu.memory_space<vmem>>) dst(%dma_wait3A_35 : memref<640xf32, #tpu.memory_space<hbm>>)
      tpu.yield
    }) : () -> ()
    return
  }
}

#map = affine_map<(d0, d1) -> (0, 0)>
#map1 = affine_map<(d0, d1) -> (0, 0, 0)>
module attributes {stable_mosaic.version = 14 : i64} {
  func.func @_sc_edge_scatter_body(%arg0: i32, %arg1: i32, %arg2: memref<10240x128xf32, #tpu.memory_space<hbm>>, %arg3: memref<2688x2x120xi32, #tpu.memory_space<hbm>>, %arg4: memref<640x128xf32, #tpu.memory_space<hbm>>, %arg5: memref<2x10240x128xf32, #tpu.memory_space<hbm>>, %arg6: memref<1x2x120xi32, #tpu.memory_space<vmem>>, %arg7: memref<1x2x120xi32, #tpu.memory_space<vmem>>, %arg8: memref<1x2x120xi32, #tpu.memory_space<vmem>>, %arg9: memref<120x128xf32, #tpu.memory_space<vmem>>, %arg10: memref<120x128xf32, #tpu.memory_space<vmem>>, %arg11: memref<120x128xf32, #tpu.memory_space<vmem>>, %arg12: memref<!tpu.dma_semaphore, #tpu.memory_space<semaphore_mem>>, %arg13: memref<!tpu.dma_semaphore, #tpu.memory_space<semaphore_mem>>, %arg14: memref<!tpu.dma_semaphore, #tpu.memory_space<semaphore_mem>>, %arg15: memref<!tpu.dma_semaphore, #tpu.memory_space<semaphore_mem>>, %arg16: memref<!tpu.dma_semaphore, #tpu.memory_space<semaphore_mem>>, %arg17: memref<!tpu.dma_semaphore, #tpu.memory_space<semaphore_mem>>, %arg18: memref<10240x128xf32, #tpu.memory_space<vmem_shared>>) attributes {dimension_semantics = [#tpu.dimension_semantics<core_parallel>, #tpu.dimension_semantics<subcore_parallel>], iteration_bounds = array<i64: 2, 16>, scalar_prefetch = 0 : i64, scratch_operands = 13 : i64, tpu.core_type = #tpu.core_type<sc_vector_subcore>, window_params = [{transform_indices = #map}, {transform_indices = #map1}, {transform_indices = #map}, {transform_indices = #map1}]} {
    %eq3A = arith.constant 0 : i32
    %eq3A_0 = arith.cmpi eq, %arg0, %eq3A : i32
    %jit3A = arith.constant 147 : i32
    %jit3A_1 = arith.constant 21 : i32
    %select_n3A = arith.select %eq3A_0, %jit3A, %jit3A_1 : i32
    %eq3A_2 = arith.constant 0 : i32
    %eq3A_3 = arith.cmpi eq, %arg0, %eq3A_2 : i32
    %mul3A = arith.constant 147 : i32
    %mul3A_4 = arith.muli %arg1, %mul3A : i32
    %mul3A_5 = arith.constant 21 : i32
    %mul3A_6 = arith.muli %arg1, %mul3A_5 : i32
    %add3A = arith.constant 2352 : i32
    %add3A_7 = arith.addi %add3A, %mul3A_6 : i32
    %select_n3A_8 = arith.select %eq3A_3, %mul3A_4, %add3A_7 : i32
    %mul3A_9 = arith.constant 640 : i32
    %mul3A_10 = arith.muli %arg1, %mul3A_9 : i32
    "tpu.region"() ({
      %run_scoped3A = tpu.sem_alloc : memref<!tpu.dma_semaphore, #tpu.memory_space<semaphore_mem>>
      %dma_start3A_134 = arith.constant 0 : i32
      %dma_start3A_135 = tpu.memref_slice %arg18[%mul3A_10, %dma_start3A_134] : memref<10240x128xf32, #tpu.memory_space<vmem_shared>> -> memref<640x128xf32, #tpu.memory_space<vmem_shared>>
      tpu.enqueue_dma source(%arg4 : memref<640x128xf32, #tpu.memory_space<hbm>>) target(%dma_start3A_135 : memref<640x128xf32, #tpu.memory_space<vmem_shared>>) target_semaphore(%run_scoped3A : memref<!tpu.dma_semaphore, #tpu.memory_space<semaphore_mem>>)
      %dma_wait3A_136 = arith.constant 0 : i32
      %dma_wait3A_137 = tpu.memref_slice %arg18[%mul3A_10, %dma_wait3A_136] : memref<10240x128xf32, #tpu.memory_space<vmem_shared>> -> memref<640x128xf32, #tpu.memory_space<vmem_shared>>
      tpu.wait_dma2 semaphore(%run_scoped3A : memref<!tpu.dma_semaphore, #tpu.memory_space<semaphore_mem>>) src(%arg4 : memref<640x128xf32, #tpu.memory_space<hbm>>) dst(%dma_wait3A_137 : memref<640x128xf32, #tpu.memory_space<vmem_shared>>)
      tpu.yield
    }) : () -> ()
    %barrier3A = arith.constant 0 : index
    tpu.barrier barrier_id(%barrier3A)
    %add3A_11 = arith.constant 0 : i32
    %add3A_12 = arith.addi %select_n3A_8, %add3A_11 : i32
    "tpu.region"() ({
      %run_scoped3A = tpu.sem_alloc : memref<!tpu.dma_semaphore, #tpu.memory_space<semaphore_mem>>
      %dma_start3A_134 = arith.constant 0 : i32
      %dma_start3A_135 = arith.constant 0 : i32
      %dma_start3A_136 = tpu.memref_slice %arg3[%add3A_12, %dma_start3A_134, %dma_start3A_135] : memref<2688x2x120xi32, #tpu.memory_space<hbm>> -> memref<1x2x120xi32, #tpu.memory_space<hbm>>
      %dma_start3A_137 = arith.constant 0 : i32
      %dma_start3A_138 = arith.constant 0 : i32
      %dma_start3A_139 = tpu.memref_slice %arg3[%add3A_12, %dma_start3A_137, %dma_start3A_138] : memref<2688x2x120xi32, #tpu.memory_space<hbm>> -> memref<1x2x120xi32, #tpu.memory_space<hbm>>
      tpu.enqueue_dma source(%dma_start3A_139 : memref<1x2x120xi32, #tpu.memory_space<hbm>>) target(%arg6 : memref<1x2x120xi32, #tpu.memory_space<vmem>>) target_semaphore(%run_scoped3A : memref<!tpu.dma_semaphore, #tpu.memory_space<semaphore_mem>>)
      %dma_wait3A_140 = arith.constant 0 : i32
      %dma_wait3A_141 = arith.constant 0 : i32
      %dma_wait3A_142 = tpu.memref_slice %arg3[%add3A_12, %dma_wait3A_140, %dma_wait3A_141] : memref<2688x2x120xi32, #tpu.memory_space<hbm>> -> memref<1x2x120xi32, #tpu.memory_space<hbm>>
      %dma_wait3A_143 = arith.constant 0 : i32
      %dma_wait3A_144 = arith.constant 0 : i32
      %dma_wait3A_145 = tpu.memref_slice %arg3[%add3A_12, %dma_wait3A_143, %dma_wait3A_144] : memref<2688x2x120xi32, #tpu.memory_space<hbm>> -> memref<1x2x120xi32, #tpu.memory_space<hbm>>
      tpu.wait_dma2 semaphore(%run_scoped3A : memref<!tpu.dma_semaphore, #tpu.memory_space<semaphore_mem>>) src(%dma_wait3A_145 : memref<1x2x120xi32, #tpu.memory_space<hbm>>) dst(%arg6 : memref<1x2x120xi32, #tpu.memory_space<vmem>>)
      tpu.yield
    }) : () -> ()
    %dma_start3A = arith.constant 0 : i32
    %dma_start3A_13 = arith.constant 0 : i32
    %dma_start3A_14 = arith.constant 0 : i32
    %dma_start3A_15 = tpu.memref_slice %arg6[%dma_start3A, %dma_start3A_13, %dma_start3A_14] : memref<1x2x120xi32, #tpu.memory_space<vmem>> -> memref<1x1x120xi32, #tpu.memory_space<vmem>>
    %dma_start3A_16 = tpu.memref_squeeze %dma_start3A_15 : memref<1x1x120xi32, #tpu.memory_space<vmem>> -> memref<120xi32, #tpu.memory_space<vmem>>
    %dma_start3A_17 = arith.constant 0 : i32
    %dma_start3A_18 = arith.constant 0 : i32
    %dma_start3A_19 = tpu.memref_slice %arg2[%dma_start3A_17, %dma_start3A_18] : memref<10240x128xf32, #tpu.memory_space<hbm>> -> memref<10240x128xf32, #tpu.memory_space<hbm>>
    tpu.enqueue_indirect_dma source(%dma_start3A_19 : memref<10240x128xf32, #tpu.memory_space<hbm>>) target(%arg9 : memref<120x128xf32, #tpu.memory_space<vmem>>) offsets(%dma_start3A_16 : memref<120xi32, #tpu.memory_space<vmem>>) semaphore(%arg12 : memref<!tpu.dma_semaphore, #tpu.memory_space<semaphore_mem>>)
    %add3A_20 = arith.constant 1 : i32
    %add3A_21 = arith.addi %select_n3A_8, %add3A_20 : i32
    "tpu.region"() ({
      %run_scoped3A = tpu.sem_alloc : memref<!tpu.dma_semaphore, #tpu.memory_space<semaphore_mem>>
      %dma_start3A_134 = arith.constant 0 : i32
      %dma_start3A_135 = arith.constant 0 : i32
      %dma_start3A_136 = tpu.memref_slice %arg3[%add3A_21, %dma_start3A_134, %dma_start3A_135] : memref<2688x2x120xi32, #tpu.memory_space<hbm>> -> memref<1x2x120xi32, #tpu.memory_space<hbm>>
      %dma_start3A_137 = arith.constant 0 : i32
      %dma_start3A_138 = arith.constant 0 : i32
      %dma_start3A_139 = tpu.memref_slice %arg3[%add3A_21, %dma_start3A_137, %dma_start3A_138] : memref<2688x2x120xi32, #tpu.memory_space<hbm>> -> memref<1x2x120xi32, #tpu.memory_space<hbm>>
      tpu.enqueue_dma source(%dma_start3A_139 : memref<1x2x120xi32, #tpu.memory_space<hbm>>) target(%arg7 : memref<1x2x120xi32, #tpu.memory_space<vmem>>) target_semaphore(%run_scoped3A : memref<!tpu.dma_semaphore, #tpu.memory_space<semaphore_mem>>)
      %dma_wait3A_140 = arith.constant 0 : i32
      %dma_wait3A_141 = arith.constant 0 : i32
      %dma_wait3A_142 = tpu.memref_slice %arg3[%add3A_21, %dma_wait3A_140, %dma_wait3A_141] : memref<2688x2x120xi32, #tpu.memory_space<hbm>> -> memref<1x2x120xi32, #tpu.memory_space<hbm>>
      %dma_wait3A_143 = arith.constant 0 : i32
      %dma_wait3A_144 = arith.constant 0 : i32
      %dma_wait3A_145 = tpu.memref_slice %arg3[%add3A_21, %dma_wait3A_143, %dma_wait3A_144] : memref<2688x2x120xi32, #tpu.memory_space<hbm>> -> memref<1x2x120xi32, #tpu.memory_space<hbm>>
      tpu.wait_dma2 semaphore(%run_scoped3A : memref<!tpu.dma_semaphore, #tpu.memory_space<semaphore_mem>>) src(%dma_wait3A_145 : memref<1x2x120xi32, #tpu.memory_space<hbm>>) dst(%arg7 : memref<1x2x120xi32, #tpu.memory_space<vmem>>)
      tpu.yield
    }) : () -> ()
    %dma_start3A_22 = arith.constant 0 : i32
    %dma_start3A_23 = arith.constant 0 : i32
    %dma_start3A_24 = arith.constant 0 : i32
    %dma_start3A_25 = tpu.memref_slice %arg7[%dma_start3A_22, %dma_start3A_23, %dma_start3A_24] : memref<1x2x120xi32, #tpu.memory_space<vmem>> -> memref<1x1x120xi32, #tpu.memory_space<vmem>>
    %dma_start3A_26 = tpu.memref_squeeze %dma_start3A_25 : memref<1x1x120xi32, #tpu.memory_space<vmem>> -> memref<120xi32, #tpu.memory_space<vmem>>
    %dma_start3A_27 = arith.constant 0 : i32
    %dma_start3A_28 = arith.constant 0 : i32
    %dma_start3A_29 = tpu.memref_slice %arg2[%dma_start3A_27, %dma_start3A_28] : memref<10240x128xf32, #tpu.memory_space<hbm>> -> memref<10240x128xf32, #tpu.memory_space<hbm>>
    tpu.enqueue_indirect_dma source(%dma_start3A_29 : memref<10240x128xf32, #tpu.memory_space<hbm>>) target(%arg10 : memref<120x128xf32, #tpu.memory_space<vmem>>) offsets(%dma_start3A_26 : memref<120xi32, #tpu.memory_space<vmem>>) semaphore(%arg13 : memref<!tpu.dma_semaphore, #tpu.memory_space<semaphore_mem>>)
    %add3A_30 = arith.constant 2 : i32
    %add3A_31 = arith.addi %select_n3A_8, %add3A_30 : i32
    "tpu.region"() ({
      %run_scoped3A = tpu.sem_alloc : memref<!tpu.dma_semaphore, #tpu.memory_space<semaphore_mem>>
      %dma_start3A_134 = arith.constant 0 : i32
      %dma_start3A_135 = arith.constant 0 : i32
      %dma_start3A_136 = tpu.memref_slice %arg3[%add3A_31, %dma_start3A_134, %dma_start3A_135] : memref<2688x2x120xi32, #tpu.memory_space<hbm>> -> memref<1x2x120xi32, #tpu.memory_space<hbm>>
      %dma_start3A_137 = arith.constant 0 : i32
      %dma_start3A_138 = arith.constant 0 : i32
      %dma_start3A_139 = tpu.memref_slice %arg3[%add3A_31, %dma_start3A_137, %dma_start3A_138] : memref<2688x2x120xi32, #tpu.memory_space<hbm>> -> memref<1x2x120xi32, #tpu.memory_space<hbm>>
      tpu.enqueue_dma source(%dma_start3A_139 : memref<1x2x120xi32, #tpu.memory_space<hbm>>) target(%arg8 : memref<1x2x120xi32, #tpu.memory_space<vmem>>) target_semaphore(%run_scoped3A : memref<!tpu.dma_semaphore, #tpu.memory_space<semaphore_mem>>)
      %dma_wait3A_140 = arith.constant 0 : i32
      %dma_wait3A_141 = arith.constant 0 : i32
      %dma_wait3A_142 = tpu.memref_slice %arg3[%add3A_31, %dma_wait3A_140, %dma_wait3A_141] : memref<2688x2x120xi32, #tpu.memory_space<hbm>> -> memref<1x2x120xi32, #tpu.memory_space<hbm>>
      %dma_wait3A_143 = arith.constant 0 : i32
      %dma_wait3A_144 = arith.constant 0 : i32
      %dma_wait3A_145 = tpu.memref_slice %arg3[%add3A_31, %dma_wait3A_143, %dma_wait3A_144] : memref<2688x2x120xi32, #tpu.memory_space<hbm>> -> memref<1x2x120xi32, #tpu.memory_space<hbm>>
      tpu.wait_dma2 semaphore(%run_scoped3A : memref<!tpu.dma_semaphore, #tpu.memory_space<semaphore_mem>>) src(%dma_wait3A_145 : memref<1x2x120xi32, #tpu.memory_space<hbm>>) dst(%arg8 : memref<1x2x120xi32, #tpu.memory_space<vmem>>)
      tpu.yield
    }) : () -> ()
    %dma_start3A_32 = arith.constant 0 : i32
    %dma_start3A_33 = arith.constant 0 : i32
    %dma_start3A_34 = arith.constant 0 : i32
    %dma_start3A_35 = tpu.memref_slice %arg8[%dma_start3A_32, %dma_start3A_33, %dma_start3A_34] : memref<1x2x120xi32, #tpu.memory_space<vmem>> -> memref<1x1x120xi32, #tpu.memory_space<vmem>>
    %dma_start3A_36 = tpu.memref_squeeze %dma_start3A_35 : memref<1x1x120xi32, #tpu.memory_space<vmem>> -> memref<120xi32, #tpu.memory_space<vmem>>
    %dma_start3A_37 = arith.constant 0 : i32
    %dma_start3A_38 = arith.constant 0 : i32
    %dma_start3A_39 = tpu.memref_slice %arg2[%dma_start3A_37, %dma_start3A_38] : memref<10240x128xf32, #tpu.memory_space<hbm>> -> memref<10240x128xf32, #tpu.memory_space<hbm>>
    tpu.enqueue_indirect_dma source(%dma_start3A_39 : memref<10240x128xf32, #tpu.memory_space<hbm>>) target(%arg11 : memref<120x128xf32, #tpu.memory_space<vmem>>) offsets(%dma_start3A_36 : memref<120xi32, #tpu.memory_space<vmem>>) semaphore(%arg14 : memref<!tpu.dma_semaphore, #tpu.memory_space<semaphore_mem>>)
    %sub3A = arith.constant 3 : i32
    %sub3A_40 = arith.subi %select_n3A, %sub3A : i32
    %sub3A_41 = arith.constant 0 : i32
    %sub3A_42 = arith.subi %sub3A_40, %sub3A_41 : i32
    %sub3A_43 = arith.constant 3 : i32
    %sub3A_44 = arith.constant 1 : i32
    %sub3A_45 = arith.subi %sub3A_43, %sub3A_44 : i32
    %add3A_46 = arith.addi %sub3A_42, %sub3A_45 : i32
    %div3A = arith.constant 3 : i32
    %div3A_47 = arith.divsi %add3A_46, %div3A : i32
    %while3A = arith.constant 3 : i32
    %while3A_48 = arith.constant 0 : i32
    %while3A_49 = arith.constant 0 : i32
    %while3A_50 = arith.subi %div3A_47, %while3A_49 : i32
    %while3A_51 = arith.addi %while3A_49, %while3A_50 : i32
    %while3A_52 = arith.constant 1 : i32
    %while3A_53 = arith.divsi %while3A_50, %while3A_52 : i32
    %while3A_54 = arith.muli %while3A_53, %while3A_52 : i32
    %while3A_55 = arith.addi %while3A_49, %while3A_54 : i32
    %while3A_56 = arith.constant 1 : i32
    scf.for %while3A_134 = %while3A_49 to %while3A_55 step %while3A_56  : i32 {
      %mul3A_135 = arith.muli %while3A_134, %while3A : i32
      %add3A_136 = arith.addi %while3A_48, %mul3A_135 : i32
      %dma_wait3A_137 = arith.constant 0 : i32
      %dma_wait3A_138 = arith.constant 0 : i32
      %dma_wait3A_139 = arith.constant 0 : i32
      %dma_wait3A_140 = tpu.memref_slice %arg6[%dma_wait3A_137, %dma_wait3A_138, %dma_wait3A_139] : memref<1x2x120xi32, #tpu.memory_space<vmem>> -> memref<1x1x120xi32, #tpu.memory_space<vmem>>
      %dma_wait3A_141 = tpu.memref_squeeze %dma_wait3A_140 : memref<1x1x120xi32, #tpu.memory_space<vmem>> -> memref<120xi32, #tpu.memory_space<vmem>>
      %dma_wait3A_142 = arith.constant 0 : i32
      %dma_wait3A_143 = arith.constant 0 : i32
      %dma_wait3A_144 = tpu.memref_slice %arg2[%dma_wait3A_142, %dma_wait3A_143] : memref<10240x128xf32, #tpu.memory_space<hbm>> -> memref<10240x128xf32, #tpu.memory_space<hbm>>
      tpu.wait_indirect_dma semaphore(%arg12 : memref<!tpu.dma_semaphore, #tpu.memory_space<semaphore_mem>>) src(%dma_wait3A_144 : memref<10240x128xf32, #tpu.memory_space<hbm>>) dst(%arg9 : memref<120x128xf32, #tpu.memory_space<vmem>>)
      %dma_start3A_145 = arith.constant 0 : i32
      %dma_start3A_146 = arith.constant 1 : i32
      %dma_start3A_147 = arith.constant 0 : i32
      %dma_start3A_148 = tpu.memref_slice %arg6[%dma_start3A_145, %dma_start3A_146, %dma_start3A_147] : memref<1x2x120xi32, #tpu.memory_space<vmem>> -> memref<1x1x120xi32, #tpu.memory_space<vmem>>
      %dma_start3A_149 = tpu.memref_squeeze %dma_start3A_148 : memref<1x1x120xi32, #tpu.memory_space<vmem>> -> memref<120xi32, #tpu.memory_space<vmem>>
      %dma_start3A_150 = arith.constant 0 : i32
      %dma_start3A_151 = arith.constant 0 : i32
      %dma_start3A_152 = tpu.memref_slice %arg18[%dma_start3A_150, %dma_start3A_151] : memref<10240x128xf32, #tpu.memory_space<vmem_shared>> -> memref<10240x128xf32, #tpu.memory_space<vmem_shared>>
      tpu.enqueue_indirect_dma source(%arg9 : memref<120x128xf32, #tpu.memory_space<vmem>>) target(%dma_start3A_152 : memref<10240x128xf32, #tpu.memory_space<vmem_shared>>) offsets(%dma_start3A_149 : memref<120xi32, #tpu.memory_space<vmem>>) semaphore(%arg15 : memref<!tpu.dma_semaphore, #tpu.memory_space<semaphore_mem>>) {add = true}
      %dma_wait3A_153 = arith.constant 0 : i32
      %dma_wait3A_154 = arith.constant 0 : i32
      %dma_wait3A_155 = arith.constant 0 : i32
      %dma_wait3A_156 = tpu.memref_slice %arg7[%dma_wait3A_153, %dma_wait3A_154, %dma_wait3A_155] : memref<1x2x120xi32, #tpu.memory_space<vmem>> -> memref<1x1x120xi32, #tpu.memory_space<vmem>>
      %dma_wait3A_157 = tpu.memref_squeeze %dma_wait3A_156 : memref<1x1x120xi32, #tpu.memory_space<vmem>> -> memref<120xi32, #tpu.memory_space<vmem>>
      %dma_wait3A_158 = arith.constant 0 : i32
      %dma_wait3A_159 = arith.constant 0 : i32
      %dma_wait3A_160 = tpu.memref_slice %arg2[%dma_wait3A_158, %dma_wait3A_159] : memref<10240x128xf32, #tpu.memory_space<hbm>> -> memref<10240x128xf32, #tpu.memory_space<hbm>>
      tpu.wait_indirect_dma semaphore(%arg13 : memref<!tpu.dma_semaphore, #tpu.memory_space<semaphore_mem>>) src(%dma_wait3A_160 : memref<10240x128xf32, #tpu.memory_space<hbm>>) dst(%arg10 : memref<120x128xf32, #tpu.memory_space<vmem>>)
      %dma_start3A_161 = arith.constant 0 : i32
      %dma_start3A_162 = arith.constant 1 : i32
      %dma_start3A_163 = arith.constant 0 : i32
      %dma_start3A_164 = tpu.memref_slice %arg7[%dma_start3A_161, %dma_start3A_162, %dma_start3A_163] : memref<1x2x120xi32, #tpu.memory_space<vmem>> -> memref<1x1x120xi32, #tpu.memory_space<vmem>>
      %dma_start3A_165 = tpu.memref_squeeze %dma_start3A_164 : memref<1x1x120xi32, #tpu.memory_space<vmem>> -> memref<120xi32, #tpu.memory_space<vmem>>
      %dma_start3A_166 = arith.constant 0 : i32
      %dma_start3A_167 = arith.constant 0 : i32
      %dma_start3A_168 = tpu.memref_slice %arg18[%dma_start3A_166, %dma_start3A_167] : memref<10240x128xf32, #tpu.memory_space<vmem_shared>> -> memref<10240x128xf32, #tpu.memory_space<vmem_shared>>
      tpu.enqueue_indirect_dma source(%arg10 : memref<120x128xf32, #tpu.memory_space<vmem>>) target(%dma_start3A_168 : memref<10240x128xf32, #tpu.memory_space<vmem_shared>>) offsets(%dma_start3A_165 : memref<120xi32, #tpu.memory_space<vmem>>) semaphore(%arg16 : memref<!tpu.dma_semaphore, #tpu.memory_space<semaphore_mem>>) {add = true}
      %dma_wait3A_169 = arith.constant 0 : i32
      %dma_wait3A_170 = arith.constant 1 : i32
      %dma_wait3A_171 = arith.constant 0 : i32
      %dma_wait3A_172 = tpu.memref_slice %arg6[%dma_wait3A_169, %dma_wait3A_170, %dma_wait3A_171] : memref<1x2x120xi32, #tpu.memory_space<vmem>> -> memref<1x1x120xi32, #tpu.memory_space<vmem>>
      %dma_wait3A_173 = tpu.memref_squeeze %dma_wait3A_172 : memref<1x1x120xi32, #tpu.memory_space<vmem>> -> memref<120xi32, #tpu.memory_space<vmem>>
      %dma_wait3A_174 = arith.constant 0 : i32
      %dma_wait3A_175 = arith.constant 0 : i32
      %dma_wait3A_176 = tpu.memref_slice %arg18[%dma_wait3A_174, %dma_wait3A_175] : memref<10240x128xf32, #tpu.memory_space<vmem_shared>> -> memref<10240x128xf32, #tpu.memory_space<vmem_shared>>
      tpu.wait_indirect_dma semaphore(%arg15 : memref<!tpu.dma_semaphore, #tpu.memory_space<semaphore_mem>>) src(%arg9 : memref<120x128xf32, #tpu.memory_space<vmem>>) dst(%dma_wait3A_176 : memref<10240x128xf32, #tpu.memory_space<vmem_shared>>)
      %add3A_177 = arith.constant 3 : i32
      %add3A_178 = arith.addi %add3A_136, %add3A_177 : i32
      %add3A_179 = arith.constant 0 : i32
      %add3A_180 = arith.addi %add3A_178, %add3A_179 : i32
      %add3A_181 = arith.addi %select_n3A_8, %add3A_180 : i32
      "tpu.region"() ({
        %run_scoped3A = tpu.sem_alloc : memref<!tpu.dma_semaphore, #tpu.memory_space<semaphore_mem>>
        %dma_start3A_248 = arith.constant 0 : i32
        %dma_start3A_249 = arith.constant 0 : i32
        %dma_start3A_250 = tpu.memref_slice %arg3[%add3A_181, %dma_start3A_248, %dma_start3A_249] : memref<2688x2x120xi32, #tpu.memory_space<hbm>> -> memref<1x2x120xi32, #tpu.memory_space<hbm>>
        %dma_start3A_251 = arith.constant 0 : i32
        %dma_start3A_252 = arith.constant 0 : i32
        %dma_start3A_253 = tpu.memref_slice %arg3[%add3A_181, %dma_start3A_251, %dma_start3A_252] : memref<2688x2x120xi32, #tpu.memory_space<hbm>> -> memref<1x2x120xi32, #tpu.memory_space<hbm>>
        tpu.enqueue_dma source(%dma_start3A_253 : memref<1x2x120xi32, #tpu.memory_space<hbm>>) target(%arg6 : memref<1x2x120xi32, #tpu.memory_space<vmem>>) target_semaphore(%run_scoped3A : memref<!tpu.dma_semaphore, #tpu.memory_space<semaphore_mem>>)
        %dma_wait3A_254 = arith.constant 0 : i32
        %dma_wait3A_255 = arith.constant 0 : i32
        %dma_wait3A_256 = tpu.memref_slice %arg3[%add3A_181, %dma_wait3A_254, %dma_wait3A_255] : memref<2688x2x120xi32, #tpu.memory_space<hbm>> -> memref<1x2x120xi32, #tpu.memory_space<hbm>>
        %dma_wait3A_257 = arith.constant 0 : i32
        %dma_wait3A_258 = arith.constant 0 : i32
        %dma_wait3A_259 = tpu.memref_slice %arg3[%add3A_181, %dma_wait3A_257, %dma_wait3A_258] : memref<2688x2x120xi32, #tpu.memory_space<hbm>> -> memref<1x2x120xi32, #tpu.memory_space<hbm>>
        tpu.wait_dma2 semaphore(%run_scoped3A : memref<!tpu.dma_semaphore, #tpu.memory_space<semaphore_mem>>) src(%dma_wait3A_259 : memref<1x2x120xi32, #tpu.memory_space<hbm>>) dst(%arg6 : memref<1x2x120xi32, #tpu.memory_space<vmem>>)
        tpu.yield
      }) : () -> ()
      %dma_start3A_182 = arith.constant 0 : i32
      %dma_start3A_183 = arith.constant 0 : i32
      %dma_start3A_184 = arith.constant 0 : i32
      %dma_start3A_185 = tpu.memref_slice %arg6[%dma_start3A_182, %dma_start3A_183, %dma_start3A_184] : memref<1x2x120xi32, #tpu.memory_space<vmem>> -> memref<1x1x120xi32, #tpu.memory_space<vmem>>
      %dma_start3A_186 = tpu.memref_squeeze %dma_start3A_185 : memref<1x1x120xi32, #tpu.memory_space<vmem>> -> memref<120xi32, #tpu.memory_space<vmem>>
      %dma_start3A_187 = arith.constant 0 : i32
      %dma_start3A_188 = arith.constant 0 : i32
      %dma_start3A_189 = tpu.memref_slice %arg2[%dma_start3A_187, %dma_start3A_188] : memref<10240x128xf32, #tpu.memory_space<hbm>> -> memref<10240x128xf32, #tpu.memory_space<hbm>>
      tpu.enqueue_indirect_dma source(%dma_start3A_189 : memref<10240x128xf32, #tpu.memory_space<hbm>>) target(%arg9 : memref<120x128xf32, #tpu.memory_space<vmem>>) offsets(%dma_start3A_186 : memref<120xi32, #tpu.memory_space<vmem>>) semaphore(%arg12 : memref<!tpu.dma_semaphore, #tpu.memory_space<semaphore_mem>>)
      %dma_wait3A_190 = arith.constant 0 : i32
      %dma_wait3A_191 = arith.constant 0 : i32
      %dma_wait3A_192 = arith.constant 0 : i32
      %dma_wait3A_193 = tpu.memref_slice %arg8[%dma_wait3A_190, %dma_wait3A_191, %dma_wait3A_192] : memref<1x2x120xi32, #tpu.memory_space<vmem>> -> memref<1x1x120xi32, #tpu.memory_space<vmem>>
      %dma_wait3A_194 = tpu.memref_squeeze %dma_wait3A_193 : memref<1x1x120xi32, #tpu.memory_space<vmem>> -> memref<120xi32, #tpu.memory_space<vmem>>
      %dma_wait3A_195 = arith.constant 0 : i32
      %dma_wait3A_196 = arith.constant 0 : i32
      %dma_wait3A_197 = tpu.memref_slice %arg2[%dma_wait3A_195, %dma_wait3A_196] : memref<10240x128xf32, #tpu.memory_space<hbm>> -> memref<10240x128xf32, #tpu.memory_space<hbm>>
      tpu.wait_indirect_dma semaphore(%arg14 : memref<!tpu.dma_semaphore, #tpu.memory_space<semaphore_mem>>) src(%dma_wait3A_197 : memref<10240x128xf32, #tpu.memory_space<hbm>>) dst(%arg11 : memref<120x128xf32, #tpu.memory_space<vmem>>)
      %dma_start3A_198 = arith.constant 0 : i32
      %dma_start3A_199 = arith.constant 1 : i32
      %dma_start3A_200 = arith.constant 0 : i32
      %dma_start3A_201 = tpu.memref_slice %arg8[%dma_start3A_198, %dma_start3A_199, %dma_start3A_200] : memref<1x2x120xi32, #tpu.memory_space<vmem>> -> memref<1x1x120xi32, #tpu.memory_space<vmem>>
      %dma_start3A_202 = tpu.memref_squeeze %dma_start3A_201 : memref<1x1x120xi32, #tpu.memory_space<vmem>> -> memref<120xi32, #tpu.memory_space<vmem>>
      %dma_start3A_203 = arith.constant 0 : i32
      %dma_start3A_204 = arith.constant 0 : i32
      %dma_start3A_205 = tpu.memref_slice %arg18[%dma_start3A_203, %dma_start3A_204] : memref<10240x128xf32, #tpu.memory_space<vmem_shared>> -> memref<10240x128xf32, #tpu.memory_space<vmem_shared>>
      tpu.enqueue_indirect_dma source(%arg11 : memref<120x128xf32, #tpu.memory_space<vmem>>) target(%dma_start3A_205 : memref<10240x128xf32, #tpu.memory_space<vmem_shared>>) offsets(%dma_start3A_202 : memref<120xi32, #tpu.memory_space<vmem>>) semaphore(%arg17 : memref<!tpu.dma_semaphore, #tpu.memory_space<semaphore_mem>>) {add = true}
      %dma_wait3A_206 = arith.constant 0 : i32
      %dma_wait3A_207 = arith.constant 1 : i32
      %dma_wait3A_208 = arith.constant 0 : i32
      %dma_wait3A_209 = tpu.memref_slice %arg7[%dma_wait3A_206, %dma_wait3A_207, %dma_wait3A_208] : memref<1x2x120xi32, #tpu.memory_space<vmem>> -> memref<1x1x120xi32, #tpu.memory_space<vmem>>
      %dma_wait3A_210 = tpu.memref_squeeze %dma_wait3A_209 : memref<1x1x120xi32, #tpu.memory_space<vmem>> -> memref<120xi32, #tpu.memory_space<vmem>>
      %dma_wait3A_211 = arith.constant 0 : i32
      %dma_wait3A_212 = arith.constant 0 : i32
      %dma_wait3A_213 = tpu.memref_slice %arg18[%dma_wait3A_211, %dma_wait3A_212] : memref<10240x128xf32, #tpu.memory_space<vmem_shared>> -> memref<10240x128xf32, #tpu.memory_space<vmem_shared>>
      tpu.wait_indirect_dma semaphore(%arg16 : memref<!tpu.dma_semaphore, #tpu.memory_space<semaphore_mem>>) src(%arg10 : memref<120x128xf32, #tpu.memory_space<vmem>>) dst(%dma_wait3A_213 : memref<10240x128xf32, #tpu.memory_space<vmem_shared>>)
      %add3A_214 = arith.constant 3 : i32
      %add3A_215 = arith.addi %add3A_136, %add3A_214 : i32
      %add3A_216 = arith.constant 1 : i32
      %add3A_217 = arith.addi %add3A_215, %add3A_216 : i32
      %add3A_218 = arith.addi %select_n3A_8, %add3A_217 : i32
      "tpu.region"() ({
        %run_scoped3A = tpu.sem_alloc : memref<!tpu.dma_semaphore, #tpu.memory_space<semaphore_mem>>
        %dma_start3A_248 = arith.constant 0 : i32
        %dma_start3A_249 = arith.constant 0 : i32
        %dma_start3A_250 = tpu.memref_slice %arg3[%add3A_218, %dma_start3A_248, %dma_start3A_249] : memref<2688x2x120xi32, #tpu.memory_space<hbm>> -> memref<1x2x120xi32, #tpu.memory_space<hbm>>
        %dma_start3A_251 = arith.constant 0 : i32
        %dma_start3A_252 = arith.constant 0 : i32
        %dma_start3A_253 = tpu.memref_slice %arg3[%add3A_218, %dma_start3A_251, %dma_start3A_252] : memref<2688x2x120xi32, #tpu.memory_space<hbm>> -> memref<1x2x120xi32, #tpu.memory_space<hbm>>
        tpu.enqueue_dma source(%dma_start3A_253 : memref<1x2x120xi32, #tpu.memory_space<hbm>>) target(%arg7 : memref<1x2x120xi32, #tpu.memory_space<vmem>>) target_semaphore(%run_scoped3A : memref<!tpu.dma_semaphore, #tpu.memory_space<semaphore_mem>>)
        %dma_wait3A_254 = arith.constant 0 : i32
        %dma_wait3A_255 = arith.constant 0 : i32
        %dma_wait3A_256 = tpu.memref_slice %arg3[%add3A_218, %dma_wait3A_254, %dma_wait3A_255] : memref<2688x2x120xi32, #tpu.memory_space<hbm>> -> memref<1x2x120xi32, #tpu.memory_space<hbm>>
        %dma_wait3A_257 = arith.constant 0 : i32
        %dma_wait3A_258 = arith.constant 0 : i32
        %dma_wait3A_259 = tpu.memref_slice %arg3[%add3A_218, %dma_wait3A_257, %dma_wait3A_258] : memref<2688x2x120xi32, #tpu.memory_space<hbm>> -> memref<1x2x120xi32, #tpu.memory_space<hbm>>
        tpu.wait_dma2 semaphore(%run_scoped3A : memref<!tpu.dma_semaphore, #tpu.memory_space<semaphore_mem>>) src(%dma_wait3A_259 : memref<1x2x120xi32, #tpu.memory_space<hbm>>) dst(%arg7 : memref<1x2x120xi32, #tpu.memory_space<vmem>>)
        tpu.yield
      }) : () -> ()
      %dma_start3A_219 = arith.constant 0 : i32
      %dma_start3A_220 = arith.constant 0 : i32
      %dma_start3A_221 = arith.constant 0 : i32
      %dma_start3A_222 = tpu.memref_slice %arg7[%dma_start3A_219, %dma_start3A_220, %dma_start3A_221] : memref<1x2x120xi32, #tpu.memory_space<vmem>> -> memref<1x1x120xi32, #tpu.memory_space<vmem>>
      %dma_start3A_223 = tpu.memref_squeeze %dma_start3A_222 : memref<1x1x120xi32, #tpu.memory_space<vmem>> -> memref<120xi32, #tpu.memory_space<vmem>>
      %dma_start3A_224 = arith.constant 0 : i32
      %dma_start3A_225 = arith.constant 0 : i32
      %dma_start3A_226 = tpu.memref_slice %arg2[%dma_start3A_224, %dma_start3A_225] : memref<10240x128xf32, #tpu.memory_space<hbm>> -> memref<10240x128xf32, #tpu.memory_space<hbm>>
      tpu.enqueue_indirect_dma source(%dma_start3A_226 : memref<10240x128xf32, #tpu.memory_space<hbm>>) target(%arg10 : memref<120x128xf32, #tpu.memory_space<vmem>>) offsets(%dma_start3A_223 : memref<120xi32, #tpu.memory_space<vmem>>) semaphore(%arg13 : memref<!tpu.dma_semaphore, #tpu.memory_space<semaphore_mem>>)
      %dma_wait3A_227 = arith.constant 0 : i32
      %dma_wait3A_228 = arith.constant 1 : i32
      %dma_wait3A_229 = arith.constant 0 : i32
      %dma_wait3A_230 = tpu.memref_slice %arg8[%dma_wait3A_227, %dma_wait3A_228, %dma_wait3A_229] : memref<1x2x120xi32, #tpu.memory_space<vmem>> -> memref<1x1x120xi32, #tpu.memory_space<vmem>>
      %dma_wait3A_231 = tpu.memref_squeeze %dma_wait3A_230 : memref<1x1x120xi32, #tpu.memory_space<vmem>> -> memref<120xi32, #tpu.memory_space<vmem>>
      %dma_wait3A_232 = arith.constant 0 : i32
      %dma_wait3A_233 = arith.constant 0 : i32
      %dma_wait3A_234 = tpu.memref_slice %arg18[%dma_wait3A_232, %dma_wait3A_233] : memref<10240x128xf32, #tpu.memory_space<vmem_shared>> -> memref<10240x128xf32, #tpu.memory_space<vmem_shared>>
      tpu.wait_indirect_dma semaphore(%arg17 : memref<!tpu.dma_semaphore, #tpu.memory_space<semaphore_mem>>) src(%arg11 : memref<120x128xf32, #tpu.memory_space<vmem>>) dst(%dma_wait3A_234 : memref<10240x128xf32, #tpu.memory_space<vmem_shared>>)
      %add3A_235 = arith.constant 3 : i32
      %add3A_236 = arith.addi %add3A_136, %add3A_235 : i32
      %add3A_237 = arith.constant 2 : i32
      %add3A_238 = arith.addi %add3A_236, %add3A_237 : i32
      %add3A_239 = arith.addi %select_n3A_8, %add3A_238 : i32
      "tpu.region"() ({
        %run_scoped3A = tpu.sem_alloc : memref<!tpu.dma_semaphore, #tpu.memory_space<semaphore_mem>>
        %dma_start3A_248 = arith.constant 0 : i32
        %dma_start3A_249 = arith.constant 0 : i32
        %dma_start3A_250 = tpu.memref_slice %arg3[%add3A_239, %dma_start3A_248, %dma_start3A_249] : memref<2688x2x120xi32, #tpu.memory_space<hbm>> -> memref<1x2x120xi32, #tpu.memory_space<hbm>>
        %dma_start3A_251 = arith.constant 0 : i32
        %dma_start3A_252 = arith.constant 0 : i32
        %dma_start3A_253 = tpu.memref_slice %arg3[%add3A_239, %dma_start3A_251, %dma_start3A_252] : memref<2688x2x120xi32, #tpu.memory_space<hbm>> -> memref<1x2x120xi32, #tpu.memory_space<hbm>>
        tpu.enqueue_dma source(%dma_start3A_253 : memref<1x2x120xi32, #tpu.memory_space<hbm>>) target(%arg8 : memref<1x2x120xi32, #tpu.memory_space<vmem>>) target_semaphore(%run_scoped3A : memref<!tpu.dma_semaphore, #tpu.memory_space<semaphore_mem>>)
        %dma_wait3A_254 = arith.constant 0 : i32
        %dma_wait3A_255 = arith.constant 0 : i32
        %dma_wait3A_256 = tpu.memref_slice %arg3[%add3A_239, %dma_wait3A_254, %dma_wait3A_255] : memref<2688x2x120xi32, #tpu.memory_space<hbm>> -> memref<1x2x120xi32, #tpu.memory_space<hbm>>
        %dma_wait3A_257 = arith.constant 0 : i32
        %dma_wait3A_258 = arith.constant 0 : i32
        %dma_wait3A_259 = tpu.memref_slice %arg3[%add3A_239, %dma_wait3A_257, %dma_wait3A_258] : memref<2688x2x120xi32, #tpu.memory_space<hbm>> -> memref<1x2x120xi32, #tpu.memory_space<hbm>>
        tpu.wait_dma2 semaphore(%run_scoped3A : memref<!tpu.dma_semaphore, #tpu.memory_space<semaphore_mem>>) src(%dma_wait3A_259 : memref<1x2x120xi32, #tpu.memory_space<hbm>>) dst(%arg8 : memref<1x2x120xi32, #tpu.memory_space<vmem>>)
        tpu.yield
      }) : () -> ()
      %dma_start3A_240 = arith.constant 0 : i32
      %dma_start3A_241 = arith.constant 0 : i32
      %dma_start3A_242 = arith.constant 0 : i32
      %dma_start3A_243 = tpu.memref_slice %arg8[%dma_start3A_240, %dma_start3A_241, %dma_start3A_242] : memref<1x2x120xi32, #tpu.memory_space<vmem>> -> memref<1x1x120xi32, #tpu.memory_space<vmem>>
      %dma_start3A_244 = tpu.memref_squeeze %dma_start3A_243 : memref<1x1x120xi32, #tpu.memory_space<vmem>> -> memref<120xi32, #tpu.memory_space<vmem>>
      %dma_start3A_245 = arith.constant 0 : i32
      %dma_start3A_246 = arith.constant 0 : i32
      %dma_start3A_247 = tpu.memref_slice %arg2[%dma_start3A_245, %dma_start3A_246] : memref<10240x128xf32, #tpu.memory_space<hbm>> -> memref<10240x128xf32, #tpu.memory_space<hbm>>
      tpu.enqueue_indirect_dma source(%dma_start3A_247 : memref<10240x128xf32, #tpu.memory_space<hbm>>) target(%arg11 : memref<120x128xf32, #tpu.memory_space<vmem>>) offsets(%dma_start3A_244 : memref<120xi32, #tpu.memory_space<vmem>>) semaphore(%arg14 : memref<!tpu.dma_semaphore, #tpu.memory_space<semaphore_mem>>)
    }
    %while3A_57 = arith.constant 1 : i32
    scf.for %while3A_134 = %while3A_55 to %while3A_51 step %while3A_57  : i32 {
      %mul3A_135 = arith.muli %while3A_134, %while3A : i32
      %add3A_136 = arith.addi %while3A_48, %mul3A_135 : i32
      %dma_wait3A_137 = arith.constant 0 : i32
      %dma_wait3A_138 = arith.constant 0 : i32
      %dma_wait3A_139 = arith.constant 0 : i32
      %dma_wait3A_140 = tpu.memref_slice %arg6[%dma_wait3A_137, %dma_wait3A_138, %dma_wait3A_139] : memref<1x2x120xi32, #tpu.memory_space<vmem>> -> memref<1x1x120xi32, #tpu.memory_space<vmem>>
      %dma_wait3A_141 = tpu.memref_squeeze %dma_wait3A_140 : memref<1x1x120xi32, #tpu.memory_space<vmem>> -> memref<120xi32, #tpu.memory_space<vmem>>
      %dma_wait3A_142 = arith.constant 0 : i32
      %dma_wait3A_143 = arith.constant 0 : i32
      %dma_wait3A_144 = tpu.memref_slice %arg2[%dma_wait3A_142, %dma_wait3A_143] : memref<10240x128xf32, #tpu.memory_space<hbm>> -> memref<10240x128xf32, #tpu.memory_space<hbm>>
      tpu.wait_indirect_dma semaphore(%arg12 : memref<!tpu.dma_semaphore, #tpu.memory_space<semaphore_mem>>) src(%dma_wait3A_144 : memref<10240x128xf32, #tpu.memory_space<hbm>>) dst(%arg9 : memref<120x128xf32, #tpu.memory_space<vmem>>)
      %dma_start3A_145 = arith.constant 0 : i32
      %dma_start3A_146 = arith.constant 1 : i32
      %dma_start3A_147 = arith.constant 0 : i32
      %dma_start3A_148 = tpu.memref_slice %arg6[%dma_start3A_145, %dma_start3A_146, %dma_start3A_147] : memref<1x2x120xi32, #tpu.memory_space<vmem>> -> memref<1x1x120xi32, #tpu.memory_space<vmem>>
      %dma_start3A_149 = tpu.memref_squeeze %dma_start3A_148 : memref<1x1x120xi32, #tpu.memory_space<vmem>> -> memref<120xi32, #tpu.memory_space<vmem>>
      %dma_start3A_150 = arith.constant 0 : i32
      %dma_start3A_151 = arith.constant 0 : i32
      %dma_start3A_152 = tpu.memref_slice %arg18[%dma_start3A_150, %dma_start3A_151] : memref<10240x128xf32, #tpu.memory_space<vmem_shared>> -> memref<10240x128xf32, #tpu.memory_space<vmem_shared>>
      tpu.enqueue_indirect_dma source(%arg9 : memref<120x128xf32, #tpu.memory_space<vmem>>) target(%dma_start3A_152 : memref<10240x128xf32, #tpu.memory_space<vmem_shared>>) offsets(%dma_start3A_149 : memref<120xi32, #tpu.memory_space<vmem>>) semaphore(%arg15 : memref<!tpu.dma_semaphore, #tpu.memory_space<semaphore_mem>>) {add = true}
      %dma_wait3A_153 = arith.constant 0 : i32
      %dma_wait3A_154 = arith.constant 0 : i32
      %dma_wait3A_155 = arith.constant 0 : i32
      %dma_wait3A_156 = tpu.memref_slice %arg7[%dma_wait3A_153, %dma_wait3A_154, %dma_wait3A_155] : memref<1x2x120xi32, #tpu.memory_space<vmem>> -> memref<1x1x120xi32, #tpu.memory_space<vmem>>
      %dma_wait3A_157 = tpu.memref_squeeze %dma_wait3A_156 : memref<1x1x120xi32, #tpu.memory_space<vmem>> -> memref<120xi32, #tpu.memory_space<vmem>>
      %dma_wait3A_158 = arith.constant 0 : i32
      %dma_wait3A_159 = arith.constant 0 : i32
      %dma_wait3A_160 = tpu.memref_slice %arg2[%dma_wait3A_158, %dma_wait3A_159] : memref<10240x128xf32, #tpu.memory_space<hbm>> -> memref<10240x128xf32, #tpu.memory_space<hbm>>
      tpu.wait_indirect_dma semaphore(%arg13 : memref<!tpu.dma_semaphore, #tpu.memory_space<semaphore_mem>>) src(%dma_wait3A_160 : memref<10240x128xf32, #tpu.memory_space<hbm>>) dst(%arg10 : memref<120x128xf32, #tpu.memory_space<vmem>>)
      %dma_start3A_161 = arith.constant 0 : i32
      %dma_start3A_162 = arith.constant 1 : i32
      %dma_start3A_163 = arith.constant 0 : i32
      %dma_start3A_164 = tpu.memref_slice %arg7[%dma_start3A_161, %dma_start3A_162, %dma_start3A_163] : memref<1x2x120xi32, #tpu.memory_space<vmem>> -> memref<1x1x120xi32, #tpu.memory_space<vmem>>
      %dma_start3A_165 = tpu.memref_squeeze %dma_start3A_164 : memref<1x1x120xi32, #tpu.memory_space<vmem>> -> memref<120xi32, #tpu.memory_space<vmem>>
      %dma_start3A_166 = arith.constant 0 : i32
      %dma_start3A_167 = arith.constant 0 : i32
      %dma_start3A_168 = tpu.memref_slice %arg18[%dma_start3A_166, %dma_start3A_167] : memref<10240x128xf32, #tpu.memory_space<vmem_shared>> -> memref<10240x128xf32, #tpu.memory_space<vmem_shared>>
      tpu.enqueue_indirect_dma source(%arg10 : memref<120x128xf32, #tpu.memory_space<vmem>>) target(%dma_start3A_168 : memref<10240x128xf32, #tpu.memory_space<vmem_shared>>) offsets(%dma_start3A_165 : memref<120xi32, #tpu.memory_space<vmem>>) semaphore(%arg16 : memref<!tpu.dma_semaphore, #tpu.memory_space<semaphore_mem>>) {add = true}
      %dma_wait3A_169 = arith.constant 0 : i32
      %dma_wait3A_170 = arith.constant 1 : i32
      %dma_wait3A_171 = arith.constant 0 : i32
      %dma_wait3A_172 = tpu.memref_slice %arg6[%dma_wait3A_169, %dma_wait3A_170, %dma_wait3A_171] : memref<1x2x120xi32, #tpu.memory_space<vmem>> -> memref<1x1x120xi32, #tpu.memory_space<vmem>>
      %dma_wait3A_173 = tpu.memref_squeeze %dma_wait3A_172 : memref<1x1x120xi32, #tpu.memory_space<vmem>> -> memref<120xi32, #tpu.memory_space<vmem>>
      %dma_wait3A_174 = arith.constant 0 : i32
      %dma_wait3A_175 = arith.constant 0 : i32
      %dma_wait3A_176 = tpu.memref_slice %arg18[%dma_wait3A_174, %dma_wait3A_175] : memref<10240x128xf32, #tpu.memory_space<vmem_shared>> -> memref<10240x128xf32, #tpu.memory_space<vmem_shared>>
      tpu.wait_indirect_dma semaphore(%arg15 : memref<!tpu.dma_semaphore, #tpu.memory_space<semaphore_mem>>) src(%arg9 : memref<120x128xf32, #tpu.memory_space<vmem>>) dst(%dma_wait3A_176 : memref<10240x128xf32, #tpu.memory_space<vmem_shared>>)
      %add3A_177 = arith.constant 3 : i32
      %add3A_178 = arith.addi %add3A_136, %add3A_177 : i32
      %add3A_179 = arith.constant 0 : i32
      %add3A_180 = arith.addi %add3A_178, %add3A_179 : i32
      %add3A_181 = arith.addi %select_n3A_8, %add3A_180 : i32
      "tpu.region"() ({
        %run_scoped3A = tpu.sem_alloc : memref<!tpu.dma_semaphore, #tpu.memory_space<semaphore_mem>>
        %dma_start3A_248 = arith.constant 0 : i32
        %dma_start3A_249 = arith.constant 0 : i32
        %dma_start3A_250 = tpu.memref_slice %arg3[%add3A_181, %dma_start3A_248, %dma_start3A_249] : memref<2688x2x120xi32, #tpu.memory_space<hbm>> -> memref<1x2x120xi32, #tpu.memory_space<hbm>>
        %dma_start3A_251 = arith.constant 0 : i32
        %dma_start3A_252 = arith.constant 0 : i32
        %dma_start3A_253 = tpu.memref_slice %arg3[%add3A_181, %dma_start3A_251, %dma_start3A_252] : memref<2688x2x120xi32, #tpu.memory_space<hbm>> -> memref<1x2x120xi32, #tpu.memory_space<hbm>>
        tpu.enqueue_dma source(%dma_start3A_253 : memref<1x2x120xi32, #tpu.memory_space<hbm>>) target(%arg6 : memref<1x2x120xi32, #tpu.memory_space<vmem>>) target_semaphore(%run_scoped3A : memref<!tpu.dma_semaphore, #tpu.memory_space<semaphore_mem>>)
        %dma_wait3A_254 = arith.constant 0 : i32
        %dma_wait3A_255 = arith.constant 0 : i32
        %dma_wait3A_256 = tpu.memref_slice %arg3[%add3A_181, %dma_wait3A_254, %dma_wait3A_255] : memref<2688x2x120xi32, #tpu.memory_space<hbm>> -> memref<1x2x120xi32, #tpu.memory_space<hbm>>
        %dma_wait3A_257 = arith.constant 0 : i32
        %dma_wait3A_258 = arith.constant 0 : i32
        %dma_wait3A_259 = tpu.memref_slice %arg3[%add3A_181, %dma_wait3A_257, %dma_wait3A_258] : memref<2688x2x120xi32, #tpu.memory_space<hbm>> -> memref<1x2x120xi32, #tpu.memory_space<hbm>>
        tpu.wait_dma2 semaphore(%run_scoped3A : memref<!tpu.dma_semaphore, #tpu.memory_space<semaphore_mem>>) src(%dma_wait3A_259 : memref<1x2x120xi32, #tpu.memory_space<hbm>>) dst(%arg6 : memref<1x2x120xi32, #tpu.memory_space<vmem>>)
        tpu.yield
      }) : () -> ()
      %dma_start3A_182 = arith.constant 0 : i32
      %dma_start3A_183 = arith.constant 0 : i32
      %dma_start3A_184 = arith.constant 0 : i32
      %dma_start3A_185 = tpu.memref_slice %arg6[%dma_start3A_182, %dma_start3A_183, %dma_start3A_184] : memref<1x2x120xi32, #tpu.memory_space<vmem>> -> memref<1x1x120xi32, #tpu.memory_space<vmem>>
      %dma_start3A_186 = tpu.memref_squeeze %dma_start3A_185 : memref<1x1x120xi32, #tpu.memory_space<vmem>> -> memref<120xi32, #tpu.memory_space<vmem>>
      %dma_start3A_187 = arith.constant 0 : i32
      %dma_start3A_188 = arith.constant 0 : i32
      %dma_start3A_189 = tpu.memref_slice %arg2[%dma_start3A_187, %dma_start3A_188] : memref<10240x128xf32, #tpu.memory_space<hbm>> -> memref<10240x128xf32, #tpu.memory_space<hbm>>
      tpu.enqueue_indirect_dma source(%dma_start3A_189 : memref<10240x128xf32, #tpu.memory_space<hbm>>) target(%arg9 : memref<120x128xf32, #tpu.memory_space<vmem>>) offsets(%dma_start3A_186 : memref<120xi32, #tpu.memory_space<vmem>>) semaphore(%arg12 : memref<!tpu.dma_semaphore, #tpu.memory_space<semaphore_mem>>)
      %dma_wait3A_190 = arith.constant 0 : i32
      %dma_wait3A_191 = arith.constant 0 : i32
      %dma_wait3A_192 = arith.constant 0 : i32
      %dma_wait3A_193 = tpu.memref_slice %arg8[%dma_wait3A_190, %dma_wait3A_191, %dma_wait3A_192] : memref<1x2x120xi32, #tpu.memory_space<vmem>> -> memref<1x1x120xi32, #tpu.memory_space<vmem>>
      %dma_wait3A_194 = tpu.memref_squeeze %dma_wait3A_193 : memref<1x1x120xi32, #tpu.memory_space<vmem>> -> memref<120xi32, #tpu.memory_space<vmem>>
      %dma_wait3A_195 = arith.constant 0 : i32
      %dma_wait3A_196 = arith.constant 0 : i32
      %dma_wait3A_197 = tpu.memref_slice %arg2[%dma_wait3A_195, %dma_wait3A_196] : memref<10240x128xf32, #tpu.memory_space<hbm>> -> memref<10240x128xf32, #tpu.memory_space<hbm>>
      tpu.wait_indirect_dma semaphore(%arg14 : memref<!tpu.dma_semaphore, #tpu.memory_space<semaphore_mem>>) src(%dma_wait3A_197 : memref<10240x128xf32, #tpu.memory_space<hbm>>) dst(%arg11 : memref<120x128xf32, #tpu.memory_space<vmem>>)
      %dma_start3A_198 = arith.constant 0 : i32
      %dma_start3A_199 = arith.constant 1 : i32
      %dma_start3A_200 = arith.constant 0 : i32
      %dma_start3A_201 = tpu.memref_slice %arg8[%dma_start3A_198, %dma_start3A_199, %dma_start3A_200] : memref<1x2x120xi32, #tpu.memory_space<vmem>> -> memref<1x1x120xi32, #tpu.memory_space<vmem>>
      %dma_start3A_202 = tpu.memref_squeeze %dma_start3A_201 : memref<1x1x120xi32, #tpu.memory_space<vmem>> -> memref<120xi32, #tpu.memory_space<vmem>>
      %dma_start3A_203 = arith.constant 0 : i32
      %dma_start3A_204 = arith.constant 0 : i32
      %dma_start3A_205 = tpu.memref_slice %arg18[%dma_start3A_203, %dma_start3A_204] : memref<10240x128xf32, #tpu.memory_space<vmem_shared>> -> memref<10240x128xf32, #tpu.memory_space<vmem_shared>>
      tpu.enqueue_indirect_dma source(%arg11 : memref<120x128xf32, #tpu.memory_space<vmem>>) target(%dma_start3A_205 : memref<10240x128xf32, #tpu.memory_space<vmem_shared>>) offsets(%dma_start3A_202 : memref<120xi32, #tpu.memory_space<vmem>>) semaphore(%arg17 : memref<!tpu.dma_semaphore, #tpu.memory_space<semaphore_mem>>) {add = true}
      %dma_wait3A_206 = arith.constant 0 : i32
      %dma_wait3A_207 = arith.constant 1 : i32
      %dma_wait3A_208 = arith.constant 0 : i32
      %dma_wait3A_209 = tpu.memref_slice %arg7[%dma_wait3A_206, %dma_wait3A_207, %dma_wait3A_208] : memref<1x2x120xi32, #tpu.memory_space<vmem>> -> memref<1x1x120xi32, #tpu.memory_space<vmem>>
      %dma_wait3A_210 = tpu.memref_squeeze %dma_wait3A_209 : memref<1x1x120xi32, #tpu.memory_space<vmem>> -> memref<120xi32, #tpu.memory_space<vmem>>
      %dma_wait3A_211 = arith.constant 0 : i32
      %dma_wait3A_212 = arith.constant 0 : i32
      %dma_wait3A_213 = tpu.memref_slice %arg18[%dma_wait3A_211, %dma_wait3A_212] : memref<10240x128xf32, #tpu.memory_space<vmem_shared>> -> memref<10240x128xf32, #tpu.memory_space<vmem_shared>>
      tpu.wait_indirect_dma semaphore(%arg16 : memref<!tpu.dma_semaphore, #tpu.memory_space<semaphore_mem>>) src(%arg10 : memref<120x128xf32, #tpu.memory_space<vmem>>) dst(%dma_wait3A_213 : memref<10240x128xf32, #tpu.memory_space<vmem_shared>>)
      %add3A_214 = arith.constant 3 : i32
      %add3A_215 = arith.addi %add3A_136, %add3A_214 : i32
      %add3A_216 = arith.constant 1 : i32
      %add3A_217 = arith.addi %add3A_215, %add3A_216 : i32
      %add3A_218 = arith.addi %select_n3A_8, %add3A_217 : i32
      "tpu.region"() ({
        %run_scoped3A = tpu.sem_alloc : memref<!tpu.dma_semaphore, #tpu.memory_space<semaphore_mem>>
        %dma_start3A_248 = arith.constant 0 : i32
        %dma_start3A_249 = arith.constant 0 : i32
        %dma_start3A_250 = tpu.memref_slice %arg3[%add3A_218, %dma_start3A_248, %dma_start3A_249] : memref<2688x2x120xi32, #tpu.memory_space<hbm>> -> memref<1x2x120xi32, #tpu.memory_space<hbm>>
        %dma_start3A_251 = arith.constant 0 : i32
        %dma_start3A_252 = arith.constant 0 : i32
        %dma_start3A_253 = tpu.memref_slice %arg3[%add3A_218, %dma_start3A_251, %dma_start3A_252] : memref<2688x2x120xi32, #tpu.memory_space<hbm>> -> memref<1x2x120xi32, #tpu.memory_space<hbm>>
        tpu.enqueue_dma source(%dma_start3A_253 : memref<1x2x120xi32, #tpu.memory_space<hbm>>) target(%arg7 : memref<1x2x120xi32, #tpu.memory_space<vmem>>) target_semaphore(%run_scoped3A : memref<!tpu.dma_semaphore, #tpu.memory_space<semaphore_mem>>)
        %dma_wait3A_254 = arith.constant 0 : i32
        %dma_wait3A_255 = arith.constant 0 : i32
        %dma_wait3A_256 = tpu.memref_slice %arg3[%add3A_218, %dma_wait3A_254, %dma_wait3A_255] : memref<2688x2x120xi32, #tpu.memory_space<hbm>> -> memref<1x2x120xi32, #tpu.memory_space<hbm>>
        %dma_wait3A_257 = arith.constant 0 : i32
        %dma_wait3A_258 = arith.constant 0 : i32
        %dma_wait3A_259 = tpu.memref_slice %arg3[%add3A_218, %dma_wait3A_257, %dma_wait3A_258] : memref<2688x2x120xi32, #tpu.memory_space<hbm>> -> memref<1x2x120xi32, #tpu.memory_space<hbm>>
        tpu.wait_dma2 semaphore(%run_scoped3A : memref<!tpu.dma_semaphore, #tpu.memory_space<semaphore_mem>>) src(%dma_wait3A_259 : memref<1x2x120xi32, #tpu.memory_space<hbm>>) dst(%arg7 : memref<1x2x120xi32, #tpu.memory_space<vmem>>)
        tpu.yield
      }) : () -> ()
      %dma_start3A_219 = arith.constant 0 : i32
      %dma_start3A_220 = arith.constant 0 : i32
      %dma_start3A_221 = arith.constant 0 : i32
      %dma_start3A_222 = tpu.memref_slice %arg7[%dma_start3A_219, %dma_start3A_220, %dma_start3A_221] : memref<1x2x120xi32, #tpu.memory_space<vmem>> -> memref<1x1x120xi32, #tpu.memory_space<vmem>>
      %dma_start3A_223 = tpu.memref_squeeze %dma_start3A_222 : memref<1x1x120xi32, #tpu.memory_space<vmem>> -> memref<120xi32, #tpu.memory_space<vmem>>
      %dma_start3A_224 = arith.constant 0 : i32
      %dma_start3A_225 = arith.constant 0 : i32
      %dma_start3A_226 = tpu.memref_slice %arg2[%dma_start3A_224, %dma_start3A_225] : memref<10240x128xf32, #tpu.memory_space<hbm>> -> memref<10240x128xf32, #tpu.memory_space<hbm>>
      tpu.enqueue_indirect_dma source(%dma_start3A_226 : memref<10240x128xf32, #tpu.memory_space<hbm>>) target(%arg10 : memref<120x128xf32, #tpu.memory_space<vmem>>) offsets(%dma_start3A_223 : memref<120xi32, #tpu.memory_space<vmem>>) semaphore(%arg13 : memref<!tpu.dma_semaphore, #tpu.memory_space<semaphore_mem>>)
      %dma_wait3A_227 = arith.constant 0 : i32
      %dma_wait3A_228 = arith.constant 1 : i32
      %dma_wait3A_229 = arith.constant 0 : i32
      %dma_wait3A_230 = tpu.memref_slice %arg8[%dma_wait3A_227, %dma_wait3A_228, %dma_wait3A_229] : memref<1x2x120xi32, #tpu.memory_space<vmem>> -> memref<1x1x120xi32, #tpu.memory_space<vmem>>
      %dma_wait3A_231 = tpu.memref_squeeze %dma_wait3A_230 : memref<1x1x120xi32, #tpu.memory_space<vmem>> -> memref<120xi32, #tpu.memory_space<vmem>>
      %dma_wait3A_232 = arith.constant 0 : i32
      %dma_wait3A_233 = arith.constant 0 : i32
      %dma_wait3A_234 = tpu.memref_slice %arg18[%dma_wait3A_232, %dma_wait3A_233] : memref<10240x128xf32, #tpu.memory_space<vmem_shared>> -> memref<10240x128xf32, #tpu.memory_space<vmem_shared>>
      tpu.wait_indirect_dma semaphore(%arg17 : memref<!tpu.dma_semaphore, #tpu.memory_space<semaphore_mem>>) src(%arg11 : memref<120x128xf32, #tpu.memory_space<vmem>>) dst(%dma_wait3A_234 : memref<10240x128xf32, #tpu.memory_space<vmem_shared>>)
      %add3A_235 = arith.constant 3 : i32
      %add3A_236 = arith.addi %add3A_136, %add3A_235 : i32
      %add3A_237 = arith.constant 2 : i32
      %add3A_238 = arith.addi %add3A_236, %add3A_237 : i32
      %add3A_239 = arith.addi %select_n3A_8, %add3A_238 : i32
      "tpu.region"() ({
        %run_scoped3A = tpu.sem_alloc : memref<!tpu.dma_semaphore, #tpu.memory_space<semaphore_mem>>
        %dma_start3A_248 = arith.constant 0 : i32
        %dma_start3A_249 = arith.constant 0 : i32
        %dma_start3A_250 = tpu.memref_slice %arg3[%add3A_239, %dma_start3A_248, %dma_start3A_249] : memref<2688x2x120xi32, #tpu.memory_space<hbm>> -> memref<1x2x120xi32, #tpu.memory_space<hbm>>
        %dma_start3A_251 = arith.constant 0 : i32
        %dma_start3A_252 = arith.constant 0 : i32
        %dma_start3A_253 = tpu.memref_slice %arg3[%add3A_239, %dma_start3A_251, %dma_start3A_252] : memref<2688x2x120xi32, #tpu.memory_space<hbm>> -> memref<1x2x120xi32, #tpu.memory_space<hbm>>
        tpu.enqueue_dma source(%dma_start3A_253 : memref<1x2x120xi32, #tpu.memory_space<hbm>>) target(%arg8 : memref<1x2x120xi32, #tpu.memory_space<vmem>>) target_semaphore(%run_scoped3A : memref<!tpu.dma_semaphore, #tpu.memory_space<semaphore_mem>>)
        %dma_wait3A_254 = arith.constant 0 : i32
        %dma_wait3A_255 = arith.constant 0 : i32
        %dma_wait3A_256 = tpu.memref_slice %arg3[%add3A_239, %dma_wait3A_254, %dma_wait3A_255] : memref<2688x2x120xi32, #tpu.memory_space<hbm>> -> memref<1x2x120xi32, #tpu.memory_space<hbm>>
        %dma_wait3A_257 = arith.constant 0 : i32
        %dma_wait3A_258 = arith.constant 0 : i32
        %dma_wait3A_259 = tpu.memref_slice %arg3[%add3A_239, %dma_wait3A_257, %dma_wait3A_258] : memref<2688x2x120xi32, #tpu.memory_space<hbm>> -> memref<1x2x120xi32, #tpu.memory_space<hbm>>
        tpu.wait_dma2 semaphore(%run_scoped3A : memref<!tpu.dma_semaphore, #tpu.memory_space<semaphore_mem>>) src(%dma_wait3A_259 : memref<1x2x120xi32, #tpu.memory_space<hbm>>) dst(%arg8 : memref<1x2x120xi32, #tpu.memory_space<vmem>>)
        tpu.yield
      }) : () -> ()
      %dma_start3A_240 = arith.constant 0 : i32
      %dma_start3A_241 = arith.constant 0 : i32
      %dma_start3A_242 = arith.constant 0 : i32
      %dma_start3A_243 = tpu.memref_slice %arg8[%dma_start3A_240, %dma_start3A_241, %dma_start3A_242] : memref<1x2x120xi32, #tpu.memory_space<vmem>> -> memref<1x1x120xi32, #tpu.memory_space<vmem>>
      %dma_start3A_244 = tpu.memref_squeeze %dma_start3A_243 : memref<1x1x120xi32, #tpu.memory_space<vmem>> -> memref<120xi32, #tpu.memory_space<vmem>>
      %dma_start3A_245 = arith.constant 0 : i32
      %dma_start3A_246 = arith.constant 0 : i32
      %dma_start3A_247 = tpu.memref_slice %arg2[%dma_start3A_245, %dma_start3A_246] : memref<10240x128xf32, #tpu.memory_space<hbm>> -> memref<10240x128xf32, #tpu.memory_space<hbm>>
      tpu.enqueue_indirect_dma source(%dma_start3A_247 : memref<10240x128xf32, #tpu.memory_space<hbm>>) target(%arg11 : memref<120x128xf32, #tpu.memory_space<vmem>>) offsets(%dma_start3A_244 : memref<120xi32, #tpu.memory_space<vmem>>) semaphore(%arg14 : memref<!tpu.dma_semaphore, #tpu.memory_space<semaphore_mem>>)
    }
    %dma_wait3A = arith.constant 0 : i32
    %dma_wait3A_58 = arith.constant 0 : i32
    %dma_wait3A_59 = arith.constant 0 : i32
    %dma_wait3A_60 = tpu.memref_slice %arg6[%dma_wait3A, %dma_wait3A_58, %dma_wait3A_59] : memref<1x2x120xi32, #tpu.memory_space<vmem>> -> memref<1x1x120xi32, #tpu.memory_space<vmem>>
    %dma_wait3A_61 = tpu.memref_squeeze %dma_wait3A_60 : memref<1x1x120xi32, #tpu.memory_space<vmem>> -> memref<120xi32, #tpu.memory_space<vmem>>
    %dma_wait3A_62 = arith.constant 0 : i32
    %dma_wait3A_63 = arith.constant 0 : i32
    %dma_wait3A_64 = tpu.memref_slice %arg2[%dma_wait3A_62, %dma_wait3A_63] : memref<10240x128xf32, #tpu.memory_space<hbm>> -> memref<10240x128xf32, #tpu.memory_space<hbm>>
    tpu.wait_indirect_dma semaphore(%arg12 : memref<!tpu.dma_semaphore, #tpu.memory_space<semaphore_mem>>) src(%dma_wait3A_64 : memref<10240x128xf32, #tpu.memory_space<hbm>>) dst(%arg9 : memref<120x128xf32, #tpu.memory_space<vmem>>)
    %dma_start3A_65 = arith.constant 0 : i32
    %dma_start3A_66 = arith.constant 1 : i32
    %dma_start3A_67 = arith.constant 0 : i32
    %dma_start3A_68 = tpu.memref_slice %arg6[%dma_start3A_65, %dma_start3A_66, %dma_start3A_67] : memref<1x2x120xi32, #tpu.memory_space<vmem>> -> memref<1x1x120xi32, #tpu.memory_space<vmem>>
    %dma_start3A_69 = tpu.memref_squeeze %dma_start3A_68 : memref<1x1x120xi32, #tpu.memory_space<vmem>> -> memref<120xi32, #tpu.memory_space<vmem>>
    %dma_start3A_70 = arith.constant 0 : i32
    %dma_start3A_71 = arith.constant 0 : i32
    %dma_start3A_72 = tpu.memref_slice %arg18[%dma_start3A_70, %dma_start3A_71] : memref<10240x128xf32, #tpu.memory_space<vmem_shared>> -> memref<10240x128xf32, #tpu.memory_space<vmem_shared>>
    tpu.enqueue_indirect_dma source(%arg9 : memref<120x128xf32, #tpu.memory_space<vmem>>) target(%dma_start3A_72 : memref<10240x128xf32, #tpu.memory_space<vmem_shared>>) offsets(%dma_start3A_69 : memref<120xi32, #tpu.memory_space<vmem>>) semaphore(%arg15 : memref<!tpu.dma_semaphore, #tpu.memory_space<semaphore_mem>>) {add = true}
    %dma_wait3A_73 = arith.constant 0 : i32
    %dma_wait3A_74 = arith.constant 0 : i32
    %dma_wait3A_75 = arith.constant 0 : i32
    %dma_wait3A_76 = tpu.memref_slice %arg7[%dma_wait3A_73, %dma_wait3A_74, %dma_wait3A_75] : memref<1x2x120xi32, #tpu.memory_space<vmem>> -> memref<1x1x120xi32, #tpu.memory_space<vmem>>
    %dma_wait3A_77 = tpu.memref_squeeze %dma_wait3A_76 : memref<1x1x120xi32, #tpu.memory_space<vmem>> -> memref<120xi32, #tpu.memory_space<vmem>>
    %dma_wait3A_78 = arith.constant 0 : i32
    %dma_wait3A_79 = arith.constant 0 : i32
    %dma_wait3A_80 = tpu.memref_slice %arg2[%dma_wait3A_78, %dma_wait3A_79] : memref<10240x128xf32, #tpu.memory_space<hbm>> -> memref<10240x128xf32, #tpu.memory_space<hbm>>
    tpu.wait_indirect_dma semaphore(%arg13 : memref<!tpu.dma_semaphore, #tpu.memory_space<semaphore_mem>>) src(%dma_wait3A_80 : memref<10240x128xf32, #tpu.memory_space<hbm>>) dst(%arg10 : memref<120x128xf32, #tpu.memory_space<vmem>>)
    %dma_start3A_81 = arith.constant 0 : i32
    %dma_start3A_82 = arith.constant 1 : i32
    %dma_start3A_83 = arith.constant 0 : i32
    %dma_start3A_84 = tpu.memref_slice %arg7[%dma_start3A_81, %dma_start3A_82, %dma_start3A_83] : memref<1x2x120xi32, #tpu.memory_space<vmem>> -> memref<1x1x120xi32, #tpu.memory_space<vmem>>
    %dma_start3A_85 = tpu.memref_squeeze %dma_start3A_84 : memref<1x1x120xi32, #tpu.memory_space<vmem>> -> memref<120xi32, #tpu.memory_space<vmem>>
    %dma_start3A_86 = arith.constant 0 : i32
    %dma_start3A_87 = arith.constant 0 : i32
    %dma_start3A_88 = tpu.memref_slice %arg18[%dma_start3A_86, %dma_start3A_87] : memref<10240x128xf32, #tpu.memory_space<vmem_shared>> -> memref<10240x128xf32, #tpu.memory_space<vmem_shared>>
    tpu.enqueue_indirect_dma source(%arg10 : memref<120x128xf32, #tpu.memory_space<vmem>>) target(%dma_start3A_88 : memref<10240x128xf32, #tpu.memory_space<vmem_shared>>) offsets(%dma_start3A_85 : memref<120xi32, #tpu.memory_space<vmem>>) semaphore(%arg16 : memref<!tpu.dma_semaphore, #tpu.memory_space<semaphore_mem>>) {add = true}
    %dma_wait3A_89 = arith.constant 0 : i32
    %dma_wait3A_90 = arith.constant 0 : i32
    %dma_wait3A_91 = arith.constant 0 : i32
    %dma_wait3A_92 = tpu.memref_slice %arg8[%dma_wait3A_89, %dma_wait3A_90, %dma_wait3A_91] : memref<1x2x120xi32, #tpu.memory_space<vmem>> -> memref<1x1x120xi32, #tpu.memory_space<vmem>>
    %dma_wait3A_93 = tpu.memref_squeeze %dma_wait3A_92 : memref<1x1x120xi32, #tpu.memory_space<vmem>> -> memref<120xi32, #tpu.memory_space<vmem>>
    %dma_wait3A_94 = arith.constant 0 : i32
    %dma_wait3A_95 = arith.constant 0 : i32
    %dma_wait3A_96 = tpu.memref_slice %arg2[%dma_wait3A_94, %dma_wait3A_95] : memref<10240x128xf32, #tpu.memory_space<hbm>> -> memref<10240x128xf32, #tpu.memory_space<hbm>>
    tpu.wait_indirect_dma semaphore(%arg14 : memref<!tpu.dma_semaphore, #tpu.memory_space<semaphore_mem>>) src(%dma_wait3A_96 : memref<10240x128xf32, #tpu.memory_space<hbm>>) dst(%arg11 : memref<120x128xf32, #tpu.memory_space<vmem>>)
    %dma_start3A_97 = arith.constant 0 : i32
    %dma_start3A_98 = arith.constant 1 : i32
    %dma_start3A_99 = arith.constant 0 : i32
    %dma_start3A_100 = tpu.memref_slice %arg8[%dma_start3A_97, %dma_start3A_98, %dma_start3A_99] : memref<1x2x120xi32, #tpu.memory_space<vmem>> -> memref<1x1x120xi32, #tpu.memory_space<vmem>>
    %dma_start3A_101 = tpu.memref_squeeze %dma_start3A_100 : memref<1x1x120xi32, #tpu.memory_space<vmem>> -> memref<120xi32, #tpu.memory_space<vmem>>
    %dma_start3A_102 = arith.constant 0 : i32
    %dma_start3A_103 = arith.constant 0 : i32
    %dma_start3A_104 = tpu.memref_slice %arg18[%dma_start3A_102, %dma_start3A_103] : memref<10240x128xf32, #tpu.memory_space<vmem_shared>> -> memref<10240x128xf32, #tpu.memory_space<vmem_shared>>
    tpu.enqueue_indirect_dma source(%arg11 : memref<120x128xf32, #tpu.memory_space<vmem>>) target(%dma_start3A_104 : memref<10240x128xf32, #tpu.memory_space<vmem_shared>>) offsets(%dma_start3A_101 : memref<120xi32, #tpu.memory_space<vmem>>) semaphore(%arg17 : memref<!tpu.dma_semaphore, #tpu.memory_space<semaphore_mem>>) {add = true}
    %dma_wait3A_105 = arith.constant 0 : i32
    %dma_wait3A_106 = arith.constant 1 : i32
    %dma_wait3A_107 = arith.constant 0 : i32
    %dma_wait3A_108 = tpu.memref_slice %arg6[%dma_wait3A_105, %dma_wait3A_106, %dma_wait3A_107] : memref<1x2x120xi32, #tpu.memory_space<vmem>> -> memref<1x1x120xi32, #tpu.memory_space<vmem>>
    %dma_wait3A_109 = tpu.memref_squeeze %dma_wait3A_108 : memref<1x1x120xi32, #tpu.memory_space<vmem>> -> memref<120xi32, #tpu.memory_space<vmem>>
    %dma_wait3A_110 = arith.constant 0 : i32
    %dma_wait3A_111 = arith.constant 0 : i32
    %dma_wait3A_112 = tpu.memref_slice %arg18[%dma_wait3A_110, %dma_wait3A_111] : memref<10240x128xf32, #tpu.memory_space<vmem_shared>> -> memref<10240x128xf32, #tpu.memory_space<vmem_shared>>
    tpu.wait_indirect_dma semaphore(%arg15 : memref<!tpu.dma_semaphore, #tpu.memory_space<semaphore_mem>>) src(%arg9 : memref<120x128xf32, #tpu.memory_space<vmem>>) dst(%dma_wait3A_112 : memref<10240x128xf32, #tpu.memory_space<vmem_shared>>)
    %dma_wait3A_113 = arith.constant 0 : i32
    %dma_wait3A_114 = arith.constant 1 : i32
    %dma_wait3A_115 = arith.constant 0 : i32
    %dma_wait3A_116 = tpu.memref_slice %arg7[%dma_wait3A_113, %dma_wait3A_114, %dma_wait3A_115] : memref<1x2x120xi32, #tpu.memory_space<vmem>> -> memref<1x1x120xi32, #tpu.memory_space<vmem>>
    %dma_wait3A_117 = tpu.memref_squeeze %dma_wait3A_116 : memref<1x1x120xi32, #tpu.memory_space<vmem>> -> memref<120xi32, #tpu.memory_space<vmem>>
    %dma_wait3A_118 = arith.constant 0 : i32
    %dma_wait3A_119 = arith.constant 0 : i32
    %dma_wait3A_120 = tpu.memref_slice %arg18[%dma_wait3A_118, %dma_wait3A_119] : memref<10240x128xf32, #tpu.memory_space<vmem_shared>> -> memref<10240x128xf32, #tpu.memory_space<vmem_shared>>
    tpu.wait_indirect_dma semaphore(%arg16 : memref<!tpu.dma_semaphore, #tpu.memory_space<semaphore_mem>>) src(%arg10 : memref<120x128xf32, #tpu.memory_space<vmem>>) dst(%dma_wait3A_120 : memref<10240x128xf32, #tpu.memory_space<vmem_shared>>)
    %dma_wait3A_121 = arith.constant 0 : i32
    %dma_wait3A_122 = arith.constant 1 : i32
    %dma_wait3A_123 = arith.constant 0 : i32
    %dma_wait3A_124 = tpu.memref_slice %arg8[%dma_wait3A_121, %dma_wait3A_122, %dma_wait3A_123] : memref<1x2x120xi32, #tpu.memory_space<vmem>> -> memref<1x1x120xi32, #tpu.memory_space<vmem>>
    %dma_wait3A_125 = tpu.memref_squeeze %dma_wait3A_124 : memref<1x1x120xi32, #tpu.memory_space<vmem>> -> memref<120xi32, #tpu.memory_space<vmem>>
    %dma_wait3A_126 = arith.constant 0 : i32
    %dma_wait3A_127 = arith.constant 0 : i32
    %dma_wait3A_128 = tpu.memref_slice %arg18[%dma_wait3A_126, %dma_wait3A_127] : memref<10240x128xf32, #tpu.memory_space<vmem_shared>> -> memref<10240x128xf32, #tpu.memory_space<vmem_shared>>
    tpu.wait_indirect_dma semaphore(%arg17 : memref<!tpu.dma_semaphore, #tpu.memory_space<semaphore_mem>>) src(%arg11 : memref<120x128xf32, #tpu.memory_space<vmem>>) dst(%dma_wait3A_128 : memref<10240x128xf32, #tpu.memory_space<vmem_shared>>)
    %barrier3A_129 = arith.constant 0 : index
    tpu.barrier barrier_id(%barrier3A_129)
    %mul3A_130 = arith.constant 640 : i32
    %mul3A_131 = arith.muli %arg1, %mul3A_130 : i32
    %mul3A_132 = arith.constant 640 : i32
    %mul3A_133 = arith.muli %arg1, %mul3A_132 : i32
    "tpu.region"() ({
      %run_scoped3A = tpu.sem_alloc : memref<!tpu.dma_semaphore, #tpu.memory_space<semaphore_mem>>
      %dma_start3A_134 = arith.constant 0 : i32
      %dma_start3A_135 = tpu.memref_slice %arg5[%arg0, %mul3A_133, %dma_start3A_134] : memref<2x10240x128xf32, #tpu.memory_space<hbm>> -> memref<1x640x128xf32, #tpu.memory_space<hbm>>
      %dma_start3A_136 = tpu.memref_squeeze %dma_start3A_135 : memref<1x640x128xf32, #tpu.memory_space<hbm>> -> memref<640x128xf32, #tpu.memory_space<hbm>>
      %dma_start3A_137 = arith.constant 0 : i32
      %dma_start3A_138 = tpu.memref_slice %arg18[%mul3A_131, %dma_start3A_137] : memref<10240x128xf32, #tpu.memory_space<vmem_shared>> -> memref<640x128xf32, #tpu.memory_space<vmem_shared>>
      tpu.enqueue_dma source(%dma_start3A_138 : memref<640x128xf32, #tpu.memory_space<vmem_shared>>) target(%dma_start3A_136 : memref<640x128xf32, #tpu.memory_space<hbm>>) target_semaphore(%run_scoped3A : memref<!tpu.dma_semaphore, #tpu.memory_space<semaphore_mem>>)
      %dma_wait3A_139 = arith.constant 0 : i32
      %dma_wait3A_140 = tpu.memref_slice %arg5[%arg0, %mul3A_133, %dma_wait3A_139] : memref<2x10240x128xf32, #tpu.memory_space<hbm>> -> memref<1x640x128xf32, #tpu.memory_space<hbm>>
      %dma_wait3A_141 = tpu.memref_squeeze %dma_wait3A_140 : memref<1x640x128xf32, #tpu.memory_space<hbm>> -> memref<640x128xf32, #tpu.memory_space<hbm>>
      %dma_wait3A_142 = arith.constant 0 : i32
      %dma_wait3A_143 = tpu.memref_slice %arg18[%mul3A_131, %dma_wait3A_142] : memref<10240x128xf32, #tpu.memory_space<vmem_shared>> -> memref<640x128xf32, #tpu.memory_space<vmem_shared>>
      tpu.wait_dma2 semaphore(%run_scoped3A : memref<!tpu.dma_semaphore, #tpu.memory_space<semaphore_mem>>) src(%dma_wait3A_143 : memref<640x128xf32, #tpu.memory_space<vmem_shared>>) dst(%dma_wait3A_141 : memref<640x128xf32, #tpu.memory_space<hbm>>)
      tpu.yield
    }) : () -> ()
    return
  }
}

#map = affine_map<(d0, d1) -> (0, 0)>
#map1 = affine_map<(d0, d1) -> (0, 0, 0)>
module attributes {stable_mosaic.version = 14 : i64} {
  func.func @_sc_edge_scatter_body(%arg0: i32, %arg1: i32, %arg2: memref<10240x128xf32, #tpu.memory_space<hbm>>, %arg3: memref<2688x2x120xi32, #tpu.memory_space<hbm>>, %arg4: memref<640x128xf32, #tpu.memory_space<hbm>>, %arg5: memref<2x10240x128xf32, #tpu.memory_space<hbm>>, %arg6: memref<1x2x120xi32, #tpu.memory_space<vmem>>, %arg7: memref<1x2x120xi32, #tpu.memory_space<vmem>>, %arg8: memref<1x2x120xi32, #tpu.memory_space<vmem>>, %arg9: memref<120x128xf32, #tpu.memory_space<vmem>>, %arg10: memref<120x128xf32, #tpu.memory_space<vmem>>, %arg11: memref<120x128xf32, #tpu.memory_space<vmem>>, %arg12: memref<!tpu.dma_semaphore, #tpu.memory_space<semaphore_mem>>, %arg13: memref<!tpu.dma_semaphore, #tpu.memory_space<semaphore_mem>>, %arg14: memref<!tpu.dma_semaphore, #tpu.memory_space<semaphore_mem>>, %arg15: memref<!tpu.dma_semaphore, #tpu.memory_space<semaphore_mem>>, %arg16: memref<!tpu.dma_semaphore, #tpu.memory_space<semaphore_mem>>, %arg17: memref<!tpu.dma_semaphore, #tpu.memory_space<semaphore_mem>>, %arg18: memref<10240x128xf32, #tpu.memory_space<vmem_shared>>) attributes {dimension_semantics = [#tpu.dimension_semantics<core_parallel>, #tpu.dimension_semantics<subcore_parallel>], iteration_bounds = array<i64: 2, 16>, scalar_prefetch = 0 : i64, scratch_operands = 13 : i64, tpu.core_type = #tpu.core_type<sc_vector_subcore>, window_params = [{transform_indices = #map}, {transform_indices = #map1}, {transform_indices = #map}, {transform_indices = #map1}]} {
    %eq3A = arith.constant 0 : i32
    %eq3A_0 = arith.cmpi eq, %arg0, %eq3A : i32
    %jit3A = arith.constant 147 : i32
    %jit3A_1 = arith.constant 21 : i32
    %select_n3A = arith.select %eq3A_0, %jit3A, %jit3A_1 : i32
    %eq3A_2 = arith.constant 0 : i32
    %eq3A_3 = arith.cmpi eq, %arg0, %eq3A_2 : i32
    %mul3A = arith.constant 147 : i32
    %mul3A_4 = arith.muli %arg1, %mul3A : i32
    %mul3A_5 = arith.constant 21 : i32
    %mul3A_6 = arith.muli %arg1, %mul3A_5 : i32
    %add3A = arith.constant 2352 : i32
    %add3A_7 = arith.addi %add3A, %mul3A_6 : i32
    %select_n3A_8 = arith.select %eq3A_3, %mul3A_4, %add3A_7 : i32
    %mul3A_9 = arith.constant 640 : i32
    %mul3A_10 = arith.muli %arg1, %mul3A_9 : i32
    "tpu.region"() ({
      %run_scoped3A = tpu.sem_alloc : memref<!tpu.dma_semaphore, #tpu.memory_space<semaphore_mem>>
      %dma_start3A_134 = arith.constant 0 : i32
      %dma_start3A_135 = tpu.memref_slice %arg18[%mul3A_10, %dma_start3A_134] : memref<10240x128xf32, #tpu.memory_space<vmem_shared>> -> memref<640x128xf32, #tpu.memory_space<vmem_shared>>
      tpu.enqueue_dma source(%arg4 : memref<640x128xf32, #tpu.memory_space<hbm>>) target(%dma_start3A_135 : memref<640x128xf32, #tpu.memory_space<vmem_shared>>) target_semaphore(%run_scoped3A : memref<!tpu.dma_semaphore, #tpu.memory_space<semaphore_mem>>)
      %dma_wait3A_136 = arith.constant 0 : i32
      %dma_wait3A_137 = tpu.memref_slice %arg18[%mul3A_10, %dma_wait3A_136] : memref<10240x128xf32, #tpu.memory_space<vmem_shared>> -> memref<640x128xf32, #tpu.memory_space<vmem_shared>>
      tpu.wait_dma2 semaphore(%run_scoped3A : memref<!tpu.dma_semaphore, #tpu.memory_space<semaphore_mem>>) src(%arg4 : memref<640x128xf32, #tpu.memory_space<hbm>>) dst(%dma_wait3A_137 : memref<640x128xf32, #tpu.memory_space<vmem_shared>>)
      tpu.yield
    }) : () -> ()
    %barrier3A = arith.constant 0 : index
    tpu.barrier barrier_id(%barrier3A)
    %add3A_11 = arith.constant 0 : i32
    %add3A_12 = arith.addi %select_n3A_8, %add3A_11 : i32
    "tpu.region"() ({
      %run_scoped3A = tpu.sem_alloc : memref<!tpu.dma_semaphore, #tpu.memory_space<semaphore_mem>>
      %dma_start3A_134 = arith.constant 0 : i32
      %dma_start3A_135 = arith.constant 0 : i32
      %dma_start3A_136 = tpu.memref_slice %arg3[%add3A_12, %dma_start3A_134, %dma_start3A_135] : memref<2688x2x120xi32, #tpu.memory_space<hbm>> -> memref<1x2x120xi32, #tpu.memory_space<hbm>>
      %dma_start3A_137 = arith.constant 0 : i32
      %dma_start3A_138 = arith.constant 0 : i32
      %dma_start3A_139 = tpu.memref_slice %arg3[%add3A_12, %dma_start3A_137, %dma_start3A_138] : memref<2688x2x120xi32, #tpu.memory_space<hbm>> -> memref<1x2x120xi32, #tpu.memory_space<hbm>>
      tpu.enqueue_dma source(%dma_start3A_139 : memref<1x2x120xi32, #tpu.memory_space<hbm>>) target(%arg6 : memref<1x2x120xi32, #tpu.memory_space<vmem>>) target_semaphore(%run_scoped3A : memref<!tpu.dma_semaphore, #tpu.memory_space<semaphore_mem>>)
      %dma_wait3A_140 = arith.constant 0 : i32
      %dma_wait3A_141 = arith.constant 0 : i32
      %dma_wait3A_142 = tpu.memref_slice %arg3[%add3A_12, %dma_wait3A_140, %dma_wait3A_141] : memref<2688x2x120xi32, #tpu.memory_space<hbm>> -> memref<1x2x120xi32, #tpu.memory_space<hbm>>
      %dma_wait3A_143 = arith.constant 0 : i32
      %dma_wait3A_144 = arith.constant 0 : i32
      %dma_wait3A_145 = tpu.memref_slice %arg3[%add3A_12, %dma_wait3A_143, %dma_wait3A_144] : memref<2688x2x120xi32, #tpu.memory_space<hbm>> -> memref<1x2x120xi32, #tpu.memory_space<hbm>>
      tpu.wait_dma2 semaphore(%run_scoped3A : memref<!tpu.dma_semaphore, #tpu.memory_space<semaphore_mem>>) src(%dma_wait3A_145 : memref<1x2x120xi32, #tpu.memory_space<hbm>>) dst(%arg6 : memref<1x2x120xi32, #tpu.memory_space<vmem>>)
      tpu.yield
    }) : () -> ()
    %dma_start3A = arith.constant 0 : i32
    %dma_start3A_13 = arith.constant 0 : i32
    %dma_start3A_14 = arith.constant 0 : i32
    %dma_start3A_15 = tpu.memref_slice %arg6[%dma_start3A, %dma_start3A_13, %dma_start3A_14] : memref<1x2x120xi32, #tpu.memory_space<vmem>> -> memref<1x1x120xi32, #tpu.memory_space<vmem>>
    %dma_start3A_16 = tpu.memref_squeeze %dma_start3A_15 : memref<1x1x120xi32, #tpu.memory_space<vmem>> -> memref<120xi32, #tpu.memory_space<vmem>>
    %dma_start3A_17 = arith.constant 0 : i32
    %dma_start3A_18 = arith.constant 0 : i32
    %dma_start3A_19 = tpu.memref_slice %arg2[%dma_start3A_17, %dma_start3A_18] : memref<10240x128xf32, #tpu.memory_space<hbm>> -> memref<10240x128xf32, #tpu.memory_space<hbm>>
    tpu.enqueue_indirect_dma source(%dma_start3A_19 : memref<10240x128xf32, #tpu.memory_space<hbm>>) target(%arg9 : memref<120x128xf32, #tpu.memory_space<vmem>>) offsets(%dma_start3A_16 : memref<120xi32, #tpu.memory_space<vmem>>) semaphore(%arg12 : memref<!tpu.dma_semaphore, #tpu.memory_space<semaphore_mem>>)
    %add3A_20 = arith.constant 1 : i32
    %add3A_21 = arith.addi %select_n3A_8, %add3A_20 : i32
    "tpu.region"() ({
      %run_scoped3A = tpu.sem_alloc : memref<!tpu.dma_semaphore, #tpu.memory_space<semaphore_mem>>
      %dma_start3A_134 = arith.constant 0 : i32
      %dma_start3A_135 = arith.constant 0 : i32
      %dma_start3A_136 = tpu.memref_slice %arg3[%add3A_21, %dma_start3A_134, %dma_start3A_135] : memref<2688x2x120xi32, #tpu.memory_space<hbm>> -> memref<1x2x120xi32, #tpu.memory_space<hbm>>
      %dma_start3A_137 = arith.constant 0 : i32
      %dma_start3A_138 = arith.constant 0 : i32
      %dma_start3A_139 = tpu.memref_slice %arg3[%add3A_21, %dma_start3A_137, %dma_start3A_138] : memref<2688x2x120xi32, #tpu.memory_space<hbm>> -> memref<1x2x120xi32, #tpu.memory_space<hbm>>
      tpu.enqueue_dma source(%dma_start3A_139 : memref<1x2x120xi32, #tpu.memory_space<hbm>>) target(%arg7 : memref<1x2x120xi32, #tpu.memory_space<vmem>>) target_semaphore(%run_scoped3A : memref<!tpu.dma_semaphore, #tpu.memory_space<semaphore_mem>>)
      %dma_wait3A_140 = arith.constant 0 : i32
      %dma_wait3A_141 = arith.constant 0 : i32
      %dma_wait3A_142 = tpu.memref_slice %arg3[%add3A_21, %dma_wait3A_140, %dma_wait3A_141] : memref<2688x2x120xi32, #tpu.memory_space<hbm>> -> memref<1x2x120xi32, #tpu.memory_space<hbm>>
      %dma_wait3A_143 = arith.constant 0 : i32
      %dma_wait3A_144 = arith.constant 0 : i32
      %dma_wait3A_145 = tpu.memref_slice %arg3[%add3A_21, %dma_wait3A_143, %dma_wait3A_144] : memref<2688x2x120xi32, #tpu.memory_space<hbm>> -> memref<1x2x120xi32, #tpu.memory_space<hbm>>
      tpu.wait_dma2 semaphore(%run_scoped3A : memref<!tpu.dma_semaphore, #tpu.memory_space<semaphore_mem>>) src(%dma_wait3A_145 : memref<1x2x120xi32, #tpu.memory_space<hbm>>) dst(%arg7 : memref<1x2x120xi32, #tpu.memory_space<vmem>>)
      tpu.yield
    }) : () -> ()
    %dma_start3A_22 = arith.constant 0 : i32
    %dma_start3A_23 = arith.constant 0 : i32
    %dma_start3A_24 = arith.constant 0 : i32
    %dma_start3A_25 = tpu.memref_slice %arg7[%dma_start3A_22, %dma_start3A_23, %dma_start3A_24] : memref<1x2x120xi32, #tpu.memory_space<vmem>> -> memref<1x1x120xi32, #tpu.memory_space<vmem>>
    %dma_start3A_26 = tpu.memref_squeeze %dma_start3A_25 : memref<1x1x120xi32, #tpu.memory_space<vmem>> -> memref<120xi32, #tpu.memory_space<vmem>>
    %dma_start3A_27 = arith.constant 0 : i32
    %dma_start3A_28 = arith.constant 0 : i32
    %dma_start3A_29 = tpu.memref_slice %arg2[%dma_start3A_27, %dma_start3A_28] : memref<10240x128xf32, #tpu.memory_space<hbm>> -> memref<10240x128xf32, #tpu.memory_space<hbm>>
    tpu.enqueue_indirect_dma source(%dma_start3A_29 : memref<10240x128xf32, #tpu.memory_space<hbm>>) target(%arg10 : memref<120x128xf32, #tpu.memory_space<vmem>>) offsets(%dma_start3A_26 : memref<120xi32, #tpu.memory_space<vmem>>) semaphore(%arg13 : memref<!tpu.dma_semaphore, #tpu.memory_space<semaphore_mem>>)
    %add3A_30 = arith.constant 2 : i32
    %add3A_31 = arith.addi %select_n3A_8, %add3A_30 : i32
    "tpu.region"() ({
      %run_scoped3A = tpu.sem_alloc : memref<!tpu.dma_semaphore, #tpu.memory_space<semaphore_mem>>
      %dma_start3A_134 = arith.constant 0 : i32
      %dma_start3A_135 = arith.constant 0 : i32
      %dma_start3A_136 = tpu.memref_slice %arg3[%add3A_31, %dma_start3A_134, %dma_start3A_135] : memref<2688x2x120xi32, #tpu.memory_space<hbm>> -> memref<1x2x120xi32, #tpu.memory_space<hbm>>
      %dma_start3A_137 = arith.constant 0 : i32
      %dma_start3A_138 = arith.constant 0 : i32
      %dma_start3A_139 = tpu.memref_slice %arg3[%add3A_31, %dma_start3A_137, %dma_start3A_138] : memref<2688x2x120xi32, #tpu.memory_space<hbm>> -> memref<1x2x120xi32, #tpu.memory_space<hbm>>
      tpu.enqueue_dma source(%dma_start3A_139 : memref<1x2x120xi32, #tpu.memory_space<hbm>>) target(%arg8 : memref<1x2x120xi32, #tpu.memory_space<vmem>>) target_semaphore(%run_scoped3A : memref<!tpu.dma_semaphore, #tpu.memory_space<semaphore_mem>>)
      %dma_wait3A_140 = arith.constant 0 : i32
      %dma_wait3A_141 = arith.constant 0 : i32
      %dma_wait3A_142 = tpu.memref_slice %arg3[%add3A_31, %dma_wait3A_140, %dma_wait3A_141] : memref<2688x2x120xi32, #tpu.memory_space<hbm>> -> memref<1x2x120xi32, #tpu.memory_space<hbm>>
      %dma_wait3A_143 = arith.constant 0 : i32
      %dma_wait3A_144 = arith.constant 0 : i32
      %dma_wait3A_145 = tpu.memref_slice %arg3[%add3A_31, %dma_wait3A_143, %dma_wait3A_144] : memref<2688x2x120xi32, #tpu.memory_space<hbm>> -> memref<1x2x120xi32, #tpu.memory_space<hbm>>
      tpu.wait_dma2 semaphore(%run_scoped3A : memref<!tpu.dma_semaphore, #tpu.memory_space<semaphore_mem>>) src(%dma_wait3A_145 : memref<1x2x120xi32, #tpu.memory_space<hbm>>) dst(%arg8 : memref<1x2x120xi32, #tpu.memory_space<vmem>>)
      tpu.yield
    }) : () -> ()
    %dma_start3A_32 = arith.constant 0 : i32
    %dma_start3A_33 = arith.constant 0 : i32
    %dma_start3A_34 = arith.constant 0 : i32
    %dma_start3A_35 = tpu.memref_slice %arg8[%dma_start3A_32, %dma_start3A_33, %dma_start3A_34] : memref<1x2x120xi32, #tpu.memory_space<vmem>> -> memref<1x1x120xi32, #tpu.memory_space<vmem>>
    %dma_start3A_36 = tpu.memref_squeeze %dma_start3A_35 : memref<1x1x120xi32, #tpu.memory_space<vmem>> -> memref<120xi32, #tpu.memory_space<vmem>>
    %dma_start3A_37 = arith.constant 0 : i32
    %dma_start3A_38 = arith.constant 0 : i32
    %dma_start3A_39 = tpu.memref_slice %arg2[%dma_start3A_37, %dma_start3A_38] : memref<10240x128xf32, #tpu.memory_space<hbm>> -> memref<10240x128xf32, #tpu.memory_space<hbm>>
    tpu.enqueue_indirect_dma source(%dma_start3A_39 : memref<10240x128xf32, #tpu.memory_space<hbm>>) target(%arg11 : memref<120x128xf32, #tpu.memory_space<vmem>>) offsets(%dma_start3A_36 : memref<120xi32, #tpu.memory_space<vmem>>) semaphore(%arg14 : memref<!tpu.dma_semaphore, #tpu.memory_space<semaphore_mem>>)
    %sub3A = arith.constant 3 : i32
    %sub3A_40 = arith.subi %select_n3A, %sub3A : i32
    %sub3A_41 = arith.constant 0 : i32
    %sub3A_42 = arith.subi %sub3A_40, %sub3A_41 : i32
    %sub3A_43 = arith.constant 3 : i32
    %sub3A_44 = arith.constant 1 : i32
    %sub3A_45 = arith.subi %sub3A_43, %sub3A_44 : i32
    %add3A_46 = arith.addi %sub3A_42, %sub3A_45 : i32
    %div3A = arith.constant 3 : i32
    %div3A_47 = arith.divsi %add3A_46, %div3A : i32
    %while3A = arith.constant 3 : i32
    %while3A_48 = arith.constant 0 : i32
    %while3A_49 = arith.constant 0 : i32
    %while3A_50 = arith.subi %div3A_47, %while3A_49 : i32
    %while3A_51 = arith.addi %while3A_49, %while3A_50 : i32
    %while3A_52 = arith.constant 1 : i32
    %while3A_53 = arith.divsi %while3A_50, %while3A_52 : i32
    %while3A_54 = arith.muli %while3A_53, %while3A_52 : i32
    %while3A_55 = arith.addi %while3A_49, %while3A_54 : i32
    %while3A_56 = arith.constant 1 : i32
    scf.for %while3A_134 = %while3A_49 to %while3A_55 step %while3A_56  : i32 {
      %mul3A_135 = arith.muli %while3A_134, %while3A : i32
      %add3A_136 = arith.addi %while3A_48, %mul3A_135 : i32
      %dma_wait3A_137 = arith.constant 0 : i32
      %dma_wait3A_138 = arith.constant 0 : i32
      %dma_wait3A_139 = arith.constant 0 : i32
      %dma_wait3A_140 = tpu.memref_slice %arg6[%dma_wait3A_137, %dma_wait3A_138, %dma_wait3A_139] : memref<1x2x120xi32, #tpu.memory_space<vmem>> -> memref<1x1x120xi32, #tpu.memory_space<vmem>>
      %dma_wait3A_141 = tpu.memref_squeeze %dma_wait3A_140 : memref<1x1x120xi32, #tpu.memory_space<vmem>> -> memref<120xi32, #tpu.memory_space<vmem>>
      %dma_wait3A_142 = arith.constant 0 : i32
      %dma_wait3A_143 = arith.constant 0 : i32
      %dma_wait3A_144 = tpu.memref_slice %arg2[%dma_wait3A_142, %dma_wait3A_143] : memref<10240x128xf32, #tpu.memory_space<hbm>> -> memref<10240x128xf32, #tpu.memory_space<hbm>>
      tpu.wait_indirect_dma semaphore(%arg12 : memref<!tpu.dma_semaphore, #tpu.memory_space<semaphore_mem>>) src(%dma_wait3A_144 : memref<10240x128xf32, #tpu.memory_space<hbm>>) dst(%arg9 : memref<120x128xf32, #tpu.memory_space<vmem>>)
      %dma_start3A_145 = arith.constant 0 : i32
      %dma_start3A_146 = arith.constant 1 : i32
      %dma_start3A_147 = arith.constant 0 : i32
      %dma_start3A_148 = tpu.memref_slice %arg6[%dma_start3A_145, %dma_start3A_146, %dma_start3A_147] : memref<1x2x120xi32, #tpu.memory_space<vmem>> -> memref<1x1x120xi32, #tpu.memory_space<vmem>>
      %dma_start3A_149 = tpu.memref_squeeze %dma_start3A_148 : memref<1x1x120xi32, #tpu.memory_space<vmem>> -> memref<120xi32, #tpu.memory_space<vmem>>
      %dma_start3A_150 = arith.constant 0 : i32
      %dma_start3A_151 = arith.constant 0 : i32
      %dma_start3A_152 = tpu.memref_slice %arg18[%dma_start3A_150, %dma_start3A_151] : memref<10240x128xf32, #tpu.memory_space<vmem_shared>> -> memref<10240x128xf32, #tpu.memory_space<vmem_shared>>
      tpu.enqueue_indirect_dma source(%arg9 : memref<120x128xf32, #tpu.memory_space<vmem>>) target(%dma_start3A_152 : memref<10240x128xf32, #tpu.memory_space<vmem_shared>>) offsets(%dma_start3A_149 : memref<120xi32, #tpu.memory_space<vmem>>) semaphore(%arg15 : memref<!tpu.dma_semaphore, #tpu.memory_space<semaphore_mem>>) {add = true}
      %dma_wait3A_153 = arith.constant 0 : i32
      %dma_wait3A_154 = arith.constant 0 : i32
      %dma_wait3A_155 = arith.constant 0 : i32
      %dma_wait3A_156 = tpu.memref_slice %arg7[%dma_wait3A_153, %dma_wait3A_154, %dma_wait3A_155] : memref<1x2x120xi32, #tpu.memory_space<vmem>> -> memref<1x1x120xi32, #tpu.memory_space<vmem>>
      %dma_wait3A_157 = tpu.memref_squeeze %dma_wait3A_156 : memref<1x1x120xi32, #tpu.memory_space<vmem>> -> memref<120xi32, #tpu.memory_space<vmem>>
      %dma_wait3A_158 = arith.constant 0 : i32
      %dma_wait3A_159 = arith.constant 0 : i32
      %dma_wait3A_160 = tpu.memref_slice %arg2[%dma_wait3A_158, %dma_wait3A_159] : memref<10240x128xf32, #tpu.memory_space<hbm>> -> memref<10240x128xf32, #tpu.memory_space<hbm>>
      tpu.wait_indirect_dma semaphore(%arg13 : memref<!tpu.dma_semaphore, #tpu.memory_space<semaphore_mem>>) src(%dma_wait3A_160 : memref<10240x128xf32, #tpu.memory_space<hbm>>) dst(%arg10 : memref<120x128xf32, #tpu.memory_space<vmem>>)
      %dma_start3A_161 = arith.constant 0 : i32
      %dma_start3A_162 = arith.constant 1 : i32
      %dma_start3A_163 = arith.constant 0 : i32
      %dma_start3A_164 = tpu.memref_slice %arg7[%dma_start3A_161, %dma_start3A_162, %dma_start3A_163] : memref<1x2x120xi32, #tpu.memory_space<vmem>> -> memref<1x1x120xi32, #tpu.memory_space<vmem>>
      %dma_start3A_165 = tpu.memref_squeeze %dma_start3A_164 : memref<1x1x120xi32, #tpu.memory_space<vmem>> -> memref<120xi32, #tpu.memory_space<vmem>>
      %dma_start3A_166 = arith.constant 0 : i32
      %dma_start3A_167 = arith.constant 0 : i32
      %dma_start3A_168 = tpu.memref_slice %arg18[%dma_start3A_166, %dma_start3A_167] : memref<10240x128xf32, #tpu.memory_space<vmem_shared>> -> memref<10240x128xf32, #tpu.memory_space<vmem_shared>>
      tpu.enqueue_indirect_dma source(%arg10 : memref<120x128xf32, #tpu.memory_space<vmem>>) target(%dma_start3A_168 : memref<10240x128xf32, #tpu.memory_space<vmem_shared>>) offsets(%dma_start3A_165 : memref<120xi32, #tpu.memory_space<vmem>>) semaphore(%arg16 : memref<!tpu.dma_semaphore, #tpu.memory_space<semaphore_mem>>) {add = true}
      %dma_wait3A_169 = arith.constant 0 : i32
      %dma_wait3A_170 = arith.constant 1 : i32
      %dma_wait3A_171 = arith.constant 0 : i32
      %dma_wait3A_172 = tpu.memref_slice %arg6[%dma_wait3A_169, %dma_wait3A_170, %dma_wait3A_171] : memref<1x2x120xi32, #tpu.memory_space<vmem>> -> memref<1x1x120xi32, #tpu.memory_space<vmem>>
      %dma_wait3A_173 = tpu.memref_squeeze %dma_wait3A_172 : memref<1x1x120xi32, #tpu.memory_space<vmem>> -> memref<120xi32, #tpu.memory_space<vmem>>
      %dma_wait3A_174 = arith.constant 0 : i32
      %dma_wait3A_175 = arith.constant 0 : i32
      %dma_wait3A_176 = tpu.memref_slice %arg18[%dma_wait3A_174, %dma_wait3A_175] : memref<10240x128xf32, #tpu.memory_space<vmem_shared>> -> memref<10240x128xf32, #tpu.memory_space<vmem_shared>>
      tpu.wait_indirect_dma semaphore(%arg15 : memref<!tpu.dma_semaphore, #tpu.memory_space<semaphore_mem>>) src(%arg9 : memref<120x128xf32, #tpu.memory_space<vmem>>) dst(%dma_wait3A_176 : memref<10240x128xf32, #tpu.memory_space<vmem_shared>>)
      %add3A_177 = arith.constant 3 : i32
      %add3A_178 = arith.addi %add3A_136, %add3A_177 : i32
      %add3A_179 = arith.constant 0 : i32
      %add3A_180 = arith.addi %add3A_178, %add3A_179 : i32
      %add3A_181 = arith.addi %select_n3A_8, %add3A_180 : i32
      "tpu.region"() ({
        %run_scoped3A = tpu.sem_alloc : memref<!tpu.dma_semaphore, #tpu.memory_space<semaphore_mem>>
        %dma_start3A_248 = arith.constant 0 : i32
        %dma_start3A_249 = arith.constant 0 : i32
        %dma_start3A_250 = tpu.memref_slice %arg3[%add3A_181, %dma_start3A_248, %dma_start3A_249] : memref<2688x2x120xi32, #tpu.memory_space<hbm>> -> memref<1x2x120xi32, #tpu.memory_space<hbm>>
        %dma_start3A_251 = arith.constant 0 : i32
        %dma_start3A_252 = arith.constant 0 : i32
        %dma_start3A_253 = tpu.memref_slice %arg3[%add3A_181, %dma_start3A_251, %dma_start3A_252] : memref<2688x2x120xi32, #tpu.memory_space<hbm>> -> memref<1x2x120xi32, #tpu.memory_space<hbm>>
        tpu.enqueue_dma source(%dma_start3A_253 : memref<1x2x120xi32, #tpu.memory_space<hbm>>) target(%arg6 : memref<1x2x120xi32, #tpu.memory_space<vmem>>) target_semaphore(%run_scoped3A : memref<!tpu.dma_semaphore, #tpu.memory_space<semaphore_mem>>)
        %dma_wait3A_254 = arith.constant 0 : i32
        %dma_wait3A_255 = arith.constant 0 : i32
        %dma_wait3A_256 = tpu.memref_slice %arg3[%add3A_181, %dma_wait3A_254, %dma_wait3A_255] : memref<2688x2x120xi32, #tpu.memory_space<hbm>> -> memref<1x2x120xi32, #tpu.memory_space<hbm>>
        %dma_wait3A_257 = arith.constant 0 : i32
        %dma_wait3A_258 = arith.constant 0 : i32
        %dma_wait3A_259 = tpu.memref_slice %arg3[%add3A_181, %dma_wait3A_257, %dma_wait3A_258] : memref<2688x2x120xi32, #tpu.memory_space<hbm>> -> memref<1x2x120xi32, #tpu.memory_space<hbm>>
        tpu.wait_dma2 semaphore(%run_scoped3A : memref<!tpu.dma_semaphore, #tpu.memory_space<semaphore_mem>>) src(%dma_wait3A_259 : memref<1x2x120xi32, #tpu.memory_space<hbm>>) dst(%arg6 : memref<1x2x120xi32, #tpu.memory_space<vmem>>)
        tpu.yield
      }) : () -> ()
      %dma_start3A_182 = arith.constant 0 : i32
      %dma_start3A_183 = arith.constant 0 : i32
      %dma_start3A_184 = arith.constant 0 : i32
      %dma_start3A_185 = tpu.memref_slice %arg6[%dma_start3A_182, %dma_start3A_183, %dma_start3A_184] : memref<1x2x120xi32, #tpu.memory_space<vmem>> -> memref<1x1x120xi32, #tpu.memory_space<vmem>>
      %dma_start3A_186 = tpu.memref_squeeze %dma_start3A_185 : memref<1x1x120xi32, #tpu.memory_space<vmem>> -> memref<120xi32, #tpu.memory_space<vmem>>
      %dma_start3A_187 = arith.constant 0 : i32
      %dma_start3A_188 = arith.constant 0 : i32
      %dma_start3A_189 = tpu.memref_slice %arg2[%dma_start3A_187, %dma_start3A_188] : memref<10240x128xf32, #tpu.memory_space<hbm>> -> memref<10240x128xf32, #tpu.memory_space<hbm>>
      tpu.enqueue_indirect_dma source(%dma_start3A_189 : memref<10240x128xf32, #tpu.memory_space<hbm>>) target(%arg9 : memref<120x128xf32, #tpu.memory_space<vmem>>) offsets(%dma_start3A_186 : memref<120xi32, #tpu.memory_space<vmem>>) semaphore(%arg12 : memref<!tpu.dma_semaphore, #tpu.memory_space<semaphore_mem>>)
      %dma_wait3A_190 = arith.constant 0 : i32
      %dma_wait3A_191 = arith.constant 0 : i32
      %dma_wait3A_192 = arith.constant 0 : i32
      %dma_wait3A_193 = tpu.memref_slice %arg8[%dma_wait3A_190, %dma_wait3A_191, %dma_wait3A_192] : memref<1x2x120xi32, #tpu.memory_space<vmem>> -> memref<1x1x120xi32, #tpu.memory_space<vmem>>
      %dma_wait3A_194 = tpu.memref_squeeze %dma_wait3A_193 : memref<1x1x120xi32, #tpu.memory_space<vmem>> -> memref<120xi32, #tpu.memory_space<vmem>>
      %dma_wait3A_195 = arith.constant 0 : i32
      %dma_wait3A_196 = arith.constant 0 : i32
      %dma_wait3A_197 = tpu.memref_slice %arg2[%dma_wait3A_195, %dma_wait3A_196] : memref<10240x128xf32, #tpu.memory_space<hbm>> -> memref<10240x128xf32, #tpu.memory_space<hbm>>
      tpu.wait_indirect_dma semaphore(%arg14 : memref<!tpu.dma_semaphore, #tpu.memory_space<semaphore_mem>>) src(%dma_wait3A_197 : memref<10240x128xf32, #tpu.memory_space<hbm>>) dst(%arg11 : memref<120x128xf32, #tpu.memory_space<vmem>>)
      %dma_start3A_198 = arith.constant 0 : i32
      %dma_start3A_199 = arith.constant 1 : i32
      %dma_start3A_200 = arith.constant 0 : i32
      %dma_start3A_201 = tpu.memref_slice %arg8[%dma_start3A_198, %dma_start3A_199, %dma_start3A_200] : memref<1x2x120xi32, #tpu.memory_space<vmem>> -> memref<1x1x120xi32, #tpu.memory_space<vmem>>
      %dma_start3A_202 = tpu.memref_squeeze %dma_start3A_201 : memref<1x1x120xi32, #tpu.memory_space<vmem>> -> memref<120xi32, #tpu.memory_space<vmem>>
      %dma_start3A_203 = arith.constant 0 : i32
      %dma_start3A_204 = arith.constant 0 : i32
      %dma_start3A_205 = tpu.memref_slice %arg18[%dma_start3A_203, %dma_start3A_204] : memref<10240x128xf32, #tpu.memory_space<vmem_shared>> -> memref<10240x128xf32, #tpu.memory_space<vmem_shared>>
      tpu.enqueue_indirect_dma source(%arg11 : memref<120x128xf32, #tpu.memory_space<vmem>>) target(%dma_start3A_205 : memref<10240x128xf32, #tpu.memory_space<vmem_shared>>) offsets(%dma_start3A_202 : memref<120xi32, #tpu.memory_space<vmem>>) semaphore(%arg17 : memref<!tpu.dma_semaphore, #tpu.memory_space<semaphore_mem>>) {add = true}
      %dma_wait3A_206 = arith.constant 0 : i32
      %dma_wait3A_207 = arith.constant 1 : i32
      %dma_wait3A_208 = arith.constant 0 : i32
      %dma_wait3A_209 = tpu.memref_slice %arg7[%dma_wait3A_206, %dma_wait3A_207, %dma_wait3A_208] : memref<1x2x120xi32, #tpu.memory_space<vmem>> -> memref<1x1x120xi32, #tpu.memory_space<vmem>>
      %dma_wait3A_210 = tpu.memref_squeeze %dma_wait3A_209 : memref<1x1x120xi32, #tpu.memory_space<vmem>> -> memref<120xi32, #tpu.memory_space<vmem>>
      %dma_wait3A_211 = arith.constant 0 : i32
      %dma_wait3A_212 = arith.constant 0 : i32
      %dma_wait3A_213 = tpu.memref_slice %arg18[%dma_wait3A_211, %dma_wait3A_212] : memref<10240x128xf32, #tpu.memory_space<vmem_shared>> -> memref<10240x128xf32, #tpu.memory_space<vmem_shared>>
      tpu.wait_indirect_dma semaphore(%arg16 : memref<!tpu.dma_semaphore, #tpu.memory_space<semaphore_mem>>) src(%arg10 : memref<120x128xf32, #tpu.memory_space<vmem>>) dst(%dma_wait3A_213 : memref<10240x128xf32, #tpu.memory_space<vmem_shared>>)
      %add3A_214 = arith.constant 3 : i32
      %add3A_215 = arith.addi %add3A_136, %add3A_214 : i32
      %add3A_216 = arith.constant 1 : i32
      %add3A_217 = arith.addi %add3A_215, %add3A_216 : i32
      %add3A_218 = arith.addi %select_n3A_8, %add3A_217 : i32
      "tpu.region"() ({
        %run_scoped3A = tpu.sem_alloc : memref<!tpu.dma_semaphore, #tpu.memory_space<semaphore_mem>>
        %dma_start3A_248 = arith.constant 0 : i32
        %dma_start3A_249 = arith.constant 0 : i32
        %dma_start3A_250 = tpu.memref_slice %arg3[%add3A_218, %dma_start3A_248, %dma_start3A_249] : memref<2688x2x120xi32, #tpu.memory_space<hbm>> -> memref<1x2x120xi32, #tpu.memory_space<hbm>>
        %dma_start3A_251 = arith.constant 0 : i32
        %dma_start3A_252 = arith.constant 0 : i32
        %dma_start3A_253 = tpu.memref_slice %arg3[%add3A_218, %dma_start3A_251, %dma_start3A_252] : memref<2688x2x120xi32, #tpu.memory_space<hbm>> -> memref<1x2x120xi32, #tpu.memory_space<hbm>>
        tpu.enqueue_dma source(%dma_start3A_253 : memref<1x2x120xi32, #tpu.memory_space<hbm>>) target(%arg7 : memref<1x2x120xi32, #tpu.memory_space<vmem>>) target_semaphore(%run_scoped3A : memref<!tpu.dma_semaphore, #tpu.memory_space<semaphore_mem>>)
        %dma_wait3A_254 = arith.constant 0 : i32
        %dma_wait3A_255 = arith.constant 0 : i32
        %dma_wait3A_256 = tpu.memref_slice %arg3[%add3A_218, %dma_wait3A_254, %dma_wait3A_255] : memref<2688x2x120xi32, #tpu.memory_space<hbm>> -> memref<1x2x120xi32, #tpu.memory_space<hbm>>
        %dma_wait3A_257 = arith.constant 0 : i32
        %dma_wait3A_258 = arith.constant 0 : i32
        %dma_wait3A_259 = tpu.memref_slice %arg3[%add3A_218, %dma_wait3A_257, %dma_wait3A_258] : memref<2688x2x120xi32, #tpu.memory_space<hbm>> -> memref<1x2x120xi32, #tpu.memory_space<hbm>>
        tpu.wait_dma2 semaphore(%run_scoped3A : memref<!tpu.dma_semaphore, #tpu.memory_space<semaphore_mem>>) src(%dma_wait3A_259 : memref<1x2x120xi32, #tpu.memory_space<hbm>>) dst(%arg7 : memref<1x2x120xi32, #tpu.memory_space<vmem>>)
        tpu.yield
      }) : () -> ()
      %dma_start3A_219 = arith.constant 0 : i32
      %dma_start3A_220 = arith.constant 0 : i32
      %dma_start3A_221 = arith.constant 0 : i32
      %dma_start3A_222 = tpu.memref_slice %arg7[%dma_start3A_219, %dma_start3A_220, %dma_start3A_221] : memref<1x2x120xi32, #tpu.memory_space<vmem>> -> memref<1x1x120xi32, #tpu.memory_space<vmem>>
      %dma_start3A_223 = tpu.memref_squeeze %dma_start3A_222 : memref<1x1x120xi32, #tpu.memory_space<vmem>> -> memref<120xi32, #tpu.memory_space<vmem>>
      %dma_start3A_224 = arith.constant 0 : i32
      %dma_start3A_225 = arith.constant 0 : i32
      %dma_start3A_226 = tpu.memref_slice %arg2[%dma_start3A_224, %dma_start3A_225] : memref<10240x128xf32, #tpu.memory_space<hbm>> -> memref<10240x128xf32, #tpu.memory_space<hbm>>
      tpu.enqueue_indirect_dma source(%dma_start3A_226 : memref<10240x128xf32, #tpu.memory_space<hbm>>) target(%arg10 : memref<120x128xf32, #tpu.memory_space<vmem>>) offsets(%dma_start3A_223 : memref<120xi32, #tpu.memory_space<vmem>>) semaphore(%arg13 : memref<!tpu.dma_semaphore, #tpu.memory_space<semaphore_mem>>)
      %dma_wait3A_227 = arith.constant 0 : i32
      %dma_wait3A_228 = arith.constant 1 : i32
      %dma_wait3A_229 = arith.constant 0 : i32
      %dma_wait3A_230 = tpu.memref_slice %arg8[%dma_wait3A_227, %dma_wait3A_228, %dma_wait3A_229] : memref<1x2x120xi32, #tpu.memory_space<vmem>> -> memref<1x1x120xi32, #tpu.memory_space<vmem>>
      %dma_wait3A_231 = tpu.memref_squeeze %dma_wait3A_230 : memref<1x1x120xi32, #tpu.memory_space<vmem>> -> memref<120xi32, #tpu.memory_space<vmem>>
      %dma_wait3A_232 = arith.constant 0 : i32
      %dma_wait3A_233 = arith.constant 0 : i32
      %dma_wait3A_234 = tpu.memref_slice %arg18[%dma_wait3A_232, %dma_wait3A_233] : memref<10240x128xf32, #tpu.memory_space<vmem_shared>> -> memref<10240x128xf32, #tpu.memory_space<vmem_shared>>
      tpu.wait_indirect_dma semaphore(%arg17 : memref<!tpu.dma_semaphore, #tpu.memory_space<semaphore_mem>>) src(%arg11 : memref<120x128xf32, #tpu.memory_space<vmem>>) dst(%dma_wait3A_234 : memref<10240x128xf32, #tpu.memory_space<vmem_shared>>)
      %add3A_235 = arith.constant 3 : i32
      %add3A_236 = arith.addi %add3A_136, %add3A_235 : i32
      %add3A_237 = arith.constant 2 : i32
      %add3A_238 = arith.addi %add3A_236, %add3A_237 : i32
      %add3A_239 = arith.addi %select_n3A_8, %add3A_238 : i32
      "tpu.region"() ({
        %run_scoped3A = tpu.sem_alloc : memref<!tpu.dma_semaphore, #tpu.memory_space<semaphore_mem>>
        %dma_start3A_248 = arith.constant 0 : i32
        %dma_start3A_249 = arith.constant 0 : i32
        %dma_start3A_250 = tpu.memref_slice %arg3[%add3A_239, %dma_start3A_248, %dma_start3A_249] : memref<2688x2x120xi32, #tpu.memory_space<hbm>> -> memref<1x2x120xi32, #tpu.memory_space<hbm>>
        %dma_start3A_251 = arith.constant 0 : i32
        %dma_start3A_252 = arith.constant 0 : i32
        %dma_start3A_253 = tpu.memref_slice %arg3[%add3A_239, %dma_start3A_251, %dma_start3A_252] : memref<2688x2x120xi32, #tpu.memory_space<hbm>> -> memref<1x2x120xi32, #tpu.memory_space<hbm>>
        tpu.enqueue_dma source(%dma_start3A_253 : memref<1x2x120xi32, #tpu.memory_space<hbm>>) target(%arg8 : memref<1x2x120xi32, #tpu.memory_space<vmem>>) target_semaphore(%run_scoped3A : memref<!tpu.dma_semaphore, #tpu.memory_space<semaphore_mem>>)
        %dma_wait3A_254 = arith.constant 0 : i32
        %dma_wait3A_255 = arith.constant 0 : i32
        %dma_wait3A_256 = tpu.memref_slice %arg3[%add3A_239, %dma_wait3A_254, %dma_wait3A_255] : memref<2688x2x120xi32, #tpu.memory_space<hbm>> -> memref<1x2x120xi32, #tpu.memory_space<hbm>>
        %dma_wait3A_257 = arith.constant 0 : i32
        %dma_wait3A_258 = arith.constant 0 : i32
        %dma_wait3A_259 = tpu.memref_slice %arg3[%add3A_239, %dma_wait3A_257, %dma_wait3A_258] : memref<2688x2x120xi32, #tpu.memory_space<hbm>> -> memref<1x2x120xi32, #tpu.memory_space<hbm>>
        tpu.wait_dma2 semaphore(%run_scoped3A : memref<!tpu.dma_semaphore, #tpu.memory_space<semaphore_mem>>) src(%dma_wait3A_259 : memref<1x2x120xi32, #tpu.memory_space<hbm>>) dst(%arg8 : memref<1x2x120xi32, #tpu.memory_space<vmem>>)
        tpu.yield
      }) : () -> ()
      %dma_start3A_240 = arith.constant 0 : i32
      %dma_start3A_241 = arith.constant 0 : i32
      %dma_start3A_242 = arith.constant 0 : i32
      %dma_start3A_243 = tpu.memref_slice %arg8[%dma_start3A_240, %dma_start3A_241, %dma_start3A_242] : memref<1x2x120xi32, #tpu.memory_space<vmem>> -> memref<1x1x120xi32, #tpu.memory_space<vmem>>
      %dma_start3A_244 = tpu.memref_squeeze %dma_start3A_243 : memref<1x1x120xi32, #tpu.memory_space<vmem>> -> memref<120xi32, #tpu.memory_space<vmem>>
      %dma_start3A_245 = arith.constant 0 : i32
      %dma_start3A_246 = arith.constant 0 : i32
      %dma_start3A_247 = tpu.memref_slice %arg2[%dma_start3A_245, %dma_start3A_246] : memref<10240x128xf32, #tpu.memory_space<hbm>> -> memref<10240x128xf32, #tpu.memory_space<hbm>>
      tpu.enqueue_indirect_dma source(%dma_start3A_247 : memref<10240x128xf32, #tpu.memory_space<hbm>>) target(%arg11 : memref<120x128xf32, #tpu.memory_space<vmem>>) offsets(%dma_start3A_244 : memref<120xi32, #tpu.memory_space<vmem>>) semaphore(%arg14 : memref<!tpu.dma_semaphore, #tpu.memory_space<semaphore_mem>>)
    }
    %while3A_57 = arith.constant 1 : i32
    scf.for %while3A_134 = %while3A_55 to %while3A_51 step %while3A_57  : i32 {
      %mul3A_135 = arith.muli %while3A_134, %while3A : i32
      %add3A_136 = arith.addi %while3A_48, %mul3A_135 : i32
      %dma_wait3A_137 = arith.constant 0 : i32
      %dma_wait3A_138 = arith.constant 0 : i32
      %dma_wait3A_139 = arith.constant 0 : i32
      %dma_wait3A_140 = tpu.memref_slice %arg6[%dma_wait3A_137, %dma_wait3A_138, %dma_wait3A_139] : memref<1x2x120xi32, #tpu.memory_space<vmem>> -> memref<1x1x120xi32, #tpu.memory_space<vmem>>
      %dma_wait3A_141 = tpu.memref_squeeze %dma_wait3A_140 : memref<1x1x120xi32, #tpu.memory_space<vmem>> -> memref<120xi32, #tpu.memory_space<vmem>>
      %dma_wait3A_142 = arith.constant 0 : i32
      %dma_wait3A_143 = arith.constant 0 : i32
      %dma_wait3A_144 = tpu.memref_slice %arg2[%dma_wait3A_142, %dma_wait3A_143] : memref<10240x128xf32, #tpu.memory_space<hbm>> -> memref<10240x128xf32, #tpu.memory_space<hbm>>
      tpu.wait_indirect_dma semaphore(%arg12 : memref<!tpu.dma_semaphore, #tpu.memory_space<semaphore_mem>>) src(%dma_wait3A_144 : memref<10240x128xf32, #tpu.memory_space<hbm>>) dst(%arg9 : memref<120x128xf32, #tpu.memory_space<vmem>>)
      %dma_start3A_145 = arith.constant 0 : i32
      %dma_start3A_146 = arith.constant 1 : i32
      %dma_start3A_147 = arith.constant 0 : i32
      %dma_start3A_148 = tpu.memref_slice %arg6[%dma_start3A_145, %dma_start3A_146, %dma_start3A_147] : memref<1x2x120xi32, #tpu.memory_space<vmem>> -> memref<1x1x120xi32, #tpu.memory_space<vmem>>
      %dma_start3A_149 = tpu.memref_squeeze %dma_start3A_148 : memref<1x1x120xi32, #tpu.memory_space<vmem>> -> memref<120xi32, #tpu.memory_space<vmem>>
      %dma_start3A_150 = arith.constant 0 : i32
      %dma_start3A_151 = arith.constant 0 : i32
      %dma_start3A_152 = tpu.memref_slice %arg18[%dma_start3A_150, %dma_start3A_151] : memref<10240x128xf32, #tpu.memory_space<vmem_shared>> -> memref<10240x128xf32, #tpu.memory_space<vmem_shared>>
      tpu.enqueue_indirect_dma source(%arg9 : memref<120x128xf32, #tpu.memory_space<vmem>>) target(%dma_start3A_152 : memref<10240x128xf32, #tpu.memory_space<vmem_shared>>) offsets(%dma_start3A_149 : memref<120xi32, #tpu.memory_space<vmem>>) semaphore(%arg15 : memref<!tpu.dma_semaphore, #tpu.memory_space<semaphore_mem>>) {add = true}
      %dma_wait3A_153 = arith.constant 0 : i32
      %dma_wait3A_154 = arith.constant 0 : i32
      %dma_wait3A_155 = arith.constant 0 : i32
      %dma_wait3A_156 = tpu.memref_slice %arg7[%dma_wait3A_153, %dma_wait3A_154, %dma_wait3A_155] : memref<1x2x120xi32, #tpu.memory_space<vmem>> -> memref<1x1x120xi32, #tpu.memory_space<vmem>>
      %dma_wait3A_157 = tpu.memref_squeeze %dma_wait3A_156 : memref<1x1x120xi32, #tpu.memory_space<vmem>> -> memref<120xi32, #tpu.memory_space<vmem>>
      %dma_wait3A_158 = arith.constant 0 : i32
      %dma_wait3A_159 = arith.constant 0 : i32
      %dma_wait3A_160 = tpu.memref_slice %arg2[%dma_wait3A_158, %dma_wait3A_159] : memref<10240x128xf32, #tpu.memory_space<hbm>> -> memref<10240x128xf32, #tpu.memory_space<hbm>>
      tpu.wait_indirect_dma semaphore(%arg13 : memref<!tpu.dma_semaphore, #tpu.memory_space<semaphore_mem>>) src(%dma_wait3A_160 : memref<10240x128xf32, #tpu.memory_space<hbm>>) dst(%arg10 : memref<120x128xf32, #tpu.memory_space<vmem>>)
      %dma_start3A_161 = arith.constant 0 : i32
      %dma_start3A_162 = arith.constant 1 : i32
      %dma_start3A_163 = arith.constant 0 : i32
      %dma_start3A_164 = tpu.memref_slice %arg7[%dma_start3A_161, %dma_start3A_162, %dma_start3A_163] : memref<1x2x120xi32, #tpu.memory_space<vmem>> -> memref<1x1x120xi32, #tpu.memory_space<vmem>>
      %dma_start3A_165 = tpu.memref_squeeze %dma_start3A_164 : memref<1x1x120xi32, #tpu.memory_space<vmem>> -> memref<120xi32, #tpu.memory_space<vmem>>
      %dma_start3A_166 = arith.constant 0 : i32
      %dma_start3A_167 = arith.constant 0 : i32
      %dma_start3A_168 = tpu.memref_slice %arg18[%dma_start3A_166, %dma_start3A_167] : memref<10240x128xf32, #tpu.memory_space<vmem_shared>> -> memref<10240x128xf32, #tpu.memory_space<vmem_shared>>
      tpu.enqueue_indirect_dma source(%arg10 : memref<120x128xf32, #tpu.memory_space<vmem>>) target(%dma_start3A_168 : memref<10240x128xf32, #tpu.memory_space<vmem_shared>>) offsets(%dma_start3A_165 : memref<120xi32, #tpu.memory_space<vmem>>) semaphore(%arg16 : memref<!tpu.dma_semaphore, #tpu.memory_space<semaphore_mem>>) {add = true}
      %dma_wait3A_169 = arith.constant 0 : i32
      %dma_wait3A_170 = arith.constant 1 : i32
      %dma_wait3A_171 = arith.constant 0 : i32
      %dma_wait3A_172 = tpu.memref_slice %arg6[%dma_wait3A_169, %dma_wait3A_170, %dma_wait3A_171] : memref<1x2x120xi32, #tpu.memory_space<vmem>> -> memref<1x1x120xi32, #tpu.memory_space<vmem>>
      %dma_wait3A_173 = tpu.memref_squeeze %dma_wait3A_172 : memref<1x1x120xi32, #tpu.memory_space<vmem>> -> memref<120xi32, #tpu.memory_space<vmem>>
      %dma_wait3A_174 = arith.constant 0 : i32
      %dma_wait3A_175 = arith.constant 0 : i32
      %dma_wait3A_176 = tpu.memref_slice %arg18[%dma_wait3A_174, %dma_wait3A_175] : memref<10240x128xf32, #tpu.memory_space<vmem_shared>> -> memref<10240x128xf32, #tpu.memory_space<vmem_shared>>
      tpu.wait_indirect_dma semaphore(%arg15 : memref<!tpu.dma_semaphore, #tpu.memory_space<semaphore_mem>>) src(%arg9 : memref<120x128xf32, #tpu.memory_space<vmem>>) dst(%dma_wait3A_176 : memref<10240x128xf32, #tpu.memory_space<vmem_shared>>)
      %add3A_177 = arith.constant 3 : i32
      %add3A_178 = arith.addi %add3A_136, %add3A_177 : i32
      %add3A_179 = arith.constant 0 : i32
      %add3A_180 = arith.addi %add3A_178, %add3A_179 : i32
      %add3A_181 = arith.addi %select_n3A_8, %add3A_180 : i32
      "tpu.region"() ({
        %run_scoped3A = tpu.sem_alloc : memref<!tpu.dma_semaphore, #tpu.memory_space<semaphore_mem>>
        %dma_start3A_248 = arith.constant 0 : i32
        %dma_start3A_249 = arith.constant 0 : i32
        %dma_start3A_250 = tpu.memref_slice %arg3[%add3A_181, %dma_start3A_248, %dma_start3A_249] : memref<2688x2x120xi32, #tpu.memory_space<hbm>> -> memref<1x2x120xi32, #tpu.memory_space<hbm>>
        %dma_start3A_251 = arith.constant 0 : i32
        %dma_start3A_252 = arith.constant 0 : i32
        %dma_start3A_253 = tpu.memref_slice %arg3[%add3A_181, %dma_start3A_251, %dma_start3A_252] : memref<2688x2x120xi32, #tpu.memory_space<hbm>> -> memref<1x2x120xi32, #tpu.memory_space<hbm>>
        tpu.enqueue_dma source(%dma_start3A_253 : memref<1x2x120xi32, #tpu.memory_space<hbm>>) target(%arg6 : memref<1x2x120xi32, #tpu.memory_space<vmem>>) target_semaphore(%run_scoped3A : memref<!tpu.dma_semaphore, #tpu.memory_space<semaphore_mem>>)
        %dma_wait3A_254 = arith.constant 0 : i32
        %dma_wait3A_255 = arith.constant 0 : i32
        %dma_wait3A_256 = tpu.memref_slice %arg3[%add3A_181, %dma_wait3A_254, %dma_wait3A_255] : memref<2688x2x120xi32, #tpu.memory_space<hbm>> -> memref<1x2x120xi32, #tpu.memory_space<hbm>>
        %dma_wait3A_257 = arith.constant 0 : i32
        %dma_wait3A_258 = arith.constant 0 : i32
        %dma_wait3A_259 = tpu.memref_slice %arg3[%add3A_181, %dma_wait3A_257, %dma_wait3A_258] : memref<2688x2x120xi32, #tpu.memory_space<hbm>> -> memref<1x2x120xi32, #tpu.memory_space<hbm>>
        tpu.wait_dma2 semaphore(%run_scoped3A : memref<!tpu.dma_semaphore, #tpu.memory_space<semaphore_mem>>) src(%dma_wait3A_259 : memref<1x2x120xi32, #tpu.memory_space<hbm>>) dst(%arg6 : memref<1x2x120xi32, #tpu.memory_space<vmem>>)
        tpu.yield
      }) : () -> ()
      %dma_start3A_182 = arith.constant 0 : i32
      %dma_start3A_183 = arith.constant 0 : i32
      %dma_start3A_184 = arith.constant 0 : i32
      %dma_start3A_185 = tpu.memref_slice %arg6[%dma_start3A_182, %dma_start3A_183, %dma_start3A_184] : memref<1x2x120xi32, #tpu.memory_space<vmem>> -> memref<1x1x120xi32, #tpu.memory_space<vmem>>
      %dma_start3A_186 = tpu.memref_squeeze %dma_start3A_185 : memref<1x1x120xi32, #tpu.memory_space<vmem>> -> memref<120xi32, #tpu.memory_space<vmem>>
      %dma_start3A_187 = arith.constant 0 : i32
      %dma_start3A_188 = arith.constant 0 : i32
      %dma_start3A_189 = tpu.memref_slice %arg2[%dma_start3A_187, %dma_start3A_188] : memref<10240x128xf32, #tpu.memory_space<hbm>> -> memref<10240x128xf32, #tpu.memory_space<hbm>>
      tpu.enqueue_indirect_dma source(%dma_start3A_189 : memref<10240x128xf32, #tpu.memory_space<hbm>>) target(%arg9 : memref<120x128xf32, #tpu.memory_space<vmem>>) offsets(%dma_start3A_186 : memref<120xi32, #tpu.memory_space<vmem>>) semaphore(%arg12 : memref<!tpu.dma_semaphore, #tpu.memory_space<semaphore_mem>>)
      %dma_wait3A_190 = arith.constant 0 : i32
      %dma_wait3A_191 = arith.constant 0 : i32
      %dma_wait3A_192 = arith.constant 0 : i32
      %dma_wait3A_193 = tpu.memref_slice %arg8[%dma_wait3A_190, %dma_wait3A_191, %dma_wait3A_192] : memref<1x2x120xi32, #tpu.memory_space<vmem>> -> memref<1x1x120xi32, #tpu.memory_space<vmem>>
      %dma_wait3A_194 = tpu.memref_squeeze %dma_wait3A_193 : memref<1x1x120xi32, #tpu.memory_space<vmem>> -> memref<120xi32, #tpu.memory_space<vmem>>
      %dma_wait3A_195 = arith.constant 0 : i32
      %dma_wait3A_196 = arith.constant 0 : i32
      %dma_wait3A_197 = tpu.memref_slice %arg2[%dma_wait3A_195, %dma_wait3A_196] : memref<10240x128xf32, #tpu.memory_space<hbm>> -> memref<10240x128xf32, #tpu.memory_space<hbm>>
      tpu.wait_indirect_dma semaphore(%arg14 : memref<!tpu.dma_semaphore, #tpu.memory_space<semaphore_mem>>) src(%dma_wait3A_197 : memref<10240x128xf32, #tpu.memory_space<hbm>>) dst(%arg11 : memref<120x128xf32, #tpu.memory_space<vmem>>)
      %dma_start3A_198 = arith.constant 0 : i32
      %dma_start3A_199 = arith.constant 1 : i32
      %dma_start3A_200 = arith.constant 0 : i32
      %dma_start3A_201 = tpu.memref_slice %arg8[%dma_start3A_198, %dma_start3A_199, %dma_start3A_200] : memref<1x2x120xi32, #tpu.memory_space<vmem>> -> memref<1x1x120xi32, #tpu.memory_space<vmem>>
      %dma_start3A_202 = tpu.memref_squeeze %dma_start3A_201 : memref<1x1x120xi32, #tpu.memory_space<vmem>> -> memref<120xi32, #tpu.memory_space<vmem>>
      %dma_start3A_203 = arith.constant 0 : i32
      %dma_start3A_204 = arith.constant 0 : i32
      %dma_start3A_205 = tpu.memref_slice %arg18[%dma_start3A_203, %dma_start3A_204] : memref<10240x128xf32, #tpu.memory_space<vmem_shared>> -> memref<10240x128xf32, #tpu.memory_space<vmem_shared>>
      tpu.enqueue_indirect_dma source(%arg11 : memref<120x128xf32, #tpu.memory_space<vmem>>) target(%dma_start3A_205 : memref<10240x128xf32, #tpu.memory_space<vmem_shared>>) offsets(%dma_start3A_202 : memref<120xi32, #tpu.memory_space<vmem>>) semaphore(%arg17 : memref<!tpu.dma_semaphore, #tpu.memory_space<semaphore_mem>>) {add = true}
      %dma_wait3A_206 = arith.constant 0 : i32
      %dma_wait3A_207 = arith.constant 1 : i32
      %dma_wait3A_208 = arith.constant 0 : i32
      %dma_wait3A_209 = tpu.memref_slice %arg7[%dma_wait3A_206, %dma_wait3A_207, %dma_wait3A_208] : memref<1x2x120xi32, #tpu.memory_space<vmem>> -> memref<1x1x120xi32, #tpu.memory_space<vmem>>
      %dma_wait3A_210 = tpu.memref_squeeze %dma_wait3A_209 : memref<1x1x120xi32, #tpu.memory_space<vmem>> -> memref<120xi32, #tpu.memory_space<vmem>>
      %dma_wait3A_211 = arith.constant 0 : i32
      %dma_wait3A_212 = arith.constant 0 : i32
      %dma_wait3A_213 = tpu.memref_slice %arg18[%dma_wait3A_211, %dma_wait3A_212] : memref<10240x128xf32, #tpu.memory_space<vmem_shared>> -> memref<10240x128xf32, #tpu.memory_space<vmem_shared>>
      tpu.wait_indirect_dma semaphore(%arg16 : memref<!tpu.dma_semaphore, #tpu.memory_space<semaphore_mem>>) src(%arg10 : memref<120x128xf32, #tpu.memory_space<vmem>>) dst(%dma_wait3A_213 : memref<10240x128xf32, #tpu.memory_space<vmem_shared>>)
      %add3A_214 = arith.constant 3 : i32
      %add3A_215 = arith.addi %add3A_136, %add3A_214 : i32
      %add3A_216 = arith.constant 1 : i32
      %add3A_217 = arith.addi %add3A_215, %add3A_216 : i32
      %add3A_218 = arith.addi %select_n3A_8, %add3A_217 : i32
      "tpu.region"() ({
        %run_scoped3A = tpu.sem_alloc : memref<!tpu.dma_semaphore, #tpu.memory_space<semaphore_mem>>
        %dma_start3A_248 = arith.constant 0 : i32
        %dma_start3A_249 = arith.constant 0 : i32
        %dma_start3A_250 = tpu.memref_slice %arg3[%add3A_218, %dma_start3A_248, %dma_start3A_249] : memref<2688x2x120xi32, #tpu.memory_space<hbm>> -> memref<1x2x120xi32, #tpu.memory_space<hbm>>
        %dma_start3A_251 = arith.constant 0 : i32
        %dma_start3A_252 = arith.constant 0 : i32
        %dma_start3A_253 = tpu.memref_slice %arg3[%add3A_218, %dma_start3A_251, %dma_start3A_252] : memref<2688x2x120xi32, #tpu.memory_space<hbm>> -> memref<1x2x120xi32, #tpu.memory_space<hbm>>
        tpu.enqueue_dma source(%dma_start3A_253 : memref<1x2x120xi32, #tpu.memory_space<hbm>>) target(%arg7 : memref<1x2x120xi32, #tpu.memory_space<vmem>>) target_semaphore(%run_scoped3A : memref<!tpu.dma_semaphore, #tpu.memory_space<semaphore_mem>>)
        %dma_wait3A_254 = arith.constant 0 : i32
        %dma_wait3A_255 = arith.constant 0 : i32
        %dma_wait3A_256 = tpu.memref_slice %arg3[%add3A_218, %dma_wait3A_254, %dma_wait3A_255] : memref<2688x2x120xi32, #tpu.memory_space<hbm>> -> memref<1x2x120xi32, #tpu.memory_space<hbm>>
        %dma_wait3A_257 = arith.constant 0 : i32
        %dma_wait3A_258 = arith.constant 0 : i32
        %dma_wait3A_259 = tpu.memref_slice %arg3[%add3A_218, %dma_wait3A_257, %dma_wait3A_258] : memref<2688x2x120xi32, #tpu.memory_space<hbm>> -> memref<1x2x120xi32, #tpu.memory_space<hbm>>
        tpu.wait_dma2 semaphore(%run_scoped3A : memref<!tpu.dma_semaphore, #tpu.memory_space<semaphore_mem>>) src(%dma_wait3A_259 : memref<1x2x120xi32, #tpu.memory_space<hbm>>) dst(%arg7 : memref<1x2x120xi32, #tpu.memory_space<vmem>>)
        tpu.yield
      }) : () -> ()
      %dma_start3A_219 = arith.constant 0 : i32
      %dma_start3A_220 = arith.constant 0 : i32
      %dma_start3A_221 = arith.constant 0 : i32
      %dma_start3A_222 = tpu.memref_slice %arg7[%dma_start3A_219, %dma_start3A_220, %dma_start3A_221] : memref<1x2x120xi32, #tpu.memory_space<vmem>> -> memref<1x1x120xi32, #tpu.memory_space<vmem>>
      %dma_start3A_223 = tpu.memref_squeeze %dma_start3A_222 : memref<1x1x120xi32, #tpu.memory_space<vmem>> -> memref<120xi32, #tpu.memory_space<vmem>>
      %dma_start3A_224 = arith.constant 0 : i32
      %dma_start3A_225 = arith.constant 0 : i32
      %dma_start3A_226 = tpu.memref_slice %arg2[%dma_start3A_224, %dma_start3A_225] : memref<10240x128xf32, #tpu.memory_space<hbm>> -> memref<10240x128xf32, #tpu.memory_space<hbm>>
      tpu.enqueue_indirect_dma source(%dma_start3A_226 : memref<10240x128xf32, #tpu.memory_space<hbm>>) target(%arg10 : memref<120x128xf32, #tpu.memory_space<vmem>>) offsets(%dma_start3A_223 : memref<120xi32, #tpu.memory_space<vmem>>) semaphore(%arg13 : memref<!tpu.dma_semaphore, #tpu.memory_space<semaphore_mem>>)
      %dma_wait3A_227 = arith.constant 0 : i32
      %dma_wait3A_228 = arith.constant 1 : i32
      %dma_wait3A_229 = arith.constant 0 : i32
      %dma_wait3A_230 = tpu.memref_slice %arg8[%dma_wait3A_227, %dma_wait3A_228, %dma_wait3A_229] : memref<1x2x120xi32, #tpu.memory_space<vmem>> -> memref<1x1x120xi32, #tpu.memory_space<vmem>>
      %dma_wait3A_231 = tpu.memref_squeeze %dma_wait3A_230 : memref<1x1x120xi32, #tpu.memory_space<vmem>> -> memref<120xi32, #tpu.memory_space<vmem>>
      %dma_wait3A_232 = arith.constant 0 : i32
      %dma_wait3A_233 = arith.constant 0 : i32
      %dma_wait3A_234 = tpu.memref_slice %arg18[%dma_wait3A_232, %dma_wait3A_233] : memref<10240x128xf32, #tpu.memory_space<vmem_shared>> -> memref<10240x128xf32, #tpu.memory_space<vmem_shared>>
      tpu.wait_indirect_dma semaphore(%arg17 : memref<!tpu.dma_semaphore, #tpu.memory_space<semaphore_mem>>) src(%arg11 : memref<120x128xf32, #tpu.memory_space<vmem>>) dst(%dma_wait3A_234 : memref<10240x128xf32, #tpu.memory_space<vmem_shared>>)
      %add3A_235 = arith.constant 3 : i32
      %add3A_236 = arith.addi %add3A_136, %add3A_235 : i32
      %add3A_237 = arith.constant 2 : i32
      %add3A_238 = arith.addi %add3A_236, %add3A_237 : i32
      %add3A_239 = arith.addi %select_n3A_8, %add3A_238 : i32
      "tpu.region"() ({
        %run_scoped3A = tpu.sem_alloc : memref<!tpu.dma_semaphore, #tpu.memory_space<semaphore_mem>>
        %dma_start3A_248 = arith.constant 0 : i32
        %dma_start3A_249 = arith.constant 0 : i32
        %dma_start3A_250 = tpu.memref_slice %arg3[%add3A_239, %dma_start3A_248, %dma_start3A_249] : memref<2688x2x120xi32, #tpu.memory_space<hbm>> -> memref<1x2x120xi32, #tpu.memory_space<hbm>>
        %dma_start3A_251 = arith.constant 0 : i32
        %dma_start3A_252 = arith.constant 0 : i32
        %dma_start3A_253 = tpu.memref_slice %arg3[%add3A_239, %dma_start3A_251, %dma_start3A_252] : memref<2688x2x120xi32, #tpu.memory_space<hbm>> -> memref<1x2x120xi32, #tpu.memory_space<hbm>>
        tpu.enqueue_dma source(%dma_start3A_253 : memref<1x2x120xi32, #tpu.memory_space<hbm>>) target(%arg8 : memref<1x2x120xi32, #tpu.memory_space<vmem>>) target_semaphore(%run_scoped3A : memref<!tpu.dma_semaphore, #tpu.memory_space<semaphore_mem>>)
        %dma_wait3A_254 = arith.constant 0 : i32
        %dma_wait3A_255 = arith.constant 0 : i32
        %dma_wait3A_256 = tpu.memref_slice %arg3[%add3A_239, %dma_wait3A_254, %dma_wait3A_255] : memref<2688x2x120xi32, #tpu.memory_space<hbm>> -> memref<1x2x120xi32, #tpu.memory_space<hbm>>
        %dma_wait3A_257 = arith.constant 0 : i32
        %dma_wait3A_258 = arith.constant 0 : i32
        %dma_wait3A_259 = tpu.memref_slice %arg3[%add3A_239, %dma_wait3A_257, %dma_wait3A_258] : memref<2688x2x120xi32, #tpu.memory_space<hbm>> -> memref<1x2x120xi32, #tpu.memory_space<hbm>>
        tpu.wait_dma2 semaphore(%run_scoped3A : memref<!tpu.dma_semaphore, #tpu.memory_space<semaphore_mem>>) src(%dma_wait3A_259 : memref<1x2x120xi32, #tpu.memory_space<hbm>>) dst(%arg8 : memref<1x2x120xi32, #tpu.memory_space<vmem>>)
        tpu.yield
      }) : () -> ()
      %dma_start3A_240 = arith.constant 0 : i32
      %dma_start3A_241 = arith.constant 0 : i32
      %dma_start3A_242 = arith.constant 0 : i32
      %dma_start3A_243 = tpu.memref_slice %arg8[%dma_start3A_240, %dma_start3A_241, %dma_start3A_242] : memref<1x2x120xi32, #tpu.memory_space<vmem>> -> memref<1x1x120xi32, #tpu.memory_space<vmem>>
      %dma_start3A_244 = tpu.memref_squeeze %dma_start3A_243 : memref<1x1x120xi32, #tpu.memory_space<vmem>> -> memref<120xi32, #tpu.memory_space<vmem>>
      %dma_start3A_245 = arith.constant 0 : i32
      %dma_start3A_246 = arith.constant 0 : i32
      %dma_start3A_247 = tpu.memref_slice %arg2[%dma_start3A_245, %dma_start3A_246] : memref<10240x128xf32, #tpu.memory_space<hbm>> -> memref<10240x128xf32, #tpu.memory_space<hbm>>
      tpu.enqueue_indirect_dma source(%dma_start3A_247 : memref<10240x128xf32, #tpu.memory_space<hbm>>) target(%arg11 : memref<120x128xf32, #tpu.memory_space<vmem>>) offsets(%dma_start3A_244 : memref<120xi32, #tpu.memory_space<vmem>>) semaphore(%arg14 : memref<!tpu.dma_semaphore, #tpu.memory_space<semaphore_mem>>)
    }
    %dma_wait3A = arith.constant 0 : i32
    %dma_wait3A_58 = arith.constant 0 : i32
    %dma_wait3A_59 = arith.constant 0 : i32
    %dma_wait3A_60 = tpu.memref_slice %arg6[%dma_wait3A, %dma_wait3A_58, %dma_wait3A_59] : memref<1x2x120xi32, #tpu.memory_space<vmem>> -> memref<1x1x120xi32, #tpu.memory_space<vmem>>
    %dma_wait3A_61 = tpu.memref_squeeze %dma_wait3A_60 : memref<1x1x120xi32, #tpu.memory_space<vmem>> -> memref<120xi32, #tpu.memory_space<vmem>>
    %dma_wait3A_62 = arith.constant 0 : i32
    %dma_wait3A_63 = arith.constant 0 : i32
    %dma_wait3A_64 = tpu.memref_slice %arg2[%dma_wait3A_62, %dma_wait3A_63] : memref<10240x128xf32, #tpu.memory_space<hbm>> -> memref<10240x128xf32, #tpu.memory_space<hbm>>
    tpu.wait_indirect_dma semaphore(%arg12 : memref<!tpu.dma_semaphore, #tpu.memory_space<semaphore_mem>>) src(%dma_wait3A_64 : memref<10240x128xf32, #tpu.memory_space<hbm>>) dst(%arg9 : memref<120x128xf32, #tpu.memory_space<vmem>>)
    %dma_start3A_65 = arith.constant 0 : i32
    %dma_start3A_66 = arith.constant 1 : i32
    %dma_start3A_67 = arith.constant 0 : i32
    %dma_start3A_68 = tpu.memref_slice %arg6[%dma_start3A_65, %dma_start3A_66, %dma_start3A_67] : memref<1x2x120xi32, #tpu.memory_space<vmem>> -> memref<1x1x120xi32, #tpu.memory_space<vmem>>
    %dma_start3A_69 = tpu.memref_squeeze %dma_start3A_68 : memref<1x1x120xi32, #tpu.memory_space<vmem>> -> memref<120xi32, #tpu.memory_space<vmem>>
    %dma_start3A_70 = arith.constant 0 : i32
    %dma_start3A_71 = arith.constant 0 : i32
    %dma_start3A_72 = tpu.memref_slice %arg18[%dma_start3A_70, %dma_start3A_71] : memref<10240x128xf32, #tpu.memory_space<vmem_shared>> -> memref<10240x128xf32, #tpu.memory_space<vmem_shared>>
    tpu.enqueue_indirect_dma source(%arg9 : memref<120x128xf32, #tpu.memory_space<vmem>>) target(%dma_start3A_72 : memref<10240x128xf32, #tpu.memory_space<vmem_shared>>) offsets(%dma_start3A_69 : memref<120xi32, #tpu.memory_space<vmem>>) semaphore(%arg15 : memref<!tpu.dma_semaphore, #tpu.memory_space<semaphore_mem>>) {add = true}
    %dma_wait3A_73 = arith.constant 0 : i32
    %dma_wait3A_74 = arith.constant 0 : i32
    %dma_wait3A_75 = arith.constant 0 : i32
    %dma_wait3A_76 = tpu.memref_slice %arg7[%dma_wait3A_73, %dma_wait3A_74, %dma_wait3A_75] : memref<1x2x120xi32, #tpu.memory_space<vmem>> -> memref<1x1x120xi32, #tpu.memory_space<vmem>>
    %dma_wait3A_77 = tpu.memref_squeeze %dma_wait3A_76 : memref<1x1x120xi32, #tpu.memory_space<vmem>> -> memref<120xi32, #tpu.memory_space<vmem>>
    %dma_wait3A_78 = arith.constant 0 : i32
    %dma_wait3A_79 = arith.constant 0 : i32
    %dma_wait3A_80 = tpu.memref_slice %arg2[%dma_wait3A_78, %dma_wait3A_79] : memref<10240x128xf32, #tpu.memory_space<hbm>> -> memref<10240x128xf32, #tpu.memory_space<hbm>>
    tpu.wait_indirect_dma semaphore(%arg13 : memref<!tpu.dma_semaphore, #tpu.memory_space<semaphore_mem>>) src(%dma_wait3A_80 : memref<10240x128xf32, #tpu.memory_space<hbm>>) dst(%arg10 : memref<120x128xf32, #tpu.memory_space<vmem>>)
    %dma_start3A_81 = arith.constant 0 : i32
    %dma_start3A_82 = arith.constant 1 : i32
    %dma_start3A_83 = arith.constant 0 : i32
    %dma_start3A_84 = tpu.memref_slice %arg7[%dma_start3A_81, %dma_start3A_82, %dma_start3A_83] : memref<1x2x120xi32, #tpu.memory_space<vmem>> -> memref<1x1x120xi32, #tpu.memory_space<vmem>>
    %dma_start3A_85 = tpu.memref_squeeze %dma_start3A_84 : memref<1x1x120xi32, #tpu.memory_space<vmem>> -> memref<120xi32, #tpu.memory_space<vmem>>
    %dma_start3A_86 = arith.constant 0 : i32
    %dma_start3A_87 = arith.constant 0 : i32
    %dma_start3A_88 = tpu.memref_slice %arg18[%dma_start3A_86, %dma_start3A_87] : memref<10240x128xf32, #tpu.memory_space<vmem_shared>> -> memref<10240x128xf32, #tpu.memory_space<vmem_shared>>
    tpu.enqueue_indirect_dma source(%arg10 : memref<120x128xf32, #tpu.memory_space<vmem>>) target(%dma_start3A_88 : memref<10240x128xf32, #tpu.memory_space<vmem_shared>>) offsets(%dma_start3A_85 : memref<120xi32, #tpu.memory_space<vmem>>) semaphore(%arg16 : memref<!tpu.dma_semaphore, #tpu.memory_space<semaphore_mem>>) {add = true}
    %dma_wait3A_89 = arith.constant 0 : i32
    %dma_wait3A_90 = arith.constant 0 : i32
    %dma_wait3A_91 = arith.constant 0 : i32
    %dma_wait3A_92 = tpu.memref_slice %arg8[%dma_wait3A_89, %dma_wait3A_90, %dma_wait3A_91] : memref<1x2x120xi32, #tpu.memory_space<vmem>> -> memref<1x1x120xi32, #tpu.memory_space<vmem>>
    %dma_wait3A_93 = tpu.memref_squeeze %dma_wait3A_92 : memref<1x1x120xi32, #tpu.memory_space<vmem>> -> memref<120xi32, #tpu.memory_space<vmem>>
    %dma_wait3A_94 = arith.constant 0 : i32
    %dma_wait3A_95 = arith.constant 0 : i32
    %dma_wait3A_96 = tpu.memref_slice %arg2[%dma_wait3A_94, %dma_wait3A_95] : memref<10240x128xf32, #tpu.memory_space<hbm>> -> memref<10240x128xf32, #tpu.memory_space<hbm>>
    tpu.wait_indirect_dma semaphore(%arg14 : memref<!tpu.dma_semaphore, #tpu.memory_space<semaphore_mem>>) src(%dma_wait3A_96 : memref<10240x128xf32, #tpu.memory_space<hbm>>) dst(%arg11 : memref<120x128xf32, #tpu.memory_space<vmem>>)
    %dma_start3A_97 = arith.constant 0 : i32
    %dma_start3A_98 = arith.constant 1 : i32
    %dma_start3A_99 = arith.constant 0 : i32
    %dma_start3A_100 = tpu.memref_slice %arg8[%dma_start3A_97, %dma_start3A_98, %dma_start3A_99] : memref<1x2x120xi32, #tpu.memory_space<vmem>> -> memref<1x1x120xi32, #tpu.memory_space<vmem>>
    %dma_start3A_101 = tpu.memref_squeeze %dma_start3A_100 : memref<1x1x120xi32, #tpu.memory_space<vmem>> -> memref<120xi32, #tpu.memory_space<vmem>>
    %dma_start3A_102 = arith.constant 0 : i32
    %dma_start3A_103 = arith.constant 0 : i32
    %dma_start3A_104 = tpu.memref_slice %arg18[%dma_start3A_102, %dma_start3A_103] : memref<10240x128xf32, #tpu.memory_space<vmem_shared>> -> memref<10240x128xf32, #tpu.memory_space<vmem_shared>>
    tpu.enqueue_indirect_dma source(%arg11 : memref<120x128xf32, #tpu.memory_space<vmem>>) target(%dma_start3A_104 : memref<10240x128xf32, #tpu.memory_space<vmem_shared>>) offsets(%dma_start3A_101 : memref<120xi32, #tpu.memory_space<vmem>>) semaphore(%arg17 : memref<!tpu.dma_semaphore, #tpu.memory_space<semaphore_mem>>) {add = true}
    %dma_wait3A_105 = arith.constant 0 : i32
    %dma_wait3A_106 = arith.constant 1 : i32
    %dma_wait3A_107 = arith.constant 0 : i32
    %dma_wait3A_108 = tpu.memref_slice %arg6[%dma_wait3A_105, %dma_wait3A_106, %dma_wait3A_107] : memref<1x2x120xi32, #tpu.memory_space<vmem>> -> memref<1x1x120xi32, #tpu.memory_space<vmem>>
    %dma_wait3A_109 = tpu.memref_squeeze %dma_wait3A_108 : memref<1x1x120xi32, #tpu.memory_space<vmem>> -> memref<120xi32, #tpu.memory_space<vmem>>
    %dma_wait3A_110 = arith.constant 0 : i32
    %dma_wait3A_111 = arith.constant 0 : i32
    %dma_wait3A_112 = tpu.memref_slice %arg18[%dma_wait3A_110, %dma_wait3A_111] : memref<10240x128xf32, #tpu.memory_space<vmem_shared>> -> memref<10240x128xf32, #tpu.memory_space<vmem_shared>>
    tpu.wait_indirect_dma semaphore(%arg15 : memref<!tpu.dma_semaphore, #tpu.memory_space<semaphore_mem>>) src(%arg9 : memref<120x128xf32, #tpu.memory_space<vmem>>) dst(%dma_wait3A_112 : memref<10240x128xf32, #tpu.memory_space<vmem_shared>>)
    %dma_wait3A_113 = arith.constant 0 : i32
    %dma_wait3A_114 = arith.constant 1 : i32
    %dma_wait3A_115 = arith.constant 0 : i32
    %dma_wait3A_116 = tpu.memref_slice %arg7[%dma_wait3A_113, %dma_wait3A_114, %dma_wait3A_115] : memref<1x2x120xi32, #tpu.memory_space<vmem>> -> memref<1x1x120xi32, #tpu.memory_space<vmem>>
    %dma_wait3A_117 = tpu.memref_squeeze %dma_wait3A_116 : memref<1x1x120xi32, #tpu.memory_space<vmem>> -> memref<120xi32, #tpu.memory_space<vmem>>
    %dma_wait3A_118 = arith.constant 0 : i32
    %dma_wait3A_119 = arith.constant 0 : i32
    %dma_wait3A_120 = tpu.memref_slice %arg18[%dma_wait3A_118, %dma_wait3A_119] : memref<10240x128xf32, #tpu.memory_space<vmem_shared>> -> memref<10240x128xf32, #tpu.memory_space<vmem_shared>>
    tpu.wait_indirect_dma semaphore(%arg16 : memref<!tpu.dma_semaphore, #tpu.memory_space<semaphore_mem>>) src(%arg10 : memref<120x128xf32, #tpu.memory_space<vmem>>) dst(%dma_wait3A_120 : memref<10240x128xf32, #tpu.memory_space<vmem_shared>>)
    %dma_wait3A_121 = arith.constant 0 : i32
    %dma_wait3A_122 = arith.constant 1 : i32
    %dma_wait3A_123 = arith.constant 0 : i32
    %dma_wait3A_124 = tpu.memref_slice %arg8[%dma_wait3A_121, %dma_wait3A_122, %dma_wait3A_123] : memref<1x2x120xi32, #tpu.memory_space<vmem>> -> memref<1x1x120xi32, #tpu.memory_space<vmem>>
    %dma_wait3A_125 = tpu.memref_squeeze %dma_wait3A_124 : memref<1x1x120xi32, #tpu.memory_space<vmem>> -> memref<120xi32, #tpu.memory_space<vmem>>
    %dma_wait3A_126 = arith.constant 0 : i32
    %dma_wait3A_127 = arith.constant 0 : i32
    %dma_wait3A_128 = tpu.memref_slice %arg18[%dma_wait3A_126, %dma_wait3A_127] : memref<10240x128xf32, #tpu.memory_space<vmem_shared>> -> memref<10240x128xf32, #tpu.memory_space<vmem_shared>>
    tpu.wait_indirect_dma semaphore(%arg17 : memref<!tpu.dma_semaphore, #tpu.memory_space<semaphore_mem>>) src(%arg11 : memref<120x128xf32, #tpu.memory_space<vmem>>) dst(%dma_wait3A_128 : memref<10240x128xf32, #tpu.memory_space<vmem_shared>>)
    %barrier3A_129 = arith.constant 0 : index
    tpu.barrier barrier_id(%barrier3A_129)
    %mul3A_130 = arith.constant 640 : i32
    %mul3A_131 = arith.muli %arg1, %mul3A_130 : i32
    %mul3A_132 = arith.constant 640 : i32
    %mul3A_133 = arith.muli %arg1, %mul3A_132 : i32
    "tpu.region"() ({
      %run_scoped3A = tpu.sem_alloc : memref<!tpu.dma_semaphore, #tpu.memory_space<semaphore_mem>>
      %dma_start3A_134 = arith.constant 0 : i32
      %dma_start3A_135 = tpu.memref_slice %arg5[%arg0, %mul3A_133, %dma_start3A_134] : memref<2x10240x128xf32, #tpu.memory_space<hbm>> -> memref<1x640x128xf32, #tpu.memory_space<hbm>>
      %dma_start3A_136 = tpu.memref_squeeze %dma_start3A_135 : memref<1x640x128xf32, #tpu.memory_space<hbm>> -> memref<640x128xf32, #tpu.memory_space<hbm>>
      %dma_start3A_137 = arith.constant 0 : i32
      %dma_start3A_138 = tpu.memref_slice %arg18[%mul3A_131, %dma_start3A_137] : memref<10240x128xf32, #tpu.memory_space<vmem_shared>> -> memref<640x128xf32, #tpu.memory_space<vmem_shared>>
      tpu.enqueue_dma source(%dma_start3A_138 : memref<640x128xf32, #tpu.memory_space<vmem_shared>>) target(%dma_start3A_136 : memref<640x128xf32, #tpu.memory_space<hbm>>) target_semaphore(%run_scoped3A : memref<!tpu.dma_semaphore, #tpu.memory_space<semaphore_mem>>)
      %dma_wait3A_139 = arith.constant 0 : i32
      %dma_wait3A_140 = tpu.memref_slice %arg5[%arg0, %mul3A_133, %dma_wait3A_139] : memref<2x10240x128xf32, #tpu.memory_space<hbm>> -> memref<1x640x128xf32, #tpu.memory_space<hbm>>
      %dma_wait3A_141 = tpu.memref_squeeze %dma_wait3A_140 : memref<1x640x128xf32, #tpu.memory_space<hbm>> -> memref<640x128xf32, #tpu.memory_space<hbm>>
      %dma_wait3A_142 = arith.constant 0 : i32
      %dma_wait3A_143 = tpu.memref_slice %arg18[%mul3A_131, %dma_wait3A_142] : memref<10240x128xf32, #tpu.memory_space<vmem_shared>> -> memref<640x128xf32, #tpu.memory_space<vmem_shared>>
      tpu.wait_dma2 semaphore(%run_scoped3A : memref<!tpu.dma_semaphore, #tpu.memory_space<semaphore_mem>>) src(%dma_wait3A_143 : memref<640x128xf32, #tpu.memory_space<vmem_shared>>) dst(%dma_wait3A_141 : memref<640x128xf32, #tpu.memory_space<hbm>>)
      tpu.yield
    }) : () -> ()
    return
  }
}

module attributes {stable_mosaic.version = 14 : i64} {
  func.func @_tc_first_body(%arg0: i32, %arg1: memref<2x1024x1xf32, #tpu.memory_space<vmem>>, %arg2: memref<1024x128xf32, #tpu.memory_space<vmem>>, %arg3: memref<128x128xf32, #tpu.memory_space<vmem>>, %arg4: memref<1024x128xf32, #tpu.memory_space<vmem>>) attributes {dimension_semantics = [#tpu.dimension_semantics<arbitrary>], iteration_bounds = array<i64: 10>, scalar_prefetch = 0 : i64, scratch_operands = 0 : i64, tpu.core_type = #tpu.core_type<tc>, window_params = [{transform_indices = @transform_0, window_bounds = array<i64: 2, 1024, 1>}, {transform_indices = @transform_1, window_bounds = array<i64: 1024, 128>}, {pipeline_mode = #tpu.pipeline_mode<synchronous>, transform_indices = @transform_2, window_bounds = array<i64: 128, 128>}, {transform_indices = @transform_3, window_bounds = array<i64: 1024, 128>}]} {
    %get3A = arith.constant 0 : index
    %get3A_0 = arith.constant 0 : index
    %get3A_1 = vector.load %arg2[%get3A, %get3A_0] : memref<1024x128xf32, #tpu.memory_space<vmem>>, vector<1024x128xf32>
    %get3A_2 = arith.constant 0 : index
    %get3A_3 = arith.constant 0 : index
    %get3A_4 = vector.load %arg3[%get3A_2, %get3A_3] : memref<128x128xf32, #tpu.memory_space<vmem>>, vector<128x128xf32>
    %dot_general3A = arith.constant dense<0.000000e+00> : vector<1024x128xf32>
    %dot_general3A_5 = tpu.matmul %get3A_1, %get3A_4, %dot_general3A {dimension_numbers = #tpu.dot_dimension_numbers<[1], [0], [0], [1], [0, 0, 1, 1], [], []>, transpose_lhs_hint = false} : vector<1024x128xf32>, vector<128x128xf32>, vector<1024x128xf32> -> vector<1024x128xf32>
    %get3A_6 = arith.constant 0 : index
    %get3A_7 = arith.constant 0 : index
    %get3A_8 = arith.constant 0 : index
    %get3A_9 = vector.load %arg1[%get3A_6, %get3A_7, %get3A_8] : memref<2x1024x1xf32, #tpu.memory_space<vmem>>, vector<1x1024x1xf32>
    %get3A_10 = vector.shape_cast %get3A_9 : vector<1x1024x1xf32> to vector<1024x1xf32>
    %get3A_11 = arith.constant 1 : index
    %get3A_12 = arith.constant 0 : index
    %get3A_13 = arith.constant 0 : index
    %get3A_14 = vector.load %arg1[%get3A_11, %get3A_12, %get3A_13] : memref<2x1024x1xf32, #tpu.memory_space<vmem>>, vector<1x1024x1xf32>
    %get3A_15 = vector.shape_cast %get3A_14 : vector<1x1024x1xf32> to vector<1024x1xf32>
    %add3A = arith.addf %get3A_10, %get3A_15 : vector<1024x1xf32>
    %add3A_16 = arith.constant 1.000000e+00 : f32
    %add3A_17 = vector.broadcast %add3A_16 : f32 to vector<1024x1xf32>
    %add3A_18 = arith.addf %add3A, %add3A_17 : vector<1024x1xf32>
    %rsqrt3A = math.rsqrt %add3A_18 : vector<1024x1xf32>
    %broadcast_in_dim3A = vector.shape_cast %rsqrt3A : vector<1024x1xf32> to vector<1024x1xf32>
    %broadcast_in_dim3A_19 = vector.broadcast %broadcast_in_dim3A : vector<1024x1xf32> to vector<1024x128xf32>
    %mul3A = arith.mulf %dot_general3A_5, %broadcast_in_dim3A_19 : vector<1024x128xf32>
    %swap3A = arith.constant 0 : index
    %swap3A_20 = arith.constant 0 : index
    %swap3A_21 = vector.load %arg4[%swap3A, %swap3A_20] : memref<1024x128xf32, #tpu.memory_space<vmem>>, vector<1024x128xf32>
    tpu.vector_store %arg4[%swap3A, %swap3A_20], %mul3A {strides = array<i32>} : memref<1024x128xf32, #tpu.memory_space<vmem>>, vector<1024x128xf32>,
    return
  }
  func.func @transform_0(%arg0: i32) -> (i32, i32, i32) {
    %c0_i32 = arith.constant 0 : i32
    %c0_i32_0 = arith.constant 0 : i32
    %c0_i32_1 = arith.constant 0 : i32
    return %c0_i32, %arg0, %c0_i32_0 : i32, i32, i32
  }
  func.func @transform_1(%arg0: i32) -> (i32, i32) {
    %c0_i32 = arith.constant 0 : i32
    %c0_i32_0 = arith.constant 0 : i32
    return %arg0, %c0_i32 : i32, i32
  }
  func.func @transform_2(%arg0: i32) -> (i32, i32) {
    %c0_i32 = arith.constant 0 : i32
    %c0_i32_0 = arith.constant 0 : i32
    %c0_i32_1 = arith.constant 0 : i32
    return %c0_i32, %c0_i32_0 : i32, i32
  }
  func.func @transform_3(%arg0: i32) -> (i32, i32) {
    %c0_i32 = arith.constant 0 : i32
    %c0_i32_0 = arith.constant 0 : i32
    return %arg0, %c0_i32 : i32, i32
  }
}

module attributes {stable_mosaic.version = 14 : i64} {
  func.func @_tc_mid_body(%arg0: i32, %arg1: memref<2x1024x1xf32, #tpu.memory_space<vmem>>, %arg2: memref<2x1024x128xf32, #tpu.memory_space<vmem>>, %arg3: memref<1024x128xf32, #tpu.memory_space<vmem>>, %arg4: memref<1x128xf32, #tpu.memory_space<vmem>>, %arg5: memref<128x128xf32, #tpu.memory_space<vmem>>, %arg6: memref<1024x128xf32, #tpu.memory_space<vmem>>) attributes {dimension_semantics = [#tpu.dimension_semantics<arbitrary>], iteration_bounds = array<i64: 10>, scalar_prefetch = 0 : i64, scratch_operands = 0 : i64, tpu.core_type = #tpu.core_type<tc>, window_params = [{transform_indices = @transform_0, window_bounds = array<i64: 2, 1024, 1>}, {transform_indices = @transform_1, window_bounds = array<i64: 2, 1024, 128>}, {transform_indices = @transform_2, window_bounds = array<i64: 1024, 128>}, {pipeline_mode = #tpu.pipeline_mode<synchronous>, transform_indices = @transform_3, window_bounds = array<i64: 1, 128>}, {pipeline_mode = #tpu.pipeline_mode<synchronous>, transform_indices = @transform_4, window_bounds = array<i64: 128, 128>}, {transform_indices = @transform_5, window_bounds = array<i64: 1024, 128>}]} {
    %get3A = arith.constant 0 : index
    %get3A_0 = arith.constant 0 : index
    %get3A_1 = arith.constant 0 : index
    %get3A_2 = vector.load %arg1[%get3A, %get3A_0, %get3A_1] : memref<2x1024x1xf32, #tpu.memory_space<vmem>>, vector<1x1024x1xf32>
    %get3A_3 = vector.shape_cast %get3A_2 : vector<1x1024x1xf32> to vector<1024x1xf32>
    %get3A_4 = arith.constant 1 : index
    %get3A_5 = arith.constant 0 : index
    %get3A_6 = arith.constant 0 : index
    %get3A_7 = vector.load %arg1[%get3A_4, %get3A_5, %get3A_6] : memref<2x1024x1xf32, #tpu.memory_space<vmem>>, vector<1x1024x1xf32>
    %get3A_8 = vector.shape_cast %get3A_7 : vector<1x1024x1xf32> to vector<1024x1xf32>
    %add3A = arith.addf %get3A_3, %get3A_8 : vector<1024x1xf32>
    %add3A_9 = arith.constant 1.000000e+00 : f32
    %add3A_10 = vector.broadcast %add3A_9 : f32 to vector<1024x1xf32>
    %add3A_11 = arith.addf %add3A, %add3A_10 : vector<1024x1xf32>
    %rsqrt3A = math.rsqrt %add3A_11 : vector<1024x1xf32>
    %broadcast_in_dim3A = vector.shape_cast %rsqrt3A : vector<1024x1xf32> to vector<1024x1xf32>
    %broadcast_in_dim3A_12 = vector.broadcast %broadcast_in_dim3A : vector<1024x1xf32> to vector<1024x128xf32>
    %get3A_13 = arith.constant 0 : index
    %get3A_14 = arith.constant 0 : index
    %get3A_15 = arith.constant 0 : index
    %get3A_16 = vector.load %arg2[%get3A_13, %get3A_14, %get3A_15] : memref<2x1024x128xf32, #tpu.memory_space<vmem>>, vector<1x1024x128xf32>
    %get3A_17 = vector.shape_cast %get3A_16 : vector<1x1024x128xf32> to vector<1024x128xf32>
    %get3A_18 = arith.constant 1 : index
    %get3A_19 = arith.constant 0 : index
    %get3A_20 = arith.constant 0 : index
    %get3A_21 = vector.load %arg2[%get3A_18, %get3A_19, %get3A_20] : memref<2x1024x128xf32, #tpu.memory_space<vmem>>, vector<1x1024x128xf32>
    %get3A_22 = vector.shape_cast %get3A_21 : vector<1x1024x128xf32> to vector<1024x128xf32>
    %add3A_23 = arith.addf %get3A_17, %get3A_22 : vector<1024x128xf32>
    %get3A_24 = arith.constant 0 : index
    %get3A_25 = arith.constant 0 : index
    %get3A_26 = vector.load %arg3[%get3A_24, %get3A_25] : memref<1024x128xf32, #tpu.memory_space<vmem>>, vector<1024x128xf32>
    %add3A_27 = arith.addf %add3A_23, %get3A_26 : vector<1024x128xf32>
    %mul3A = arith.mulf %broadcast_in_dim3A_12, %add3A_27 : vector<1024x128xf32>
    %get3A_28 = arith.constant 0 : index
    %get3A_29 = arith.constant 0 : index
    %get3A_30 = vector.load %arg4[%get3A_28, %get3A_29] : memref<1x128xf32, #tpu.memory_space<vmem>>, vector<1x128xf32>
    %add3A_31 = vector.broadcast %get3A_30 : vector<1x128xf32> to vector<1024x128xf32>
    %add3A_32 = arith.addf %mul3A, %add3A_31 : vector<1024x128xf32>
    %max3A = arith.constant 0.000000e+00 : f32
    %max3A_33 = vector.broadcast %max3A : f32 to vector<1024x128xf32>
    %max3A_34 = arith.maximumf %add3A_32, %max3A_33 : vector<1024x128xf32>
    %get3A_35 = arith.constant 0 : index
    %get3A_36 = arith.constant 0 : index
    %get3A_37 = vector.load %arg5[%get3A_35, %get3A_36] : memref<128x128xf32, #tpu.memory_space<vmem>>, vector<128x128xf32>
    %dot_general3A = arith.constant dense<0.000000e+00> : vector<1024x128xf32>
    %dot_general3A_38 = tpu.matmul %max3A_34, %get3A_37, %dot_general3A {dimension_numbers = #tpu.dot_dimension_numbers<[1], [0], [0], [1], [0, 0, 1, 1], [], []>, transpose_lhs_hint = false} : vector<1024x128xf32>, vector<128x128xf32>, vector<1024x128xf32> -> vector<1024x128xf32>
    %mul3A_39 = arith.mulf %dot_general3A_38, %broadcast_in_dim3A_12 : vector<1024x128xf32>
    %swap3A = arith.constant 0 : index
    %swap3A_40 = arith.constant 0 : index
    %swap3A_41 = vector.load %arg6[%swap3A, %swap3A_40] : memref<1024x128xf32, #tpu.memory_space<vmem>>, vector<1024x128xf32>
    tpu.vector_store %arg6[%swap3A, %swap3A_40], %mul3A_39 {strides = array<i32>} : memref<1024x128xf32, #tpu.memory_space<vmem>>, vector<1024x128xf32>,
    return
  }
  func.func @transform_0(%arg0: i32) -> (i32, i32, i32) {
    %c0_i32 = arith.constant 0 : i32
    %c0_i32_0 = arith.constant 0 : i32
    %c0_i32_1 = arith.constant 0 : i32
    return %c0_i32, %arg0, %c0_i32_0 : i32, i32, i32
  }
  func.func @transform_1(%arg0: i32) -> (i32, i32, i32) {
    %c0_i32 = arith.constant 0 : i32
    %c0_i32_0 = arith.constant 0 : i32
    %c0_i32_1 = arith.constant 0 : i32
    return %c0_i32, %arg0, %c0_i32_0 : i32, i32, i32
  }
  func.func @transform_2(%arg0: i32) -> (i32, i32) {
    %c0_i32 = arith.constant 0 : i32
    %c0_i32_0 = arith.constant 0 : i32
    return %arg0, %c0_i32 : i32, i32
  }
  func.func @transform_3(%arg0: i32) -> (i32, i32) {
    %c0_i32 = arith.constant 0 : i32
    %c0_i32_0 = arith.constant 0 : i32
    %c0_i32_1 = arith.constant 0 : i32
    return %c0_i32, %c0_i32_0 : i32, i32
  }
  func.func @transform_4(%arg0: i32) -> (i32, i32) {
    %c0_i32 = arith.constant 0 : i32
    %c0_i32_0 = arith.constant 0 : i32
    %c0_i32_1 = arith.constant 0 : i32
    return %c0_i32, %c0_i32_0 : i32, i32
  }
  func.func @transform_5(%arg0: i32) -> (i32, i32) {
    %c0_i32 = arith.constant 0 : i32
    %c0_i32_0 = arith.constant 0 : i32
    return %arg0, %c0_i32 : i32, i32
  }
}

module attributes {stable_mosaic.version = 14 : i64} {
  func.func @_tc_head_body(%arg0: i32, %arg1: memref<2x1024x1xf32, #tpu.memory_space<vmem>>, %arg2: memref<2x1024x128xf32, #tpu.memory_space<vmem>>, %arg3: memref<1024x128xf32, #tpu.memory_space<vmem>>, %arg4: memref<1x128xf32, #tpu.memory_space<vmem>>, %arg5: memref<128x128xf32, #tpu.memory_space<vmem>>, %arg6: memref<1x128xf32, #tpu.memory_space<vmem>>, %arg7: memref<128x128xf32, #tpu.memory_space<vmem>>, %arg8: memref<1x128xf32, #tpu.memory_space<vmem>>, %arg9: memref<1x8x128xi32, #tpu.memory_space<vmem>>, %arg10: memref<16x128xf32, #tpu.memory_space<vmem>>, %arg11: memref<16x128xf32, #tpu.memory_space<vmem>>) attributes {dimension_semantics = [#tpu.dimension_semantics<arbitrary>], iteration_bounds = array<i64: 10>, scalar_prefetch = 0 : i64, scratch_operands = 0 : i64, tpu.core_type = #tpu.core_type<tc>, window_params = [{transform_indices = @transform_0, window_bounds = array<i64: 2, 1024, 1>}, {transform_indices = @transform_1, window_bounds = array<i64: 2, 1024, 128>}, {transform_indices = @transform_2, window_bounds = array<i64: 1024, 128>}, {pipeline_mode = #tpu.pipeline_mode<synchronous>, transform_indices = @transform_3, window_bounds = array<i64: 1, 128>}, {pipeline_mode = #tpu.pipeline_mode<synchronous>, transform_indices = @transform_4, window_bounds = array<i64: 128, 128>}, {pipeline_mode = #tpu.pipeline_mode<synchronous>, transform_indices = @transform_5, window_bounds = array<i64: 1, 128>}, {pipeline_mode = #tpu.pipeline_mode<synchronous>, transform_indices = @transform_6, window_bounds = array<i64: 128, 128>}, {pipeline_mode = #tpu.pipeline_mode<synchronous>, transform_indices = @transform_7, window_bounds = array<i64: 1, 128>}, {transform_indices = @transform_8, window_bounds = array<i64: 1, 8, 128>}, {pipeline_mode = #tpu.pipeline_mode<synchronous>, transform_indices = @transform_9, window_bounds = array<i64: 16, 128>}, {pipeline_mode = #tpu.pipeline_mode<synchronous>, transform_indices = @transform_10, window_bounds = array<i64: 16, 128>}]} {
    %eq3A = arith.constant 0 : i32
    %eq3A_0 = arith.cmpi eq, %arg0, %eq3A : i32
    %convert_element_type3A = arith.extui %eq3A_0 : i1 to i32
    %cond3A = arith.constant 0 : i32
    %cond3A_1 = arith.cmpi ne, %convert_element_type3A, %cond3A : i32
    scf.if %cond3A_1 {
      %broadcast_in_dim3A_312 = arith.constant 0.000000e+00 : f32
      %broadcast_in_dim3A_313 = vector.broadcast %broadcast_in_dim3A_312 : f32 to vector<16x128xf32>
      %swap3A_314 = arith.constant 0 : index
      %swap3A_315 = arith.constant 0 : index
      %swap3A_316 = vector.load %arg10[%swap3A_314, %swap3A_315] : memref<16x128xf32, #tpu.memory_space<vmem>>, vector<16x128xf32>
      tpu.vector_store %arg10[%swap3A_314, %swap3A_315], %broadcast_in_dim3A_313 {strides = array<i32>} : memref<16x128xf32, #tpu.memory_space<vmem>>, vector<16x128xf32>,
      %broadcast_in_dim3A_317 = arith.constant 0.000000e+00 : f32
      %broadcast_in_dim3A_318 = vector.broadcast %broadcast_in_dim3A_317 : f32 to vector<16x128xf32>
      %swap3A_319 = arith.constant 0 : index
      %swap3A_320 = arith.constant 0 : index
      %swap3A_321 = vector.load %arg11[%swap3A_319, %swap3A_320] : memref<16x128xf32, #tpu.memory_space<vmem>>, vector<16x128xf32>
      tpu.vector_store %arg11[%swap3A_319, %swap3A_320], %broadcast_in_dim3A_318 {strides = array<i32>} : memref<16x128xf32, #tpu.memory_space<vmem>>, vector<16x128xf32>,
    } else {
    }
    %get3A = arith.constant 0 : index
    %get3A_2 = arith.constant 0 : index
    %get3A_3 = arith.constant 0 : index
    %get3A_4 = vector.load %arg1[%get3A, %get3A_2, %get3A_3] : memref<2x1024x1xf32, #tpu.memory_space<vmem>>, vector<1x1024x1xf32>
    %get3A_5 = vector.shape_cast %get3A_4 : vector<1x1024x1xf32> to vector<1024x1xf32>
    %get3A_6 = arith.constant 1 : index
    %get3A_7 = arith.constant 0 : index
    %get3A_8 = arith.constant 0 : index
    %get3A_9 = vector.load %arg1[%get3A_6, %get3A_7, %get3A_8] : memref<2x1024x1xf32, #tpu.memory_space<vmem>>, vector<1x1024x1xf32>
    %get3A_10 = vector.shape_cast %get3A_9 : vector<1x1024x1xf32> to vector<1024x1xf32>
    %add3A = arith.addf %get3A_5, %get3A_10 : vector<1024x1xf32>
    %add3A_11 = arith.constant 1.000000e+00 : f32
    %add3A_12 = vector.broadcast %add3A_11 : f32 to vector<1024x1xf32>
    %add3A_13 = arith.addf %add3A, %add3A_12 : vector<1024x1xf32>
    %rsqrt3A = math.rsqrt %add3A_13 : vector<1024x1xf32>
    %broadcast_in_dim3A = vector.shape_cast %rsqrt3A : vector<1024x1xf32> to vector<1024x1xf32>
    %broadcast_in_dim3A_14 = vector.broadcast %broadcast_in_dim3A : vector<1024x1xf32> to vector<1024x128xf32>
    %get3A_15 = arith.constant 0 : index
    %get3A_16 = arith.constant 0 : index
    %get3A_17 = arith.constant 0 : index
    %get3A_18 = vector.load %arg2[%get3A_15, %get3A_16, %get3A_17] : memref<2x1024x128xf32, #tpu.memory_space<vmem>>, vector<1x1024x128xf32>
    %get3A_19 = vector.shape_cast %get3A_18 : vector<1x1024x128xf32> to vector<1024x128xf32>
    %get3A_20 = arith.constant 1 : index
    %get3A_21 = arith.constant 0 : index
    %get3A_22 = arith.constant 0 : index
    %get3A_23 = vector.load %arg2[%get3A_20, %get3A_21, %get3A_22] : memref<2x1024x128xf32, #tpu.memory_space<vmem>>, vector<1x1024x128xf32>
    %get3A_24 = vector.shape_cast %get3A_23 : vector<1x1024x128xf32> to vector<1024x128xf32>
    %add3A_25 = arith.addf %get3A_19, %get3A_24 : vector<1024x128xf32>
    %get3A_26 = arith.constant 0 : index
    %get3A_27 = arith.constant 0 : index
    %get3A_28 = vector.load %arg3[%get3A_26, %get3A_27] : memref<1024x128xf32, #tpu.memory_space<vmem>>, vector<1024x128xf32>
    %add3A_29 = arith.addf %add3A_25, %get3A_28 : vector<1024x128xf32>
    %mul3A = arith.mulf %broadcast_in_dim3A_14, %add3A_29 : vector<1024x128xf32>
    %get3A_30 = arith.constant 0 : index
    %get3A_31 = arith.constant 0 : index
    %get3A_32 = vector.load %arg4[%get3A_30, %get3A_31] : memref<1x128xf32, #tpu.memory_space<vmem>>, vector<1x128xf32>
    %add3A_33 = vector.broadcast %get3A_32 : vector<1x128xf32> to vector<1024x128xf32>
    %add3A_34 = arith.addf %mul3A, %add3A_33 : vector<1024x128xf32>
    %max3A = arith.constant 0.000000e+00 : f32
    %max3A_35 = vector.broadcast %max3A : f32 to vector<1024x128xf32>
    %max3A_36 = arith.maximumf %add3A_34, %max3A_35 : vector<1024x128xf32>
    %get3A_37 = arith.constant 0 : index
    %get3A_38 = arith.constant 0 : index
    %get3A_39 = vector.load %arg5[%get3A_37, %get3A_38] : memref<128x128xf32, #tpu.memory_space<vmem>>, vector<128x128xf32>
    %dot_general3A = arith.constant dense<0.000000e+00> : vector<1024x128xf32>
    %dot_general3A_40 = tpu.matmul %max3A_36, %get3A_39, %dot_general3A {dimension_numbers = #tpu.dot_dimension_numbers<[1], [0], [0], [1], [0, 0, 1, 1], [], []>, transpose_lhs_hint = false} : vector<1024x128xf32>, vector<128x128xf32>, vector<1024x128xf32> -> vector<1024x128xf32>
    %get3A_41 = arith.constant 0 : index
    %get3A_42 = arith.constant 0 : index
    %get3A_43 = vector.load %arg6[%get3A_41, %get3A_42] : memref<1x128xf32, #tpu.memory_space<vmem>>, vector<1x128xf32>
    %add3A_44 = vector.broadcast %get3A_43 : vector<1x128xf32> to vector<1024x128xf32>
    %add3A_45 = arith.addf %dot_general3A_40, %add3A_44 : vector<1024x128xf32>
    %max3A_46 = arith.constant 0.000000e+00 : f32
    %max3A_47 = vector.broadcast %max3A_46 : f32 to vector<1024x128xf32>
    %max3A_48 = arith.maximumf %add3A_45, %max3A_47 : vector<1024x128xf32>
    %get3A_49 = arith.constant 0 : index
    %get3A_50 = arith.constant 0 : index
    %get3A_51 = vector.load %arg7[%get3A_49, %get3A_50] : memref<128x128xf32, #tpu.memory_space<vmem>>, vector<128x128xf32>
    %dot_general3A_52 = arith.constant dense<0.000000e+00> : vector<1024x128xf32>
    %dot_general3A_53 = tpu.matmul %max3A_48, %get3A_51, %dot_general3A_52 {dimension_numbers = #tpu.dot_dimension_numbers<[1], [0], [0], [1], [0, 0, 1, 1], [], []>, transpose_lhs_hint = false} : vector<1024x128xf32>, vector<128x128xf32>, vector<1024x128xf32> -> vector<1024x128xf32>
    %get3A_54 = arith.constant 0 : index
    %get3A_55 = arith.constant 0 : index
    %get3A_56 = vector.load %arg8[%get3A_54, %get3A_55] : memref<1x128xf32, #tpu.memory_space<vmem>>, vector<1x128xf32>
    %add3A_57 = vector.broadcast %get3A_56 : vector<1x128xf32> to vector<1024x128xf32>
    %add3A_58 = arith.addf %dot_general3A_53, %add3A_57 : vector<1024x128xf32>
    %iota3A = tpu.iota {dimensions = array<i32: 0>} : vector<16x128xi32>
    %get3A_59 = arith.constant 0 : index
    %get3A_60 = arith.constant 0 : index
    %get3A_61 = arith.constant 0 : index
    %get3A_62 = vector.load %arg9[%get3A_59, %get3A_60, %get3A_61] : memref<1x8x128xi32, #tpu.memory_space<vmem>>, vector<1x1x128xi32>
    %get3A_63 = vector.shape_cast %get3A_62 : vector<1x1x128xi32> to vector<1x128xi32>
    %broadcast_in_dim3A_64 = vector.shape_cast %get3A_63 : vector<1x128xi32> to vector<1x128xi32>
    %broadcast_in_dim3A_65 = vector.broadcast %broadcast_in_dim3A_64 : vector<1x128xi32> to vector<16x128xi32>
    %eq3A_66 = arith.cmpi eq, %iota3A, %broadcast_in_dim3A_65 : vector<16x128xi32>
    %convert_element_type3A_67 = arith.extui %eq3A_66 : vector<16x128xi1> to vector<16x128xi32>
    %convert_element_type3A_68 = arith.sitofp %convert_element_type3A_67 : vector<16x128xi32> to vector<16x128xf32>
    %get3A_69 = arith.constant 0 : index
    %get3A_70 = arith.constant 0 : index
    %get3A_71 = vector.load %arg10[%get3A_69, %get3A_70] : memref<16x128xf32, #tpu.memory_space<vmem>>, vector<16x128xf32>
    %slice3A = vector.extract_strided_slice %add3A_58 {offsets = [0, 0], sizes = [128, 128], strides = [1, 1]} : vector<1024x128xf32> to vector<128x128xf32>
    %dot_general3A_72 = arith.constant dense<0.000000e+00> : vector<16x128xf32>
    %dot_general3A_73 = tpu.matmul %convert_element_type3A_68, %slice3A, %dot_general3A_72 {dimension_numbers = #tpu.dot_dimension_numbers<[1], [0], [0], [1], [0, 0, 1, 1], [], []>, transpose_lhs_hint = false} : vector<16x128xf32>, vector<128x128xf32>, vector<16x128xf32> -> vector<16x128xf32>
    %add3A_74 = arith.addf %get3A_71, %dot_general3A_73 : vector<16x128xf32>
    %swap3A = arith.constant 0 : index
    %swap3A_75 = arith.constant 0 : index
    %swap3A_76 = vector.load %arg10[%swap3A, %swap3A_75] : memref<16x128xf32, #tpu.memory_space<vmem>>, vector<16x128xf32>
    tpu.vector_store %arg10[%swap3A, %swap3A_75], %add3A_74 {strides = array<i32>} : memref<16x128xf32, #tpu.memory_space<vmem>>, vector<16x128xf32>,
    %get3A_77 = arith.constant 0 : index
    %get3A_78 = arith.constant 0 : index
    %get3A_79 = vector.load %arg11[%get3A_77, %get3A_78] : memref<16x128xf32, #tpu.memory_space<vmem>>, vector<16x128xf32>
    %reduce_sum3A = arith.constant dense<0.000000e+00> : vector<16xf32>
    %reduce_sum3A_80 = vector.multi_reduction <add>, %convert_element_type3A_68, %reduce_sum3A [1] : vector<16x128xf32> to vector<16xf32>
    %broadcast_in_dim3A_81 = vector.shape_cast %reduce_sum3A_80 : vector<16xf32> to vector<16x1xf32>
    %broadcast_in_dim3A_82 = vector.shape_cast %broadcast_in_dim3A_81 : vector<16x1xf32> to vector<16x1xf32>
    %broadcast_in_dim3A_83 = vector.broadcast %broadcast_in_dim3A_82 : vector<16x1xf32> to vector<16x128xf32>
    %add3A_84 = arith.addf %get3A_79, %broadcast_in_dim3A_83 : vector<16x128xf32>
    %swap3A_85 = arith.constant 0 : index
    %swap3A_86 = arith.constant 0 : index
    %swap3A_87 = vector.load %arg11[%swap3A_85, %swap3A_86] : memref<16x128xf32, #tpu.memory_space<vmem>>, vector<16x128xf32>
    tpu.vector_store %arg11[%swap3A_85, %swap3A_86], %add3A_84 {strides = array<i32>} : memref<16x128xf32, #tpu.memory_space<vmem>>, vector<16x128xf32>,
    %get3A_88 = arith.constant 0 : index
    %get3A_89 = arith.constant 1 : index
    %get3A_90 = arith.constant 0 : index
    %get3A_91 = vector.load %arg9[%get3A_88, %get3A_89, %get3A_90] : memref<1x8x128xi32, #tpu.memory_space<vmem>>, vector<1x1x128xi32>
    %get3A_92 = vector.shape_cast %get3A_91 : vector<1x1x128xi32> to vector<1x128xi32>
    %broadcast_in_dim3A_93 = vector.shape_cast %get3A_92 : vector<1x128xi32> to vector<1x128xi32>
    %broadcast_in_dim3A_94 = vector.broadcast %broadcast_in_dim3A_93 : vector<1x128xi32> to vector<16x128xi32>
    %eq3A_95 = arith.cmpi eq, %iota3A, %broadcast_in_dim3A_94 : vector<16x128xi32>
    %convert_element_type3A_96 = arith.extui %eq3A_95 : vector<16x128xi1> to vector<16x128xi32>
    %convert_element_type3A_97 = arith.sitofp %convert_element_type3A_96 : vector<16x128xi32> to vector<16x128xf32>
    %get3A_98 = arith.constant 0 : index
    %get3A_99 = arith.constant 0 : index
    %get3A_100 = vector.load %arg10[%get3A_98, %get3A_99] : memref<16x128xf32, #tpu.memory_space<vmem>>, vector<16x128xf32>
    %slice3A_101 = vector.extract_strided_slice %add3A_58 {offsets = [128, 0], sizes = [128, 128], strides = [1, 1]} : vector<1024x128xf32> to vector<128x128xf32>
    %dot_general3A_102 = arith.constant dense<0.000000e+00> : vector<16x128xf32>
    %dot_general3A_103 = tpu.matmul %convert_element_type3A_97, %slice3A_101, %dot_general3A_102 {dimension_numbers = #tpu.dot_dimension_numbers<[1], [0], [0], [1], [0, 0, 1, 1], [], []>, transpose_lhs_hint = false} : vector<16x128xf32>, vector<128x128xf32>, vector<16x128xf32> -> vector<16x128xf32>
    %add3A_104 = arith.addf %get3A_100, %dot_general3A_103 : vector<16x128xf32>
    %swap3A_105 = arith.constant 0 : index
    %swap3A_106 = arith.constant 0 : index
    %swap3A_107 = vector.load %arg10[%swap3A_105, %swap3A_106] : memref<16x128xf32, #tpu.memory_space<vmem>>, vector<16x128xf32>
    tpu.vector_store %arg10[%swap3A_105, %swap3A_106], %add3A_104 {strides = array<i32>} : memref<16x128xf32, #tpu.memory_space<vmem>>, vector<16x128xf32>,
    %get3A_108 = arith.constant 0 : index
    %get3A_109 = arith.constant 0 : index
    %get3A_110 = vector.load %arg11[%get3A_108, %get3A_109] : memref<16x128xf32, #tpu.memory_space<vmem>>, vector<16x128xf32>
    %reduce_sum3A_111 = arith.constant dense<0.000000e+00> : vector<16xf32>
    %reduce_sum3A_112 = vector.multi_reduction <add>, %convert_element_type3A_97, %reduce_sum3A_111 [1] : vector<16x128xf32> to vector<16xf32>
    %broadcast_in_dim3A_113 = vector.shape_cast %reduce_sum3A_112 : vector<16xf32> to vector<16x1xf32>
    %broadcast_in_dim3A_114 = vector.shape_cast %broadcast_in_dim3A_113 : vector<16x1xf32> to vector<16x1xf32>
    %broadcast_in_dim3A_115 = vector.broadcast %broadcast_in_dim3A_114 : vector<16x1xf32> to vector<16x128xf32>
    %add3A_116 = arith.addf %get3A_110, %broadcast_in_dim3A_115 : vector<16x128xf32>
    %swap3A_117 = arith.constant 0 : index
    %swap3A_118 = arith.constant 0 : index
    %swap3A_119 = vector.load %arg11[%swap3A_117, %swap3A_118] : memref<16x128xf32, #tpu.memory_space<vmem>>, vector<16x128xf32>
    tpu.vector_store %arg11[%swap3A_117, %swap3A_118], %add3A_116 {strides = array<i32>} : memref<16x128xf32, #tpu.memory_space<vmem>>, vector<16x128xf32>,
    %get3A_120 = arith.constant 0 : index
    %get3A_121 = arith.constant 2 : index
    %get3A_122 = arith.constant 0 : index
    %get3A_123 = vector.load %arg9[%get3A_120, %get3A_121, %get3A_122] : memref<1x8x128xi32, #tpu.memory_space<vmem>>, vector<1x1x128xi32>
    %get3A_124 = vector.shape_cast %get3A_123 : vector<1x1x128xi32> to vector<1x128xi32>
    %broadcast_in_dim3A_125 = vector.shape_cast %get3A_124 : vector<1x128xi32> to vector<1x128xi32>
    %broadcast_in_dim3A_126 = vector.broadcast %broadcast_in_dim3A_125 : vector<1x128xi32> to vector<16x128xi32>
    %eq3A_127 = arith.cmpi eq, %iota3A, %broadcast_in_dim3A_126 : vector<16x128xi32>
    %convert_element_type3A_128 = arith.extui %eq3A_127 : vector<16x128xi1> to vector<16x128xi32>
    %convert_element_type3A_129 = arith.sitofp %convert_element_type3A_128 : vector<16x128xi32> to vector<16x128xf32>
    %get3A_130 = arith.constant 0 : index
    %get3A_131 = arith.constant 0 : index
    %get3A_132 = vector.load %arg10[%get3A_130, %get3A_131] : memref<16x128xf32, #tpu.memory_space<vmem>>, vector<16x128xf32>
    %slice3A_133 = vector.extract_strided_slice %add3A_58 {offsets = [256, 0], sizes = [128, 128], strides = [1, 1]} : vector<1024x128xf32> to vector<128x128xf32>
    %dot_general3A_134 = arith.constant dense<0.000000e+00> : vector<16x128xf32>
    %dot_general3A_135 = tpu.matmul %convert_element_type3A_129, %slice3A_133, %dot_general3A_134 {dimension_numbers = #tpu.dot_dimension_numbers<[1], [0], [0], [1], [0, 0, 1, 1], [], []>, transpose_lhs_hint = false} : vector<16x128xf32>, vector<128x128xf32>, vector<16x128xf32> -> vector<16x128xf32>
    %add3A_136 = arith.addf %get3A_132, %dot_general3A_135 : vector<16x128xf32>
    %swap3A_137 = arith.constant 0 : index
    %swap3A_138 = arith.constant 0 : index
    %swap3A_139 = vector.load %arg10[%swap3A_137, %swap3A_138] : memref<16x128xf32, #tpu.memory_space<vmem>>, vector<16x128xf32>
    tpu.vector_store %arg10[%swap3A_137, %swap3A_138], %add3A_136 {strides = array<i32>} : memref<16x128xf32, #tpu.memory_space<vmem>>, vector<16x128xf32>,
    %get3A_140 = arith.constant 0 : index
    %get3A_141 = arith.constant 0 : index
    %get3A_142 = vector.load %arg11[%get3A_140, %get3A_141] : memref<16x128xf32, #tpu.memory_space<vmem>>, vector<16x128xf32>
    %reduce_sum3A_143 = arith.constant dense<0.000000e+00> : vector<16xf32>
    %reduce_sum3A_144 = vector.multi_reduction <add>, %convert_element_type3A_129, %reduce_sum3A_143 [1] : vector<16x128xf32> to vector<16xf32>
    %broadcast_in_dim3A_145 = vector.shape_cast %reduce_sum3A_144 : vector<16xf32> to vector<16x1xf32>
    %broadcast_in_dim3A_146 = vector.shape_cast %broadcast_in_dim3A_145 : vector<16x1xf32> to vector<16x1xf32>
    %broadcast_in_dim3A_147 = vector.broadcast %broadcast_in_dim3A_146 : vector<16x1xf32> to vector<16x128xf32>
    %add3A_148 = arith.addf %get3A_142, %broadcast_in_dim3A_147 : vector<16x128xf32>
    %swap3A_149 = arith.constant 0 : index
    %swap3A_150 = arith.constant 0 : index
    %swap3A_151 = vector.load %arg11[%swap3A_149, %swap3A_150] : memref<16x128xf32, #tpu.memory_space<vmem>>, vector<16x128xf32>
    tpu.vector_store %arg11[%swap3A_149, %swap3A_150], %add3A_148 {strides = array<i32>} : memref<16x128xf32, #tpu.memory_space<vmem>>, vector<16x128xf32>,
    %get3A_152 = arith.constant 0 : index
    %get3A_153 = arith.constant 3 : index
    %get3A_154 = arith.constant 0 : index
    %get3A_155 = vector.load %arg9[%get3A_152, %get3A_153, %get3A_154] : memref<1x8x128xi32, #tpu.memory_space<vmem>>, vector<1x1x128xi32>
    %get3A_156 = vector.shape_cast %get3A_155 : vector<1x1x128xi32> to vector<1x128xi32>
    %broadcast_in_dim3A_157 = vector.shape_cast %get3A_156 : vector<1x128xi32> to vector<1x128xi32>
    %broadcast_in_dim3A_158 = vector.broadcast %broadcast_in_dim3A_157 : vector<1x128xi32> to vector<16x128xi32>
    %eq3A_159 = arith.cmpi eq, %iota3A, %broadcast_in_dim3A_158 : vector<16x128xi32>
    %convert_element_type3A_160 = arith.extui %eq3A_159 : vector<16x128xi1> to vector<16x128xi32>
    %convert_element_type3A_161 = arith.sitofp %convert_element_type3A_160 : vector<16x128xi32> to vector<16x128xf32>
    %get3A_162 = arith.constant 0 : index
    %get3A_163 = arith.constant 0 : index
    %get3A_164 = vector.load %arg10[%get3A_162, %get3A_163] : memref<16x128xf32, #tpu.memory_space<vmem>>, vector<16x128xf32>
    %slice3A_165 = vector.extract_strided_slice %add3A_58 {offsets = [384, 0], sizes = [128, 128], strides = [1, 1]} : vector<1024x128xf32> to vector<128x128xf32>
    %dot_general3A_166 = arith.constant dense<0.000000e+00> : vector<16x128xf32>
    %dot_general3A_167 = tpu.matmul %convert_element_type3A_161, %slice3A_165, %dot_general3A_166 {dimension_numbers = #tpu.dot_dimension_numbers<[1], [0], [0], [1], [0, 0, 1, 1], [], []>, transpose_lhs_hint = false} : vector<16x128xf32>, vector<128x128xf32>, vector<16x128xf32> -> vector<16x128xf32>
    %add3A_168 = arith.addf %get3A_164, %dot_general3A_167 : vector<16x128xf32>
    %swap3A_169 = arith.constant 0 : index
    %swap3A_170 = arith.constant 0 : index
    %swap3A_171 = vector.load %arg10[%swap3A_169, %swap3A_170] : memref<16x128xf32, #tpu.memory_space<vmem>>, vector<16x128xf32>
    tpu.vector_store %arg10[%swap3A_169, %swap3A_170], %add3A_168 {strides = array<i32>} : memref<16x128xf32, #tpu.memory_space<vmem>>, vector<16x128xf32>,
    %get3A_172 = arith.constant 0 : index
    %get3A_173 = arith.constant 0 : index
    %get3A_174 = vector.load %arg11[%get3A_172, %get3A_173] : memref<16x128xf32, #tpu.memory_space<vmem>>, vector<16x128xf32>
    %reduce_sum3A_175 = arith.constant dense<0.000000e+00> : vector<16xf32>
    %reduce_sum3A_176 = vector.multi_reduction <add>, %convert_element_type3A_161, %reduce_sum3A_175 [1] : vector<16x128xf32> to vector<16xf32>
    %broadcast_in_dim3A_177 = vector.shape_cast %reduce_sum3A_176 : vector<16xf32> to vector<16x1xf32>
    %broadcast_in_dim3A_178 = vector.shape_cast %broadcast_in_dim3A_177 : vector<16x1xf32> to vector<16x1xf32>
    %broadcast_in_dim3A_179 = vector.broadcast %broadcast_in_dim3A_178 : vector<16x1xf32> to vector<16x128xf32>
    %add3A_180 = arith.addf %get3A_174, %broadcast_in_dim3A_179 : vector<16x128xf32>
    %swap3A_181 = arith.constant 0 : index
    %swap3A_182 = arith.constant 0 : index
    %swap3A_183 = vector.load %arg11[%swap3A_181, %swap3A_182] : memref<16x128xf32, #tpu.memory_space<vmem>>, vector<16x128xf32>
    tpu.vector_store %arg11[%swap3A_181, %swap3A_182], %add3A_180 {strides = array<i32>} : memref<16x128xf32, #tpu.memory_space<vmem>>, vector<16x128xf32>,
    %get3A_184 = arith.constant 0 : index
    %get3A_185 = arith.constant 4 : index
    %get3A_186 = arith.constant 0 : index
    %get3A_187 = vector.load %arg9[%get3A_184, %get3A_185, %get3A_186] : memref<1x8x128xi32, #tpu.memory_space<vmem>>, vector<1x1x128xi32>
    %get3A_188 = vector.shape_cast %get3A_187 : vector<1x1x128xi32> to vector<1x128xi32>
    %broadcast_in_dim3A_189 = vector.shape_cast %get3A_188 : vector<1x128xi32> to vector<1x128xi32>
    %broadcast_in_dim3A_190 = vector.broadcast %broadcast_in_dim3A_189 : vector<1x128xi32> to vector<16x128xi32>
    %eq3A_191 = arith.cmpi eq, %iota3A, %broadcast_in_dim3A_190 : vector<16x128xi32>
    %convert_element_type3A_192 = arith.extui %eq3A_191 : vector<16x128xi1> to vector<16x128xi32>
    %convert_element_type3A_193 = arith.sitofp %convert_element_type3A_192 : vector<16x128xi32> to vector<16x128xf32>
    %get3A_194 = arith.constant 0 : index
    %get3A_195 = arith.constant 0 : index
    %get3A_196 = vector.load %arg10[%get3A_194, %get3A_195] : memref<16x128xf32, #tpu.memory_space<vmem>>, vector<16x128xf32>
    %slice3A_197 = vector.extract_strided_slice %add3A_58 {offsets = [512, 0], sizes = [128, 128], strides = [1, 1]} : vector<1024x128xf32> to vector<128x128xf32>
    %dot_general3A_198 = arith.constant dense<0.000000e+00> : vector<16x128xf32>
    %dot_general3A_199 = tpu.matmul %convert_element_type3A_193, %slice3A_197, %dot_general3A_198 {dimension_numbers = #tpu.dot_dimension_numbers<[1], [0], [0], [1], [0, 0, 1, 1], [], []>, transpose_lhs_hint = false} : vector<16x128xf32>, vector<128x128xf32>, vector<16x128xf32> -> vector<16x128xf32>
    %add3A_200 = arith.addf %get3A_196, %dot_general3A_199 : vector<16x128xf32>
    %swap3A_201 = arith.constant 0 : index
    %swap3A_202 = arith.constant 0 : index
    %swap3A_203 = vector.load %arg10[%swap3A_201, %swap3A_202] : memref<16x128xf32, #tpu.memory_space<vmem>>, vector<16x128xf32>
    tpu.vector_store %arg10[%swap3A_201, %swap3A_202], %add3A_200 {strides = array<i32>} : memref<16x128xf32, #tpu.memory_space<vmem>>, vector<16x128xf32>,
    %get3A_204 = arith.constant 0 : index
    %get3A_205 = arith.constant 0 : index
    %get3A_206 = vector.load %arg11[%get3A_204, %get3A_205] : memref<16x128xf32, #tpu.memory_space<vmem>>, vector<16x128xf32>
    %reduce_sum3A_207 = arith.constant dense<0.000000e+00> : vector<16xf32>
    %reduce_sum3A_208 = vector.multi_reduction <add>, %convert_element_type3A_193, %reduce_sum3A_207 [1] : vector<16x128xf32> to vector<16xf32>
    %broadcast_in_dim3A_209 = vector.shape_cast %reduce_sum3A_208 : vector<16xf32> to vector<16x1xf32>
    %broadcast_in_dim3A_210 = vector.shape_cast %broadcast_in_dim3A_209 : vector<16x1xf32> to vector<16x1xf32>
    %broadcast_in_dim3A_211 = vector.broadcast %broadcast_in_dim3A_210 : vector<16x1xf32> to vector<16x128xf32>
    %add3A_212 = arith.addf %get3A_206, %broadcast_in_dim3A_211 : vector<16x128xf32>
    %swap3A_213 = arith.constant 0 : index
    %swap3A_214 = arith.constant 0 : index
    %swap3A_215 = vector.load %arg11[%swap3A_213, %swap3A_214] : memref<16x128xf32, #tpu.memory_space<vmem>>, vector<16x128xf32>
    tpu.vector_store %arg11[%swap3A_213, %swap3A_214], %add3A_212 {strides = array<i32>} : memref<16x128xf32, #tpu.memory_space<vmem>>, vector<16x128xf32>,
    %get3A_216 = arith.constant 0 : index
    %get3A_217 = arith.constant 5 : index
    %get3A_218 = arith.constant 0 : index
    %get3A_219 = vector.load %arg9[%get3A_216, %get3A_217, %get3A_218] : memref<1x8x128xi32, #tpu.memory_space<vmem>>, vector<1x1x128xi32>
    %get3A_220 = vector.shape_cast %get3A_219 : vector<1x1x128xi32> to vector<1x128xi32>
    %broadcast_in_dim3A_221 = vector.shape_cast %get3A_220 : vector<1x128xi32> to vector<1x128xi32>
    %broadcast_in_dim3A_222 = vector.broadcast %broadcast_in_dim3A_221 : vector<1x128xi32> to vector<16x128xi32>
    %eq3A_223 = arith.cmpi eq, %iota3A, %broadcast_in_dim3A_222 : vector<16x128xi32>
    %convert_element_type3A_224 = arith.extui %eq3A_223 : vector<16x128xi1> to vector<16x128xi32>
    %convert_element_type3A_225 = arith.sitofp %convert_element_type3A_224 : vector<16x128xi32> to vector<16x128xf32>
    %get3A_226 = arith.constant 0 : index
    %get3A_227 = arith.constant 0 : index
    %get3A_228 = vector.load %arg10[%get3A_226, %get3A_227] : memref<16x128xf32, #tpu.memory_space<vmem>>, vector<16x128xf32>
    %slice3A_229 = vector.extract_strided_slice %add3A_58 {offsets = [640, 0], sizes = [128, 128], strides = [1, 1]} : vector<1024x128xf32> to vector<128x128xf32>
    %dot_general3A_230 = arith.constant dense<0.000000e+00> : vector<16x128xf32>
    %dot_general3A_231 = tpu.matmul %convert_element_type3A_225, %slice3A_229, %dot_general3A_230 {dimension_numbers = #tpu.dot_dimension_numbers<[1], [0], [0], [1], [0, 0, 1, 1], [], []>, transpose_lhs_hint = false} : vector<16x128xf32>, vector<128x128xf32>, vector<16x128xf32> -> vector<16x128xf32>
    %add3A_232 = arith.addf %get3A_228, %dot_general3A_231 : vector<16x128xf32>
    %swap3A_233 = arith.constant 0 : index
    %swap3A_234 = arith.constant 0 : index
    %swap3A_235 = vector.load %arg10[%swap3A_233, %swap3A_234] : memref<16x128xf32, #tpu.memory_space<vmem>>, vector<16x128xf32>
    tpu.vector_store %arg10[%swap3A_233, %swap3A_234], %add3A_232 {strides = array<i32>} : memref<16x128xf32, #tpu.memory_space<vmem>>, vector<16x128xf32>,
    %get3A_236 = arith.constant 0 : index
    %get3A_237 = arith.constant 0 : index
    %get3A_238 = vector.load %arg11[%get3A_236, %get3A_237] : memref<16x128xf32, #tpu.memory_space<vmem>>, vector<16x128xf32>
    %reduce_sum3A_239 = arith.constant dense<0.000000e+00> : vector<16xf32>
    %reduce_sum3A_240 = vector.multi_reduction <add>, %convert_element_type3A_225, %reduce_sum3A_239 [1] : vector<16x128xf32> to vector<16xf32>
    %broadcast_in_dim3A_241 = vector.shape_cast %reduce_sum3A_240 : vector<16xf32> to vector<16x1xf32>
    %broadcast_in_dim3A_242 = vector.shape_cast %broadcast_in_dim3A_241 : vector<16x1xf32> to vector<16x1xf32>
    %broadcast_in_dim3A_243 = vector.broadcast %broadcast_in_dim3A_242 : vector<16x1xf32> to vector<16x128xf32>
    %add3A_244 = arith.addf %get3A_238, %broadcast_in_dim3A_243 : vector<16x128xf32>
    %swap3A_245 = arith.constant 0 : index
    %swap3A_246 = arith.constant 0 : index
    %swap3A_247 = vector.load %arg11[%swap3A_245, %swap3A_246] : memref<16x128xf32, #tpu.memory_space<vmem>>, vector<16x128xf32>
    tpu.vector_store %arg11[%swap3A_245, %swap3A_246], %add3A_244 {strides = array<i32>} : memref<16x128xf32, #tpu.memory_space<vmem>>, vector<16x128xf32>,
    %get3A_248 = arith.constant 0 : index
    %get3A_249 = arith.constant 6 : index
    %get3A_250 = arith.constant 0 : index
    %get3A_251 = vector.load %arg9[%get3A_248, %get3A_249, %get3A_250] : memref<1x8x128xi32, #tpu.memory_space<vmem>>, vector<1x1x128xi32>
    %get3A_252 = vector.shape_cast %get3A_251 : vector<1x1x128xi32> to vector<1x128xi32>
    %broadcast_in_dim3A_253 = vector.shape_cast %get3A_252 : vector<1x128xi32> to vector<1x128xi32>
    %broadcast_in_dim3A_254 = vector.broadcast %broadcast_in_dim3A_253 : vector<1x128xi32> to vector<16x128xi32>
    %eq3A_255 = arith.cmpi eq, %iota3A, %broadcast_in_dim3A_254 : vector<16x128xi32>
    %convert_element_type3A_256 = arith.extui %eq3A_255 : vector<16x128xi1> to vector<16x128xi32>
    %convert_element_type3A_257 = arith.sitofp %convert_element_type3A_256 : vector<16x128xi32> to vector<16x128xf32>
    %get3A_258 = arith.constant 0 : index
    %get3A_259 = arith.constant 0 : index
    %get3A_260 = vector.load %arg10[%get3A_258, %get3A_259] : memref<16x128xf32, #tpu.memory_space<vmem>>, vector<16x128xf32>
    %slice3A_261 = vector.extract_strided_slice %add3A_58 {offsets = [768, 0], sizes = [128, 128], strides = [1, 1]} : vector<1024x128xf32> to vector<128x128xf32>
    %dot_general3A_262 = arith.constant dense<0.000000e+00> : vector<16x128xf32>
    %dot_general3A_263 = tpu.matmul %convert_element_type3A_257, %slice3A_261, %dot_general3A_262 {dimension_numbers = #tpu.dot_dimension_numbers<[1], [0], [0], [1], [0, 0, 1, 1], [], []>, transpose_lhs_hint = false} : vector<16x128xf32>, vector<128x128xf32>, vector<16x128xf32> -> vector<16x128xf32>
    %add3A_264 = arith.addf %get3A_260, %dot_general3A_263 : vector<16x128xf32>
    %swap3A_265 = arith.constant 0 : index
    %swap3A_266 = arith.constant 0 : index
    %swap3A_267 = vector.load %arg10[%swap3A_265, %swap3A_266] : memref<16x128xf32, #tpu.memory_space<vmem>>, vector<16x128xf32>
    tpu.vector_store %arg10[%swap3A_265, %swap3A_266], %add3A_264 {strides = array<i32>} : memref<16x128xf32, #tpu.memory_space<vmem>>, vector<16x128xf32>,
    %get3A_268 = arith.constant 0 : index
    %get3A_269 = arith.constant 0 : index
    %get3A_270 = vector.load %arg11[%get3A_268, %get3A_269] : memref<16x128xf32, #tpu.memory_space<vmem>>, vector<16x128xf32>
    %reduce_sum3A_271 = arith.constant dense<0.000000e+00> : vector<16xf32>
    %reduce_sum3A_272 = vector.multi_reduction <add>, %convert_element_type3A_257, %reduce_sum3A_271 [1] : vector<16x128xf32> to vector<16xf32>
    %broadcast_in_dim3A_273 = vector.shape_cast %reduce_sum3A_272 : vector<16xf32> to vector<16x1xf32>
    %broadcast_in_dim3A_274 = vector.shape_cast %broadcast_in_dim3A_273 : vector<16x1xf32> to vector<16x1xf32>
    %broadcast_in_dim3A_275 = vector.broadcast %broadcast_in_dim3A_274 : vector<16x1xf32> to vector<16x128xf32>
    %add3A_276 = arith.addf %get3A_270, %broadcast_in_dim3A_275 : vector<16x128xf32>
    %swap3A_277 = arith.constant 0 : index
    %swap3A_278 = arith.constant 0 : index
    %swap3A_279 = vector.load %arg11[%swap3A_277, %swap3A_278] : memref<16x128xf32, #tpu.memory_space<vmem>>, vector<16x128xf32>
    tpu.vector_store %arg11[%swap3A_277, %swap3A_278], %add3A_276 {strides = array<i32>} : memref<16x128xf32, #tpu.memory_space<vmem>>, vector<16x128xf32>,
    %get3A_280 = arith.constant 0 : index
    %get3A_281 = arith.constant 7 : index
    %get3A_282 = arith.constant 0 : index
    %get3A_283 = vector.load %arg9[%get3A_280, %get3A_281, %get3A_282] : memref<1x8x128xi32, #tpu.memory_space<vmem>>, vector<1x1x128xi32>
    %get3A_284 = vector.shape_cast %get3A_283 : vector<1x1x128xi32> to vector<1x128xi32>
    %broadcast_in_dim3A_285 = vector.shape_cast %get3A_284 : vector<1x128xi32> to vector<1x128xi32>
    %broadcast_in_dim3A_286 = vector.broadcast %broadcast_in_dim3A_285 : vector<1x128xi32> to vector<16x128xi32>
    %eq3A_287 = arith.cmpi eq, %iota3A, %broadcast_in_dim3A_286 : vector<16x128xi32>
    %convert_element_type3A_288 = arith.extui %eq3A_287 : vector<16x128xi1> to vector<16x128xi32>
    %convert_element_type3A_289 = arith.sitofp %convert_element_type3A_288 : vector<16x128xi32> to vector<16x128xf32>
    %get3A_290 = arith.constant 0 : index
    %get3A_291 = arith.constant 0 : index
    %get3A_292 = vector.load %arg10[%get3A_290, %get3A_291] : memref<16x128xf32, #tpu.memory_space<vmem>>, vector<16x128xf32>
    %slice3A_293 = vector.extract_strided_slice %add3A_58 {offsets = [896, 0], sizes = [128, 128], strides = [1, 1]} : vector<1024x128xf32> to vector<128x128xf32>
    %dot_general3A_294 = arith.constant dense<0.000000e+00> : vector<16x128xf32>
    %dot_general3A_295 = tpu.matmul %convert_element_type3A_289, %slice3A_293, %dot_general3A_294 {dimension_numbers = #tpu.dot_dimension_numbers<[1], [0], [0], [1], [0, 0, 1, 1], [], []>, transpose_lhs_hint = false} : vector<16x128xf32>, vector<128x128xf32>, vector<16x128xf32> -> vector<16x128xf32>
    %add3A_296 = arith.addf %get3A_292, %dot_general3A_295 : vector<16x128xf32>
    %swap3A_297 = arith.constant 0 : index
    %swap3A_298 = arith.constant 0 : index
    %swap3A_299 = vector.load %arg10[%swap3A_297, %swap3A_298] : memref<16x128xf32, #tpu.memory_space<vmem>>, vector<16x128xf32>
    tpu.vector_store %arg10[%swap3A_297, %swap3A_298], %add3A_296 {strides = array<i32>} : memref<16x128xf32, #tpu.memory_space<vmem>>, vector<16x128xf32>,
    %get3A_300 = arith.constant 0 : index
    %get3A_301 = arith.constant 0 : index
    %get3A_302 = vector.load %arg11[%get3A_300, %get3A_301] : memref<16x128xf32, #tpu.memory_space<vmem>>, vector<16x128xf32>
    %reduce_sum3A_303 = arith.constant dense<0.000000e+00> : vector<16xf32>
    %reduce_sum3A_304 = vector.multi_reduction <add>, %convert_element_type3A_289, %reduce_sum3A_303 [1] : vector<16x128xf32> to vector<16xf32>
    %broadcast_in_dim3A_305 = vector.shape_cast %reduce_sum3A_304 : vector<16xf32> to vector<16x1xf32>
    %broadcast_in_dim3A_306 = vector.shape_cast %broadcast_in_dim3A_305 : vector<16x1xf32> to vector<16x1xf32>
    %broadcast_in_dim3A_307 = vector.broadcast %broadcast_in_dim3A_306 : vector<16x1xf32> to vector<16x128xf32>
    %add3A_308 = arith.addf %get3A_302, %broadcast_in_dim3A_307 : vector<16x128xf32>
    %swap3A_309 = arith.constant 0 : index
    %swap3A_310 = arith.constant 0 : index
    %swap3A_311 = vector.load %arg11[%swap3A_309, %swap3A_310] : memref<16x128xf32, #tpu.memory_space<vmem>>, vector<16x128xf32>
    tpu.vector_store %arg11[%swap3A_309, %swap3A_310], %add3A_308 {strides = array<i32>} : memref<16x128xf32, #tpu.memory_space<vmem>>, vector<16x128xf32>,
    return
  }
  func.func @transform_0(%arg0: i32) -> (i32, i32, i32) {
    %c0_i32 = arith.constant 0 : i32
    %c0_i32_0 = arith.constant 0 : i32
    %c0_i32_1 = arith.constant 0 : i32
    return %c0_i32, %arg0, %c0_i32_0 : i32, i32, i32
  }
  func.func @transform_1(%arg0: i32) -> (i32, i32, i32) {
    %c0_i32 = arith.constant 0 : i32
    %c0_i32_0 = arith.constant 0 : i32
    %c0_i32_1 = arith.constant 0 : i32
    return %c0_i32, %arg0, %c0_i32_0 : i32, i32, i32
  }
  func.func @transform_2(%arg0: i32) -> (i32, i32) {
    %c0_i32 = arith.constant 0 : i32
    %c0_i32_0 = arith.constant 0 : i32
    return %arg0, %c0_i32 : i32, i32
  }
  func.func @transform_3(%arg0: i32) -> (i32, i32) {
    %c0_i32 = arith.constant 0 : i32
    %c0_i32_0 = arith.constant 0 : i32
    %c0_i32_1 = arith.constant 0 : i32
    return %c0_i32, %c0_i32_0 : i32, i32
  }
  func.func @transform_4(%arg0: i32) -> (i32, i32) {
    %c0_i32 = arith.constant 0 : i32
    %c0_i32_0 = arith.constant 0 : i32
    %c0_i32_1 = arith.constant 0 : i32
    return %c0_i32, %c0_i32_0 : i32, i32
  }
  func.func @transform_5(%arg0: i32) -> (i32, i32) {
    %c0_i32 = arith.constant 0 : i32
    %c0_i32_0 = arith.constant 0 : i32
    %c0_i32_1 = arith.constant 0 : i32
    return %c0_i32, %c0_i32_0 : i32, i32
  }
  func.func @transform_6(%arg0: i32) -> (i32, i32) {
    %c0_i32 = arith.constant 0 : i32
    %c0_i32_0 = arith.constant 0 : i32
    %c0_i32_1 = arith.constant 0 : i32
    return %c0_i32, %c0_i32_0 : i32, i32
  }
  func.func @transform_7(%arg0: i32) -> (i32, i32) {
    %c0_i32 = arith.constant 0 : i32
    %c0_i32_0 = arith.constant 0 : i32
    %c0_i32_1 = arith.constant 0 : i32
    return %c0_i32, %c0_i32_0 : i32, i32
  }
  func.func @transform_8(%arg0: i32) -> (i32, i32, i32) {
    %c0_i32 = arith.constant 0 : i32
    %c0_i32_0 = arith.constant 0 : i32
    %c0_i32_1 = arith.constant 0 : i32
    return %arg0, %c0_i32, %c0_i32_0 : i32, i32, i32
  }
  func.func @transform_9(%arg0: i32) -> (i32, i32) {
    %c0_i32 = arith.constant 0 : i32
    %c0_i32_0 = arith.constant 0 : i32
    %c0_i32_1 = arith.constant 0 : i32
    return %c0_i32, %c0_i32_0 : i32, i32
  }
  func.func @transform_10(%arg0: i32) -> (i32, i32) {
    %c0_i32 = arith.constant 0 : i32
    %c0_i32_0 = arith.constant 0 : i32
    %c0_i32_1 = arith.constant 0 : i32
    return %c0_i32, %c0_i32_0 : i32, i32
  }
}

module attributes {stable_mosaic.version = 14 : i64} {
  func.func @_tc_softmax_body(%arg0: memref<16x128xf32, #tpu.memory_space<vmem>>, %arg1: memref<16x128xf32, #tpu.memory_space<vmem>>, %arg2: memref<16x128xf32, #tpu.memory_space<vmem>>) attributes {dimension_semantics = [], scalar_prefetch = 0 : i64, scratch_operands = 0 : i64, tpu.core_type = #tpu.core_type<tc>} {
    %get3A = arith.constant 0 : index
    %get3A_0 = arith.constant 0 : index
    %get3A_1 = vector.load %arg0[%get3A, %get3A_0] : memref<16x128xf32, #tpu.memory_space<vmem>>, vector<16x128xf32>
    %get3A_2 = arith.constant 0 : index
    %get3A_3 = arith.constant 0 : index
    %get3A_4 = vector.load %arg1[%get3A_2, %get3A_3] : memref<16x128xf32, #tpu.memory_space<vmem>>, vector<16x128xf32>
    %max3A = arith.constant 1.000000e+00 : f32
    %max3A_5 = vector.broadcast %max3A : f32 to vector<16x128xf32>
    %max3A_6 = arith.maximumf %get3A_4, %max3A_5 : vector<16x128xf32>
    %div3A = arith.divf %get3A_1, %max3A_6 : vector<16x128xf32>
    %slice3A = vector.extract_strided_slice %div3A {offsets = [0, 1], sizes = [16, 1], strides = [1, 1]} : vector<16x128xf32> to vector<16x1xf32>
    %slice3A_7 = vector.extract_strided_slice %div3A {offsets = [0, 0], sizes = [16, 1], strides = [1, 1]} : vector<16x128xf32> to vector<16x1xf32>
    %sub3A = arith.subf %slice3A, %slice3A_7 : vector<16x1xf32>
    %exp3A = math.exp %sub3A : vector<16x1xf32>
    %add3A = arith.constant 1.000000e+00 : f32
    %add3A_8 = vector.broadcast %add3A : f32 to vector<16x1xf32>
    %add3A_9 = arith.addf %add3A_8, %exp3A : vector<16x1xf32>
    %div3A_10 = arith.constant 1.000000e+00 : f32
    %div3A_11 = vector.broadcast %div3A_10 : f32 to vector<16x1xf32>
    %div3A_12 = arith.divf %div3A_11, %add3A_9 : vector<16x1xf32>
    %broadcast_in_dim3A = vector.shape_cast %div3A_12 : vector<16x1xf32> to vector<16x1xf32>
    %broadcast_in_dim3A_13 = vector.broadcast %broadcast_in_dim3A : vector<16x1xf32> to vector<16x128xf32>
    %neg3A = arith.constant 0.000000e+00 : f32
    %neg3A_14 = vector.broadcast %neg3A : f32 to vector<16x1xf32>
    %neg3A_15 = arith.subf %neg3A_14, %sub3A : vector<16x1xf32>
    %exp3A_16 = math.exp %neg3A_15 : vector<16x1xf32>
    %add3A_17 = arith.constant 1.000000e+00 : f32
    %add3A_18 = vector.broadcast %add3A_17 : f32 to vector<16x1xf32>
    %add3A_19 = arith.addf %add3A_18, %exp3A_16 : vector<16x1xf32>
    %div3A_20 = arith.constant 1.000000e+00 : f32
    %div3A_21 = vector.broadcast %div3A_20 : f32 to vector<16x1xf32>
    %div3A_22 = arith.divf %div3A_21, %add3A_19 : vector<16x1xf32>
    %broadcast_in_dim3A_23 = vector.shape_cast %div3A_22 : vector<16x1xf32> to vector<16x1xf32>
    %broadcast_in_dim3A_24 = vector.broadcast %broadcast_in_dim3A_23 : vector<16x1xf32> to vector<16x128xf32>
    %iota3A = tpu.iota {dimensions = array<i32: 1>} : vector<16x128xi32>
    %eq3A = arith.constant 0 : i32
    %eq3A_25 = vector.broadcast %eq3A : i32 to vector<16x128xi32>
    %eq3A_26 = arith.cmpi eq, %iota3A, %eq3A_25 : vector<16x128xi32>
    %eq3A_27 = arith.constant 1 : i32
    %eq3A_28 = vector.broadcast %eq3A_27 : i32 to vector<16x128xi32>
    %eq3A_29 = arith.cmpi eq, %iota3A, %eq3A_28 : vector<16x128xi32>
    %jit3A = arith.constant 0.000000e+00 : f32
    %broadcast_in_dim3A_30 = vector.broadcast %jit3A : f32 to vector<16x128xf32>
    %select_n3A = arith.select %eq3A_29, %broadcast_in_dim3A_24, %broadcast_in_dim3A_30 : vector<16x128xi1>, vector<16x128xf32>
    %select_n3A_31 = arith.select %eq3A_26, %broadcast_in_dim3A_13, %select_n3A : vector<16x128xi1>, vector<16x128xf32>
    %swap3A = arith.constant 0 : index
    %swap3A_32 = arith.constant 0 : index
    %swap3A_33 = vector.load %arg2[%swap3A, %swap3A_32] : memref<16x128xf32, #tpu.memory_space<vmem>>, vector<16x128xf32>
    tpu.vector_store %arg2[%swap3A, %swap3A_32], %select_n3A_31 {strides = array<i32>} : memref<16x128xf32, #tpu.memory_space<vmem>>, vector<16x128xf32>,
    return
  }
}

</mosaic_0001>

<sc_bundles>
// kernel: kernel.11.cloned.1.call-start
scs
__scs_entry_jumppad:
0x0: {  	(pc) =	sbr.rel $0x88, $3  }
0x1: {  	(tag) =	ssettag $0x0;
	lr =	simm.s32 $0x1  }
0x2: {  	[smem:$0x3F94] =	sst lr;
	_ =	strace $0xD0000000  }
0x3: {  	_ = 	snop  }
0x4: {  	_ = 	snop  }
0x5: {  	_ = 	snop  }
0x6: {  	_ = 	snop  }
0x7: {  	_ = 	snop  }
__scs_overlays_trampoline_lowered:
0x8: {  	[smem:$0x3FA3] =	sst s0  }
0x9: {  	[smem:$0x3FA4] =	sst s1  }
0xa: {  	[smem:$0x3FA5] =	sst s2  }
0xb: {  	[smem:$0x3FA6] =	sst s3  }
0xc: {  	[smem:$0x3FA7] =	sst s4  }
0xd: {  	[smem:$0x3FA8] =	sst s5  }
0xe: {  	[smem:$0x3FA9] =	sst s6  }
0xf: {  	[smem:$0x3FAA] =	sst s7  }
0x10: {  	[smem:$0x3FAB] =	sst s8  }
0x11: {  	[smem:$0x3FAC] =	sst s9;
	s0 =	simm.s32 @!p0 $0x0  }
0x12: {  	s1 =	sld [smem:$0x3F92];
	s0 =	simm.s32 @p0 $0x1  }
0x13: {  	[smem:$0x3FAD] =	sst s0;
	s0 =	simm.s32 @!p1 $0x0  }
0x14: {  	s2 =	sld [smem:$0x3F91];
	s0 =	simm.s32 @p1 $0x1  }
0x15: {  	[smem:$0x3FAE] =	sst s0;
	s0 =	simm.s32 @!p2 $0x0  }
0x16: {  	s3 =	sld [smem:$0x3FDB];
	s0 =	simm.s32 @p2 $0x1  }
0x17: {  	s4 =	simm.s32 $0x1BF5;
	[smem:$0x3FB0] =	sst s0  }
0x18: {  	s0 =	sld [smem:$0x3F93];
	_ =	swait.ge [sflag:s4], $0x0  }
0x19: {  	s7 =	sld [smem:$0x3F94]  }
0x1a: {  	s8 =	sadd.s32 $0xFFFFE003, lr  }
0x1b: {  	s9 =	sadd.s32 $0xFFFFFEF7, lr;
	s5 =	simm.s32 $0xFFFFFFFF;
	p2 =	slt.u32 s8, $0xFFFFF086  }
0x1c: {  	p1 =	slt.u32 s9, $0xF7A;
	s5 =	simm.s32 @!p2 $0x0  }
0x1d: {  	s5 =	simm.s32 @p1 $0x1;
	p0 =	seq.s32 s7, s2  }
0x1e: {  	s7 =	smul.u32 @!p0 $0xF7A, s2;
	p2 =	seq.s32 @!p0 s5, $0x0  }
0x1f: {  	s9 =	smul.u32 $0xF7A, s1;
	s8 =	simm.s32 @!p0 $0x1BF5;
	p2 =	por !p2, p0  }
0x20: {  	[sflag:s8] =	ssyncset.s32 @!p0 $0xFFFFF086;
	s6 =	sadd.s32 @!p0 s3, s7;
	s7 =	simm.s32 @!p0 $0x108  }
0x21: {  	s3 =	sadd.s32 s3, s9;
	s6 =	sadd.s32 @!p0 $0x88, s6;
	s7 =	simm.s32 @p2 $0x1082  }
0x22: {  	[simem:s7], [sflag:s8] =	dma.local @!p0 [hbm:s6], $0xF7A  }
0x23: {  	s9 =	sor.u32 $0xD0000000, s2;
	s6 =	simm.s32 $0x108;
	_ =	swait.ge @!p0 [sflag:s8], $0x0  }
0x24: {  	s3 =	sadd.s32 $0x88, s3;
	s6 =	simm.s32 @!p1 $0x1082;
	[sflag:s4] =	ssyncset.s32 $0xFFFFF086  }
0x25: {  	[simem:s6], [sflag:s4] =	dma.local [hbm:s3], $0xF7A  }
0x26: {  	[smem:$0x3F94] =	sst s1;
	(tag) =	ssettag s2;
	_ =	strace s9  }
0x27: {  	s1 =	sld [smem:$0x3FA4]  }
0x28: {  	s2 =	sld [smem:$0x3FA5]  }
0x29: {  	s4 =	sld [smem:$0x3FA7]  }
0x2a: {  	p0 =	seq.s32 s5, $0x0;
	s5 =	sld [smem:$0x3FA8]  }
0x2b: {  	s6 =	sld [smem:$0x3FA9]  }
0x2c: {  	s7 =	sld [smem:$0x3FAA]  }
0x2d: {  	s3 =	simm.s32 $0x108;
	s8 =	sld [smem:$0x3FAB]  }
0x2e: {  	s3 =	simm.s32 @!p0 $0x1082;
	s9 =	sld [smem:$0x3FAC]  }
0x2f: {  	lr =	sadd.s32 s0, s3;
	s0 =	sld [smem:$0x3FA3]  }
0x30: {  	s3 =	sld [smem:$0x3FA6]  }
0x31: {  	[smem:$0x3FAF] =	sst s10  }
0x32: {  	s10 =	sld [smem:$0x3FAD];
	_ =	sdelay $0x3  }
0x33: {  	p0 =	seq.s32 s10, $0x1;
	s10 =	sld [smem:$0x3FAF];
	_ =	sdelay $0x3  }
0x34: {  	[smem:$0x3FAF] =	sst s10  }
0x35: {  	s10 =	sld [smem:$0x3FAE];
	_ =	sdelay $0x3  }
0x36: {  	p1 =	seq.s32 s10, $0x1;
	s10 =	sld [smem:$0x3FAF];
	_ =	sdelay $0x3  }
0x37: {  	[smem:$0x3FAF] =	sst s10  }
0x38: {  	s10 =	sld [smem:$0x3FB0]  }
0x39: {  	_ = 	snop;
	(pc) =	sbr.ind lr, $3  }
0x3a: {  	_ = 	snop  }
0x3b: {  	_ = 	snop  }
0x3c: {  	p2 =	seq.s32 s10, $0x1;
	s10 =	sld [smem:$0x3FAF]  }
0x3d: {  	_ =	shalt  }
0x3e: {  	_ =	shalt  }
0x3f: {  	_ =	shalt  }
0x40: {  	_ =	shalt  }
0x41: {  	_ =	shalt  }
0x42: {  	_ =	shalt  }
0x43: {  	_ =	shalt  }
0x44: {  	_ =	shalt  }
0x45: {  	_ =	shalt  }
0x46: {  	_ =	shalt  }
0x47: {  	_ =	shalt  }
0x48: {  	_ =	shalt  }
0x49: {  	_ =	shalt  }
0x4a: {  	_ =	shalt  }
0x4b: {  	_ =	shalt  }
0x4c: {  	_ =	shalt  }
0x4d: {  	_ =	shalt  }
0x4e: {  	_ =	shalt  }
0x4f: {  	_ =	shalt  }
0x50: {  	_ =	shalt  }
0x51: {  	_ =	shalt  }
0x52: {  	_ =	shalt  }
0x53: {  	_ =	shalt  }
0x54: {  	_ =	shalt  }
0x55: {  	_ =	shalt  }
0x56: {  	_ =	shalt  }
0x57: {  	_ =	shalt  }
0x58: {  	_ =	shalt  }
0x59: {  	_ =	shalt  }
0x5a: {  	_ =	shalt  }
0x5b: {  	_ =	shalt  }
0x5c: {  	_ =	shalt  }
0x5d: {  	_ =	shalt  }
0x5e: {  	_ =	shalt  }
0x5f: {  	_ =	shalt  }
0x60: {  	_ =	shalt  }
0x61: {  	_ =	shalt  }
0x62: {  	_ =	shalt  }
0x63: {  	_ =	shalt  }
0x64: {  	_ =	shalt  }
0x65: {  	_ =	shalt  }
0x66: {  	_ =	shalt  }
0x67: {  	_ =	shalt  }
0x68: {  	_ =	shalt  }
0x69: {  	_ =	shalt  }
0x6a: {  	_ =	shalt  }
0x6b: {  	_ =	shalt  }
0x6c: {  	_ =	shalt  }
0x6d: {  	_ =	shalt  }
0x6e: {  	_ =	shalt  }
0x6f: {  	_ =	shalt  }
0x70: {  	_ =	shalt  }
0x71: {  	_ =	shalt  }
0x72: {  	_ =	shalt  }
0x73: {  	_ =	shalt  }
0x74: {  	_ =	shalt  }
0x75: {  	_ =	shalt  }
0x76: {  	_ =	shalt  }
0x77: {  	_ =	shalt  }
0x78: {  	_ =	shalt  }
0x79: {  	_ =	shalt  }
0x7a: {  	_ =	shalt  }
0x7b: {  	_ =	shalt  }
0x7c: {  	_ =	shalt  }
0x7d: {  	_ =	shalt  }
0x7e: {  	_ =	shalt  }
0x7f: {  	_ =	shalt  }
0x80: {  	_ =	shalt  }
0x81: {  	_ =	shalt  }
0x82: {  	_ =	shalt  }
0x83: {  	_ =	shalt  }
0x84: {  	_ =	shalt  }
0x85: {  	_ =	shalt  }
0x86: {  	_ =	shalt  }
0x87: {  	_ =	shalt  }
.Lfunc_end0:
.L_simem_size_0:
called_computation_lowered:
.L_overlay_start_0:
0x88: {  	s2 =	sld [smem:$0x3FD9]  }
0x89: {  	s3 =	sld [smem:$0x3FFE];
	_ =	sdelay $0x1  }
0x8a: {  	s1 =	srdreg.scid  }
0x8b: {  	s0 =	sand.u32 $0x1, s1  }
0x8c: {  	s16 =	sshll.u32 s0, $0xA;
	s2 =	sadd.s32 s3, s2  }
0x8d: {  	s2 =	sadd.s32 s2, s16  }
0x8e: {  	[smem:$0x3FBB] =	sst s2  }
0x8f: {  	_ = 	snop  }
0x90: {  	(tm) =	ssettm $0x1  }
0x91: {  	s17 =	sld [smem:$0x3FFB];
	_ =	sdelay $0x3  }
0x92: {  	_ =	strace s17  }
0x93: {  	s2 =	sld [smem:$0x3FFC];
	_ =	sdelay $0x3  }
0x94: {  	_ =	strace s2  }
0x95: {  	s2 =	sld [smem:$0x3FFD];
	_ =	sdelay $0x3  }
0x96: {  	_ =	strace s2  }
0x97: {  	_ =	strace $0x8FFFFFFF  }
0x98: {  	s18 =	sld [smem:$0x3FDB];
	_ =	sdelay $0x1  }
0x99: {  	s19 =	simm.s32 $_scs_section_size  }
0x9a: {  	s4 =	simm.s32 $_size__tile_overlayer_lowered;
	s5 =	simm.s32 $_tile_overlayer_lowered  }
0x9b: {  	s22 =	simm.s32 $0x1BFF;
	s21 =	sshll.u32 s5, $0x1;
	s2 =	sadd.s32 s19, s18  }
0x9c: {  	s6 =	simm.s32 $0x0;
	s20 =	sshll.u32 s4, $0x1;
	s4 =	sadd.s32 s21, s2  }
0x9d: {  	[timem:s6], [sflag:s22] =	dma.local [hbm:s4], s20  }
0x9e: {  	_ =	swait.ge [sflag:s22], s20  }
0x9f: {  	s3 =	ssub.s32 $0x0, s20;
	[sflag:s22] =	ssyncset.done $0x0  }
0xa0: {  	[sflag:s22] =	ssyncadd.s32 s3;
	_ =	sdelay $0x1  }
0xa1: {  	s23 =	simm.s32 $0x1B8B  }
0xa2: {  	_ =	swait.ge [sflag:s23], $0x1  }
0xa3: {  	[sflag:s23] =	ssyncset.done $0x0  }
0xa4: {  	s25 =	simm.s32 $0x1B8E;
	s24 =	sld [smem:$0x3FFE];
	[sflag:s23] =	ssyncadd.s32 $0xFFFFFFFF  }
0xa5: {  	s26 =	simm.s32 $execute0_lowered;
	[smem:$0x3FD2] =	sst s25  }
0xa6: {  	s4 =	sshll.u32 s26, $0x1;
	_ =	strace $0x80000046;
	[dreg:$0x1] =	wrdreg $0xFFFFFFFF  }
0xa7: {  	s28 =	simm.s32 $_size_execute0_lowered;
	s2 =	sadd.s32 s2, s4;
	[dreg:$0x0] =	wrdreg $0x0  }
0xa8: {  	s4 =	sshll.u32 s28, $0x1;
	[dreg:$0x2] =	wrdreg s2  }
0xa9: {  	[dreg:$0x3] =	wrdreg s4  }
0xaa: {  	[dreg:$0x4] =	wrdreg $0xC0  }
0xab: {  	_ =	task [dreg:s6], $0x5FFFF  }
0xac: {  	[dreg:$0x1] =	wrdreg $0xFFFFFFFF  }
0xad: {  	[dreg:$0x0] =	wrdreg $0x60  }
0xae: {  	[dreg:$0x2] =	wrdreg s24  }
0xaf: {  	[dreg:$0x3] =	wrdreg $0x57000  }
0xb0: {  	[dreg:$0x4] =	wrdreg $0x9  }
0xb1: {  	_ =	task.clear_ibuf [dreg:s6], $0x5FFFF;
	_ =	strace $0x90000046  }
0xb2: {  	s29 =	simm.s32 $0x9;
	_ =	strace $0x80000048  }
0xb3: {  	_ =	swait.ge [sflag:s29], $0x1  }
0xb4: {  	[sflag:s29] =	ssyncadd.s32 $0xFFFFFFFF  }
0xb5: {  	_ =	strace $0x90000048  }
0xb6: {  	_ =	sfence  }
0xb7: {  	s30 =	sld [smem:$0x0];
	_ =	sdelay $0x2  }
0xb8: {  	s31 =	sshll.u32 s1, $0xD;
	s1 =	sshrl.u32 s1, $0x2  }
0xb9: {  	s3 =	sand.u32 $0x4000, s31;
	s1 =	sadd.s32 s1, s30  }
0xba: {  	s0 =	sor.u32 s3, s0;
	s1 =	sshll.u32 s1, $0x11  }
0xbb: {  	s0 =	sor.u32 s1, s0  }
0xbc: {  	s0 =	sadd.s32 $0x8F2B, s0  }
0xbd: {  	[sflag:s0] =	ssyncadd.remote.s32 $0x1  }
0xbe: {  	_ =	sfence.sel $0xFFFF  }
0xbf: {  	[dreg:$0x0] =	wrdreg $0xFFFFFFFF;
	(pc) =	sbr.abs _section_cstart, $3  }
0xc0: {  	[dreg:$0x1] =	wrdreg $0xFFFFFFFF  }
0xc1: {  	_ =	task.clear_ibuf [dreg:s6], $0x2FFFF;
	_ =	strace $0x9FFFFFFF  }
0xc2: {  	(tm) =	ssettm $0x7FFFFFFF  }
0xc3: {  	_ =	shalt  }
tec
execute0_lowered:
.L_overlay_start_1:
0x0: {  	(tag) =	ssettag $0x1  }
0x1: {  	s1 =	srdreg.scid  }
0x2: {  	s0 =	stileid.u32;
	s3 =	rddreg [dreg:$0x0]  }
0x3: {  	s5 =	rddreg [dreg:$0x1];
	s2 =	simm.s32 $0x0;
	s13 =	simm.s32 $0x1  }
0x4: {  	s14 =	simm.s32 $0x700;
	s15 =	simm.s32 $0x80;
	s16 =	simm.s32 $0x400  }
0x5: {  	s17 =	simm.s32 $0x1400;
	s18 =	simm.s32 $0x14000;
	s19 =	simm.s32 $0x2F00  }
0x6: {  	s20 =	simm.s32 $0x100;
	s4 =	sand.u32 $0x1, s1;
	s1 =	rddreg [dreg:$0x2]  }
0x7: {  	s23 =	sshll.u32 s0, $0x1;
	[smem:$0x7FF] =	sst s2;
	s7 =	smul.u32 $0x500, s0  }
0x8: {  	s25 =	sshrl.u32 s0, $0x3;
	s28 =	smul.u32 $0x5000, s0;
	s6 =	sor.u32 s4, s23  }
0x9: {  	s29 =	sshll.u32 s0, $0x7;
	s8 =	sshll.u32 s4, $0x7;
	s6 =	smul.u32 $0x2760, s6  }
0xa: {  	s4 =	ssub.s32 $0x2, s4;
	s24 =	sor.u32 s8, s7;
	s7 =	smul.u32 $0x50000, s25  }
0xb: {  	_ =	strace $0x80000047;
	s26 =	sshrl.u32 s4, $0x1;
	s31 =	sshrl.u32 s28, $0x2  }
0xc: {  	s9 =	ssub.s32 s4, s26;
	s6 =	sshrl.u32 s6, $0x3;
	s30 =	sshrl.u32 s7, $0x2  }
0xd: {  	s12 =	sadd.s32 s6, s3;
	s6 =	sshrl.u32 s24, $0x3;
	s4 =	sadd.s32 s30, s5  }
0xe: {  	s6 =	sadd.s32 s6, s3;
	s3 =	sand.u32 $0x380, s29;
	s7 =	sadd.s32 $0x3600, s12  }
0xf: {  	s8 =	sadd.s32 $0x36D2, s12;
	s10 =	sadd.s32 $0x3876, s12;
	s11 =	sadd.s32 $0x3948, s12  }
0x10: {  	s3 =	sadd.s32 s3, s4;
	s4 =	sadd.s32 s31, s5;
	s5 =	sadd.s32 $0xD400, s6  }
0x11: {  	v0 =	vimm.f32 $0.0e+00;
	v1 =	vimm.f32 $1.000000000e+00;
	s6 =	smax.u32 s9, $0x1;
	s9 =	sadd.s32 $0x37A4, s12;
	s12 =	sadd.s32 $0x3A1A, s12  }
.LBB2_1:
0x12: {  	s21 =	simm.s32 $0x40;
	s22 =	simm.s32 $0x0  }
.LBB2_2:
0x13: {  	p0 =	sne.s32 s21, $0x9FC0;
	[tilespmem:s22+$0x700] =	vst v0;
	s22 =	smov.u32 s21;
	s21 =	sadd.s32 $0x40, s21  }
.Ltmp0:
0x14: {  	(pc) =	sbr.rel @p0 .LBB2_2-.Ltmp0, $2  }
0x15: {  	_ =	sdelay $0x2  }
0x16: {  	s22 =	sshra.s32 s22, $0x2  }
0x17: {  	[tilespmem:s22+$0x700] =	vst v0;
	s21 =	simm.s32 $0x0  }
0x18: {  	[tilespmem:s21], [sflag:$0x1] =	stream.linear.gather [hbm4b:s7+s21], $0x690, $0x38;
	[tilespmem:$0x7F00] =	vst v63  }
0x19: {  	_ =	swait.ge [sflag:s13], $0x690  }
0x1a: {  	[sflag:s13] =	ssyncset.done $0x0  }
0x1b: {  	s22 =	simm.s32 $0x0;
	s21 =	simm.s32 $0x40;
	[sflag:s13] =	ssyncadd.s32 $0xFFFFF970  }
.LBB2_4:
0x1c: {  	p0 =	sne.s32 s21, $0x1A00;
	v2 =	vld [tilespmem:s22+$0x0];
	_ =	sdelay $0x3  }
.Ltmp1:
0x1d: {  	(pc) =	sbr.rel @p0 .LBB2_4-.Ltmp1, $2  }
0x1e: {  	_ =	sdelay $0x2  }
0x1f: {  	s22 =	sshra.s32 s21, $0x2;
	s21 =	sadd.s32 $0x40, s21;
	[tilespmem:v2+s14+$0x0] =	vst.idx.add.f32.msk $0xffff, v1  }
0x20: {  	v2 =	vld [tilespmem:s22+$0x0];
	_ =	sdelay $0x7  }
0x21: {  	s21 =	simm.s32 $0x0;
	[tilespmem:v2+s14+$0x0] =	vst.idx.add.f32.msk $0xffff, v1  }
0x22: {  	[tilespmem:s21], [sflag:$0x1] =	stream.linear.gather [hbm4b:s8+s21], $0x690, $0x38;
	[tilespmem:$0x7F00] =	vst v63  }
0x23: {  	_ =	swait.ge [sflag:s13], $0x690  }
0x24: {  	[sflag:s13] =	ssyncset.done $0x0  }
0x25: {  	s22 =	simm.s32 $0x0;
	s21 =	simm.s32 $0x40;
	[sflag:s13] =	ssyncadd.s32 $0xFFFFF970  }
.LBB2_6:
0x26: {  	p0 =	sne.s32 s21, $0x1A00;
	v2 =	vld [tilespmem:s22+$0x0];
	_ =	sdelay $0x3  }
.Ltmp2:
0x27: {  	(pc) =	sbr.rel @p0 .LBB2_6-.Ltmp2, $2  }
0x28: {  	_ =	sdelay $0x2  }
0x29: {  	s22 =	sshra.s32 s21, $0x2;
	s21 =	sadd.s32 $0x40, s21;
	[tilespmem:v2+s14+$0x0] =	vst.idx.add.f32.msk $0xffff, v1  }
0x2a: {  	v2 =	vld [tilespmem:s22+$0x0];
	_ =	sdelay $0x7  }
0x2b: {  	s21 =	simm.s32 $0x0;
	[tilespmem:v2+s14+$0x0] =	vst.idx.add.f32.msk $0xffff, v1  }
0x2c: {  	[tilespmem:s21], [sflag:$0x1] =	stream.linear.gather [hbm4b:s9+s21], $0x690, $0x38;
	[tilespmem:$0x7F00] =	vst v63  }
0x2d: {  	_ =	swait.ge [sflag:s13], $0x690  }
0x2e: {  	[sflag:s13] =	ssyncset.done $0x0  }
0x2f: {  	s22 =	simm.s32 $0x0;
	s21 =	simm.s32 $0x40;
	[sflag:s13] =	ssyncadd.s32 $0xFFFFF970  }
.LBB2_8:
0x30: {  	p0 =	sne.s32 s21, $0x1A00;
	v2 =	vld [tilespmem:s22+$0x0];
	_ =	sdelay $0x3  }
.Ltmp3:
0x31: {  	(pc) =	sbr.rel @p0 .LBB2_8-.Ltmp3, $2  }
0x32: {  	_ =	sdelay $0x2  }
0x33: {  	s22 =	sshra.s32 s21, $0x2;
	s21 =	sadd.s32 $0x40, s21;
	[tilespmem:v2+s14+$0x0] =	vst.idx.add.f32.msk $0xffff, v1  }
0x34: {  	v2 =	vld [tilespmem:s22+$0x0];
	_ =	sdelay $0x7  }
0x35: {  	s21 =	simm.s32 $0x0;
	[tilespmem:v2+s14+$0x0] =	vst.idx.add.f32.msk $0xffff, v1  }
0x36: {  	[tilespmem:s21], [sflag:$0x1] =	stream.linear.gather [hbm4b:s10+s21], $0x690, $0x38;
	[tilespmem:$0x7F00] =	vst v63  }
0x37: {  	_ =	swait.ge [sflag:s13], $0x690  }
0x38: {  	[sflag:s13] =	ssyncset.done $0x0  }
0x39: {  	s22 =	simm.s32 $0x0;
	s21 =	simm.s32 $0x40;
	[sflag:s13] =	ssyncadd.s32 $0xFFFFF970  }
.LBB2_10:
0x3a: {  	p0 =	sne.s32 s21, $0x1A00;
	v2 =	vld [tilespmem:s22+$0x0];
	_ =	sdelay $0x3  }
.Ltmp4:
0x3b: {  	(pc) =	sbr.rel @p0 .LBB2_10-.Ltmp4, $2  }
0x3c: {  	_ =	sdelay $0x2  }
0x3d: {  	s22 =	sshra.s32 s21, $0x2;
	s21 =	sadd.s32 $0x40, s21;
	[tilespmem:v2+s14+$0x0] =	vst.idx.add.f32.msk $0xffff, v1  }
0x3e: {  	v2 =	vld [tilespmem:s22+$0x0];
	_ =	sdelay $0x7  }
0x3f: {  	s21 =	simm.s32 $0x0;
	[tilespmem:v2+s14+$0x0] =	vst.idx.add.f32.msk $0xffff, v1  }
0x40: {  	[tilespmem:s21], [sflag:$0x1] =	stream.linear.gather [hbm4b:s11+s21], $0x690, $0x38;
	[tilespmem:$0x7F00] =	vst v63  }
0x41: {  	_ =	swait.ge [sflag:s13], $0x690  }
0x42: {  	[sflag:s13] =	ssyncset.done $0x0  }
0x43: {  	s22 =	simm.s32 $0x0;
	s21 =	simm.s32 $0x40;
	[sflag:s13] =	ssyncadd.s32 $0xFFFFF970  }
.LBB2_12:
0x44: {  	p0 =	sne.s32 s21, $0x1A00;
	v2 =	vld [tilespmem:s22+$0x0];
	_ =	sdelay $0x3  }
.Ltmp5:
0x45: {  	(pc) =	sbr.rel @p0 .LBB2_12-.Ltmp5, $2  }
0x46: {  	_ =	sdelay $0x2  }
0x47: {  	s22 =	sshra.s32 s21, $0x2;
	s21 =	sadd.s32 $0x40, s21;
	[tilespmem:v2+s14+$0x0] =	vst.idx.add.f32.msk $0xffff, v1  }
0x48: {  	v2 =	vld [tilespmem:s22+$0x0];
	_ =	sdelay $0x7  }
0x49: {  	s21 =	simm.s32 $0x0;
	[tilespmem:v2+s14+$0x0] =	vst.idx.add.f32.msk $0xffff, v1  }
0x4a: {  	[tilespmem:s21], [sflag:$0x1] =	stream.linear.gather [hbm4b:s12+s21], $0x690, $0x38;
	[tilespmem:$0x7F00] =	vst v63  }
0x4b: {  	_ =	swait.ge [sflag:s13], $0x690  }
0x4c: {  	[sflag:s13] =	ssyncset.done $0x0  }
0x4d: {  	s22 =	simm.s32 $0x0;
	s21 =	simm.s32 $0x40;
	[sflag:s13] =	ssyncadd.s32 $0xFFFFF970  }
.LBB2_14:
0x4e: {  	p0 =	sne.s32 s21, $0x1A00;
	v2 =	vld [tilespmem:s22+$0x0];
	_ =	sdelay $0x3  }
.Ltmp6:
0x4f: {  	(pc) =	sbr.rel @p0 .LBB2_14-.Ltmp6, $2  }
0x50: {  	_ =	sdelay $0x2  }
0x51: {  	s22 =	sshra.s32 s21, $0x2;
	s21 =	sadd.s32 $0x40, s21;
	[tilespmem:v2+s14+$0x0] =	vst.idx.add.f32.msk $0xffff, v1  }
0x52: {  	v2 =	vld [tilespmem:s22+$0x0];
	_ =	sdelay $0x7  }
0x53: {  	s21 =	simm.s32 $0x700;
	[tilespmem:v2+s14+$0x0] =	vst.idx.add.f32.msk $0xffff, v1  }
0x54: {  	[spmem:s3] =	stream.strided.scatter [tilespmem:s21], [sflag:$0x1], $0x2800, s16, s15, $0x38;
	[tilespmem:$0x7F00] =	vst v63  }
0x55: {  	_ =	swait.ge [sflag:s13], $0x2800  }
0x56: {  	[sflag:s13] =	ssyncset.done $0x0  }
0x57: {  	[sflag:s13] =	ssyncadd.s32 $0xFFFFD800  }
0x58: {  	[bflag:$0x0] =	sbarrier.arrive $0xFFFF  }
0x59: {  	[tilespmem:s19], [sflag:$0x1] =	stream.strided.gather [spmem:s4], $0x2800, s18, s17, $0x38;
	[tilespmem:$0x7F00] =	vst v63  }
0x5a: {  	s30 =	simm.s32 $0x0;
	_ =	swait.ge [sflag:s13], $0x2800  }
0x5b: {  	s23 =	sand.u32 $0x70, s30;
	s22 =	sand.u32 $0x1C00, s30;
	[sflag:s13] =	ssyncset.done $0x0  }
0x5c: {  	s22 =	sor.u32 s23, s22;
	[sflag:s13] =	ssyncadd.s32 $0xFFFFD800  }
0x5d: {  	v2 =	vld [tilespmem:s22+$0x2F80]  }
0x5e: {  	v3 =	vld [tilespmem:s22+$0x2F00];
	_ =	sdelay $0x1  }
0x5f: {  	v4 =	vld [tilespmem:s22+$0x3000];
	_ =	sdelay $0x1  }
0x60: {  	v5 =	vld [tilespmem:s22+$0x3080]  }
0x61: {  	v2 =	vadd.f32 v2, v3  }
0x62: {  	v3 =	vld [tilespmem:s22+$0x3100]  }
0x63: {  	v2 =	vadd.f32 v4, v2  }
0x64: {  	v56 =	vld [tilespmem:s22+$0x3180]  }
0x65: {  	v2 =	vadd.f32 v5, v2  }
0x66: {  	v57 =	vld [tilespmem:s22+$0x3200]  }
0x67: {  	v2 =	vadd.f32 v3, v2  }
0x68: {  	v3 =	vld [tilespmem:s22+$0x3280]  }
0x69: {  	v2 =	vadd.f32 v56, v2  }
0x6a: {  	v58 =	vld [tilespmem:s22+$0x4300]  }
0x6b: {  	v2 =	vadd.f32 v57, v2  }
0x6c: {  	v59 =	vld [tilespmem:s22+$0x4380]  }
0x6d: {  	v2 =	vadd.f32 v3, v2  }
0x6e: {  	v3 =	vld [tilespmem:s22+$0x4400]  }
0x6f: {  	v2 =	vadd.f32 v58, v2  }
0x70: {  	v60 =	vld [tilespmem:s22+$0x4480]  }
0x71: {  	v2 =	vadd.f32 v59, v2  }
0x72: {  	v61 =	vld [tilespmem:s22+$0x4500]  }
0x73: {  	v2 =	vadd.f32 v3, v2  }
0x74: {  	v3 =	vld [tilespmem:s22+$0x4580]  }
0x75: {  	v2 =	vadd.f32 v60, v2  }
0x76: {  	v62 =	vld [tilespmem:s22+$0x4600]  }
0x77: {  	v2 =	vadd.f32 v61, v2  }
0x78: {  	v63 =	vld [tilespmem:s22+$0x4680]  }
0x79: {  	v2 =	vadd.f32 v3, v2;
	_ =	sdelay $0x1  }
0x7a: {  	v2 =	vadd.f32 v62, v2;
	_ =	sdelay $0x1  }
0x7b: {  	s31 =	simm.s32 $0x10;
	s23 =	simm.s32 $0x80;
	v2 =	vadd.f32 v63, v2  }
0x7c: {  	s24 =	sand.u32 $0x1C00, s23;
	s22 =	sand.u32 $0x70, s31  }
0x7d: {  	s22 =	sor.u32 s22, s24;
	s24 =	simm.s32 $0x20;
	[tilespmem:s21+$0x0] =	vst v2  }
.LBB2_16:
0x7e: {  	p0 =	sne.s32 s24, $0x270;
	v2 =	vld [tilespmem:s22+$0x2F80]  }
0x7f: {  	v3 =	vld [tilespmem:s22+$0x2F00];
	_ =	sdelay $0x1  }
0x80: {  	v4 =	vld [tilespmem:s22+$0x3000];
	_ =	sdelay $0x1  }
0x81: {  	v5 =	vld [tilespmem:s22+$0x3080]  }
0x82: {  	v2 =	vadd.f32 v2, v3  }
0x83: {  	v3 =	vld [tilespmem:s22+$0x3100]  }
0x84: {  	v2 =	vadd.f32 v4, v2  }
0x85: {  	v4 =	vld [tilespmem:s22+$0x3180]  }
0x86: {  	v2 =	vadd.f32 v5, v2  }
0x87: {  	v5 =	vld [tilespmem:s22+$0x3200]  }
0x88: {  	v2 =	vadd.f32 v3, v2  }
0x89: {  	v3 =	vld [tilespmem:s22+$0x3280]  }
0x8a: {  	v2 =	vadd.f32 v4, v2  }
0x8b: {  	v4 =	vld [tilespmem:s22+$0x4300]  }
0x8c: {  	v2 =	vadd.f32 v5, v2  }
0x8d: {  	v5 =	vld [tilespmem:s22+$0x4380]  }
0x8e: {  	v2 =	vadd.f32 v3, v2  }
0x8f: {  	v3 =	vld [tilespmem:s22+$0x4400]  }
0x90: {  	v2 =	vadd.f32 v4, v2  }
0x91: {  	v4 =	vld [tilespmem:s22+$0x4480]  }
0x92: {  	v2 =	vadd.f32 v5, v2  }
0x93: {  	v5 =	vld [tilespmem:s22+$0x4500]  }
0x94: {  	v2 =	vadd.f32 v3, v2  }
0x95: {  	v3 =	vld [tilespmem:s22+$0x4580]  }
0x96: {  	v2 =	vadd.f32 v4, v2  }
0x97: {  	v4 =	vld [tilespmem:s22+$0x4600]  }
0x98: {  	v2 =	vadd.f32 v5, v2  }
0x99: {  	v5 =	vld [tilespmem:s22+$0x4680]  }
0x9a: {  	v2 =	vadd.f32 v3, v2;
	_ =	sdelay $0x1  }
.Ltmp7:
0x9b: {  	v2 =	vadd.f32 v4, v2;
	(pc) =	sbr.rel @p0 .LBB2_16-.Ltmp7, $4  }
0x9c: {  	_ = 	snop  }
0x9d: {  	s23 =	sadd.s32 $0x80, s23;
	v2 =	vadd.f32 v5, v2  }
0x9e: {  	s21 =	sadd.s32 $0x10, s21;
	s25 =	sand.u32 $0x1C00, s23;
	s22 =	sand.u32 $0x70, s24  }
0x9f: {  	s24 =	sadd.s32 $0x10, s24;
	s22 =	sor.u32 s22, s25;
	[tilespmem:s21+$0x0] =	vst v2  }
0xa0: {  	v2 =	vld [tilespmem:s22+$0x2F80]  }
0xa1: {  	v3 =	vld [tilespmem:s22+$0x2F00];
	_ =	sdelay $0x1  }
0xa2: {  	v4 =	vld [tilespmem:s22+$0x3000];
	_ =	sdelay $0x1  }
0xa3: {  	v5 =	vld [tilespmem:s22+$0x3080]  }
0xa4: {  	v2 =	vadd.f32 v2, v3  }
0xa5: {  	v3 =	vld [tilespmem:s22+$0x3100]  }
0xa6: {  	v2 =	vadd.f32 v4, v2  }
0xa7: {  	v56 =	vld [tilespmem:s22+$0x3180]  }
0xa8: {  	v2 =	vadd.f32 v5, v2  }
0xa9: {  	v57 =	vld [tilespmem:s22+$0x3200]  }
0xaa: {  	v2 =	vadd.f32 v3, v2  }
0xab: {  	v3 =	vld [tilespmem:s22+$0x3280]  }
0xac: {  	v2 =	vadd.f32 v56, v2  }
0xad: {  	v58 =	vld [tilespmem:s22+$0x4300]  }
0xae: {  	v2 =	vadd.f32 v57, v2  }
0xaf: {  	v59 =	vld [tilespmem:s22+$0x4380]  }
0xb0: {  	v2 =	vadd.f32 v3, v2  }
0xb1: {  	v3 =	vld [tilespmem:s22+$0x4400]  }
0xb2: {  	v2 =	vadd.f32 v58, v2  }
0xb3: {  	v60 =	vld [tilespmem:s22+$0x4480]  }
0xb4: {  	v2 =	vadd.f32 v59, v2  }
0xb5: {  	v61 =	vld [tilespmem:s22+$0x4500]  }
0xb6: {  	v2 =	vadd.f32 v3, v2  }
0xb7: {  	v3 =	vld [tilespmem:s22+$0x4580]  }
0xb8: {  	v2 =	vadd.f32 v60, v2  }
0xb9: {  	v62 =	vld [tilespmem:s22+$0x4600]  }
0xba: {  	v2 =	vadd.f32 v61, v2  }
0xbb: {  	v63 =	vld [tilespmem:s22+$0x4680]  }
0xbc: {  	v2 =	vadd.f32 v3, v2;
	_ =	sdelay $0x1  }
0xbd: {  	v2 =	vadd.f32 v62, v2;
	_ =	sdelay $0x1  }
0xbe: {  	s2 =	sadd.s32 $0x1, s2;
	v2 =	vadd.f32 v63, v2  }
0xbf: {  	s21 =	sadd.s32 $0x10, s21;
	p0 =	sne.s32 s2, s6  }
.Ltmp8:
0xc0: {  	[tilespmem:s21+$0x0] =	vst v2;
	(pc) =	sbr.rel @p0 .LBB2_1-.Ltmp8, $4  }
0xc1: {  	[hbm4b:s5+s15] =	stream.strided.scatter [tilespmem:s14], [sflag:$0x1], $0x280, s20, s15, $0x38;
	[tilespmem:$0x7F00] =	vst v63  }
0xc2: {  	_ =	swait.ge [sflag:s13], $0x280  }
0xc3: {  	[sflag:s13] =	ssyncset.done $0x0  }
0xc4: {  	[sflag:s13] =	ssyncadd.s32 $0xFFFFFD80  }
0xc5: {  	_ =	sfence.sel $0x180000  }
0xc6: {  	[bflag:$0x0] =	sbarrier.arrive $0xFFFF  }
0xc7: {  	p0 =	sne.s32 s0, $0x0;
	_ =	strace $0x90000047  }
0xc8: {  	s0 =	sadd.s32 @!p0 $0x100000, s1;
	[bflag:$0x2] =	sbarrier.arrive $0xFFFF  }
0xc9: {  	[sflag:s0] =	ssyncadd.tile.s32 @!p0 $0x1;
	_ =	shalt  }
.Lfunc_end2:
_tile_overlayer_lowered:
.L_overlay_start_2:
0xca: {  	(tag) =	ssettag $0x2  }
0xcb: {  	s0 =	rddreg [dreg:$0x0];
	s2 =	stileid.u32  }
0xcc: {  	s1 =	rddreg [dreg:$0x1];
	p0 =	sne.s32 s2, $0x0  }
0xcd: {  	s3 =	rddreg [dreg:$0x2];
	[bflag:$0x3] =	sbarrier.arrive $0xFFFF;
	s2 =	simm.s32 @!p0 $0x1C01  }
0xce: {  	[timem:s3], [sflag:s2] =	dma.local @!p0 [hbm:s0], s1  }
0xcf: {  	s0 =	simm.s32 @!p0 $0x1  }
0xd0: {  	_ =	swait.ge @!p0 [sflag:s0], s1  }
0xd1: {  	s1 =	ssub.s32 @!p0 $0x0, s1;
	[sflag:s0] =	ssyncset.done @!p0 $0x0  }
0xd2: {  	[sflag:s0] =	ssyncadd.s32 @!p0 s1  }
0xd3: {  	[bflag:$0x3] =	sbarrier.arrive $0xFFFF  }
0xd4: {  	_ =	shalt  }

// kernel: kernel.14.cloned.1.call-start
scs
__scs_entry_jumppad:
0x0: {  	(pc) =	sbr.rel $0x88, $3  }
0x1: {  	(tag) =	ssettag $0x0;
	lr =	simm.s32 $0x1  }
0x2: {  	[smem:$0x3F94] =	sst lr;
	_ =	strace $0xD0000000  }
0x3: {  	_ = 	snop  }
0x4: {  	_ = 	snop  }
0x5: {  	_ = 	snop  }
0x6: {  	_ = 	snop  }
0x7: {  	_ = 	snop  }
__scs_overlays_trampoline_lowered:
0x8: {  	[smem:$0x3FA3] =	sst s0  }
0x9: {  	[smem:$0x3FA4] =	sst s1  }
0xa: {  	[smem:$0x3FA5] =	sst s2  }
0xb: {  	[smem:$0x3FA6] =	sst s3  }
0xc: {  	[smem:$0x3FA7] =	sst s4  }
0xd: {  	[smem:$0x3FA8] =	sst s5  }
0xe: {  	[smem:$0x3FA9] =	sst s6  }
0xf: {  	[smem:$0x3FAA] =	sst s7  }
0x10: {  	[smem:$0x3FAB] =	sst s8  }
0x11: {  	[smem:$0x3FAC] =	sst s9;
	s0 =	simm.s32 @!p0 $0x0  }
0x12: {  	s1 =	sld [smem:$0x3F92];
	s0 =	simm.s32 @p0 $0x1  }
0x13: {  	[smem:$0x3FAD] =	sst s0;
	s0 =	simm.s32 @!p1 $0x0  }
0x14: {  	s2 =	sld [smem:$0x3F91];
	s0 =	simm.s32 @p1 $0x1  }
0x15: {  	[smem:$0x3FAE] =	sst s0;
	s0 =	simm.s32 @!p2 $0x0  }
0x16: {  	s3 =	sld [smem:$0x3FDB];
	s0 =	simm.s32 @p2 $0x1  }
0x17: {  	s4 =	simm.s32 $0x1BF5;
	[smem:$0x3FB0] =	sst s0  }
0x18: {  	s0 =	sld [smem:$0x3F93];
	_ =	swait.ge [sflag:s4], $0x0  }
0x19: {  	s7 =	sld [smem:$0x3F94]  }
0x1a: {  	s8 =	sadd.s32 $0xFFFFE003, lr  }
0x1b: {  	s9 =	sadd.s32 $0xFFFFFEF7, lr;
	s5 =	simm.s32 $0xFFFFFFFF;
	p2 =	slt.u32 s8, $0xFFFFF086  }
0x1c: {  	p1 =	slt.u32 s9, $0xF7A;
	s5 =	simm.s32 @!p2 $0x0  }
0x1d: {  	s5 =	simm.s32 @p1 $0x1;
	p0 =	seq.s32 s7, s2  }
0x1e: {  	s7 =	smul.u32 @!p0 $0xF7A, s2;
	p2 =	seq.s32 @!p0 s5, $0x0  }
0x1f: {  	s9 =	smul.u32 $0xF7A, s1;
	s8 =	simm.s32 @!p0 $0x1BF5;
	p2 =	por !p2, p0  }
0x20: {  	[sflag:s8] =	ssyncset.s32 @!p0 $0xFFFFF086;
	s6 =	sadd.s32 @!p0 s3, s7;
	s7 =	simm.s32 @!p0 $0x108  }
0x21: {  	s3 =	sadd.s32 s3, s9;
	s6 =	sadd.s32 @!p0 $0x88, s6;
	s7 =	simm.s32 @p2 $0x1082  }
0x22: {  	[simem:s7], [sflag:s8] =	dma.local @!p0 [hbm:s6], $0xF7A  }
0x23: {  	s9 =	sor.u32 $0xD0000000, s2;
	s6 =	simm.s32 $0x108;
	_ =	swait.ge @!p0 [sflag:s8], $0x0  }
0x24: {  	s3 =	sadd.s32 $0x88, s3;
	s6 =	simm.s32 @!p1 $0x1082;
	[sflag:s4] =	ssyncset.s32 $0xFFFFF086  }
0x25: {  	[simem:s6], [sflag:s4] =	dma.local [hbm:s3], $0xF7A  }
0x26: {  	[smem:$0x3F94] =	sst s1;
	(tag) =	ssettag s2;
	_ =	strace s9  }
0x27: {  	s1 =	sld [smem:$0x3FA4]  }
0x28: {  	s2 =	sld [smem:$0x3FA5]  }
0x29: {  	s4 =	sld [smem:$0x3FA7]  }
0x2a: {  	p0 =	seq.s32 s5, $0x0;
	s5 =	sld [smem:$0x3FA8]  }
0x2b: {  	s6 =	sld [smem:$0x3FA9]  }
0x2c: {  	s7 =	sld [smem:$0x3FAA]  }
0x2d: {  	s3 =	simm.s32 $0x108;
	s8 =	sld [smem:$0x3FAB]  }
0x2e: {  	s3 =	simm.s32 @!p0 $0x1082;
	s9 =	sld [smem:$0x3FAC]  }
0x2f: {  	lr =	sadd.s32 s0, s3;
	s0 =	sld [smem:$0x3FA3]  }
0x30: {  	s3 =	sld [smem:$0x3FA6]  }
0x31: {  	[smem:$0x3FAF] =	sst s10  }
0x32: {  	s10 =	sld [smem:$0x3FAD];
	_ =	sdelay $0x3  }
0x33: {  	p0 =	seq.s32 s10, $0x1;
	s10 =	sld [smem:$0x3FAF];
	_ =	sdelay $0x3  }
0x34: {  	[smem:$0x3FAF] =	sst s10  }
0x35: {  	s10 =	sld [smem:$0x3FAE];
	_ =	sdelay $0x3  }
0x36: {  	p1 =	seq.s32 s10, $0x1;
	s10 =	sld [smem:$0x3FAF];
	_ =	sdelay $0x3  }
0x37: {  	[smem:$0x3FAF] =	sst s10  }
0x38: {  	s10 =	sld [smem:$0x3FB0]  }
0x39: {  	_ = 	snop;
	(pc) =	sbr.ind lr, $3  }
0x3a: {  	_ = 	snop  }
0x3b: {  	_ = 	snop  }
0x3c: {  	p2 =	seq.s32 s10, $0x1;
	s10 =	sld [smem:$0x3FAF]  }
0x3d: {  	_ =	shalt  }
0x3e: {  	_ =	shalt  }
0x3f: {  	_ =	shalt  }
0x40: {  	_ =	shalt  }
0x41: {  	_ =	shalt  }
0x42: {  	_ =	shalt  }
0x43: {  	_ =	shalt  }
0x44: {  	_ =	shalt  }
0x45: {  	_ =	shalt  }
0x46: {  	_ =	shalt  }
0x47: {  	_ =	shalt  }
0x48: {  	_ =	shalt  }
0x49: {  	_ =	shalt  }
0x4a: {  	_ =	shalt  }
0x4b: {  	_ =	shalt  }
0x4c: {  	_ =	shalt  }
0x4d: {  	_ =	shalt  }
0x4e: {  	_ =	shalt  }
0x4f: {  	_ =	shalt  }
0x50: {  	_ =	shalt  }
0x51: {  	_ =	shalt  }
0x52: {  	_ =	shalt  }
0x53: {  	_ =	shalt  }
0x54: {  	_ =	shalt  }
0x55: {  	_ =	shalt  }
0x56: {  	_ =	shalt  }
0x57: {  	_ =	shalt  }
0x58: {  	_ =	shalt  }
0x59: {  	_ =	shalt  }
0x5a: {  	_ =	shalt  }
0x5b: {  	_ =	shalt  }
0x5c: {  	_ =	shalt  }
0x5d: {  	_ =	shalt  }
0x5e: {  	_ =	shalt  }
0x5f: {  	_ =	shalt  }
0x60: {  	_ =	shalt  }
0x61: {  	_ =	shalt  }
0x62: {  	_ =	shalt  }
0x63: {  	_ =	shalt  }
0x64: {  	_ =	shalt  }
0x65: {  	_ =	shalt  }
0x66: {  	_ =	shalt  }
0x67: {  	_ =	shalt  }
0x68: {  	_ =	shalt  }
0x69: {  	_ =	shalt  }
0x6a: {  	_ =	shalt  }
0x6b: {  	_ =	shalt  }
0x6c: {  	_ =	shalt  }
0x6d: {  	_ =	shalt  }
0x6e: {  	_ =	shalt  }
0x6f: {  	_ =	shalt  }
0x70: {  	_ =	shalt  }
0x71: {  	_ =	shalt  }
0x72: {  	_ =	shalt  }
0x73: {  	_ =	shalt  }
0x74: {  	_ =	shalt  }
0x75: {  	_ =	shalt  }
0x76: {  	_ =	shalt  }
0x77: {  	_ =	shalt  }
0x78: {  	_ =	shalt  }
0x79: {  	_ =	shalt  }
0x7a: {  	_ =	shalt  }
0x7b: {  	_ =	shalt  }
0x7c: {  	_ =	shalt  }
0x7d: {  	_ =	shalt  }
0x7e: {  	_ =	shalt  }
0x7f: {  	_ =	shalt  }
0x80: {  	_ =	shalt  }
0x81: {  	_ =	shalt  }
0x82: {  	_ =	shalt  }
0x83: {  	_ =	shalt  }
0x84: {  	_ =	shalt  }
0x85: {  	_ =	shalt  }
0x86: {  	_ =	shalt  }
0x87: {  	_ =	shalt  }
.Lfunc_end0:
.L_simem_size_0:
called_computation.1_lowered:
.L_overlay_start_0:
0x88: {  	s2 =	sld [smem:$0x3FD9]  }
0x89: {  	s3 =	sld [smem:$0x3FFE];
	_ =	sdelay $0x1  }
0x8a: {  	s1 =	srdreg.scid  }
0x8b: {  	s0 =	sand.u32 $0x1, s1  }
0x8c: {  	s16 =	sshll.u32 s0, $0xA;
	s2 =	sadd.s32 s3, s2  }
0x8d: {  	s2 =	sadd.s32 s2, s16  }
0x8e: {  	[smem:$0x3FBB] =	sst s2  }
0x8f: {  	_ = 	snop  }
0x90: {  	(tm) =	ssettm $0x1  }
0x91: {  	s17 =	sld [smem:$0x3FFB];
	_ =	sdelay $0x3  }
0x92: {  	_ =	strace s17  }
0x93: {  	s2 =	sld [smem:$0x3FFC];
	_ =	sdelay $0x3  }
0x94: {  	_ =	strace s2  }
0x95: {  	s2 =	sld [smem:$0x3FFD];
	_ =	sdelay $0x3  }
0x96: {  	_ =	strace s2  }
0x97: {  	_ =	strace $0x8FFFFFFF  }
0x98: {  	s18 =	sld [smem:$0x3FDB];
	_ =	sdelay $0x1  }
0x99: {  	s19 =	simm.s32 $_scs_section_size  }
0x9a: {  	s4 =	simm.s32 $_size__tile_overlayer_lowered;
	s5 =	simm.s32 $_tile_overlayer_lowered  }
0x9b: {  	s22 =	simm.s32 $0x1BFF;
	s21 =	sshll.u32 s5, $0x1;
	s2 =	sadd.s32 s19, s18  }
0x9c: {  	s6 =	simm.s32 $0x0;
	s20 =	sshll.u32 s4, $0x1;
	s4 =	sadd.s32 s21, s2  }
0x9d: {  	[timem:s6], [sflag:s22] =	dma.local [hbm:s4], s20  }
0x9e: {  	_ =	swait.ge [sflag:s22], s20  }
0x9f: {  	s3 =	ssub.s32 $0x0, s20;
	[sflag:s22] =	ssyncset.done $0x0  }
0xa0: {  	[sflag:s22] =	ssyncadd.s32 s3;
	_ =	sdelay $0x1  }
0xa1: {  	s23 =	simm.s32 $0x1B8B  }
0xa2: {  	_ =	swait.ge [sflag:s23], $0x1  }
0xa3: {  	[sflag:s23] =	ssyncset.done $0x0  }
0xa4: {  	s25 =	simm.s32 $0x1B8E;
	s24 =	sld [smem:$0x3FFE];
	[sflag:s23] =	ssyncadd.s32 $0xFFFFFFFF  }
0xa5: {  	s26 =	simm.s32 $execute0_lowered;
	[smem:$0x3FD2] =	sst s25  }
0xa6: {  	s4 =	sshll.u32 s26, $0x1;
	_ =	strace $0x80000049;
	[dreg:$0x1] =	wrdreg $0xFFFFFFFF  }
0xa7: {  	s28 =	simm.s32 $_size_execute0_lowered;
	s2 =	sadd.s32 s2, s4;
	[dreg:$0x0] =	wrdreg $0x0  }
0xa8: {  	s4 =	sshll.u32 s28, $0x1;
	[dreg:$0x2] =	wrdreg s2  }
0xa9: {  	[dreg:$0x3] =	wrdreg s4  }
0xaa: {  	[dreg:$0x4] =	wrdreg $0xC0  }
0xab: {  	_ =	task [dreg:s6], $0x5FFFF  }
0xac: {  	[dreg:$0x1] =	wrdreg $0xFFFFFFFF  }
0xad: {  	[dreg:$0x0] =	wrdreg $0x60  }
0xae: {  	[dreg:$0x2] =	wrdreg s24  }
0xaf: {  	[dreg:$0x3] =	wrdreg $0xB7000  }
0xb0: {  	[dreg:$0x4] =	wrdreg $0x9  }
0xb1: {  	_ =	task.clear_ibuf [dreg:s6], $0x5FFFF;
	_ =	strace $0x90000049  }
0xb2: {  	s29 =	simm.s32 $0x9;
	_ =	strace $0x8000004B  }
0xb3: {  	_ =	swait.ge [sflag:s29], $0x1  }
0xb4: {  	[sflag:s29] =	ssyncadd.s32 $0xFFFFFFFF  }
0xb5: {  	_ =	strace $0x9000004B  }
0xb6: {  	_ =	sfence  }
0xb7: {  	s30 =	sld [smem:$0x0];
	_ =	sdelay $0x2  }
0xb8: {  	s31 =	sshll.u32 s1, $0xD;
	s1 =	sshrl.u32 s1, $0x2  }
0xb9: {  	s3 =	sand.u32 $0x4000, s31;
	s1 =	sadd.s32 s1, s30  }
0xba: {  	s0 =	sor.u32 s3, s0;
	s1 =	sshll.u32 s1, $0x11  }
0xbb: {  	s0 =	sor.u32 s1, s0  }
0xbc: {  	s0 =	sadd.s32 $0x8F2B, s0  }
0xbd: {  	[sflag:s0] =	ssyncadd.remote.s32 $0x1  }
0xbe: {  	_ =	sfence.sel $0xFFFF  }
0xbf: {  	[dreg:$0x0] =	wrdreg $0xFFFFFFFF;
	(pc) =	sbr.abs _section_cstart, $3  }
0xc0: {  	[dreg:$0x1] =	wrdreg $0xFFFFFFFF  }
0xc1: {  	_ =	task.clear_ibuf [dreg:s6], $0x2FFFF;
	_ =	strace $0x9FFFFFFF  }
0xc2: {  	(tm) =	ssettm $0x7FFFFFFF  }
0xc3: {  	_ =	shalt  }
tec
execute0_lowered:
.L_overlay_start_1:
0x0: {  	(tag) =	ssettag $0x1  }
0x1: {  	s0 =	rddreg [dreg:$0x0]  }
0x2: {  	s2 =	rddreg [dreg:$0x1];
	s8 =	stileid.u32;
	s3 =	simm.s32 $0x0  }
0x3: {  	s1 =	srdreg.scid;
	s15 =	simm.s32 $0x7;
	s16 =	simm.s32 $0x78  }
0x4: {  	s17 =	simm.s32 $0x300;
	s18 =	simm.s32 $0x100;
	s19 =	simm.s32 $0x3F00  }
0x5: {  	s28 =	simm.s32 $0x3;
	s29 =	simm.s32 $0x280;
	s4 =	smul.u32 $0x15, s8  }
0x6: {  	s30 =	simm.s32 $0x5;
	s31 =	simm.s32 $0x6;
	s5 =	smul.u32 $0x93, s8  }
0x7: {  	[smem:$0x7FF] =	sst s3;
	s1 =	sand.u32 $0x1, s1;
	s20 =	smul.u32 $0x14000, s8  }
0x8: {  	s21 =	smul.u32 $0x50000, s8;
	s22 =	sadd.s32 $0x3600, s0;
	s25 =	sshll.u32 s8, $0x6  }
0x9: {  	s8 =	simm.s32 $0x30;
	p0 =	seq.s32 s1, $0x0;
	s7 =	smul.u32 $0x140000, s1  }
0xa: {  	_ =	strace $0x8000004A;
	[dreg:$0x3] =	wrdreg s22;
	s1 =	ssub.s32 $0x2, s1  }
0xb: {  	s22 =	simm.s32 $0x1;
	s6 =	sadd.s32 $0x930, s4;
	s4 =	sadd.s32 $0x22E00, s0  }
0xc: {  	s23 =	sshrl.u32 s1, $0x1;
	s8 =	simm.s32 @!p0 $0x6;
	s6 =	smov.u32 @p0 s5  }
0xd: {  	s5 =	sadd.s32 s20, s7;
	s1 =	ssub.s32 s1, s23;
	s20 =	simm.s32 $0x200  }
0xe: {  	s23 =	simm.s32 $0x80;
	s6 =	sshll.u32 s6, $0x5;
	s5 =	sshrl.u32 s5, $0x3  }
0xf: {  	s12 =	smax.u32 s1, $0x1;
	s13 =	sadd.s32 s6, s0;
	s6 =	sshrl.u32 s21, $0x2  }
0x10: {  	s0 =	sadd.s32 s5, s0;
	s21 =	simm.s32 $0x7B00;
	s24 =	sadd.s32 s6, s2  }
0x11: {  	s6 =	sor.u32 $0x1C07, s25;
	s26 =	sadd.s32 $0xDE00, s13;
	s9 =	sadd.s32 $0xDE20, s13  }
0x12: {  	s10 =	sadd.s32 $0xDE40, s13;
	s11 =	sadd.s32 $0x4AE00, s0;
	s13 =	sadd.s32 $0xDEA0, s13  }
0x13: {  	s25 =	simm.s32 $0x180;
	s0 =	simm.s32 $0x0;
	[dreg:$0x4] =	wrdreg s26  }
0x14: {  	s14 =	sshrl.u32 s24, $0x3;
	s24 =	simm.s32 $0x2;
	s26 =	simm.s32 $0x4  }
.LBB2_1:
0x15: {  	s1 =	rddreg [dreg:$0x3]  }
0x16: {  	[spmem:s14], [sflag:s6] =	dma.local [hbm:s1], $0x2800  }
0x17: {  	_ =	swait.ge [sflag:s15], $0x2800  }
0x18: {  	[sflag:s15] =	ssyncset.done $0x0  }
0x19: {  	[sflag:s15] =	ssyncadd.s32 $0xFFFFD800  }
0x1a: {  	[bflag:$0x0] =	sbarrier.arrive $0xFFFF  }
0x1b: {  	s7 =	rddreg [dreg:$0x4]  }
0x1c: {  	[tilespmem:s3], [sflag:$0x7] =	stream.linear.gather [hbm4b:s7+s3], $0x100, $0x38;
	[tilespmem:$0x1F700] =	vst v63  }
0x1d: {  	_ =	swait.ge [sflag:s15], $0x100  }
0x1e: {  	[sflag:s15] =	ssyncset.done $0x0  }
0x1f: {  	[sflag:s15] =	ssyncadd.s32 $0xFFFFFF00  }
0x20: {  	[tilespmem:s17], [sflag:$0x1] =	stream.indirect.gather [hbm4b:s4+s16], $0x80, s3, s16, $0xb8;
	[tilespmem:$0x1F700] =	vst v63  }
0x21: {  	_ = 	snop  }
0x22: {  	[tilespmem:s18], [sflag:$0x7] =	stream.linear.gather [hbm4b:s9+s3], $0x100, $0x38;
	[tilespmem:$0x1F700] =	vst v63  }
0x23: {  	_ =	swait.ge [sflag:s15], $0x100  }
0x24: {  	[sflag:s15] =	ssyncset.done $0x0  }
0x25: {  	[sflag:s15] =	ssyncadd.s32 $0xFFFFFF00  }
0x26: {  	[tilespmem:s19], [sflag:$0x2] =	stream.indirect.gather [hbm4b:s4+s16], $0x80, s18, s16, $0xb8;
	[tilespmem:$0x1F700] =	vst v63  }
0x27: {  	_ = 	snop  }
0x28: {  	[tilespmem:s20], [sflag:$0x7] =	stream.linear.gather [hbm4b:s10+s3], $0x100, $0x38;
	[tilespmem:$0x1F700] =	vst v63  }
0x29: {  	_ =	swait.ge [sflag:s15], $0x100  }
0x2a: {  	[sflag:s15] =	ssyncset.done $0x0  }
0x2b: {  	[sflag:s15] =	ssyncadd.s32 $0xFFFFFF00  }
0x2c: {  	[tilespmem:s21], [sflag:$0x3] =	stream.indirect.gather [hbm4b:s4+s16], $0x80, s20, s16, $0xb8;
	[tilespmem:$0x1F700] =	vst v63  }
0x2d: {  	_ =	swait.ge [sflag:s22], $0x3C00  }
0x2e: {  	[sflag:s22] =	ssyncset.done $0x0  }
0x2f: {  	[sflag:s22] =	ssyncadd.s32 $0xFFFFC400  }
0x30: {  	[spmem:s2] =	stream.indirect.scatter.add.f32 [tilespmem:s17], [sflag:$0x4], $0x80, s23, s16, $0xb8;
	[tilespmem:$0x1F700] =	vst v63  }
0x31: {  	_ =	swait.ge [sflag:s24], $0x3C00  }
0x32: {  	[sflag:s24] =	ssyncset.done $0x0  }
0x33: {  	[sflag:s24] =	ssyncadd.s32 $0xFFFFC400  }
0x34: {  	[spmem:s2] =	stream.indirect.scatter.add.f32 [tilespmem:s19], [sflag:$0x5], $0x80, s25, s16, $0xb8;
	[tilespmem:$0x1F700] =	vst v63  }
0x35: {  	_ =	swait.ge [sflag:s26], $0x3C00  }
0x36: {  	[sflag:s26] =	ssyncset.done $0x0  }
0x37: {  	s5 =	sadd.s32 $0xFFFFFFC0, s13;
	[sflag:s26] =	ssyncadd.s32 $0xFFFFC400  }
0x38: {  	[tilespmem:s3], [sflag:$0x7] =	stream.linear.gather [hbm4b:s5+s3], $0x100, $0x38;
	[tilespmem:$0x1F700] =	vst v63  }
0x39: {  	_ =	swait.ge [sflag:s15], $0x100  }
0x3a: {  	[sflag:s15] =	ssyncset.done $0x0  }
0x3b: {  	[sflag:s15] =	ssyncadd.s32 $0xFFFFFF00  }
0x3c: {  	[tilespmem:s17], [sflag:$0x1] =	stream.indirect.gather [hbm4b:s4+s16], $0x80, s3, s16, $0xb8;
	[tilespmem:$0x1F700] =	vst v63  }
0x3d: {  	_ =	swait.ge [sflag:s28], $0x3C00  }
0x3e: {  	[sflag:s28] =	ssyncset.done $0x0  }
0x3f: {  	[sflag:s28] =	ssyncadd.s32 $0xFFFFC400  }
0x40: {  	[spmem:s2] =	stream.indirect.scatter.add.f32 [tilespmem:s21], [sflag:$0x6], $0x80, s29, s16, $0xb8;
	[tilespmem:$0x1F700] =	vst v63  }
0x41: {  	_ =	swait.ge [sflag:s30], $0x3C00  }
0x42: {  	[sflag:s30] =	ssyncset.done $0x0  }
0x43: {  	s7 =	sadd.s32 $0xFFFFFFE0, s13;
	[sflag:s30] =	ssyncadd.s32 $0xFFFFC400  }
0x44: {  	[tilespmem:s18], [sflag:$0x7] =	stream.linear.gather [hbm4b:s7+s3], $0x100, $0x38;
	[tilespmem:$0x1F700] =	vst v63  }
0x45: {  	_ =	swait.ge [sflag:s15], $0x100  }
0x46: {  	[sflag:s15] =	ssyncset.done $0x0  }
0x47: {  	[sflag:s15] =	ssyncadd.s32 $0xFFFFFF00  }
0x48: {  	[tilespmem:s19], [sflag:$0x2] =	stream.indirect.gather [hbm4b:s4+s16], $0x80, s18, s16, $0xb8;
	[tilespmem:$0x1F700] =	vst v63  }
0x49: {  	_ =	swait.ge [sflag:s31], $0x3C00  }
0x4a: {  	p0 =	sne.s32 s8, $0x1;
	[sflag:s31] =	ssyncset.done $0x0  }
.Ltmp0:
0x4b: {  	[sflag:s31] =	ssyncadd.s32 $0xFFFFC400;
	(pc) =	sbr.rel @!p0 .LBB2_3-.Ltmp0, $4  }
0x4c: {  	[tilespmem:s20], [sflag:$0x7] =	stream.linear.gather [hbm4b:s13+s3], $0x100, $0x38;
	[tilespmem:$0x1F700] =	vst v63  }
0x4d: {  	_ =	swait.ge [sflag:s15], $0x100  }
0x4e: {  	[sflag:s15] =	ssyncset.done $0x0  }
0x4f: {  	s1 =	sadd.s32 $0xFFFFFFFF, s8;
	s5 =	sadd.s32 $0x60, s13;
	[sflag:s15] =	ssyncadd.s32 $0xFFFFFF00  }
.LBB2_2:
0x50: {  	[tilespmem:s21], [sflag:$0x3] =	stream.indirect.gather [hbm4b:s4+s16], $0x80, s20, s16, $0xb8;
	[tilespmem:$0x1F700] =	vst v63  }
0x51: {  	p0 =	sne.s32 s1, $0x1;
	s1 =	sadd.s32 $0xFFFFFFFF, s1;
	_ =	swait.ge [sflag:s22], $0x3C00  }
0x52: {  	[sflag:s22] =	ssyncset.done $0x0  }
0x53: {  	[sflag:s22] =	ssyncadd.s32 $0xFFFFC400  }
0x54: {  	[spmem:s2] =	stream.indirect.scatter.add.f32 [tilespmem:s17], [sflag:$0x4], $0x80, s23, s16, $0xb8;
	[tilespmem:$0x1F700] =	vst v63  }
0x55: {  	_ =	swait.ge [sflag:s24], $0x3C00  }
0x56: {  	[sflag:s24] =	ssyncset.done $0x0  }
0x57: {  	[sflag:s24] =	ssyncadd.s32 $0xFFFFC400  }
0x58: {  	[spmem:s2] =	stream.indirect.scatter.add.f32 [tilespmem:s19], [sflag:$0x5], $0x80, s25, s16, $0xb8;
	[tilespmem:$0x1F700] =	vst v63  }
0x59: {  	_ =	swait.ge [sflag:s26], $0x3C00  }
0x5a: {  	[sflag:s26] =	ssyncset.done $0x0  }
0x5b: {  	s7 =	sadd.s32 $0xFFFFFFC0, s5;
	[sflag:s26] =	ssyncadd.s32 $0xFFFFC400  }
0x5c: {  	[tilespmem:s3], [sflag:$0x7] =	stream.linear.gather [hbm4b:s7+s3], $0x100, $0x38;
	[tilespmem:$0x1F700] =	vst v63  }
0x5d: {  	_ =	swait.ge [sflag:s15], $0x100  }
0x5e: {  	[sflag:s15] =	ssyncset.done $0x0  }
0x5f: {  	[sflag:s15] =	ssyncadd.s32 $0xFFFFFF00  }
0x60: {  	[tilespmem:s17], [sflag:$0x1] =	stream.indirect.gather [hbm4b:s4+s16], $0x80, s3, s16, $0xb8;
	[tilespmem:$0x1F700] =	vst v63  }
0x61: {  	_ =	swait.ge [sflag:s28], $0x3C00  }
0x62: {  	[sflag:s28] =	ssyncset.done $0x0  }
0x63: {  	[sflag:s28] =	ssyncadd.s32 $0xFFFFC400  }
0x64: {  	[spmem:s2] =	stream.indirect.scatter.add.f32 [tilespmem:s21], [sflag:$0x6], $0x80, s29, s16, $0xb8;
	[tilespmem:$0x1F700] =	vst v63  }
0x65: {  	_ =	swait.ge [sflag:s30], $0x3C00  }
0x66: {  	[sflag:s30] =	ssyncset.done $0x0  }
0x67: {  	s7 =	sadd.s32 $0xFFFFFFE0, s5;
	[sflag:s30] =	ssyncadd.s32 $0xFFFFC400  }
0x68: {  	[tilespmem:s18], [sflag:$0x7] =	stream.linear.gather [hbm4b:s7+s3], $0x100, $0x38;
	[tilespmem:$0x1F700] =	vst v63  }
0x69: {  	_ =	swait.ge [sflag:s15], $0x100  }
0x6a: {  	[sflag:s15] =	ssyncset.done $0x0  }
0x6b: {  	[sflag:s15] =	ssyncadd.s32 $0xFFFFFF00  }
0x6c: {  	[tilespmem:s19], [sflag:$0x2] =	stream.indirect.gather [hbm4b:s4+s16], $0x80, s18, s16, $0xb8;
	[tilespmem:$0x1F700] =	vst v63  }
0x6d: {  	_ =	swait.ge [sflag:s31], $0x3C00  }
0x6e: {  	[sflag:s31] =	ssyncset.done $0x0  }
.Ltmp1:
0x6f: {  	[sflag:s31] =	ssyncadd.s32 $0xFFFFC400;
	(pc) =	sbr.rel @p0 .LBB2_2-.Ltmp1, $4  }
0x70: {  	[tilespmem:s20], [sflag:$0x7] =	stream.linear.gather [hbm4b:s5+s3], $0x100, $0x38;
	[tilespmem:$0x1F700] =	vst v63  }
0x71: {  	_ =	swait.ge [sflag:s15], $0x100  }
0x72: {  	[sflag:s15] =	ssyncset.done $0x0  }
0x73: {  	s5 =	sadd.s32 $0x60, s5;
	[sflag:s15] =	ssyncadd.s32 $0xFFFFFF00  }
.LBB2_3:
0x74: {  	[tilespmem:s21], [sflag:$0x3] =	stream.indirect.gather [hbm4b:s4+s16], $0x80, s20, s16, $0xb8;
	[tilespmem:$0x1F700] =	vst v63  }
0x75: {  	_ =	swait.ge [sflag:s22], $0x3C00  }
0x76: {  	[sflag:s22] =	ssyncset.done $0x0  }
0x77: {  	[sflag:s22] =	ssyncadd.s32 $0xFFFFC400  }
0x78: {  	[spmem:s2] =	stream.indirect.scatter.add.f32 [tilespmem:s17], [sflag:$0x4], $0x80, s23, s16, $0xb8;
	[tilespmem:$0x1F700] =	vst v63  }
0x79: {  	_ =	swait.ge [sflag:s24], $0x3C00  }
0x7a: {  	[sflag:s24] =	ssyncset.done $0x0  }
0x7b: {  	[sflag:s24] =	ssyncadd.s32 $0xFFFFC400  }
0x7c: {  	[spmem:s2] =	stream.indirect.scatter.add.f32 [tilespmem:s19], [sflag:$0x5], $0x80, s25, s16, $0xb8;
	[tilespmem:$0x1F700] =	vst v63  }
0x7d: {  	_ =	swait.ge [sflag:s28], $0x3C00  }
0x7e: {  	[sflag:s28] =	ssyncset.done $0x0  }
0x7f: {  	[sflag:s28] =	ssyncadd.s32 $0xFFFFC400  }
0x80: {  	[spmem:s2] =	stream.indirect.scatter.add.f32 [tilespmem:s21], [sflag:$0x6], $0x80, s29, s16, $0xb8;
	[tilespmem:$0x1F700] =	vst v63  }
0x81: {  	_ =	swait.ge [sflag:s26], $0x3C00  }
0x82: {  	[sflag:s26] =	ssyncset.done $0x0  }
0x83: {  	[sflag:s26] =	ssyncadd.s32 $0xFFFFC400  }
0x84: {  	_ =	swait.ge [sflag:s30], $0x3C00  }
0x85: {  	[sflag:s30] =	ssyncset.done $0x0  }
0x86: {  	[sflag:s30] =	ssyncadd.s32 $0xFFFFC400  }
0x87: {  	_ =	swait.ge [sflag:s31], $0x3C00  }
0x88: {  	s0 =	sadd.s32 $0x1, s0;
	[sflag:s31] =	ssyncset.done $0x0  }
0x89: {  	p0 =	sne.s32 s0, s12;
	[sflag:s31] =	ssyncadd.s32 $0xFFFFC400  }
.Ltmp2:
0x8a: {  	[bflag:$0x0] =	sbarrier.arrive $0xFFFF;
	(pc) =	sbr.rel @p0 .LBB2_1-.Ltmp2, $4  }
0x8b: {  	[hbm:s11], [sflag:s6] =	dma.local [spmem:s14], $0x2800  }
0x8c: {  	_ =	swait.ge [sflag:s15], $0x2800  }
0x8d: {  	[sflag:s15] =	ssyncset.done $0x0  }
0x8e: {  	[sflag:s15] =	ssyncadd.s32 $0xFFFFD800  }
0x8f: {  	_ =	sfence.sel $0x180000  }
0x90: {  	[bflag:$0x0] =	sbarrier.arrive $0xFFFF  }
0x91: {  	_ =	strace $0x9000004A  }
0x92: {  	s0 =	stileid.u32;
	[bflag:$0x2] =	sbarrier.arrive $0xFFFF  }
0x93: {  	p0 =	sne.s32 s0, $0x0;
	s0 =	rddreg [dreg:$0x2]  }
0x94: {  	s0 =	sadd.s32 @!p0 $0x100000, s0  }
0x95: {  	[sflag:s0] =	ssyncadd.tile.s32 @!p0 $0x1;
	_ =	shalt  }
.Lfunc_end2:
_tile_overlayer_lowered:
.L_overlay_start_2:
0x96: {  	(tag) =	ssettag $0x2  }
0x97: {  	s0 =	rddreg [dreg:$0x0];
	s2 =	stileid.u32  }
0x98: {  	s1 =	rddreg [dreg:$0x1];
	p0 =	sne.s32 s2, $0x0  }
0x99: {  	s3 =	rddreg [dreg:$0x2];
	[bflag:$0x3] =	sbarrier.arrive $0xFFFF;
	s2 =	simm.s32 @!p0 $0x1C07  }
0x9a: {  	[timem:s3], [sflag:s2] =	dma.local @!p0 [hbm:s0], s1  }
0x9b: {  	s0 =	simm.s32 @!p0 $0x7  }
0x9c: {  	_ =	swait.ge @!p0 [sflag:s0], s1  }
0x9d: {  	s1 =	ssub.s32 @!p0 $0x0, s1;
	[sflag:s0] =	ssyncset.done @!p0 $0x0  }
0x9e: {  	[sflag:s0] =	ssyncadd.s32 @!p0 s1  }
0x9f: {  	[bflag:$0x3] =	sbarrier.arrive $0xFFFF  }
0xa0: {  	_ =	shalt  }

// kernel: kernel.17.cloned.1.call-start
scs
__scs_entry_jumppad:
0x0: {  	(pc) =	sbr.rel $0x88, $3  }
0x1: {  	(tag) =	ssettag $0x0;
	lr =	simm.s32 $0x1  }
0x2: {  	[smem:$0x3F94] =	sst lr;
	_ =	strace $0xD0000000  }
0x3: {  	_ = 	snop  }
0x4: {  	_ = 	snop  }
0x5: {  	_ = 	snop  }
0x6: {  	_ = 	snop  }
0x7: {  	_ = 	snop  }
__scs_overlays_trampoline_lowered:
0x8: {  	[smem:$0x3FA3] =	sst s0  }
0x9: {  	[smem:$0x3FA4] =	sst s1  }
0xa: {  	[smem:$0x3FA5] =	sst s2  }
0xb: {  	[smem:$0x3FA6] =	sst s3  }
0xc: {  	[smem:$0x3FA7] =	sst s4  }
0xd: {  	[smem:$0x3FA8] =	sst s5  }
0xe: {  	[smem:$0x3FA9] =	sst s6  }
0xf: {  	[smem:$0x3FAA] =	sst s7  }
0x10: {  	[smem:$0x3FAB] =	sst s8  }
0x11: {  	[smem:$0x3FAC] =	sst s9;
	s0 =	simm.s32 @!p0 $0x0  }
0x12: {  	s1 =	sld [smem:$0x3F92];
	s0 =	simm.s32 @p0 $0x1  }
0x13: {  	[smem:$0x3FAD] =	sst s0;
	s0 =	simm.s32 @!p1 $0x0  }
0x14: {  	s2 =	sld [smem:$0x3F91];
	s0 =	simm.s32 @p1 $0x1  }
0x15: {  	[smem:$0x3FAE] =	sst s0;
	s0 =	simm.s32 @!p2 $0x0  }
0x16: {  	s3 =	sld [smem:$0x3FDB];
	s0 =	simm.s32 @p2 $0x1  }
0x17: {  	s4 =	simm.s32 $0x1BF5;
	[smem:$0x3FB0] =	sst s0  }
0x18: {  	s0 =	sld [smem:$0x3F93];
	_ =	swait.ge [sflag:s4], $0x0  }
0x19: {  	s7 =	sld [smem:$0x3F94]  }
0x1a: {  	s8 =	sadd.s32 $0xFFFFE003, lr  }
0x1b: {  	s9 =	sadd.s32 $0xFFFFFEF7, lr;
	s5 =	simm.s32 $0xFFFFFFFF;
	p2 =	slt.u32 s8, $0xFFFFF086  }
0x1c: {  	p1 =	slt.u32 s9, $0xF7A;
	s5 =	simm.s32 @!p2 $0x0  }
0x1d: {  	s5 =	simm.s32 @p1 $0x1;
	p0 =	seq.s32 s7, s2  }
0x1e: {  	s7 =	smul.u32 @!p0 $0xF7A, s2;
	p2 =	seq.s32 @!p0 s5, $0x0  }
0x1f: {  	s9 =	smul.u32 $0xF7A, s1;
	s8 =	simm.s32 @!p0 $0x1BF5;
	p2 =	por !p2, p0  }
0x20: {  	[sflag:s8] =	ssyncset.s32 @!p0 $0xFFFFF086;
	s6 =	sadd.s32 @!p0 s3, s7;
	s7 =	simm.s32 @!p0 $0x108  }
0x21: {  	s3 =	sadd.s32 s3, s9;
	s6 =	sadd.s32 @!p0 $0x88, s6;
	s7 =	simm.s32 @p2 $0x1082  }
0x22: {  	[simem:s7], [sflag:s8] =	dma.local @!p0 [hbm:s6], $0xF7A  }
0x23: {  	s9 =	sor.u32 $0xD0000000, s2;
	s6 =	simm.s32 $0x108;
	_ =	swait.ge @!p0 [sflag:s8], $0x0  }
0x24: {  	s3 =	sadd.s32 $0x88, s3;
	s6 =	simm.s32 @!p1 $0x1082;
	[sflag:s4] =	ssyncset.s32 $0xFFFFF086  }
0x25: {  	[simem:s6], [sflag:s4] =	dma.local [hbm:s3], $0xF7A  }
0x26: {  	[smem:$0x3F94] =	sst s1;
	(tag) =	ssettag s2;
	_ =	strace s9  }
0x27: {  	s1 =	sld [smem:$0x3FA4]  }
0x28: {  	s2 =	sld [smem:$0x3FA5]  }
0x29: {  	s4 =	sld [smem:$0x3FA7]  }
0x2a: {  	p0 =	seq.s32 s5, $0x0;
	s5 =	sld [smem:$0x3FA8]  }
0x2b: {  	s6 =	sld [smem:$0x3FA9]  }
0x2c: {  	s7 =	sld [smem:$0x3FAA]  }
0x2d: {  	s3 =	simm.s32 $0x108;
	s8 =	sld [smem:$0x3FAB]  }
0x2e: {  	s3 =	simm.s32 @!p0 $0x1082;
	s9 =	sld [smem:$0x3FAC]  }
0x2f: {  	lr =	sadd.s32 s0, s3;
	s0 =	sld [smem:$0x3FA3]  }
0x30: {  	s3 =	sld [smem:$0x3FA6]  }
0x31: {  	[smem:$0x3FAF] =	sst s10  }
0x32: {  	s10 =	sld [smem:$0x3FAD];
	_ =	sdelay $0x3  }
0x33: {  	p0 =	seq.s32 s10, $0x1;
	s10 =	sld [smem:$0x3FAF];
	_ =	sdelay $0x3  }
0x34: {  	[smem:$0x3FAF] =	sst s10  }
0x35: {  	s10 =	sld [smem:$0x3FAE];
	_ =	sdelay $0x3  }
0x36: {  	p1 =	seq.s32 s10, $0x1;
	s10 =	sld [smem:$0x3FAF];
	_ =	sdelay $0x3  }
0x37: {  	[smem:$0x3FAF] =	sst s10  }
0x38: {  	s10 =	sld [smem:$0x3FB0]  }
0x39: {  	_ = 	snop;
	(pc) =	sbr.ind lr, $3  }
0x3a: {  	_ = 	snop  }
0x3b: {  	_ = 	snop  }
0x3c: {  	p2 =	seq.s32 s10, $0x1;
	s10 =	sld [smem:$0x3FAF]  }
0x3d: {  	_ =	shalt  }
0x3e: {  	_ =	shalt  }
0x3f: {  	_ =	shalt  }
0x40: {  	_ =	shalt  }
0x41: {  	_ =	shalt  }
0x42: {  	_ =	shalt  }
0x43: {  	_ =	shalt  }
0x44: {  	_ =	shalt  }
0x45: {  	_ =	shalt  }
0x46: {  	_ =	shalt  }
0x47: {  	_ =	shalt  }
0x48: {  	_ =	shalt  }
0x49: {  	_ =	shalt  }
0x4a: {  	_ =	shalt  }
0x4b: {  	_ =	shalt  }
0x4c: {  	_ =	shalt  }
0x4d: {  	_ =	shalt  }
0x4e: {  	_ =	shalt  }
0x4f: {  	_ =	shalt  }
0x50: {  	_ =	shalt  }
0x51: {  	_ =	shalt  }
0x52: {  	_ =	shalt  }
0x53: {  	_ =	shalt  }
0x54: {  	_ =	shalt  }
0x55: {  	_ =	shalt  }
0x56: {  	_ =	shalt  }
0x57: {  	_ =	shalt  }
0x58: {  	_ =	shalt  }
0x59: {  	_ =	shalt  }
0x5a: {  	_ =	shalt  }
0x5b: {  	_ =	shalt  }
0x5c: {  	_ =	shalt  }
0x5d: {  	_ =	shalt  }
0x5e: {  	_ =	shalt  }
0x5f: {  	_ =	shalt  }
0x60: {  	_ =	shalt  }
0x61: {  	_ =	shalt  }
0x62: {  	_ =	shalt  }
0x63: {  	_ =	shalt  }
0x64: {  	_ =	shalt  }
0x65: {  	_ =	shalt  }
0x66: {  	_ =	shalt  }
0x67: {  	_ =	shalt  }
0x68: {  	_ =	shalt  }
0x69: {  	_ =	shalt  }
0x6a: {  	_ =	shalt  }
0x6b: {  	_ =	shalt  }
0x6c: {  	_ =	shalt  }
0x6d: {  	_ =	shalt  }
0x6e: {  	_ =	shalt  }
0x6f: {  	_ =	shalt  }
0x70: {  	_ =	shalt  }
0x71: {  	_ =	shalt  }
0x72: {  	_ =	shalt  }
0x73: {  	_ =	shalt  }
0x74: {  	_ =	shalt  }
0x75: {  	_ =	shalt  }
0x76: {  	_ =	shalt  }
0x77: {  	_ =	shalt  }
0x78: {  	_ =	shalt  }
0x79: {  	_ =	shalt  }
0x7a: {  	_ =	shalt  }
0x7b: {  	_ =	shalt  }
0x7c: {  	_ =	shalt  }
0x7d: {  	_ =	shalt  }
0x7e: {  	_ =	shalt  }
0x7f: {  	_ =	shalt  }
0x80: {  	_ =	shalt  }
0x81: {  	_ =	shalt  }
0x82: {  	_ =	shalt  }
0x83: {  	_ =	shalt  }
0x84: {  	_ =	shalt  }
0x85: {  	_ =	shalt  }
0x86: {  	_ =	shalt  }
0x87: {  	_ =	shalt  }
.Lfunc_end0:
.L_simem_size_0:
called_computation.2_lowered:
.L_overlay_start_0:
0x88: {  	s2 =	sld [smem:$0x3FD9]  }
0x89: {  	s3 =	sld [smem:$0x3FFE];
	_ =	sdelay $0x1  }
0x8a: {  	s1 =	srdreg.scid  }
0x8b: {  	s0 =	sand.u32 $0x1, s1  }
0x8c: {  	s16 =	sshll.u32 s0, $0xA;
	s2 =	sadd.s32 s3, s2  }
0x8d: {  	s2 =	sadd.s32 s2, s16  }
0x8e: {  	[smem:$0x3FBB] =	sst s2  }
0x8f: {  	_ = 	snop  }
0x90: {  	(tm) =	ssettm $0x1  }
0x91: {  	s17 =	sld [smem:$0x3FFB];
	_ =	sdelay $0x3  }
0x92: {  	_ =	strace s17  }
0x93: {  	s2 =	sld [smem:$0x3FFC];
	_ =	sdelay $0x3  }
0x94: {  	_ =	strace s2  }
0x95: {  	s2 =	sld [smem:$0x3FFD];
	_ =	sdelay $0x3  }
0x96: {  	_ =	strace s2  }
0x97: {  	_ =	strace $0x8FFFFFFF  }
0x98: {  	s18 =	sld [smem:$0x3FDB];
	_ =	sdelay $0x1  }
0x99: {  	s19 =	simm.s32 $_scs_section_size  }
0x9a: {  	s4 =	simm.s32 $_size__tile_overlayer_lowered;
	s5 =	simm.s32 $_tile_overlayer_lowered  }
0x9b: {  	s22 =	simm.s32 $0x1BFF;
	s21 =	sshll.u32 s5, $0x1;
	s2 =	sadd.s32 s19, s18  }
0x9c: {  	s6 =	simm.s32 $0x0;
	s20 =	sshll.u32 s4, $0x1;
	s4 =	sadd.s32 s21, s2  }
0x9d: {  	[timem:s6], [sflag:s22] =	dma.local [hbm:s4], s20  }
0x9e: {  	_ =	swait.ge [sflag:s22], s20  }
0x9f: {  	s3 =	ssub.s32 $0x0, s20;
	[sflag:s22] =	ssyncset.done $0x0  }
0xa0: {  	[sflag:s22] =	ssyncadd.s32 s3;
	_ =	sdelay $0x1  }
0xa1: {  	s23 =	simm.s32 $0x1B8B  }
0xa2: {  	_ =	swait.ge [sflag:s23], $0x1  }
0xa3: {  	[sflag:s23] =	ssyncset.done $0x0  }
0xa4: {  	s25 =	simm.s32 $0x1B8E;
	s24 =	sld [smem:$0x3FFE];
	[sflag:s23] =	ssyncadd.s32 $0xFFFFFFFF  }
0xa5: {  	s26 =	simm.s32 $execute0_lowered;
	[smem:$0x3FD2] =	sst s25  }
0xa6: {  	s4 =	sshll.u32 s26, $0x1;
	_ =	strace $0x8000004C;
	[dreg:$0x1] =	wrdreg $0xFFFFFFFF  }
0xa7: {  	s28 =	simm.s32 $_size_execute0_lowered;
	s2 =	sadd.s32 s2, s4;
	[dreg:$0x0] =	wrdreg $0x0  }
0xa8: {  	s4 =	sshll.u32 s28, $0x1;
	[dreg:$0x2] =	wrdreg s2  }
0xa9: {  	[dreg:$0x3] =	wrdreg s4  }
0xaa: {  	[dreg:$0x4] =	wrdreg $0xC0  }
0xab: {  	_ =	task [dreg:s6], $0x5FFFF  }
0xac: {  	[dreg:$0x1] =	wrdreg $0xFFFFFFFF  }
0xad: {  	[dreg:$0x0] =	wrdreg $0x60  }
0xae: {  	[dreg:$0x2] =	wrdreg s24  }
0xaf: {  	[dreg:$0x3] =	wrdreg $0xB7000  }
0xb0: {  	[dreg:$0x4] =	wrdreg $0x9  }
0xb1: {  	_ =	task.clear_ibuf [dreg:s6], $0x5FFFF;
	_ =	strace $0x9000004C  }
0xb2: {  	s29 =	simm.s32 $0x9;
	_ =	strace $0x8000004E  }
0xb3: {  	_ =	swait.ge [sflag:s29], $0x1  }
0xb4: {  	[sflag:s29] =	ssyncadd.s32 $0xFFFFFFFF  }
0xb5: {  	_ =	strace $0x9000004E  }
0xb6: {  	_ =	sfence  }
0xb7: {  	s30 =	sld [smem:$0x0];
	_ =	sdelay $0x2  }
0xb8: {  	s31 =	sshll.u32 s1, $0xD;
	s1 =	sshrl.u32 s1, $0x2  }
0xb9: {  	s3 =	sand.u32 $0x4000, s31;
	s1 =	sadd.s32 s1, s30  }
0xba: {  	s0 =	sor.u32 s3, s0;
	s1 =	sshll.u32 s1, $0x11  }
0xbb: {  	s0 =	sor.u32 s1, s0  }
0xbc: {  	s0 =	sadd.s32 $0x8F2B, s0  }
0xbd: {  	[sflag:s0] =	ssyncadd.remote.s32 $0x1  }
0xbe: {  	_ =	sfence.sel $0xFFFF  }
0xbf: {  	[dreg:$0x0] =	wrdreg $0xFFFFFFFF;
	(pc) =	sbr.abs _section_cstart, $3  }
0xc0: {  	[dreg:$0x1] =	wrdreg $0xFFFFFFFF  }
0xc1: {  	_ =	task.clear_ibuf [dreg:s6], $0x2FFFF;
	_ =	strace $0x9FFFFFFF  }
0xc2: {  	(tm) =	ssettm $0x7FFFFFFF  }
0xc3: {  	_ =	shalt  }
tec
execute0_lowered:
.L_overlay_start_1:
0x0: {  	(tag) =	ssettag $0x1  }
0x1: {  	s0 =	rddreg [dreg:$0x0]  }
0x2: {  	s2 =	rddreg [dreg:$0x1];
	s8 =	stileid.u32;
	s3 =	simm.s32 $0x0  }
0x3: {  	s1 =	srdreg.scid;
	s15 =	simm.s32 $0x7;
	s16 =	simm.s32 $0x78  }
0x4: {  	s17 =	simm.s32 $0x300;
	s18 =	simm.s32 $0x100;
	s19 =	simm.s32 $0x3F00  }
0x5: {  	s28 =	simm.s32 $0x3;
	s29 =	simm.s32 $0x280;
	s4 =	smul.u32 $0x15, s8  }
0x6: {  	s30 =	simm.s32 $0x5;
	s31 =	simm.s32 $0x6;
	s5 =	smul.u32 $0x93, s8  }
0x7: {  	[smem:$0x7FF] =	sst s3;
	s1 =	sand.u32 $0x1, s1;
	s20 =	smul.u32 $0x14000, s8  }
0x8: {  	s21 =	smul.u32 $0x50000, s8;
	s22 =	sadd.s32 $0x3600, s0;
	s25 =	sshll.u32 s8, $0x6  }
0x9: {  	s8 =	simm.s32 $0x30;
	p0 =	seq.s32 s1, $0x0;
	s7 =	smul.u32 $0x140000, s1  }
0xa: {  	_ =	strace $0x8000004D;
	[dreg:$0x3] =	wrdreg s22;
	s1 =	ssub.s32 $0x2, s1  }
0xb: {  	s22 =	simm.s32 $0x1;
	s6 =	sadd.s32 $0x930, s4;
	s4 =	sadd.s32 $0x22E00, s0  }
0xc: {  	s23 =	sshrl.u32 s1, $0x1;
	s8 =	simm.s32 @!p0 $0x6;
	s6 =	smov.u32 @p0 s5  }
0xd: {  	s5 =	sadd.s32 s20, s7;
	s1 =	ssub.s32 s1, s23;
	s20 =	simm.s32 $0x200  }
0xe: {  	s23 =	simm.s32 $0x80;
	s6 =	sshll.u32 s6, $0x5;
	s5 =	sshrl.u32 s5, $0x3  }
0xf: {  	s12 =	smax.u32 s1, $0x1;
	s13 =	sadd.s32 s6, s0;
	s6 =	sshrl.u32 s21, $0x2  }
0x10: {  	s0 =	sadd.s32 s5, s0;
	s21 =	simm.s32 $0x7B00;
	s24 =	sadd.s32 s6, s2  }
0x11: {  	s6 =	sor.u32 $0x1C07, s25;
	s26 =	sadd.s32 $0xDE00, s13;
	s9 =	sadd.s32 $0xDE20, s13  }
0x12: {  	s10 =	sadd.s32 $0xDE40, s13;
	s11 =	sadd.s32 $0x4AE00, s0;
	s13 =	sadd.s32 $0xDEA0, s13  }
0x13: {  	s25 =	simm.s32 $0x180;
	s0 =	simm.s32 $0x0;
	[dreg:$0x4] =	wrdreg s26  }
0x14: {  	s14 =	sshrl.u32 s24, $0x3;
	s24 =	simm.s32 $0x2;
	s26 =	simm.s32 $0x4  }
.LBB2_1:
0x15: {  	s1 =	rddreg [dreg:$0x3]  }
0x16: {  	[spmem:s14], [sflag:s6] =	dma.local [hbm:s1], $0x2800  }
0x17: {  	_ =	swait.ge [sflag:s15], $0x2800  }
0x18: {  	[sflag:s15] =	ssyncset.done $0x0  }
0x19: {  	[sflag:s15] =	ssyncadd.s32 $0xFFFFD800  }
0x1a: {  	[bflag:$0x0] =	sbarrier.arrive $0xFFFF  }
0x1b: {  	s7 =	rddreg [dreg:$0x4]  }
0x1c: {  	[tilespmem:s3], [sflag:$0x7] =	stream.linear.gather [hbm4b:s7+s3], $0x100, $0x38;
	[tilespmem:$0x1F700] =	vst v63  }
0x1d: {  	_ =	swait.ge [sflag:s15], $0x100  }
0x1e: {  	[sflag:s15] =	ssyncset.done $0x0  }
0x1f: {  	[sflag:s15] =	ssyncadd.s32 $0xFFFFFF00  }
0x20: {  	[tilespmem:s17], [sflag:$0x1] =	stream.indirect.gather [hbm4b:s4+s16], $0x80, s3, s16, $0xb8;
	[tilespmem:$0x1F700] =	vst v63  }
0x21: {  	_ = 	snop  }
0x22: {  	[tilespmem:s18], [sflag:$0x7] =	stream.linear.gather [hbm4b:s9+s3], $0x100, $0x38;
	[tilespmem:$0x1F700] =	vst v63  }
0x23: {  	_ =	swait.ge [sflag:s15], $0x100  }
0x24: {  	[sflag:s15] =	ssyncset.done $0x0  }
0x25: {  	[sflag:s15] =	ssyncadd.s32 $0xFFFFFF00  }
0x26: {  	[tilespmem:s19], [sflag:$0x2] =	stream.indirect.gather [hbm4b:s4+s16], $0x80, s18, s16, $0xb8;
	[tilespmem:$0x1F700] =	vst v63  }
0x27: {  	_ = 	snop  }
0x28: {  	[tilespmem:s20], [sflag:$0x7] =	stream.linear.gather [hbm4b:s10+s3], $0x100, $0x38;
	[tilespmem:$0x1F700] =	vst v63  }
0x29: {  	_ =	swait.ge [sflag:s15], $0x100  }
0x2a: {  	[sflag:s15] =	ssyncset.done $0x0  }
0x2b: {  	[sflag:s15] =	ssyncadd.s32 $0xFFFFFF00  }
0x2c: {  	[tilespmem:s21], [sflag:$0x3] =	stream.indirect.gather [hbm4b:s4+s16], $0x80, s20, s16, $0xb8;
	[tilespmem:$0x1F700] =	vst v63  }
0x2d: {  	_ =	swait.ge [sflag:s22], $0x3C00  }
0x2e: {  	[sflag:s22] =	ssyncset.done $0x0  }
0x2f: {  	[sflag:s22] =	ssyncadd.s32 $0xFFFFC400  }
0x30: {  	[spmem:s2] =	stream.indirect.scatter.add.f32 [tilespmem:s17], [sflag:$0x4], $0x80, s23, s16, $0xb8;
	[tilespmem:$0x1F700] =	vst v63  }
0x31: {  	_ =	swait.ge [sflag:s24], $0x3C00  }
0x32: {  	[sflag:s24] =	ssyncset.done $0x0  }
0x33: {  	[sflag:s24] =	ssyncadd.s32 $0xFFFFC400  }
0x34: {  	[spmem:s2] =	stream.indirect.scatter.add.f32 [tilespmem:s19], [sflag:$0x5], $0x80, s25, s16, $0xb8;
	[tilespmem:$0x1F700] =	vst v63  }
0x35: {  	_ =	swait.ge [sflag:s26], $0x3C00  }
0x36: {  	[sflag:s26] =	ssyncset.done $0x0  }
0x37: {  	s5 =	sadd.s32 $0xFFFFFFC0, s13;
	[sflag:s26] =	ssyncadd.s32 $0xFFFFC400  }
0x38: {  	[tilespmem:s3], [sflag:$0x7] =	stream.linear.gather [hbm4b:s5+s3], $0x100, $0x38;
	[tilespmem:$0x1F700] =	vst v63  }
0x39: {  	_ =	swait.ge [sflag:s15], $0x100  }
0x3a: {  	[sflag:s15] =	ssyncset.done $0x0  }
0x3b: {  	[sflag:s15] =	ssyncadd.s32 $0xFFFFFF00  }
0x3c: {  	[tilespmem:s17], [sflag:$0x1] =	stream.indirect.gather [hbm4b:s4+s16], $0x80, s3, s16, $0xb8;
	[tilespmem:$0x1F700] =	vst v63  }
0x3d: {  	_ =	swait.ge [sflag:s28], $0x3C00  }
0x3e: {  	[sflag:s28] =	ssyncset.done $0x0  }
0x3f: {  	[sflag:s28] =	ssyncadd.s32 $0xFFFFC400  }
0x40: {  	[spmem:s2] =	stream.indirect.scatter.add.f32 [tilespmem:s21], [sflag:$0x6], $0x80, s29, s16, $0xb8;
	[tilespmem:$0x1F700] =	vst v63  }
0x41: {  	_ =	swait.ge [sflag:s30], $0x3C00  }
0x42: {  	[sflag:s30] =	ssyncset.done $0x0  }
0x43: {  	s7 =	sadd.s32 $0xFFFFFFE0, s13;
	[sflag:s30] =	ssyncadd.s32 $0xFFFFC400  }
0x44: {  	[tilespmem:s18], [sflag:$0x7] =	stream.linear.gather [hbm4b:s7+s3], $0x100, $0x38;
	[tilespmem:$0x1F700] =	vst v63  }
0x45: {  	_ =	swait.ge [sflag:s15], $0x100  }
0x46: {  	[sflag:s15] =	ssyncset.done $0x0  }
0x47: {  	[sflag:s15] =	ssyncadd.s32 $0xFFFFFF00  }
0x48: {  	[tilespmem:s19], [sflag:$0x2] =	stream.indirect.gather [hbm4b:s4+s16], $0x80, s18, s16, $0xb8;
	[tilespmem:$0x1F700] =	vst v63  }
0x49: {  	_ =	swait.ge [sflag:s31], $0x3C00  }
0x4a: {  	p0 =	sne.s32 s8, $0x1;
	[sflag:s31] =	ssyncset.done $0x0  }
.Ltmp0:
0x4b: {  	[sflag:s31] =	ssyncadd.s32 $0xFFFFC400;
	(pc) =	sbr.rel @!p0 .LBB2_3-.Ltmp0, $4  }
0x4c: {  	[tilespmem:s20], [sflag:$0x7] =	stream.linear.gather [hbm4b:s13+s3], $0x100, $0x38;
	[tilespmem:$0x1F700] =	vst v63  }
0x4d: {  	_ =	swait.ge [sflag:s15], $0x100  }
0x4e: {  	[sflag:s15] =	ssyncset.done $0x0  }
0x4f: {  	s1 =	sadd.s32 $0xFFFFFFFF, s8;
	s5 =	sadd.s32 $0x60, s13;
	[sflag:s15] =	ssyncadd.s32 $0xFFFFFF00  }
.LBB2_2:
0x50: {  	[tilespmem:s21], [sflag:$0x3] =	stream.indirect.gather [hbm4b:s4+s16], $0x80, s20, s16, $0xb8;
	[tilespmem:$0x1F700] =	vst v63  }
0x51: {  	p0 =	sne.s32 s1, $0x1;
	s1 =	sadd.s32 $0xFFFFFFFF, s1;
	_ =	swait.ge [sflag:s22], $0x3C00  }
0x52: {  	[sflag:s22] =	ssyncset.done $0x0  }
0x53: {  	[sflag:s22] =	ssyncadd.s32 $0xFFFFC400  }
0x54: {  	[spmem:s2] =	stream.indirect.scatter.add.f32 [tilespmem:s17], [sflag:$0x4], $0x80, s23, s16, $0xb8;
	[tilespmem:$0x1F700] =	vst v63  }
0x55: {  	_ =	swait.ge [sflag:s24], $0x3C00  }
0x56: {  	[sflag:s24] =	ssyncset.done $0x0  }
0x57: {  	[sflag:s24] =	ssyncadd.s32 $0xFFFFC400  }
0x58: {  	[spmem:s2] =	stream.indirect.scatter.add.f32 [tilespmem:s19], [sflag:$0x5], $0x80, s25, s16, $0xb8;
	[tilespmem:$0x1F700] =	vst v63  }
0x59: {  	_ =	swait.ge [sflag:s26], $0x3C00  }
0x5a: {  	[sflag:s26] =	ssyncset.done $0x0  }
0x5b: {  	s7 =	sadd.s32 $0xFFFFFFC0, s5;
	[sflag:s26] =	ssyncadd.s32 $0xFFFFC400  }
0x5c: {  	[tilespmem:s3], [sflag:$0x7] =	stream.linear.gather [hbm4b:s7+s3], $0x100, $0x38;
	[tilespmem:$0x1F700] =	vst v63  }
0x5d: {  	_ =	swait.ge [sflag:s15], $0x100  }
0x5e: {  	[sflag:s15] =	ssyncset.done $0x0  }
0x5f: {  	[sflag:s15] =	ssyncadd.s32 $0xFFFFFF00  }
0x60: {  	[tilespmem:s17], [sflag:$0x1] =	stream.indirect.gather [hbm4b:s4+s16], $0x80, s3, s16, $0xb8;
	[tilespmem:$0x1F700] =	vst v63  }
0x61: {  	_ =	swait.ge [sflag:s28], $0x3C00  }
0x62: {  	[sflag:s28] =	ssyncset.done $0x0  }
0x63: {  	[sflag:s28] =	ssyncadd.s32 $0xFFFFC400  }
0x64: {  	[spmem:s2] =	stream.indirect.scatter.add.f32 [tilespmem:s21], [sflag:$0x6], $0x80, s29, s16, $0xb8;
	[tilespmem:$0x1F700] =	vst v63  }
0x65: {  	_ =	swait.ge [sflag:s30], $0x3C00  }
0x66: {  	[sflag:s30] =	ssyncset.done $0x0  }
0x67: {  	s7 =	sadd.s32 $0xFFFFFFE0, s5;
	[sflag:s30] =	ssyncadd.s32 $0xFFFFC400  }
0x68: {  	[tilespmem:s18], [sflag:$0x7] =	stream.linear.gather [hbm4b:s7+s3], $0x100, $0x38;
	[tilespmem:$0x1F700] =	vst v63  }
0x69: {  	_ =	swait.ge [sflag:s15], $0x100  }
0x6a: {  	[sflag:s15] =	ssyncset.done $0x0  }
0x6b: {  	[sflag:s15] =	ssyncadd.s32 $0xFFFFFF00  }
0x6c: {  	[tilespmem:s19], [sflag:$0x2] =	stream.indirect.gather [hbm4b:s4+s16], $0x80, s18, s16, $0xb8;
	[tilespmem:$0x1F700] =	vst v63  }
0x6d: {  	_ =	swait.ge [sflag:s31], $0x3C00  }
0x6e: {  	[sflag:s31] =	ssyncset.done $0x0  }
.Ltmp1:
0x6f: {  	[sflag:s31] =	ssyncadd.s32 $0xFFFFC400;
	(pc) =	sbr.rel @p0 .LBB2_2-.Ltmp1, $4  }
0x70: {  	[tilespmem:s20], [sflag:$0x7] =	stream.linear.gather [hbm4b:s5+s3], $0x100, $0x38;
	[tilespmem:$0x1F700] =	vst v63  }
0x71: {  	_ =	swait.ge [sflag:s15], $0x100  }
0x72: {  	[sflag:s15] =	ssyncset.done $0x0  }
0x73: {  	s5 =	sadd.s32 $0x60, s5;
	[sflag:s15] =	ssyncadd.s32 $0xFFFFFF00  }
.LBB2_3:
0x74: {  	[tilespmem:s21], [sflag:$0x3] =	stream.indirect.gather [hbm4b:s4+s16], $0x80, s20, s16, $0xb8;
	[tilespmem:$0x1F700] =	vst v63  }
0x75: {  	_ =	swait.ge [sflag:s22], $0x3C00  }
0x76: {  	[sflag:s22] =	ssyncset.done $0x0  }
0x77: {  	[sflag:s22] =	ssyncadd.s32 $0xFFFFC400  }
0x78: {  	[spmem:s2] =	stream.indirect.scatter.add.f32 [tilespmem:s17], [sflag:$0x4], $0x80, s23, s16, $0xb8;
	[tilespmem:$0x1F700] =	vst v63  }
0x79: {  	_ =	swait.ge [sflag:s24], $0x3C00  }
0x7a: {  	[sflag:s24] =	ssyncset.done $0x0  }
0x7b: {  	[sflag:s24] =	ssyncadd.s32 $0xFFFFC400  }
0x7c: {  	[spmem:s2] =	stream.indirect.scatter.add.f32 [tilespmem:s19], [sflag:$0x5], $0x80, s25, s16, $0xb8;
	[tilespmem:$0x1F700] =	vst v63  }
0x7d: {  	_ =	swait.ge [sflag:s28], $0x3C00  }
0x7e: {  	[sflag:s28] =	ssyncset.done $0x0  }
0x7f: {  	[sflag:s28] =	ssyncadd.s32 $0xFFFFC400  }
0x80: {  	[spmem:s2] =	stream.indirect.scatter.add.f32 [tilespmem:s21], [sflag:$0x6], $0x80, s29, s16, $0xb8;
	[tilespmem:$0x1F700] =	vst v63  }
0x81: {  	_ =	swait.ge [sflag:s26], $0x3C00  }
0x82: {  	[sflag:s26] =	ssyncset.done $0x0  }
0x83: {  	[sflag:s26] =	ssyncadd.s32 $0xFFFFC400  }
0x84: {  	_ =	swait.ge [sflag:s30], $0x3C00  }
0x85: {  	[sflag:s30] =	ssyncset.done $0x0  }
0x86: {  	[sflag:s30] =	ssyncadd.s32 $0xFFFFC400  }
0x87: {  	_ =	swait.ge [sflag:s31], $0x3C00  }
0x88: {  	s0 =	sadd.s32 $0x1, s0;
	[sflag:s31] =	ssyncset.done $0x0  }
0x89: {  	p0 =	sne.s32 s0, s12;
	[sflag:s31] =	ssyncadd.s32 $0xFFFFC400  }
.Ltmp2:
0x8a: {  	[bflag:$0x0] =	sbarrier.arrive $0xFFFF;
	(pc) =	sbr.rel @p0 .LBB2_1-.Ltmp2, $4  }
0x8b: {  	[hbm:s11], [sflag:s6] =	dma.local [spmem:s14], $0x2800  }
0x8c: {  	_ =	swait.ge [sflag:s15], $0x2800  }
0x8d: {  	[sflag:s15] =	ssyncset.done $0x0  }
0x8e: {  	[sflag:s15] =	ssyncadd.s32 $0xFFFFD800  }
0x8f: {  	_ =	sfence.sel $0x180000  }
0x90: {  	[bflag:$0x0] =	sbarrier.arrive $0xFFFF  }
0x91: {  	_ =	strace $0x9000004D  }
0x92: {  	s0 =	stileid.u32;
	[bflag:$0x2] =	sbarrier.arrive $0xFFFF  }
0x93: {  	p0 =	sne.s32 s0, $0x0;
	s0 =	rddreg [dreg:$0x2]  }
0x94: {  	s0 =	sadd.s32 @!p0 $0x100000, s0  }
0x95: {  	[sflag:s0] =	ssyncadd.tile.s32 @!p0 $0x1;
	_ =	shalt  }
.Lfunc_end2:
_tile_overlayer_lowered:
.L_overlay_start_2:
0x96: {  	(tag) =	ssettag $0x2  }
0x97: {  	s0 =	rddreg [dreg:$0x0];
	s2 =	stileid.u32  }
0x98: {  	s1 =	rddreg [dreg:$0x1];
	p0 =	sne.s32 s2, $0x0  }
0x99: {  	s3 =	rddreg [dreg:$0x2];
	[bflag:$0x3] =	sbarrier.arrive $0xFFFF;
	s2 =	simm.s32 @!p0 $0x1C07  }
0x9a: {  	[timem:s3], [sflag:s2] =	dma.local @!p0 [hbm:s0], s1  }
0x9b: {  	s0 =	simm.s32 @!p0 $0x7  }
0x9c: {  	_ =	swait.ge @!p0 [sflag:s0], s1  }
0x9d: {  	s1 =	ssub.s32 @!p0 $0x0, s1;
	[sflag:s0] =	ssyncset.done @!p0 $0x0  }
0x9e: {  	[sflag:s0] =	ssyncadd.s32 @!p0 s1  }
0x9f: {  	[bflag:$0x3] =	sbarrier.arrive $0xFFFF  }
0xa0: {  	_ =	shalt  }

// kernel: kernel.20.cloned.1.call-start
scs
__scs_entry_jumppad:
0x0: {  	(pc) =	sbr.rel $0x88, $3  }
0x1: {  	(tag) =	ssettag $0x0;
	lr =	simm.s32 $0x1  }
0x2: {  	[smem:$0x3F94] =	sst lr;
	_ =	strace $0xD0000000  }
0x3: {  	_ = 	snop  }
0x4: {  	_ = 	snop  }
0x5: {  	_ = 	snop  }
0x6: {  	_ = 	snop  }
0x7: {  	_ = 	snop  }
__scs_overlays_trampoline_lowered:
0x8: {  	[smem:$0x3FA3] =	sst s0  }
0x9: {  	[smem:$0x3FA4] =	sst s1  }
0xa: {  	[smem:$0x3FA5] =	sst s2  }
0xb: {  	[smem:$0x3FA6] =	sst s3  }
0xc: {  	[smem:$0x3FA7] =	sst s4  }
0xd: {  	[smem:$0x3FA8] =	sst s5  }
0xe: {  	[smem:$0x3FA9] =	sst s6  }
0xf: {  	[smem:$0x3FAA] =	sst s7  }
0x10: {  	[smem:$0x3FAB] =	sst s8  }
0x11: {  	[smem:$0x3FAC] =	sst s9;
	s0 =	simm.s32 @!p0 $0x0  }
0x12: {  	s1 =	sld [smem:$0x3F92];
	s0 =	simm.s32 @p0 $0x1  }
0x13: {  	[smem:$0x3FAD] =	sst s0;
	s0 =	simm.s32 @!p1 $0x0  }
0x14: {  	s2 =	sld [smem:$0x3F91];
	s0 =	simm.s32 @p1 $0x1  }
0x15: {  	[smem:$0x3FAE] =	sst s0;
	s0 =	simm.s32 @!p2 $0x0  }
0x16: {  	s3 =	sld [smem:$0x3FDB];
	s0 =	simm.s32 @p2 $0x1  }
0x17: {  	s4 =	simm.s32 $0x1BF5;
	[smem:$0x3FB0] =	sst s0  }
0x18: {  	s0 =	sld [smem:$0x3F93];
	_ =	swait.ge [sflag:s4], $0x0  }
0x19: {  	s7 =	sld [smem:$0x3F94]  }
0x1a: {  	s8 =	sadd.s32 $0xFFFFE003, lr  }
0x1b: {  	s9 =	sadd.s32 $0xFFFFFEF7, lr;
	s5 =	simm.s32 $0xFFFFFFFF;
	p2 =	slt.u32 s8, $0xFFFFF086  }
0x1c: {  	p1 =	slt.u32 s9, $0xF7A;
	s5 =	simm.s32 @!p2 $0x0  }
0x1d: {  	s5 =	simm.s32 @p1 $0x1;
	p0 =	seq.s32 s7, s2  }
0x1e: {  	s7 =	smul.u32 @!p0 $0xF7A, s2;
	p2 =	seq.s32 @!p0 s5, $0x0  }
0x1f: {  	s9 =	smul.u32 $0xF7A, s1;
	s8 =	simm.s32 @!p0 $0x1BF5;
	p2 =	por !p2, p0  }
0x20: {  	[sflag:s8] =	ssyncset.s32 @!p0 $0xFFFFF086;
	s6 =	sadd.s32 @!p0 s3, s7;
	s7 =	simm.s32 @!p0 $0x108  }
0x21: {  	s3 =	sadd.s32 s3, s9;
	s6 =	sadd.s32 @!p0 $0x88, s6;
	s7 =	simm.s32 @p2 $0x1082  }
0x22: {  	[simem:s7], [sflag:s8] =	dma.local @!p0 [hbm:s6], $0xF7A  }
0x23: {  	s9 =	sor.u32 $0xD0000000, s2;
	s6 =	simm.s32 $0x108;
	_ =	swait.ge @!p0 [sflag:s8], $0x0  }
0x24: {  	s3 =	sadd.s32 $0x88, s3;
	s6 =	simm.s32 @!p1 $0x1082;
	[sflag:s4] =	ssyncset.s32 $0xFFFFF086  }
0x25: {  	[simem:s6], [sflag:s4] =	dma.local [hbm:s3], $0xF7A  }
0x26: {  	[smem:$0x3F94] =	sst s1;
	(tag) =	ssettag s2;
	_ =	strace s9  }
0x27: {  	s1 =	sld [smem:$0x3FA4]  }
0x28: {  	s2 =	sld [smem:$0x3FA5]  }
0x29: {  	s4 =	sld [smem:$0x3FA7]  }
0x2a: {  	p0 =	seq.s32 s5, $0x0;
	s5 =	sld [smem:$0x3FA8]  }
0x2b: {  	s6 =	sld [smem:$0x3FA9]  }
0x2c: {  	s7 =	sld [smem:$0x3FAA]  }
0x2d: {  	s3 =	simm.s32 $0x108;
	s8 =	sld [smem:$0x3FAB]  }
0x2e: {  	s3 =	simm.s32 @!p0 $0x1082;
	s9 =	sld [smem:$0x3FAC]  }
0x2f: {  	lr =	sadd.s32 s0, s3;
	s0 =	sld [smem:$0x3FA3]  }
0x30: {  	s3 =	sld [smem:$0x3FA6]  }
0x31: {  	[smem:$0x3FAF] =	sst s10  }
0x32: {  	s10 =	sld [smem:$0x3FAD];
	_ =	sdelay $0x3  }
0x33: {  	p0 =	seq.s32 s10, $0x1;
	s10 =	sld [smem:$0x3FAF];
	_ =	sdelay $0x3  }
0x34: {  	[smem:$0x3FAF] =	sst s10  }
0x35: {  	s10 =	sld [smem:$0x3FAE];
	_ =	sdelay $0x3  }
0x36: {  	p1 =	seq.s32 s10, $0x1;
	s10 =	sld [smem:$0x3FAF];
	_ =	sdelay $0x3  }
0x37: {  	[smem:$0x3FAF] =	sst s10  }
0x38: {  	s10 =	sld [smem:$0x3FB0]  }
0x39: {  	_ = 	snop;
	(pc) =	sbr.ind lr, $3  }
0x3a: {  	_ = 	snop  }
0x3b: {  	_ = 	snop  }
0x3c: {  	p2 =	seq.s32 s10, $0x1;
	s10 =	sld [smem:$0x3FAF]  }
0x3d: {  	_ =	shalt  }
0x3e: {  	_ =	shalt  }
0x3f: {  	_ =	shalt  }
0x40: {  	_ =	shalt  }
0x41: {  	_ =	shalt  }
0x42: {  	_ =	shalt  }
0x43: {  	_ =	shalt  }
0x44: {  	_ =	shalt  }
0x45: {  	_ =	shalt  }
0x46: {  	_ =	shalt  }
0x47: {  	_ =	shalt  }
0x48: {  	_ =	shalt  }
0x49: {  	_ =	shalt  }
0x4a: {  	_ =	shalt  }
0x4b: {  	_ =	shalt  }
0x4c: {  	_ =	shalt  }
0x4d: {  	_ =	shalt  }
0x4e: {  	_ =	shalt  }
0x4f: {  	_ =	shalt  }
0x50: {  	_ =	shalt  }
0x51: {  	_ =	shalt  }
0x52: {  	_ =	shalt  }
0x53: {  	_ =	shalt  }
0x54: {  	_ =	shalt  }
0x55: {  	_ =	shalt  }
0x56: {  	_ =	shalt  }
0x57: {  	_ =	shalt  }
0x58: {  	_ =	shalt  }
0x59: {  	_ =	shalt  }
0x5a: {  	_ =	shalt  }
0x5b: {  	_ =	shalt  }
0x5c: {  	_ =	shalt  }
0x5d: {  	_ =	shalt  }
0x5e: {  	_ =	shalt  }
0x5f: {  	_ =	shalt  }
0x60: {  	_ =	shalt  }
0x61: {  	_ =	shalt  }
0x62: {  	_ =	shalt  }
0x63: {  	_ =	shalt  }
0x64: {  	_ =	shalt  }
0x65: {  	_ =	shalt  }
0x66: {  	_ =	shalt  }
0x67: {  	_ =	shalt  }
0x68: {  	_ =	shalt  }
0x69: {  	_ =	shalt  }
0x6a: {  	_ =	shalt  }
0x6b: {  	_ =	shalt  }
0x6c: {  	_ =	shalt  }
0x6d: {  	_ =	shalt  }
0x6e: {  	_ =	shalt  }
0x6f: {  	_ =	shalt  }
0x70: {  	_ =	shalt  }
0x71: {  	_ =	shalt  }
0x72: {  	_ =	shalt  }
0x73: {  	_ =	shalt  }
0x74: {  	_ =	shalt  }
0x75: {  	_ =	shalt  }
0x76: {  	_ =	shalt  }
0x77: {  	_ =	shalt  }
0x78: {  	_ =	shalt  }
0x79: {  	_ =	shalt  }
0x7a: {  	_ =	shalt  }
0x7b: {  	_ =	shalt  }
0x7c: {  	_ =	shalt  }
0x7d: {  	_ =	shalt  }
0x7e: {  	_ =	shalt  }
0x7f: {  	_ =	shalt  }
0x80: {  	_ =	shalt  }
0x81: {  	_ =	shalt  }
0x82: {  	_ =	shalt  }
0x83: {  	_ =	shalt  }
0x84: {  	_ =	shalt  }
0x85: {  	_ =	shalt  }
0x86: {  	_ =	shalt  }
0x87: {  	_ =	shalt  }
.Lfunc_end0:
.L_simem_size_0:
called_computation.3_lowered:
.L_overlay_start_0:
0x88: {  	s2 =	sld [smem:$0x3FD9]  }
0x89: {  	s3 =	sld [smem:$0x3FFE];
	_ =	sdelay $0x1  }
0x8a: {  	s1 =	srdreg.scid  }
0x8b: {  	s0 =	sand.u32 $0x1, s1  }
0x8c: {  	s16 =	sshll.u32 s0, $0xA;
	s2 =	sadd.s32 s3, s2  }
0x8d: {  	s2 =	sadd.s32 s2, s16  }
0x8e: {  	[smem:$0x3FBB] =	sst s2  }
0x8f: {  	_ = 	snop  }
0x90: {  	(tm) =	ssettm $0x1  }
0x91: {  	s17 =	sld [smem:$0x3FFB];
	_ =	sdelay $0x3  }
0x92: {  	_ =	strace s17  }
0x93: {  	s2 =	sld [smem:$0x3FFC];
	_ =	sdelay $0x3  }
0x94: {  	_ =	strace s2  }
0x95: {  	s2 =	sld [smem:$0x3FFD];
	_ =	sdelay $0x3  }
0x96: {  	_ =	strace s2  }
0x97: {  	_ =	strace $0x8FFFFFFF  }
0x98: {  	s18 =	sld [smem:$0x3FDB];
	_ =	sdelay $0x1  }
0x99: {  	s19 =	simm.s32 $_scs_section_size  }
0x9a: {  	s4 =	simm.s32 $_size__tile_overlayer_lowered;
	s5 =	simm.s32 $_tile_overlayer_lowered  }
0x9b: {  	s22 =	simm.s32 $0x1BFF;
	s21 =	sshll.u32 s5, $0x1;
	s2 =	sadd.s32 s19, s18  }
0x9c: {  	s6 =	simm.s32 $0x0;
	s20 =	sshll.u32 s4, $0x1;
	s4 =	sadd.s32 s21, s2  }
0x9d: {  	[timem:s6], [sflag:s22] =	dma.local [hbm:s4], s20  }
0x9e: {  	_ =	swait.ge [sflag:s22], s20  }
0x9f: {  	s3 =	ssub.s32 $0x0, s20;
	[sflag:s22] =	ssyncset.done $0x0  }
0xa0: {  	[sflag:s22] =	ssyncadd.s32 s3;
	_ =	sdelay $0x1  }
0xa1: {  	s23 =	simm.s32 $0x1B8B  }
0xa2: {  	_ =	swait.ge [sflag:s23], $0x1  }
0xa3: {  	[sflag:s23] =	ssyncset.done $0x0  }
0xa4: {  	s25 =	simm.s32 $0x1B8E;
	s24 =	sld [smem:$0x3FFE];
	[sflag:s23] =	ssyncadd.s32 $0xFFFFFFFF  }
0xa5: {  	s26 =	simm.s32 $execute0_lowered;
	[smem:$0x3FD2] =	sst s25  }
0xa6: {  	s4 =	sshll.u32 s26, $0x1;
	_ =	strace $0x8000004F;
	[dreg:$0x1] =	wrdreg $0xFFFFFFFF  }
0xa7: {  	s28 =	simm.s32 $_size_execute0_lowered;
	s2 =	sadd.s32 s2, s4;
	[dreg:$0x0] =	wrdreg $0x0  }
0xa8: {  	s4 =	sshll.u32 s28, $0x1;
	[dreg:$0x2] =	wrdreg s2  }
0xa9: {  	[dreg:$0x3] =	wrdreg s4  }
0xaa: {  	[dreg:$0x4] =	wrdreg $0xC0  }
0xab: {  	_ =	task [dreg:s6], $0x5FFFF  }
0xac: {  	[dreg:$0x1] =	wrdreg $0xFFFFFFFF  }
0xad: {  	[dreg:$0x0] =	wrdreg $0x60  }
0xae: {  	[dreg:$0x2] =	wrdreg s24  }
0xaf: {  	[dreg:$0x3] =	wrdreg $0xB7000  }
0xb0: {  	[dreg:$0x4] =	wrdreg $0x9  }
0xb1: {  	_ =	task.clear_ibuf [dreg:s6], $0x5FFFF;
	_ =	strace $0x9000004F  }
0xb2: {  	s29 =	simm.s32 $0x9;
	_ =	strace $0x80000051  }
0xb3: {  	_ =	swait.ge [sflag:s29], $0x1  }
0xb4: {  	[sflag:s29] =	ssyncadd.s32 $0xFFFFFFFF  }
0xb5: {  	_ =	strace $0x90000051  }
0xb6: {  	_ =	sfence  }
0xb7: {  	s30 =	sld [smem:$0x0];
	_ =	sdelay $0x2  }
0xb8: {  	s31 =	sshll.u32 s1, $0xD;
	s1 =	sshrl.u32 s1, $0x2  }
0xb9: {  	s3 =	sand.u32 $0x4000, s31;
	s1 =	sadd.s32 s1, s30  }
0xba: {  	s0 =	sor.u32 s3, s0;
	s1 =	sshll.u32 s1, $0x11  }
0xbb: {  	s0 =	sor.u32 s1, s0  }
0xbc: {  	s0 =	sadd.s32 $0x8F2B, s0  }
0xbd: {  	[sflag:s0] =	ssyncadd.remote.s32 $0x1  }
0xbe: {  	_ =	sfence.sel $0xFFFF  }
0xbf: {  	[dreg:$0x0] =	wrdreg $0xFFFFFFFF;
	(pc) =	sbr.abs _section_cstart, $3  }
0xc0: {  	[dreg:$0x1] =	wrdreg $0xFFFFFFFF  }
0xc1: {  	_ =	task.clear_ibuf [dreg:s6], $0x2FFFF;
	_ =	strace $0x9FFFFFFF  }
0xc2: {  	(tm) =	ssettm $0x7FFFFFFF  }
0xc3: {  	_ =	shalt  }
tec
execute0_lowered:
.L_overlay_start_1:
0x0: {  	(tag) =	ssettag $0x1  }
0x1: {  	s0 =	rddreg [dreg:$0x0]  }
0x2: {  	s2 =	rddreg [dreg:$0x1];
	s8 =	stileid.u32;
	s3 =	simm.s32 $0x0  }
0x3: {  	s1 =	srdreg.scid;
	s15 =	simm.s32 $0x7;
	s16 =	simm.s32 $0x78  }
0x4: {  	s17 =	simm.s32 $0x300;
	s18 =	simm.s32 $0x100;
	s19 =	simm.s32 $0x3F00  }
0x5: {  	s28 =	simm.s32 $0x3;
	s29 =	simm.s32 $0x280;
	s4 =	smul.u32 $0x15, s8  }
0x6: {  	s30 =	simm.s32 $0x5;
	s31 =	simm.s32 $0x6;
	s5 =	smul.u32 $0x93, s8  }
0x7: {  	[smem:$0x7FF] =	sst s3;
	s1 =	sand.u32 $0x1, s1;
	s20 =	smul.u32 $0x14000, s8  }
0x8: {  	s21 =	smul.u32 $0x50000, s8;
	s22 =	sadd.s32 $0x3600, s0;
	s25 =	sshll.u32 s8, $0x6  }
0x9: {  	s8 =	simm.s32 $0x30;
	p0 =	seq.s32 s1, $0x0;
	s7 =	smul.u32 $0x140000, s1  }
0xa: {  	_ =	strace $0x80000050;
	[dreg:$0x3] =	wrdreg s22;
	s1 =	ssub.s32 $0x2, s1  }
0xb: {  	s22 =	simm.s32 $0x1;
	s6 =	sadd.s32 $0x930, s4;
	s4 =	sadd.s32 $0x22E00, s0  }
0xc: {  	s23 =	sshrl.u32 s1, $0x1;
	s8 =	simm.s32 @!p0 $0x6;
	s6 =	smov.u32 @p0 s5  }
0xd: {  	s5 =	sadd.s32 s20, s7;
	s1 =	ssub.s32 s1, s23;
	s20 =	simm.s32 $0x200  }
0xe: {  	s23 =	simm.s32 $0x80;
	s6 =	sshll.u32 s6, $0x5;
	s5 =	sshrl.u32 s5, $0x3  }
0xf: {  	s12 =	smax.u32 s1, $0x1;
	s13 =	sadd.s32 s6, s0;
	s6 =	sshrl.u32 s21, $0x2  }
0x10: {  	s0 =	sadd.s32 s5, s0;
	s21 =	simm.s32 $0x7B00;
	s24 =	sadd.s32 s6, s2  }
0x11: {  	s6 =	sor.u32 $0x1C07, s25;
	s26 =	sadd.s32 $0xDE00, s13;
	s9 =	sadd.s32 $0xDE20, s13  }
0x12: {  	s10 =	sadd.s32 $0xDE40, s13;
	s11 =	sadd.s32 $0x4AE00, s0;
	s13 =	sadd.s32 $0xDEA0, s13  }
0x13: {  	s25 =	simm.s32 $0x180;
	s0 =	simm.s32 $0x0;
	[dreg:$0x4] =	wrdreg s26  }
0x14: {  	s14 =	sshrl.u32 s24, $0x3;
	s24 =	simm.s32 $0x2;
	s26 =	simm.s32 $0x4  }
.LBB2_1:
0x15: {  	s1 =	rddreg [dreg:$0x3]  }
0x16: {  	[spmem:s14], [sflag:s6] =	dma.local [hbm:s1], $0x2800  }
0x17: {  	_ =	swait.ge [sflag:s15], $0x2800  }
0x18: {  	[sflag:s15] =	ssyncset.done $0x0  }
0x19: {  	[sflag:s15] =	ssyncadd.s32 $0xFFFFD800  }
0x1a: {  	[bflag:$0x0] =	sbarrier.arrive $0xFFFF  }
0x1b: {  	s7 =	rddreg [dreg:$0x4]  }
0x1c: {  	[tilespmem:s3], [sflag:$0x7] =	stream.linear.gather [hbm4b:s7+s3], $0x100, $0x38;
	[tilespmem:$0x1F700] =	vst v63  }
0x1d: {  	_ =	swait.ge [sflag:s15], $0x100  }
0x1e: {  	[sflag:s15] =	ssyncset.done $0x0  }
0x1f: {  	[sflag:s15] =	ssyncadd.s32 $0xFFFFFF00  }
0x20: {  	[tilespmem:s17], [sflag:$0x1] =	stream.indirect.gather [hbm4b:s4+s16], $0x80, s3, s16, $0xb8;
	[tilespmem:$0x1F700] =	vst v63  }
0x21: {  	_ = 	snop  }
0x22: {  	[tilespmem:s18], [sflag:$0x7] =	stream.linear.gather [hbm4b:s9+s3], $0x100, $0x38;
	[tilespmem:$0x1F700] =	vst v63  }
0x23: {  	_ =	swait.ge [sflag:s15], $0x100  }
0x24: {  	[sflag:s15] =	ssyncset.done $0x0  }
0x25: {  	[sflag:s15] =	ssyncadd.s32 $0xFFFFFF00  }
0x26: {  	[tilespmem:s19], [sflag:$0x2] =	stream.indirect.gather [hbm4b:s4+s16], $0x80, s18, s16, $0xb8;
	[tilespmem:$0x1F700] =	vst v63  }
0x27: {  	_ = 	snop  }
0x28: {  	[tilespmem:s20], [sflag:$0x7] =	stream.linear.gather [hbm4b:s10+s3], $0x100, $0x38;
	[tilespmem:$0x1F700] =	vst v63  }
0x29: {  	_ =	swait.ge [sflag:s15], $0x100  }
0x2a: {  	[sflag:s15] =	ssyncset.done $0x0  }
0x2b: {  	[sflag:s15] =	ssyncadd.s32 $0xFFFFFF00  }
0x2c: {  	[tilespmem:s21], [sflag:$0x3] =	stream.indirect.gather [hbm4b:s4+s16], $0x80, s20, s16, $0xb8;
	[tilespmem:$0x1F700] =	vst v63  }
0x2d: {  	_ =	swait.ge [sflag:s22], $0x3C00  }
0x2e: {  	[sflag:s22] =	ssyncset.done $0x0  }
0x2f: {  	[sflag:s22] =	ssyncadd.s32 $0xFFFFC400  }
0x30: {  	[spmem:s2] =	stream.indirect.scatter.add.f32 [tilespmem:s17], [sflag:$0x4], $0x80, s23, s16, $0xb8;
	[tilespmem:$0x1F700] =	vst v63  }
0x31: {  	_ =	swait.ge [sflag:s24], $0x3C00  }
0x32: {  	[sflag:s24] =	ssyncset.done $0x0  }
0x33: {  	[sflag:s24] =	ssyncadd.s32 $0xFFFFC400  }
0x34: {  	[spmem:s2] =	stream.indirect.scatter.add.f32 [tilespmem:s19], [sflag:$0x5], $0x80, s25, s16, $0xb8;
	[tilespmem:$0x1F700] =	vst v63  }
0x35: {  	_ =	swait.ge [sflag:s26], $0x3C00  }
0x36: {  	[sflag:s26] =	ssyncset.done $0x0  }
0x37: {  	s5 =	sadd.s32 $0xFFFFFFC0, s13;
	[sflag:s26] =	ssyncadd.s32 $0xFFFFC400  }
0x38: {  	[tilespmem:s3], [sflag:$0x7] =	stream.linear.gather [hbm4b:s5+s3], $0x100, $0x38;
	[tilespmem:$0x1F700] =	vst v63  }
0x39: {  	_ =	swait.ge [sflag:s15], $0x100  }
0x3a: {  	[sflag:s15] =	ssyncset.done $0x0  }
0x3b: {  	[sflag:s15] =	ssyncadd.s32 $0xFFFFFF00  }
0x3c: {  	[tilespmem:s17], [sflag:$0x1] =	stream.indirect.gather [hbm4b:s4+s16], $0x80, s3, s16, $0xb8;
	[tilespmem:$0x1F700] =	vst v63  }
0x3d: {  	_ =	swait.ge [sflag:s28], $0x3C00  }
0x3e: {  	[sflag:s28] =	ssyncset.done $0x0  }
0x3f: {  	[sflag:s28] =	ssyncadd.s32 $0xFFFFC400  }
0x40: {  	[spmem:s2] =	stream.indirect.scatter.add.f32 [tilespmem:s21], [sflag:$0x6], $0x80, s29, s16, $0xb8;
	[tilespmem:$0x1F700] =	vst v63  }
0x41: {  	_ =	swait.ge [sflag:s30], $0x3C00  }
0x42: {  	[sflag:s30] =	ssyncset.done $0x0  }
0x43: {  	s7 =	sadd.s32 $0xFFFFFFE0, s13;
	[sflag:s30] =	ssyncadd.s32 $0xFFFFC400  }
0x44: {  	[tilespmem:s18], [sflag:$0x7] =	stream.linear.gather [hbm4b:s7+s3], $0x100, $0x38;
	[tilespmem:$0x1F700] =	vst v63  }
0x45: {  	_ =	swait.ge [sflag:s15], $0x100  }
0x46: {  	[sflag:s15] =	ssyncset.done $0x0  }
0x47: {  	[sflag:s15] =	ssyncadd.s32 $0xFFFFFF00  }
0x48: {  	[tilespmem:s19], [sflag:$0x2] =	stream.indirect.gather [hbm4b:s4+s16], $0x80, s18, s16, $0xb8;
	[tilespmem:$0x1F700] =	vst v63  }
0x49: {  	_ =	swait.ge [sflag:s31], $0x3C00  }
0x4a: {  	p0 =	sne.s32 s8, $0x1;
	[sflag:s31] =	ssyncset.done $0x0  }
.Ltmp0:
0x4b: {  	[sflag:s31] =	ssyncadd.s32 $0xFFFFC400;
	(pc) =	sbr.rel @!p0 .LBB2_3-.Ltmp0, $4  }
0x4c: {  	[tilespmem:s20], [sflag:$0x7] =	stream.linear.gather [hbm4b:s13+s3], $0x100, $0x38;
	[tilespmem:$0x1F700] =	vst v63  }
0x4d: {  	_ =	swait.ge [sflag:s15], $0x100  }
0x4e: {  	[sflag:s15] =	ssyncset.done $0x0  }
0x4f: {  	s1 =	sadd.s32 $0xFFFFFFFF, s8;
	s5 =	sadd.s32 $0x60, s13;
	[sflag:s15] =	ssyncadd.s32 $0xFFFFFF00  }
.LBB2_2:
0x50: {  	[tilespmem:s21], [sflag:$0x3] =	stream.indirect.gather [hbm4b:s4+s16], $0x80, s20, s16, $0xb8;
	[tilespmem:$0x1F700] =	vst v63  }
0x51: {  	p0 =	sne.s32 s1, $0x1;
	s1 =	sadd.s32 $0xFFFFFFFF, s1;
	_ =	swait.ge [sflag:s22], $0x3C00  }
0x52: {  	[sflag:s22] =	ssyncset.done $0x0  }
0x53: {  	[sflag:s22] =	ssyncadd.s32 $0xFFFFC400  }
0x54: {  	[spmem:s2] =	stream.indirect.scatter.add.f32 [tilespmem:s17], [sflag:$0x4], $0x80, s23, s16, $0xb8;
	[tilespmem:$0x1F700] =	vst v63  }
0x55: {  	_ =	swait.ge [sflag:s24], $0x3C00  }
0x56: {  	[sflag:s24] =	ssyncset.done $0x0  }
0x57: {  	[sflag:s24] =	ssyncadd.s32 $0xFFFFC400  }
0x58: {  	[spmem:s2] =	stream.indirect.scatter.add.f32 [tilespmem:s19], [sflag:$0x5], $0x80, s25, s16, $0xb8;
	[tilespmem:$0x1F700] =	vst v63  }
0x59: {  	_ =	swait.ge [sflag:s26], $0x3C00  }
0x5a: {  	[sflag:s26] =	ssyncset.done $0x0  }
0x5b: {  	s7 =	sadd.s32 $0xFFFFFFC0, s5;
	[sflag:s26] =	ssyncadd.s32 $0xFFFFC400  }
0x5c: {  	[tilespmem:s3], [sflag:$0x7] =	stream.linear.gather [hbm4b:s7+s3], $0x100, $0x38;
	[tilespmem:$0x1F700] =	vst v63  }
0x5d: {  	_ =	swait.ge [sflag:s15], $0x100  }
0x5e: {  	[sflag:s15] =	ssyncset.done $0x0  }
0x5f: {  	[sflag:s15] =	ssyncadd.s32 $0xFFFFFF00  }
0x60: {  	[tilespmem:s17], [sflag:$0x1] =	stream.indirect.gather [hbm4b:s4+s16], $0x80, s3, s16, $0xb8;
	[tilespmem:$0x1F700] =	vst v63  }
0x61: {  	_ =	swait.ge [sflag:s28], $0x3C00  }
0x62: {  	[sflag:s28] =	ssyncset.done $0x0  }
0x63: {  	[sflag:s28] =	ssyncadd.s32 $0xFFFFC400  }
0x64: {  	[spmem:s2] =	stream.indirect.scatter.add.f32 [tilespmem:s21], [sflag:$0x6], $0x80, s29, s16, $0xb8;
	[tilespmem:$0x1F700] =	vst v63  }
0x65: {  	_ =	swait.ge [sflag:s30], $0x3C00  }
0x66: {  	[sflag:s30] =	ssyncset.done $0x0  }
0x67: {  	s7 =	sadd.s32 $0xFFFFFFE0, s5;
	[sflag:s30] =	ssyncadd.s32 $0xFFFFC400  }
0x68: {  	[tilespmem:s18], [sflag:$0x7] =	stream.linear.gather [hbm4b:s7+s3], $0x100, $0x38;
	[tilespmem:$0x1F700] =	vst v63  }
0x69: {  	_ =	swait.ge [sflag:s15], $0x100  }
0x6a: {  	[sflag:s15] =	ssyncset.done $0x0  }
0x6b: {  	[sflag:s15] =	ssyncadd.s32 $0xFFFFFF00  }
0x6c: {  	[tilespmem:s19], [sflag:$0x2] =	stream.indirect.gather [hbm4b:s4+s16], $0x80, s18, s16, $0xb8;
	[tilespmem:$0x1F700] =	vst v63  }
0x6d: {  	_ =	swait.ge [sflag:s31], $0x3C00  }
0x6e: {  	[sflag:s31] =	ssyncset.done $0x0  }
.Ltmp1:
0x6f: {  	[sflag:s31] =	ssyncadd.s32 $0xFFFFC400;
	(pc) =	sbr.rel @p0 .LBB2_2-.Ltmp1, $4  }
0x70: {  	[tilespmem:s20], [sflag:$0x7] =	stream.linear.gather [hbm4b:s5+s3], $0x100, $0x38;
	[tilespmem:$0x1F700] =	vst v63  }
0x71: {  	_ =	swait.ge [sflag:s15], $0x100  }
0x72: {  	[sflag:s15] =	ssyncset.done $0x0  }
0x73: {  	s5 =	sadd.s32 $0x60, s5;
	[sflag:s15] =	ssyncadd.s32 $0xFFFFFF00  }
.LBB2_3:
0x74: {  	[tilespmem:s21], [sflag:$0x3] =	stream.indirect.gather [hbm4b:s4+s16], $0x80, s20, s16, $0xb8;
	[tilespmem:$0x1F700] =	vst v63  }
0x75: {  	_ =	swait.ge [sflag:s22], $0x3C00  }
0x76: {  	[sflag:s22] =	ssyncset.done $0x0  }
0x77: {  	[sflag:s22] =	ssyncadd.s32 $0xFFFFC400  }
0x78: {  	[spmem:s2] =	stream.indirect.scatter.add.f32 [tilespmem:s17], [sflag:$0x4], $0x80, s23, s16, $0xb8;
	[tilespmem:$0x1F700] =	vst v63  }
0x79: {  	_ =	swait.ge [sflag:s24], $0x3C00  }
0x7a: {  	[sflag:s24] =	ssyncset.done $0x0  }
0x7b: {  	[sflag:s24] =	ssyncadd.s32 $0xFFFFC400  }
0x7c: {  	[spmem:s2] =	stream.indirect.scatter.add.f32 [tilespmem:s19], [sflag:$0x5], $0x80, s25, s16, $0xb8;
	[tilespmem:$0x1F700] =	vst v63  }
0x7d: {  	_ =	swait.ge [sflag:s28], $0x3C00  }
0x7e: {  	[sflag:s28] =	ssyncset.done $0x0  }
0x7f: {  	[sflag:s28] =	ssyncadd.s32 $0xFFFFC400  }
0x80: {  	[spmem:s2] =	stream.indirect.scatter.add.f32 [tilespmem:s21], [sflag:$0x6], $0x80, s29, s16, $0xb8;
	[tilespmem:$0x1F700] =	vst v63  }
0x81: {  	_ =	swait.ge [sflag:s26], $0x3C00  }
0x82: {  	[sflag:s26] =	ssyncset.done $0x0  }
0x83: {  	[sflag:s26] =	ssyncadd.s32 $0xFFFFC400  }
0x84: {  	_ =	swait.ge [sflag:s30], $0x3C00  }
0x85: {  	[sflag:s30] =	ssyncset.done $0x0  }
0x86: {  	[sflag:s30] =	ssyncadd.s32 $0xFFFFC400  }
0x87: {  	_ =	swait.ge [sflag:s31], $0x3C00  }
0x88: {  	s0 =	sadd.s32 $0x1, s0;
	[sflag:s31] =	ssyncset.done $0x0  }
0x89: {  	p0 =	sne.s32 s0, s12;
	[sflag:s31] =	ssyncadd.s32 $0xFFFFC400  }
.Ltmp2:
0x8a: {  	[bflag:$0x0] =	sbarrier.arrive $0xFFFF;
	(pc) =	sbr.rel @p0 .LBB2_1-.Ltmp2, $4  }
0x8b: {  	[hbm:s11], [sflag:s6] =	dma.local [spmem:s14], $0x2800  }
0x8c: {  	_ =	swait.ge [sflag:s15], $0x2800  }
0x8d: {  	[sflag:s15] =	ssyncset.done $0x0  }
0x8e: {  	[sflag:s15] =	ssyncadd.s32 $0xFFFFD800  }
0x8f: {  	_ =	sfence.sel $0x180000  }
0x90: {  	[bflag:$0x0] =	sbarrier.arrive $0xFFFF  }
0x91: {  	_ =	strace $0x90000050  }
0x92: {  	s0 =	stileid.u32;
	[bflag:$0x2] =	sbarrier.arrive $0xFFFF  }
0x93: {  	p0 =	sne.s32 s0, $0x0;
	s0 =	rddreg [dreg:$0x2]  }
0x94: {  	s0 =	sadd.s32 @!p0 $0x100000, s0  }
0x95: {  	[sflag:s0] =	ssyncadd.tile.s32 @!p0 $0x1;
	_ =	shalt  }
.Lfunc_end2:
_tile_overlayer_lowered:
.L_overlay_start_2:
0x96: {  	(tag) =	ssettag $0x2  }
0x97: {  	s0 =	rddreg [dreg:$0x0];
	s2 =	stileid.u32  }
0x98: {  	s1 =	rddreg [dreg:$0x1];
	p0 =	sne.s32 s2, $0x0  }
0x99: {  	s3 =	rddreg [dreg:$0x2];
	[bflag:$0x3] =	sbarrier.arrive $0xFFFF;
	s2 =	simm.s32 @!p0 $0x1C07  }
0x9a: {  	[timem:s3], [sflag:s2] =	dma.local @!p0 [hbm:s0], s1  }
0x9b: {  	s0 =	simm.s32 @!p0 $0x7  }
0x9c: {  	_ =	swait.ge @!p0 [sflag:s0], s1  }
0x9d: {  	s1 =	ssub.s32 @!p0 $0x0, s1;
	[sflag:s0] =	ssyncset.done @!p0 $0x0  }
0x9e: {  	[sflag:s0] =	ssyncadd.s32 @!p0 s1  }
0x9f: {  	[bflag:$0x3] =	sbarrier.arrive $0xFFFF  }
0xa0: {  	_ =	shalt  }

</sc_bundles>
